<compile_context>
chip_gen: v7x
topology: tpu7x:2x2x1
jax: 0.10.2.dev20260603
libtpu: 0.0.44.dev20260713+nightly
codegen_flags: <defaults>
</compile_context>

<pallas_src>
import jax
import jax.numpy as jnp
from jax import lax
from jax.experimental import pallas as pl
from jax.experimental.pallas import tpu as pltpu
from jax.experimental.pallas import tpu_sc as plsc

B = 4096
CTX = 20
EMB = 64
VOCAB = 100000

NW = 32
ROWS_PER_W = B // NW
ROWS_PER_CHUNK = 4
IDX_PER_CHUNK = ROWS_PER_CHUNK * CTX
NCHUNK = ROWS_PER_W // ROWS_PER_CHUNK
NSL = EMB // 16
SCALE = 1.0 / CTX


NBUF = 2


def _sc_pool_body(idx_hbm, table_hbm, out_hbm, idx_v, buf, acc, *sems):
    c = lax.axis_index("c")
    s = lax.axis_index("s")
    wid = s * 2 + c

    pltpu.sync_copy(idx_hbm.at[wid], idx_v)

    for nb in range(NBUF):
        pltpu.async_copy(table_hbm.at[idx_v.at[nb]], buf.at[nb], sems[nb])

    def outer(cc, carry):
        for nb in range(NBUF):
            ch = cc * NBUF + nb
            pltpu.make_async_copy(
                table_hbm.at[idx_v.at[ch]], buf.at[nb], sems[nb]
            ).wait()
            for r in range(ROWS_PER_CHUNK):
                for sl in range(NSL):
                    v = buf[nb, r * CTX, pl.ds(sl * 16, 16)]
                    for k in range(1, CTX):
                        v = v + buf[nb, r * CTX + k, pl.ds(sl * 16, 16)]
                    acc[ch * ROWS_PER_CHUNK + r, pl.ds(sl * 16, 16)] = v * SCALE

            @pl.when(ch + NBUF < NCHUNK)
            def _():
                pltpu.async_copy(
                    table_hbm.at[idx_v.at[ch + NBUF]], buf.at[nb], sems[nb]
                )

        return carry

    lax.fori_loop(0, NCHUNK // NBUF, outer, 0)
    pltpu.sync_copy(acc, out_hbm.at[pl.ds(wid * ROWS_PER_W, ROWS_PER_W)])


@jax.jit
def _sc_pool(idx, table):
    mesh = plsc.VectorSubcoreMesh(core_axis_name="c", subcore_axis_name="s")
    return pl.kernel(
        _sc_pool_body,
        out_type=jax.ShapeDtypeStruct((B, EMB), jnp.float32),
        mesh=mesh,
        scratch_types=[
            pltpu.VMEM((NCHUNK, IDX_PER_CHUNK), jnp.int32),
            pltpu.VMEM((NBUF, IDX_PER_CHUNK, EMB), jnp.float32),
            pltpu.VMEM((ROWS_PER_W, EMB), jnp.float32),
        ]
        + [pltpu.SemaphoreType.DMA] * NBUF,
        compiler_params=pltpu.CompilerParams(use_tc_tiling_on_sc=False),
    )(idx, table)


NBLK = 1024
NN = (VOCAB + NBLK - 1) // NBLK



def _mm_body(p_ref, w_ref, b_ref, o_ref):
    acc = jax.lax.dot_general(
        w_ref[...].astype(jnp.bfloat16),
        p_ref[...],
        (((0,), (1,)), ((), ())),
        preferred_element_type=jnp.float32,
    )
    o_ref[...] = acc + b_ref[...].T


@jax.jit
def _project_t(pooled, W, b2):
    return pl.pallas_call(
        _mm_body,
        grid=(NN,),
        in_specs=[
            pl.BlockSpec((B, EMB), lambda j: (0, 0)),
            pl.BlockSpec((EMB, NBLK), lambda j: (0, j)),
            pl.BlockSpec((1, NBLK), lambda j: (0, j)),
        ],
        out_specs=pl.BlockSpec((NBLK, B), lambda j: (j, 0)),
        out_shape=jax.ShapeDtypeStruct((VOCAB, B), jnp.float32),
    )(pooled, W, b2)


def kernel(x, emb_table, W, b):
    idx = x.astype(jnp.int32).reshape(NW, NCHUNK, IDX_PER_CHUNK)
    pooled = _sc_pool(idx, emb_table)
    out_t = _project_t(pooled.astype(jnp.bfloat16), W, b.reshape(1, VOCAB))
    return out_t.T

# --- scband reference (transcript-rebuilt; emitter-appended) ---
"""Pipeline reference for scband-simple-cbow-90537910599989 (READ-ONLY COPY).

The authoritative reference and input builder live on the scoring server;
editing this copy changes nothing except your own understanding.
"""

import jax, jax.numpy as jnp
import numpy as np

TOKEN_SIZE = 100000
EMB_SIZE = 64
WINDOW_SIZE = 10
BATCH = 4096
CTX = 2 * WINDOW_SIZE


def setup_inputs(seed: int = 0) -> dict:
    key = jax.random.key(seed)
    k1, k2, k3, k4 = jax.random.split(key, 4)
    x = jax.random.randint(k1, (BATCH, CTX), 0, TOKEN_SIZE, dtype=jnp.int64 if jax.config.jax_enable_x64 else jnp.int32)
    emb_table = jax.random.normal(k2, (TOKEN_SIZE, EMB_SIZE), dtype=jnp.float32) * 0.02
    W = jax.random.normal(k3, (EMB_SIZE, TOKEN_SIZE), dtype=jnp.float32) * 0.02
    b = jnp.zeros((TOKEN_SIZE,), dtype=jnp.float32)
    return {"x": x, "emb_table": emb_table, "W": W, "b": b}


def reference(x, emb_table, W, b):
    # nn.Embedding lookup -> gather rows
    emb_x = jnp.take(emb_table, x, axis=0)  # [B, CTX, EMB]
    # sum over context window, scaled by 1/(2*window_size)
    summed = jnp.sum(emb_x, axis=1) / (2 * WINDOW_SIZE)  # [B, EMB]
    # nn.Linear projection to vocab
    prod = summed @ W + b  # [B, TOKEN_SIZE]
    return prod

if __name__ == "__main__":
    import jax
    _d = setup_inputs()
    print(jax.jit(kernel)(*tuple(_d.values())))

</pallas_src>

<mosaic_0001>
#map = affine_map<(d0, d1) -> (0, 0, 0)>
#map1 = affine_map<(d0, d1) -> (0, 0)>
module attributes {stable_mosaic.version = 14 : i64} {
  func.func @_sc_pool_body(%arg0: i32, %arg1: i32, %arg2: memref<32x32x80xi32, #tpu.memory_space<hbm>>, %arg3: memref<100000x64xf32, #tpu.memory_space<hbm>>, %arg4: memref<4096x64xf32, #tpu.memory_space<hbm>>, %arg5: memref<32x80xi32, #tpu.memory_space<vmem>>, %arg6: memref<2x80x64xf32, #tpu.memory_space<vmem>>, %arg7: memref<128x64xf32, #tpu.memory_space<vmem>>, %arg8: memref<!tpu.dma_semaphore, #tpu.memory_space<semaphore_mem>>, %arg9: memref<!tpu.dma_semaphore, #tpu.memory_space<semaphore_mem>>) attributes {dimension_semantics = [#tpu.dimension_semantics<core_parallel>, #tpu.dimension_semantics<subcore_parallel>], iteration_bounds = array<i64: 2, 16>, scalar_prefetch = 0 : i64, scratch_operands = 5 : i64, tpu.core_type = #tpu.core_type<sc_vector_subcore>, window_params = [{transform_indices = #map}, {transform_indices = #map1}, {transform_indices = #map1}]} {
    %mul3A = arith.constant 2 : i32
    %mul3A_0 = arith.muli %arg1, %mul3A : i32
    %add3A = arith.addi %mul3A_0, %arg0 : i32
    "tpu.region"() ({
      %run_scoped3A = tpu.sem_alloc : memref<!tpu.dma_semaphore, #tpu.memory_space<semaphore_mem>>
      %dma_start3A_31 = arith.constant 0 : i32
      %dma_start3A_32 = arith.constant 0 : i32
      %dma_start3A_33 = tpu.memref_slice %arg2[%add3A, %dma_start3A_31, %dma_start3A_32] : memref<32x32x80xi32, #tpu.memory_space<hbm>> -> memref<1x32x80xi32, #tpu.memory_space<hbm>>
      %dma_start3A_34 = tpu.memref_squeeze %dma_start3A_33 : memref<1x32x80xi32, #tpu.memory_space<hbm>> -> memref<32x80xi32, #tpu.memory_space<hbm>>
      %dma_start3A_35 = arith.constant 0 : i32
      %dma_start3A_36 = arith.constant 0 : i32
      %dma_start3A_37 = tpu.memref_slice %arg2[%add3A, %dma_start3A_35, %dma_start3A_36] : memref<32x32x80xi32, #tpu.memory_space<hbm>> -> memref<1x32x80xi32, #tpu.memory_space<hbm>>
      %dma_start3A_38 = tpu.memref_squeeze %dma_start3A_37 : memref<1x32x80xi32, #tpu.memory_space<hbm>> -> memref<32x80xi32, #tpu.memory_space<hbm>>
      tpu.enqueue_dma source(%dma_start3A_38 : memref<32x80xi32, #tpu.memory_space<hbm>>) target(%arg5 : memref<32x80xi32, #tpu.memory_space<vmem>>) target_semaphore(%run_scoped3A : memref<!tpu.dma_semaphore, #tpu.memory_space<semaphore_mem>>)
      %dma_wait3A = arith.constant 0 : i32
      %dma_wait3A_39 = arith.constant 0 : i32
      %dma_wait3A_40 = tpu.memref_slice %arg2[%add3A, %dma_wait3A, %dma_wait3A_39] : memref<32x32x80xi32, #tpu.memory_space<hbm>> -> memref<1x32x80xi32, #tpu.memory_space<hbm>>
      %dma_wait3A_41 = tpu.memref_squeeze %dma_wait3A_40 : memref<1x32x80xi32, #tpu.memory_space<hbm>> -> memref<32x80xi32, #tpu.memory_space<hbm>>
      %dma_wait3A_42 = arith.constant 0 : i32
      %dma_wait3A_43 = arith.constant 0 : i32
      %dma_wait3A_44 = tpu.memref_slice %arg2[%add3A, %dma_wait3A_42, %dma_wait3A_43] : memref<32x32x80xi32, #tpu.memory_space<hbm>> -> memref<1x32x80xi32, #tpu.memory_space<hbm>>
      %dma_wait3A_45 = tpu.memref_squeeze %dma_wait3A_44 : memref<1x32x80xi32, #tpu.memory_space<hbm>> -> memref<32x80xi32, #tpu.memory_space<hbm>>
      tpu.wait_dma2 semaphore(%run_scoped3A : memref<!tpu.dma_semaphore, #tpu.memory_space<semaphore_mem>>) src(%dma_wait3A_45 : memref<32x80xi32, #tpu.memory_space<hbm>>) dst(%arg5 : memref<32x80xi32, #tpu.memory_space<vmem>>)
      tpu.yield
    }) : () -> ()
    %dma_start3A = arith.constant 0 : i32
    %dma_start3A_1 = arith.constant 0 : i32
    %dma_start3A_2 = arith.constant 0 : i32
    %dma_start3A_3 = arith.constant 0 : i32
    %dma_start3A_4 = tpu.memref_slice %arg6[%dma_start3A_1, %dma_start3A_2, %dma_start3A_3] : memref<2x80x64xf32, #tpu.memory_space<vmem>> -> memref<1x80x64xf32, #tpu.memory_space<vmem>>
    %dma_start3A_5 = tpu.memref_squeeze %dma_start3A_4 : memref<1x80x64xf32, #tpu.memory_space<vmem>> -> memref<80x64xf32, #tpu.memory_space<vmem>>
    %dma_start3A_6 = arith.constant 0 : i32
    %dma_start3A_7 = tpu.memref_slice %arg5[%dma_start3A, %dma_start3A_6] : memref<32x80xi32, #tpu.memory_space<vmem>> -> memref<1x80xi32, #tpu.memory_space<vmem>>
    %dma_start3A_8 = tpu.memref_squeeze %dma_start3A_7 : memref<1x80xi32, #tpu.memory_space<vmem>> -> memref<80xi32, #tpu.memory_space<vmem>>
    %dma_start3A_9 = arith.constant 0 : i32
    %dma_start3A_10 = arith.constant 0 : i32
    %dma_start3A_11 = tpu.memref_slice %arg3[%dma_start3A_9, %dma_start3A_10] : memref<100000x64xf32, #tpu.memory_space<hbm>> -> memref<100000x64xf32, #tpu.memory_space<hbm>>
    tpu.enqueue_indirect_dma source(%dma_start3A_11 : memref<100000x64xf32, #tpu.memory_space<hbm>>) target(%dma_start3A_5 : memref<80x64xf32, #tpu.memory_space<vmem>>) offsets(%dma_start3A_8 : memref<80xi32, #tpu.memory_space<vmem>>) semaphore(%arg8 : memref<!tpu.dma_semaphore, #tpu.memory_space<semaphore_mem>>)
    %dma_start3A_12 = arith.constant 1 : i32
    %dma_start3A_13 = arith.constant 1 : i32
    %dma_start3A_14 = arith.constant 0 : i32
    %dma_start3A_15 = arith.constant 0 : i32
    %dma_start3A_16 = tpu.memref_slice %arg6[%dma_start3A_13, %dma_start3A_14, %dma_start3A_15] : memref<2x80x64xf32, #tpu.memory_space<vmem>> -> memref<1x80x64xf32, #tpu.memory_space<vmem>>
    %dma_start3A_17 = tpu.memref_squeeze %dma_start3A_16 : memref<1x80x64xf32, #tpu.memory_space<vmem>> -> memref<80x64xf32, #tpu.memory_space<vmem>>
    %dma_start3A_18 = arith.constant 0 : i32
    %dma_start3A_19 = tpu.memref_slice %arg5[%dma_start3A_12, %dma_start3A_18] : memref<32x80xi32, #tpu.memory_space<vmem>> -> memref<1x80xi32, #tpu.memory_space<vmem>>
    %dma_start3A_20 = tpu.memref_squeeze %dma_start3A_19 : memref<1x80xi32, #tpu.memory_space<vmem>> -> memref<80xi32, #tpu.memory_space<vmem>>
    %dma_start3A_21 = arith.constant 0 : i32
    %dma_start3A_22 = arith.constant 0 : i32
    %dma_start3A_23 = tpu.memref_slice %arg3[%dma_start3A_21, %dma_start3A_22] : memref<100000x64xf32, #tpu.memory_space<hbm>> -> memref<100000x64xf32, #tpu.memory_space<hbm>>
    tpu.enqueue_indirect_dma source(%dma_start3A_23 : memref<100000x64xf32, #tpu.memory_space<hbm>>) target(%dma_start3A_17 : memref<80x64xf32, #tpu.memory_space<vmem>>) offsets(%dma_start3A_20 : memref<80xi32, #tpu.memory_space<vmem>>) semaphore(%arg9 : memref<!tpu.dma_semaphore, #tpu.memory_space<semaphore_mem>>)
    %scan3A = arith.constant 0 : i32
    %scan3A_24 = arith.constant 0 : i32
    %scan3A_25 = arith.constant 16 : i32
    %scan3A_26 = arith.addi %scan3A_24, %scan3A_25 : i32
    %scan3A_27 = arith.constant 1 : i32
    scf.for %scan3A_31 = %scan3A_24 to %scan3A_26 step %scan3A_27  : i32 {
      %mul3A_32 = arith.constant 2 : i32
      %mul3A_33 = arith.muli %scan3A_31, %mul3A_32 : i32
      %add3A_34 = arith.constant 0 : i32
      %add3A_35 = arith.addi %mul3A_33, %add3A_34 : i32
      %dma_wait3A = arith.constant 0 : i32
      %dma_wait3A_36 = arith.constant 0 : i32
      %dma_wait3A_37 = arith.constant 0 : i32
      %dma_wait3A_38 = tpu.memref_slice %arg6[%dma_wait3A, %dma_wait3A_36, %dma_wait3A_37] : memref<2x80x64xf32, #tpu.memory_space<vmem>> -> memref<1x80x64xf32, #tpu.memory_space<vmem>>
      %dma_wait3A_39 = tpu.memref_squeeze %dma_wait3A_38 : memref<1x80x64xf32, #tpu.memory_space<vmem>> -> memref<80x64xf32, #tpu.memory_space<vmem>>
      %dma_wait3A_40 = arith.constant 0 : i32
      %dma_wait3A_41 = tpu.memref_slice %arg5[%add3A_35, %dma_wait3A_40] : memref<32x80xi32, #tpu.memory_space<vmem>> -> memref<1x80xi32, #tpu.memory_space<vmem>>
      %dma_wait3A_42 = tpu.memref_squeeze %dma_wait3A_41 : memref<1x80xi32, #tpu.memory_space<vmem>> -> memref<80xi32, #tpu.memory_space<vmem>>
      %dma_wait3A_43 = arith.constant 0 : i32
      %dma_wait3A_44 = arith.constant 0 : i32
      %dma_wait3A_45 = tpu.memref_slice %arg3[%dma_wait3A_43, %dma_wait3A_44] : memref<100000x64xf32, #tpu.memory_space<hbm>> -> memref<100000x64xf32, #tpu.memory_space<hbm>>
      tpu.wait_indirect_dma semaphore(%arg8 : memref<!tpu.dma_semaphore, #tpu.memory_space<semaphore_mem>>) src(%dma_wait3A_45 : memref<100000x64xf32, #tpu.memory_space<hbm>>) dst(%dma_wait3A_39 : memref<80x64xf32, #tpu.memory_space<vmem>>)
      %get3A = arith.constant 0 : i32
      %get3A_46 = arith.constant 0 : i32
      %get3A_47 = arith.index_cast %get3A : i32 to index
      %get3A_48 = arith.index_cast %get3A_46 : i32 to index
      %get3A_49 = arith.constant 0 : index
      %get3A_50 = tpu.vector_load %arg6[%get3A_47, %get3A_48, %get3A_49] {strides = array<i32>} : memref<2x80x64xf32, #tpu.memory_space<vmem>>, vector<1x1x16xf32>,
      %get3A_51 = vector.shape_cast %get3A_50 : vector<1x1x16xf32> to vector<16xf32>
      %get3A_52 = arith.constant 0 : i32
      %get3A_53 = arith.constant 1 : i32
      %get3A_54 = arith.index_cast %get3A_52 : i32 to index
      %get3A_55 = arith.index_cast %get3A_53 : i32 to index
      %get3A_56 = arith.constant 0 : index
      %get3A_57 = tpu.vector_load %arg6[%get3A_54, %get3A_55, %get3A_56] {strides = array<i32>} : memref<2x80x64xf32, #tpu.memory_space<vmem>>, vector<1x1x16xf32>,
      %get3A_58 = vector.shape_cast %get3A_57 : vector<1x1x16xf32> to vector<16xf32>
      %add3A_59 = arith.addf %get3A_51, %get3A_58 : vector<16xf32>
      %get3A_60 = arith.constant 0 : i32
      %get3A_61 = arith.constant 2 : i32
      %get3A_62 = arith.index_cast %get3A_60 : i32 to index
      %get3A_63 = arith.index_cast %get3A_61 : i32 to index
      %get3A_64 = arith.constant 0 : index
      %get3A_65 = tpu.vector_load %arg6[%get3A_62, %get3A_63, %get3A_64] {strides = array<i32>} : memref<2x80x64xf32, #tpu.memory_space<vmem>>, vector<1x1x16xf32>,
      %get3A_66 = vector.shape_cast %get3A_65 : vector<1x1x16xf32> to vector<16xf32>
      %add3A_67 = arith.addf %add3A_59, %get3A_66 : vector<16xf32>
      %get3A_68 = arith.constant 0 : i32
      %get3A_69 = arith.constant 3 : i32
      %get3A_70 = arith.index_cast %get3A_68 : i32 to index
      %get3A_71 = arith.index_cast %get3A_69 : i32 to index
      %get3A_72 = arith.constant 0 : index
      %get3A_73 = tpu.vector_load %arg6[%get3A_70, %get3A_71, %get3A_72] {strides = array<i32>} : memref<2x80x64xf32, #tpu.memory_space<vmem>>, vector<1x1x16xf32>,
      %get3A_74 = vector.shape_cast %get3A_73 : vector<1x1x16xf32> to vector<16xf32>
      %add3A_75 = arith.addf %add3A_67, %get3A_74 : vector<16xf32>
      %get3A_76 = arith.constant 0 : i32
      %get3A_77 = arith.constant 4 : i32
      %get3A_78 = arith.index_cast %get3A_76 : i32 to index
      %get3A_79 = arith.index_cast %get3A_77 : i32 to index
      %get3A_80 = arith.constant 0 : index
      %get3A_81 = tpu.vector_load %arg6[%get3A_78, %get3A_79, %get3A_80] {strides = array<i32>} : memref<2x80x64xf32, #tpu.memory_space<vmem>>, vector<1x1x16xf32>,
      %get3A_82 = vector.shape_cast %get3A_81 : vector<1x1x16xf32> to vector<16xf32>
      %add3A_83 = arith.addf %add3A_75, %get3A_82 : vector<16xf32>
      %get3A_84 = arith.constant 0 : i32
      %get3A_85 = arith.constant 5 : i32
      %get3A_86 = arith.index_cast %get3A_84 : i32 to index
      %get3A_87 = arith.index_cast %get3A_85 : i32 to index
      %get3A_88 = arith.constant 0 : index
      %get3A_89 = tpu.vector_load %arg6[%get3A_86, %get3A_87, %get3A_88] {strides = array<i32>} : memref<2x80x64xf32, #tpu.memory_space<vmem>>, vector<1x1x16xf32>,
      %get3A_90 = vector.shape_cast %get3A_89 : vector<1x1x16xf32> to vector<16xf32>
      %add3A_91 = arith.addf %add3A_83, %get3A_90 : vector<16xf32>
      %get3A_92 = arith.constant 0 : i32
      %get3A_93 = arith.constant 6 : i32
      %get3A_94 = arith.index_cast %get3A_92 : i32 to index
      %get3A_95 = arith.index_cast %get3A_93 : i32 to index
      %get3A_96 = arith.constant 0 : index
      %get3A_97 = tpu.vector_load %arg6[%get3A_94, %get3A_95, %get3A_96] {strides = array<i32>} : memref<2x80x64xf32, #tpu.memory_space<vmem>>, vector<1x1x16xf32>,
      %get3A_98 = vector.shape_cast %get3A_97 : vector<1x1x16xf32> to vector<16xf32>
      %add3A_99 = arith.addf %add3A_91, %get3A_98 : vector<16xf32>
      %get3A_100 = arith.constant 0 : i32
      %get3A_101 = arith.constant 7 : i32
      %get3A_102 = arith.index_cast %get3A_100 : i32 to index
      %get3A_103 = arith.index_cast %get3A_101 : i32 to index
      %get3A_104 = arith.constant 0 : index
      %get3A_105 = tpu.vector_load %arg6[%get3A_102, %get3A_103, %get3A_104] {strides = array<i32>} : memref<2x80x64xf32, #tpu.memory_space<vmem>>, vector<1x1x16xf32>,
      %get3A_106 = vector.shape_cast %get3A_105 : vector<1x1x16xf32> to vector<16xf32>
      %add3A_107 = arith.addf %add3A_99, %get3A_106 : vector<16xf32>
      %get3A_108 = arith.constant 0 : i32
      %get3A_109 = arith.constant 8 : i32
      %get3A_110 = arith.index_cast %get3A_108 : i32 to index
      %get3A_111 = arith.index_cast %get3A_109 : i32 to index
      %get3A_112 = arith.constant 0 : index
      %get3A_113 = tpu.vector_load %arg6[%get3A_110, %get3A_111, %get3A_112] {strides = array<i32>} : memref<2x80x64xf32, #tpu.memory_space<vmem>>, vector<1x1x16xf32>,
      %get3A_114 = vector.shape_cast %get3A_113 : vector<1x1x16xf32> to vector<16xf32>
      %add3A_115 = arith.addf %add3A_107, %get3A_114 : vector<16xf32>
      %get3A_116 = arith.constant 0 : i32
      %get3A_117 = arith.constant 9 : i32
      %get3A_118 = arith.index_cast %get3A_116 : i32 to index
      %get3A_119 = arith.index_cast %get3A_117 : i32 to index
      %get3A_120 = arith.constant 0 : index
      %get3A_121 = tpu.vector_load %arg6[%get3A_118, %get3A_119, %get3A_120] {strides = array<i32>} : memref<2x80x64xf32, #tpu.memory_space<vmem>>, vector<1x1x16xf32>,
      %get3A_122 = vector.shape_cast %get3A_121 : vector<1x1x16xf32> to vector<16xf32>
      %add3A_123 = arith.addf %add3A_115, %get3A_122 : vector<16xf32>
      %get3A_124 = arith.constant 0 : i32
      %get3A_125 = arith.constant 10 : i32
      %get3A_126 = arith.index_cast %get3A_124 : i32 to index
      %get3A_127 = arith.index_cast %get3A_125 : i32 to index
      %get3A_128 = arith.constant 0 : index
      %get3A_129 = tpu.vector_load %arg6[%get3A_126, %get3A_127, %get3A_128] {strides = array<i32>} : memref<2x80x64xf32, #tpu.memory_space<vmem>>, vector<1x1x16xf32>,
      %get3A_130 = vector.shape_cast %get3A_129 : vector<1x1x16xf32> to vector<16xf32>
      %add3A_131 = arith.addf %add3A_123, %get3A_130 : vector<16xf32>
      %get3A_132 = arith.constant 0 : i32
      %get3A_133 = arith.constant 11 : i32
      %get3A_134 = arith.index_cast %get3A_132 : i32 to index
      %get3A_135 = arith.index_cast %get3A_133 : i32 to index
      %get3A_136 = arith.constant 0 : index
      %get3A_137 = tpu.vector_load %arg6[%get3A_134, %get3A_135, %get3A_136] {strides = array<i32>} : memref<2x80x64xf32, #tpu.memory_space<vmem>>, vector<1x1x16xf32>,
      %get3A_138 = vector.shape_cast %get3A_137 : vector<1x1x16xf32> to vector<16xf32>
      %add3A_139 = arith.addf %add3A_131, %get3A_138 : vector<16xf32>
      %get3A_140 = arith.constant 0 : i32
      %get3A_141 = arith.constant 12 : i32
      %get3A_142 = arith.index_cast %get3A_140 : i32 to index
      %get3A_143 = arith.index_cast %get3A_141 : i32 to index
      %get3A_144 = arith.constant 0 : index
      %get3A_145 = tpu.vector_load %arg6[%get3A_142, %get3A_143, %get3A_144] {strides = array<i32>} : memref<2x80x64xf32, #tpu.memory_space<vmem>>, vector<1x1x16xf32>,
      %get3A_146 = vector.shape_cast %get3A_145 : vector<1x1x16xf32> to vector<16xf32>
      %add3A_147 = arith.addf %add3A_139, %get3A_146 : vector<16xf32>
      %get3A_148 = arith.constant 0 : i32
      %get3A_149 = arith.constant 13 : i32
      %get3A_150 = arith.index_cast %get3A_148 : i32 to index
      %get3A_151 = arith.index_cast %get3A_149 : i32 to index
      %get3A_152 = arith.constant 0 : index
      %get3A_153 = tpu.vector_load %arg6[%get3A_150, %get3A_151, %get3A_152] {strides = array<i32>} : memref<2x80x64xf32, #tpu.memory_space<vmem>>, vector<1x1x16xf32>,
      %get3A_154 = vector.shape_cast %get3A_153 : vector<1x1x16xf32> to vector<16xf32>
      %add3A_155 = arith.addf %add3A_147, %get3A_154 : vector<16xf32>
      %get3A_156 = arith.constant 0 : i32
      %get3A_157 = arith.constant 14 : i32
      %get3A_158 = arith.index_cast %get3A_156 : i32 to index
      %get3A_159 = arith.index_cast %get3A_157 : i32 to index
      %get3A_160 = arith.constant 0 : index
      %get3A_161 = tpu.vector_load %arg6[%get3A_158, %get3A_159, %get3A_160] {strides = array<i32>} : memref<2x80x64xf32, #tpu.memory_space<vmem>>, vector<1x1x16xf32>,
      %get3A_162 = vector.shape_cast %get3A_161 : vector<1x1x16xf32> to vector<16xf32>
      %add3A_163 = arith.addf %add3A_155, %get3A_162 : vector<16xf32>
      %get3A_164 = arith.constant 0 : i32
      %get3A_165 = arith.constant 15 : i32
      %get3A_166 = arith.index_cast %get3A_164 : i32 to index
      %get3A_167 = arith.index_cast %get3A_165 : i32 to index
      %get3A_168 = arith.constant 0 : index
      %get3A_169 = tpu.vector_load %arg6[%get3A_166, %get3A_167, %get3A_168] {strides = array<i32>} : memref<2x80x64xf32, #tpu.memory_space<vmem>>, vector<1x1x16xf32>,
      %get3A_170 = vector.shape_cast %get3A_169 : vector<1x1x16xf32> to vector<16xf32>
      %add3A_171 = arith.addf %add3A_163, %get3A_170 : vector<16xf32>
      %get3A_172 = arith.constant 0 : i32
      %get3A_173 = arith.constant 16 : i32
      %get3A_174 = arith.index_cast %get3A_172 : i32 to index
      %get3A_175 = arith.index_cast %get3A_173 : i32 to index
      %get3A_176 = arith.constant 0 : index
      %get3A_177 = tpu.vector_load %arg6[%get3A_174, %get3A_175, %get3A_176] {strides = array<i32>} : memref<2x80x64xf32, #tpu.memory_space<vmem>>, vector<1x1x16xf32>,
      %get3A_178 = vector.shape_cast %get3A_177 : vector<1x1x16xf32> to vector<16xf32>
      %add3A_179 = arith.addf %add3A_171, %get3A_178 : vector<16xf32>
      %get3A_180 = arith.constant 0 : i32
      %get3A_181 = arith.constant 17 : i32
      %get3A_182 = arith.index_cast %get3A_180 : i32 to index
      %get3A_183 = arith.index_cast %get3A_181 : i32 to index
      %get3A_184 = arith.constant 0 : index
      %get3A_185 = tpu.vector_load %arg6[%get3A_182, %get3A_183, %get3A_184] {strides = array<i32>} : memref<2x80x64xf32, #tpu.memory_space<vmem>>, vector<1x1x16xf32>,
      %get3A_186 = vector.shape_cast %get3A_185 : vector<1x1x16xf32> to vector<16xf32>
      %add3A_187 = arith.addf %add3A_179, %get3A_186 : vector<16xf32>
      %get3A_188 = arith.constant 0 : i32
      %get3A_189 = arith.constant 18 : i32
      %get3A_190 = arith.index_cast %get3A_188 : i32 to index
      %get3A_191 = arith.index_cast %get3A_189 : i32 to index
      %get3A_192 = arith.constant 0 : index
      %get3A_193 = tpu.vector_load %arg6[%get3A_190, %get3A_191, %get3A_192] {strides = array<i32>} : memref<2x80x64xf32, #tpu.memory_space<vmem>>, vector<1x1x16xf32>,
      %get3A_194 = vector.shape_cast %get3A_193 : vector<1x1x16xf32> to vector<16xf32>
      %add3A_195 = arith.addf %add3A_187, %get3A_194 : vector<16xf32>
      %get3A_196 = arith.constant 0 : i32
      %get3A_197 = arith.constant 19 : i32
      %get3A_198 = arith.index_cast %get3A_196 : i32 to index
      %get3A_199 = arith.index_cast %get3A_197 : i32 to index
      %get3A_200 = arith.constant 0 : index
      %get3A_201 = tpu.vector_load %arg6[%get3A_198, %get3A_199, %get3A_200] {strides = array<i32>} : memref<2x80x64xf32, #tpu.memory_space<vmem>>, vector<1x1x16xf32>,
      %get3A_202 = vector.shape_cast %get3A_201 : vector<1x1x16xf32> to vector<16xf32>
      %add3A_203 = arith.addf %add3A_195, %get3A_202 : vector<16xf32>
      %mul3A_204 = arith.constant 5.000000e-02 : f32
      %mul3A_205 = vector.broadcast %mul3A_204 : f32 to vector<16xf32>
      %mul3A_206 = arith.mulf %add3A_203, %mul3A_205 : vector<16xf32>
      %mul3A_207 = arith.constant 4 : i32
      %mul3A_208 = arith.muli %add3A_35, %mul3A_207 : i32
      %add3A_209 = arith.constant 0 : i32
      %add3A_210 = arith.addi %mul3A_208, %add3A_209 : i32
      %swap3A = arith.index_cast %add3A_210 : i32 to index
      %swap3A_211 = arith.constant 0 : index
      %swap3A_212 = tpu.vector_load %arg7[%swap3A, %swap3A_211] {strides = array<i32>} : memref<128x64xf32, #tpu.memory_space<vmem>>, vector<1x16xf32>,
      %swap3A_213 = vector.shape_cast %swap3A_212 : vector<1x16xf32> to vector<16xf32>
      %swap3A_214 = vector.shape_cast %mul3A_206 : vector<16xf32> to vector<1x16xf32>
      tpu.vector_store %arg7[%swap3A, %swap3A_211], %swap3A_214 {strides = array<i32>} : memref<128x64xf32, #tpu.memory_space<vmem>>, vector<1x16xf32>,
      %get3A_215 = arith.constant 0 : i32
      %get3A_216 = arith.constant 0 : i32
      %get3A_217 = arith.index_cast %get3A_215 : i32 to index
      %get3A_218 = arith.index_cast %get3A_216 : i32 to index
      %get3A_219 = arith.constant 16 : index
      %get3A_220 = tpu.vector_load %arg6[%get3A_217, %get3A_218, %get3A_219] {strides = array<i32>} : memref<2x80x64xf32, #tpu.memory_space<vmem>>, vector<1x1x16xf32>,
      %get3A_221 = vector.shape_cast %get3A_220 : vector<1x1x16xf32> to vector<16xf32>
      %get3A_222 = arith.constant 0 : i32
      %get3A_223 = arith.constant 1 : i32
      %get3A_224 = arith.index_cast %get3A_222 : i32 to index
      %get3A_225 = arith.index_cast %get3A_223 : i32 to index
      %get3A_226 = arith.constant 16 : index
      %get3A_227 = tpu.vector_load %arg6[%get3A_224, %get3A_225, %get3A_226] {strides = array<i32>} : memref<2x80x64xf32, #tpu.memory_space<vmem>>, vector<1x1x16xf32>,
      %get3A_228 = vector.shape_cast %get3A_227 : vector<1x1x16xf32> to vector<16xf32>
      %add3A_229 = arith.addf %get3A_221, %get3A_228 : vector<16xf32>
      %get3A_230 = arith.constant 0 : i32
      %get3A_231 = arith.constant 2 : i32
      %get3A_232 = arith.index_cast %get3A_230 : i32 to index
      %get3A_233 = arith.index_cast %get3A_231 : i32 to index
      %get3A_234 = arith.constant 16 : index
      %get3A_235 = tpu.vector_load %arg6[%get3A_232, %get3A_233, %get3A_234] {strides = array<i32>} : memref<2x80x64xf32, #tpu.memory_space<vmem>>, vector<1x1x16xf32>,
      %get3A_236 = vector.shape_cast %get3A_235 : vector<1x1x16xf32> to vector<16xf32>
      %add3A_237 = arith.addf %add3A_229, %get3A_236 : vector<16xf32>
      %get3A_238 = arith.constant 0 : i32
      %get3A_239 = arith.constant 3 : i32
      %get3A_240 = arith.index_cast %get3A_238 : i32 to index
      %get3A_241 = arith.index_cast %get3A_239 : i32 to index
      %get3A_242 = arith.constant 16 : index
      %get3A_243 = tpu.vector_load %arg6[%get3A_240, %get3A_241, %get3A_242] {strides = array<i32>} : memref<2x80x64xf32, #tpu.memory_space<vmem>>, vector<1x1x16xf32>,
      %get3A_244 = vector.shape_cast %get3A_243 : vector<1x1x16xf32> to vector<16xf32>
      %add3A_245 = arith.addf %add3A_237, %get3A_244 : vector<16xf32>
      %get3A_246 = arith.constant 0 : i32
      %get3A_247 = arith.constant 4 : i32
      %get3A_248 = arith.index_cast %get3A_246 : i32 to index
      %get3A_249 = arith.index_cast %get3A_247 : i32 to index
      %get3A_250 = arith.constant 16 : index
      %get3A_251 = tpu.vector_load %arg6[%get3A_248, %get3A_249, %get3A_250] {strides = array<i32>} : memref<2x80x64xf32, #tpu.memory_space<vmem>>, vector<1x1x16xf32>,
      %get3A_252 = vector.shape_cast %get3A_251 : vector<1x1x16xf32> to vector<16xf32>
      %add3A_253 = arith.addf %add3A_245, %get3A_252 : vector<16xf32>
      %get3A_254 = arith.constant 0 : i32
      %get3A_255 = arith.constant 5 : i32
      %get3A_256 = arith.index_cast %get3A_254 : i32 to index
      %get3A_257 = arith.index_cast %get3A_255 : i32 to index
      %get3A_258 = arith.constant 16 : index
      %get3A_259 = tpu.vector_load %arg6[%get3A_256, %get3A_257, %get3A_258] {strides = array<i32>} : memref<2x80x64xf32, #tpu.memory_space<vmem>>, vector<1x1x16xf32>,
      %get3A_260 = vector.shape_cast %get3A_259 : vector<1x1x16xf32> to vector<16xf32>
      %add3A_261 = arith.addf %add3A_253, %get3A_260 : vector<16xf32>
      %get3A_262 = arith.constant 0 : i32
      %get3A_263 = arith.constant 6 : i32
      %get3A_264 = arith.index_cast %get3A_262 : i32 to index
      %get3A_265 = arith.index_cast %get3A_263 : i32 to index
      %get3A_266 = arith.constant 16 : index
      %get3A_267 = tpu.vector_load %arg6[%get3A_264, %get3A_265, %get3A_266] {strides = array<i32>} : memref<2x80x64xf32, #tpu.memory_space<vmem>>, vector<1x1x16xf32>,
      %get3A_268 = vector.shape_cast %get3A_267 : vector<1x1x16xf32> to vector<16xf32>
      %add3A_269 = arith.addf %add3A_261, %get3A_268 : vector<16xf32>
      %get3A_270 = arith.constant 0 : i32
      %get3A_271 = arith.constant 7 : i32
      %get3A_272 = arith.index_cast %get3A_270 : i32 to index
      %get3A_273 = arith.index_cast %get3A_271 : i32 to index
      %get3A_274 = arith.constant 16 : index
      %get3A_275 = tpu.vector_load %arg6[%get3A_272, %get3A_273, %get3A_274] {strides = array<i32>} : memref<2x80x64xf32, #tpu.memory_space<vmem>>, vector<1x1x16xf32>,
      %get3A_276 = vector.shape_cast %get3A_275 : vector<1x1x16xf32> to vector<16xf32>
      %add3A_277 = arith.addf %add3A_269, %get3A_276 : vector<16xf32>
      %get3A_278 = arith.constant 0 : i32
      %get3A_279 = arith.constant 8 : i32
      %get3A_280 = arith.index_cast %get3A_278 : i32 to index
      %get3A_281 = arith.index_cast %get3A_279 : i32 to index
      %get3A_282 = arith.constant 16 : index
      %get3A_283 = tpu.vector_load %arg6[%get3A_280, %get3A_281, %get3A_282] {strides = array<i32>} : memref<2x80x64xf32, #tpu.memory_space<vmem>>, vector<1x1x16xf32>,
      %get3A_284 = vector.shape_cast %get3A_283 : vector<1x1x16xf32> to vector<16xf32>
      %add3A_285 = arith.addf %add3A_277, %get3A_284 : vector<16xf32>
      %get3A_286 = arith.constant 0 : i32
      %get3A_287 = arith.constant 9 : i32
      %get3A_288 = arith.index_cast %get3A_286 : i32 to index
      %get3A_289 = arith.index_cast %get3A_287 : i32 to index
      %get3A_290 = arith.constant 16 : index
      %get3A_291 = tpu.vector_load %arg6[%get3A_288, %get3A_289, %get3A_290] {strides = array<i32>} : memref<2x80x64xf32, #tpu.memory_space<vmem>>, vector<1x1x16xf32>,
      %get3A_292 = vector.shape_cast %get3A_291 : vector<1x1x16xf32> to vector<16xf32>
      %add3A_293 = arith.addf %add3A_285, %get3A_292 : vector<16xf32>
      %get3A_294 = arith.constant 0 : i32
      %get3A_295 = arith.constant 10 : i32
      %get3A_296 = arith.index_cast %get3A_294 : i32 to index
      %get3A_297 = arith.index_cast %get3A_295 : i32 to index
      %get3A_298 = arith.constant 16 : index
      %get3A_299 = tpu.vector_load %arg6[%get3A_296, %get3A_297, %get3A_298] {strides = array<i32>} : memref<2x80x64xf32, #tpu.memory_space<vmem>>, vector<1x1x16xf32>,
      %get3A_300 = vector.shape_cast %get3A_299 : vector<1x1x16xf32> to vector<16xf32>
      %add3A_301 = arith.addf %add3A_293, %get3A_300 : vector<16xf32>
      %get3A_302 = arith.constant 0 : i32
      %get3A_303 = arith.constant 11 : i32
      %get3A_304 = arith.index_cast %get3A_302 : i32 to index
      %get3A_305 = arith.index_cast %get3A_303 : i32 to index
      %get3A_306 = arith.constant 16 : index
      %get3A_307 = tpu.vector_load %arg6[%get3A_304, %get3A_305, %get3A_306] {strides = array<i32>} : memref<2x80x64xf32, #tpu.memory_space<vmem>>, vector<1x1x16xf32>,
      %get3A_308 = vector.shape_cast %get3A_307 : vector<1x1x16xf32> to vector<16xf32>
      %add3A_309 = arith.addf %add3A_301, %get3A_308 : vector<16xf32>
      %get3A_310 = arith.constant 0 : i32
      %get3A_311 = arith.constant 12 : i32
      %get3A_312 = arith.index_cast %get3A_310 : i32 to index
      %get3A_313 = arith.index_cast %get3A_311 : i32 to index
      %get3A_314 = arith.constant 16 : index
      %get3A_315 = tpu.vector_load %arg6[%get3A_312, %get3A_313, %get3A_314] {strides = array<i32>} : memref<2x80x64xf32, #tpu.memory_space<vmem>>, vector<1x1x16xf32>,
      %get3A_316 = vector.shape_cast %get3A_315 : vector<1x1x16xf32> to vector<16xf32>
      %add3A_317 = arith.addf %add3A_309, %get3A_316 : vector<16xf32>
      %get3A_318 = arith.constant 0 : i32
      %get3A_319 = arith.constant 13 : i32
      %get3A_320 = arith.index_cast %get3A_318 : i32 to index
      %get3A_321 = arith.index_cast %get3A_319 : i32 to index
      %get3A_322 = arith.constant 16 : index
      %get3A_323 = tpu.vector_load %arg6[%get3A_320, %get3A_321, %get3A_322] {strides = array<i32>} : memref<2x80x64xf32, #tpu.memory_space<vmem>>, vector<1x1x16xf32>,
      %get3A_324 = vector.shape_cast %get3A_323 : vector<1x1x16xf32> to vector<16xf32>
      %add3A_325 = arith.addf %add3A_317, %get3A_324 : vector<16xf32>
      %get3A_326 = arith.constant 0 : i32
      %get3A_327 = arith.constant 14 : i32
      %get3A_328 = arith.index_cast %get3A_326 : i32 to index
      %get3A_329 = arith.index_cast %get3A_327 : i32 to index
      %get3A_330 = arith.constant 16 : index
      %get3A_331 = tpu.vector_load %arg6[%get3A_328, %get3A_329, %get3A_330] {strides = array<i32>} : memref<2x80x64xf32, #tpu.memory_space<vmem>>, vector<1x1x16xf32>,
      %get3A_332 = vector.shape_cast %get3A_331 : vector<1x1x16xf32> to vector<16xf32>
      %add3A_333 = arith.addf %add3A_325, %get3A_332 : vector<16xf32>
      %get3A_334 = arith.constant 0 : i32
      %get3A_335 = arith.constant 15 : i32
      %get3A_336 = arith.index_cast %get3A_334 : i32 to index
      %get3A_337 = arith.index_cast %get3A_335 : i32 to index
      %get3A_338 = arith.constant 16 : index
      %get3A_339 = tpu.vector_load %arg6[%get3A_336, %get3A_337, %get3A_338] {strides = array<i32>} : memref<2x80x64xf32, #tpu.memory_space<vmem>>, vector<1x1x16xf32>,
      %get3A_340 = vector.shape_cast %get3A_339 : vector<1x1x16xf32> to vector<16xf32>
      %add3A_341 = arith.addf %add3A_333, %get3A_340 : vector<16xf32>
      %get3A_342 = arith.constant 0 : i32
      %get3A_343 = arith.constant 16 : i32
      %get3A_344 = arith.index_cast %get3A_342 : i32 to index
      %get3A_345 = arith.index_cast %get3A_343 : i32 to index
      %get3A_346 = arith.constant 16 : index
      %get3A_347 = tpu.vector_load %arg6[%get3A_344, %get3A_345, %get3A_346] {strides = array<i32>} : memref<2x80x64xf32, #tpu.memory_space<vmem>>, vector<1x1x16xf32>,
      %get3A_348 = vector.shape_cast %get3A_347 : vector<1x1x16xf32> to vector<16xf32>
      %add3A_349 = arith.addf %add3A_341, %get3A_348 : vector<16xf32>
      %get3A_350 = arith.constant 0 : i32
      %get3A_351 = arith.constant 17 : i32
      %get3A_352 = arith.index_cast %get3A_350 : i32 to index
      %get3A_353 = arith.index_cast %get3A_351 : i32 to index
      %get3A_354 = arith.constant 16 : index
      %get3A_355 = tpu.vector_load %arg6[%get3A_352, %get3A_353, %get3A_354] {strides = array<i32>} : memref<2x80x64xf32, #tpu.memory_space<vmem>>, vector<1x1x16xf32>,
      %get3A_356 = vector.shape_cast %get3A_355 : vector<1x1x16xf32> to vector<16xf32>
      %add3A_357 = arith.addf %add3A_349, %get3A_356 : vector<16xf32>
      %get3A_358 = arith.constant 0 : i32
      %get3A_359 = arith.constant 18 : i32
      %get3A_360 = arith.index_cast %get3A_358 : i32 to index
      %get3A_361 = arith.index_cast %get3A_359 : i32 to index
      %get3A_362 = arith.constant 16 : index
      %get3A_363 = tpu.vector_load %arg6[%get3A_360, %get3A_361, %get3A_362] {strides = array<i32>} : memref<2x80x64xf32, #tpu.memory_space<vmem>>, vector<1x1x16xf32>,
      %get3A_364 = vector.shape_cast %get3A_363 : vector<1x1x16xf32> to vector<16xf32>
      %add3A_365 = arith.addf %add3A_357, %get3A_364 : vector<16xf32>
      %get3A_366 = arith.constant 0 : i32
      %get3A_367 = arith.constant 19 : i32
      %get3A_368 = arith.index_cast %get3A_366 : i32 to index
      %get3A_369 = arith.index_cast %get3A_367 : i32 to index
      %get3A_370 = arith.constant 16 : index
      %get3A_371 = tpu.vector_load %arg6[%get3A_368, %get3A_369, %get3A_370] {strides = array<i32>} : memref<2x80x64xf32, #tpu.memory_space<vmem>>, vector<1x1x16xf32>,
      %get3A_372 = vector.shape_cast %get3A_371 : vector<1x1x16xf32> to vector<16xf32>
      %add3A_373 = arith.addf %add3A_365, %get3A_372 : vector<16xf32>
      %mul3A_374 = arith.constant 5.000000e-02 : f32
      %mul3A_375 = vector.broadcast %mul3A_374 : f32 to vector<16xf32>
      %mul3A_376 = arith.mulf %add3A_373, %mul3A_375 : vector<16xf32>
      %mul3A_377 = arith.constant 4 : i32
      %mul3A_378 = arith.muli %add3A_35, %mul3A_377 : i32
      %add3A_379 = arith.constant 0 : i32
      %add3A_380 = arith.addi %mul3A_378, %add3A_379 : i32
      %swap3A_381 = arith.index_cast %add3A_380 : i32 to index
      %swap3A_382 = arith.constant 16 : index
      %swap3A_383 = tpu.vector_load %arg7[%swap3A_381, %swap3A_382] {strides = array<i32>} : memref<128x64xf32, #tpu.memory_space<vmem>>, vector<1x16xf32>,
      %swap3A_384 = vector.shape_cast %swap3A_383 : vector<1x16xf32> to vector<16xf32>
      %swap3A_385 = vector.shape_cast %mul3A_376 : vector<16xf32> to vector<1x16xf32>
      tpu.vector_store %arg7[%swap3A_381, %swap3A_382], %swap3A_385 {strides = array<i32>} : memref<128x64xf32, #tpu.memory_space<vmem>>, vector<1x16xf32>,
      %get3A_386 = arith.constant 0 : i32
      %get3A_387 = arith.constant 0 : i32
      %get3A_388 = arith.index_cast %get3A_386 : i32 to index
      %get3A_389 = arith.index_cast %get3A_387 : i32 to index
      %get3A_390 = arith.constant 32 : index
      %get3A_391 = tpu.vector_load %arg6[%get3A_388, %get3A_389, %get3A_390] {strides = array<i32>} : memref<2x80x64xf32, #tpu.memory_space<vmem>>, vector<1x1x16xf32>,
      %get3A_392 = vector.shape_cast %get3A_391 : vector<1x1x16xf32> to vector<16xf32>
      %get3A_393 = arith.constant 0 : i32
      %get3A_394 = arith.constant 1 : i32
      %get3A_395 = arith.index_cast %get3A_393 : i32 to index
      %get3A_396 = arith.index_cast %get3A_394 : i32 to index
      %get3A_397 = arith.constant 32 : index
      %get3A_398 = tpu.vector_load %arg6[%get3A_395, %get3A_396, %get3A_397] {strides = array<i32>} : memref<2x80x64xf32, #tpu.memory_space<vmem>>, vector<1x1x16xf32>,
      %get3A_399 = vector.shape_cast %get3A_398 : vector<1x1x16xf32> to vector<16xf32>
      %add3A_400 = arith.addf %get3A_392, %get3A_399 : vector<16xf32>
      %get3A_401 = arith.constant 0 : i32
      %get3A_402 = arith.constant 2 : i32
      %get3A_403 = arith.index_cast %get3A_401 : i32 to index
      %get3A_404 = arith.index_cast %get3A_402 : i32 to index
      %get3A_405 = arith.constant 32 : index
      %get3A_406 = tpu.vector_load %arg6[%get3A_403, %get3A_404, %get3A_405] {strides = array<i32>} : memref<2x80x64xf32, #tpu.memory_space<vmem>>, vector<1x1x16xf32>,
      %get3A_407 = vector.shape_cast %get3A_406 : vector<1x1x16xf32> to vector<16xf32>
      %add3A_408 = arith.addf %add3A_400, %get3A_407 : vector<16xf32>
      %get3A_409 = arith.constant 0 : i32
      %get3A_410 = arith.constant 3 : i32
      %get3A_411 = arith.index_cast %get3A_409 : i32 to index
      %get3A_412 = arith.index_cast %get3A_410 : i32 to index
      %get3A_413 = arith.constant 32 : index
      %get3A_414 = tpu.vector_load %arg6[%get3A_411, %get3A_412, %get3A_413] {strides = array<i32>} : memref<2x80x64xf32, #tpu.memory_space<vmem>>, vector<1x1x16xf32>,
      %get3A_415 = vector.shape_cast %get3A_414 : vector<1x1x16xf32> to vector<16xf32>
      %add3A_416 = arith.addf %add3A_408, %get3A_415 : vector<16xf32>
      %get3A_417 = arith.constant 0 : i32
      %get3A_418 = arith.constant 4 : i32
      %get3A_419 = arith.index_cast %get3A_417 : i32 to index
      %get3A_420 = arith.index_cast %get3A_418 : i32 to index
      %get3A_421 = arith.constant 32 : index
      %get3A_422 = tpu.vector_load %arg6[%get3A_419, %get3A_420, %get3A_421] {strides = array<i32>} : memref<2x80x64xf32, #tpu.memory_space<vmem>>, vector<1x1x16xf32>,
      %get3A_423 = vector.shape_cast %get3A_422 : vector<1x1x16xf32> to vector<16xf32>
      %add3A_424 = arith.addf %add3A_416, %get3A_423 : vector<16xf32>
      %get3A_425 = arith.constant 0 : i32
      %get3A_426 = arith.constant 5 : i32
      %get3A_427 = arith.index_cast %get3A_425 : i32 to index
      %get3A_428 = arith.index_cast %get3A_426 : i32 to index
      %get3A_429 = arith.constant 32 : index
      %get3A_430 = tpu.vector_load %arg6[%get3A_427, %get3A_428, %get3A_429] {strides = array<i32>} : memref<2x80x64xf32, #tpu.memory_space<vmem>>, vector<1x1x16xf32>,
      %get3A_431 = vector.shape_cast %get3A_430 : vector<1x1x16xf32> to vector<16xf32>
      %add3A_432 = arith.addf %add3A_424, %get3A_431 : vector<16xf32>
      %get3A_433 = arith.constant 0 : i32
      %get3A_434 = arith.constant 6 : i32
      %get3A_435 = arith.index_cast %get3A_433 : i32 to index
      %get3A_436 = arith.index_cast %get3A_434 : i32 to index
      %get3A_437 = arith.constant 32 : index
      %get3A_438 = tpu.vector_load %arg6[%get3A_435, %get3A_436, %get3A_437] {strides = array<i32>} : memref<2x80x64xf32, #tpu.memory_space<vmem>>, vector<1x1x16xf32>,
      %get3A_439 = vector.shape_cast %get3A_438 : vector<1x1x16xf32> to vector<16xf32>
      %add3A_440 = arith.addf %add3A_432, %get3A_439 : vector<16xf32>
      %get3A_441 = arith.constant 0 : i32
      %get3A_442 = arith.constant 7 : i32
      %get3A_443 = arith.index_cast %get3A_441 : i32 to index
      %get3A_444 = arith.index_cast %get3A_442 : i32 to index
      %get3A_445 = arith.constant 32 : index
      %get3A_446 = tpu.vector_load %arg6[%get3A_443, %get3A_444, %get3A_445] {strides = array<i32>} : memref<2x80x64xf32, #tpu.memory_space<vmem>>, vector<1x1x16xf32>,
      %get3A_447 = vector.shape_cast %get3A_446 : vector<1x1x16xf32> to vector<16xf32>
      %add3A_448 = arith.addf %add3A_440, %get3A_447 : vector<16xf32>
      %get3A_449 = arith.constant 0 : i32
      %get3A_450 = arith.constant 8 : i32
      %get3A_451 = arith.index_cast %get3A_449 : i32 to index
      %get3A_452 = arith.index_cast %get3A_450 : i32 to index
      %get3A_453 = arith.constant 32 : index
      %get3A_454 = tpu.vector_load %arg6[%get3A_451, %get3A_452, %get3A_453] {strides = array<i32>} : memref<2x80x64xf32, #tpu.memory_space<vmem>>, vector<1x1x16xf32>,
      %get3A_455 = vector.shape_cast %get3A_454 : vector<1x1x16xf32> to vector<16xf32>
      %add3A_456 = arith.addf %add3A_448, %get3A_455 : vector<16xf32>
      %get3A_457 = arith.constant 0 : i32
      %get3A_458 = arith.constant 9 : i32
      %get3A_459 = arith.index_cast %get3A_457 : i32 to index
      %get3A_460 = arith.index_cast %get3A_458 : i32 to index
      %get3A_461 = arith.constant 32 : index
      %get3A_462 = tpu.vector_load %arg6[%get3A_459, %get3A_460, %get3A_461] {strides = array<i32>} : memref<2x80x64xf32, #tpu.memory_space<vmem>>, vector<1x1x16xf32>,
      %get3A_463 = vector.shape_cast %get3A_462 : vector<1x1x16xf32> to vector<16xf32>
      %add3A_464 = arith.addf %add3A_456, %get3A_463 : vector<16xf32>
      %get3A_465 = arith.constant 0 : i32
      %get3A_466 = arith.constant 10 : i32
      %get3A_467 = arith.index_cast %get3A_465 : i32 to index
      %get3A_468 = arith.index_cast %get3A_466 : i32 to index
      %get3A_469 = arith.constant 32 : index
      %get3A_470 = tpu.vector_load %arg6[%get3A_467, %get3A_468, %get3A_469] {strides = array<i32>} : memref<2x80x64xf32, #tpu.memory_space<vmem>>, vector<1x1x16xf32>,
      %get3A_471 = vector.shape_cast %get3A_470 : vector<1x1x16xf32> to vector<16xf32>
      %add3A_472 = arith.addf %add3A_464, %get3A_471 : vector<16xf32>
      %get3A_473 = arith.constant 0 : i32
      %get3A_474 = arith.constant 11 : i32
      %get3A_475 = arith.index_cast %get3A_473 : i32 to index
      %get3A_476 = arith.index_cast %get3A_474 : i32 to index
      %get3A_477 = arith.constant 32 : index
      %get3A_478 = tpu.vector_load %arg6[%get3A_475, %get3A_476, %get3A_477] {strides = array<i32>} : memref<2x80x64xf32, #tpu.memory_space<vmem>>, vector<1x1x16xf32>,
      %get3A_479 = vector.shape_cast %get3A_478 : vector<1x1x16xf32> to vector<16xf32>
      %add3A_480 = arith.addf %add3A_472, %get3A_479 : vector<16xf32>
      %get3A_481 = arith.constant 0 : i32
      %get3A_482 = arith.constant 12 : i32
      %get3A_483 = arith.index_cast %get3A_481 : i32 to index
      %get3A_484 = arith.index_cast %get3A_482 : i32 to index
      %get3A_485 = arith.constant 32 : index
      %get3A_486 = tpu.vector_load %arg6[%get3A_483, %get3A_484, %get3A_485] {strides = array<i32>} : memref<2x80x64xf32, #tpu.memory_space<vmem>>, vector<1x1x16xf32>,
      %get3A_487 = vector.shape_cast %get3A_486 : vector<1x1x16xf32> to vector<16xf32>
      %add3A_488 = arith.addf %add3A_480, %get3A_487 : vector<16xf32>
      %get3A_489 = arith.constant 0 : i32
      %get3A_490 = arith.constant 13 : i32
      %get3A_491 = arith.index_cast %get3A_489 : i32 to index
      %get3A_492 = arith.index_cast %get3A_490 : i32 to index
      %get3A_493 = arith.constant 32 : index
      %get3A_494 = tpu.vector_load %arg6[%get3A_491, %get3A_492, %get3A_493] {strides = array<i32>} : memref<2x80x64xf32, #tpu.memory_space<vmem>>, vector<1x1x16xf32>,
      %get3A_495 = vector.shape_cast %get3A_494 : vector<1x1x16xf32> to vector<16xf32>
      %add3A_496 = arith.addf %add3A_488, %get3A_495 : vector<16xf32>
      %get3A_497 = arith.constant 0 : i32
      %get3A_498 = arith.constant 14 : i32
      %get3A_499 = arith.index_cast %get3A_497 : i32 to index
      %get3A_500 = arith.index_cast %get3A_498 : i32 to index
      %get3A_501 = arith.constant 32 : index
      %get3A_502 = tpu.vector_load %arg6[%get3A_499, %get3A_500, %get3A_501] {strides = array<i32>} : memref<2x80x64xf32, #tpu.memory_space<vmem>>, vector<1x1x16xf32>,
      %get3A_503 = vector.shape_cast %get3A_502 : vector<1x1x16xf32> to vector<16xf32>
      %add3A_504 = arith.addf %add3A_496, %get3A_503 : vector<16xf32>
      %get3A_505 = arith.constant 0 : i32
      %get3A_506 = arith.constant 15 : i32
      %get3A_507 = arith.index_cast %get3A_505 : i32 to index
      %get3A_508 = arith.index_cast %get3A_506 : i32 to index
      %get3A_509 = arith.constant 32 : index
      %get3A_510 = tpu.vector_load %arg6[%get3A_507, %get3A_508, %get3A_509] {strides = array<i32>} : memref<2x80x64xf32, #tpu.memory_space<vmem>>, vector<1x1x16xf32>,
      %get3A_511 = vector.shape_cast %get3A_510 : vector<1x1x16xf32> to vector<16xf32>
      %add3A_512 = arith.addf %add3A_504, %get3A_511 : vector<16xf32>
      %get3A_513 = arith.constant 0 : i32
      %get3A_514 = arith.constant 16 : i32
      %get3A_515 = arith.index_cast %get3A_513 : i32 to index
      %get3A_516 = arith.index_cast %get3A_514 : i32 to index
      %get3A_517 = arith.constant 32 : index
      %get3A_518 = tpu.vector_load %arg6[%get3A_515, %get3A_516, %get3A_517] {strides = array<i32>} : memref<2x80x64xf32, #tpu.memory_space<vmem>>, vector<1x1x16xf32>,
      %get3A_519 = vector.shape_cast %get3A_518 : vector<1x1x16xf32> to vector<16xf32>
      %add3A_520 = arith.addf %add3A_512, %get3A_519 : vector<16xf32>
      %get3A_521 = arith.constant 0 : i32
      %get3A_522 = arith.constant 17 : i32
      %get3A_523 = arith.index_cast %get3A_521 : i32 to index
      %get3A_524 = arith.index_cast %get3A_522 : i32 to index
      %get3A_525 = arith.constant 32 : index
      %get3A_526 = tpu.vector_load %arg6[%get3A_523, %get3A_524, %get3A_525] {strides = array<i32>} : memref<2x80x64xf32, #tpu.memory_space<vmem>>, vector<1x1x16xf32>,
      %get3A_527 = vector.shape_cast %get3A_526 : vector<1x1x16xf32> to vector<16xf32>
      %add3A_528 = arith.addf %add3A_520, %get3A_527 : vector<16xf32>
      %get3A_529 = arith.constant 0 : i32
      %get3A_530 = arith.constant 18 : i32
      %get3A_531 = arith.index_cast %get3A_529 : i32 to index
      %get3A_532 = arith.index_cast %get3A_530 : i32 to index
      %get3A_533 = arith.constant 32 : index
      %get3A_534 = tpu.vector_load %arg6[%get3A_531, %get3A_532, %get3A_533] {strides = array<i32>} : memref<2x80x64xf32, #tpu.memory_space<vmem>>, vector<1x1x16xf32>,
      %get3A_535 = vector.shape_cast %get3A_534 : vector<1x1x16xf32> to vector<16xf32>
      %add3A_536 = arith.addf %add3A_528, %get3A_535 : vector<16xf32>
      %get3A_537 = arith.constant 0 : i32
      %get3A_538 = arith.constant 19 : i32
      %get3A_539 = arith.index_cast %get3A_537 : i32 to index
      %get3A_540 = arith.index_cast %get3A_538 : i32 to index
      %get3A_541 = arith.constant 32 : index
      %get3A_542 = tpu.vector_load %arg6[%get3A_539, %get3A_540, %get3A_541] {strides = array<i32>} : memref<2x80x64xf32, #tpu.memory_space<vmem>>, vector<1x1x16xf32>,
      %get3A_543 = vector.shape_cast %get3A_542 : vector<1x1x16xf32> to vector<16xf32>
      %add3A_544 = arith.addf %add3A_536, %get3A_543 : vector<16xf32>
      %mul3A_545 = arith.constant 5.000000e-02 : f32
      %mul3A_546 = vector.broadcast %mul3A_545 : f32 to vector<16xf32>
      %mul3A_547 = arith.mulf %add3A_544, %mul3A_546 : vector<16xf32>
      %mul3A_548 = arith.constant 4 : i32
      %mul3A_549 = arith.muli %add3A_35, %mul3A_548 : i32
      %add3A_550 = arith.constant 0 : i32
      %add3A_551 = arith.addi %mul3A_549, %add3A_550 : i32
      %swap3A_552 = arith.index_cast %add3A_551 : i32 to index
      %swap3A_553 = arith.constant 32 : index
      %swap3A_554 = tpu.vector_load %arg7[%swap3A_552, %swap3A_553] {strides = array<i32>} : memref<128x64xf32, #tpu.memory_space<vmem>>, vector<1x16xf32>,
      %swap3A_555 = vector.shape_cast %swap3A_554 : vector<1x16xf32> to vector<16xf32>
      %swap3A_556 = vector.shape_cast %mul3A_547 : vector<16xf32> to vector<1x16xf32>
      tpu.vector_store %arg7[%swap3A_552, %swap3A_553], %swap3A_556 {strides = array<i32>} : memref<128x64xf32, #tpu.memory_space<vmem>>, vector<1x16xf32>,
      %get3A_557 = arith.constant 0 : i32
      %get3A_558 = arith.constant 0 : i32
      %get3A_559 = arith.index_cast %get3A_557 : i32 to index
      %get3A_560 = arith.index_cast %get3A_558 : i32 to index
      %get3A_561 = arith.constant 48 : index
      %get3A_562 = tpu.vector_load %arg6[%get3A_559, %get3A_560, %get3A_561] {strides = array<i32>} : memref<2x80x64xf32, #tpu.memory_space<vmem>>, vector<1x1x16xf32>,
      %get3A_563 = vector.shape_cast %get3A_562 : vector<1x1x16xf32> to vector<16xf32>
      %get3A_564 = arith.constant 0 : i32
      %get3A_565 = arith.constant 1 : i32
      %get3A_566 = arith.index_cast %get3A_564 : i32 to index
      %get3A_567 = arith.index_cast %get3A_565 : i32 to index
      %get3A_568 = arith.constant 48 : index
      %get3A_569 = tpu.vector_load %arg6[%get3A_566, %get3A_567, %get3A_568] {strides = array<i32>} : memref<2x80x64xf32, #tpu.memory_space<vmem>>, vector<1x1x16xf32>,
      %get3A_570 = vector.shape_cast %get3A_569 : vector<1x1x16xf32> to vector<16xf32>
      %add3A_571 = arith.addf %get3A_563, %get3A_570 : vector<16xf32>
      %get3A_572 = arith.constant 0 : i32
      %get3A_573 = arith.constant 2 : i32
      %get3A_574 = arith.index_cast %get3A_572 : i32 to index
      %get3A_575 = arith.index_cast %get3A_573 : i32 to index
      %get3A_576 = arith.constant 48 : index
      %get3A_577 = tpu.vector_load %arg6[%get3A_574, %get3A_575, %get3A_576] {strides = array<i32>} : memref<2x80x64xf32, #tpu.memory_space<vmem>>, vector<1x1x16xf32>,
      %get3A_578 = vector.shape_cast %get3A_577 : vector<1x1x16xf32> to vector<16xf32>
      %add3A_579 = arith.addf %add3A_571, %get3A_578 : vector<16xf32>
      %get3A_580 = arith.constant 0 : i32
      %get3A_581 = arith.constant 3 : i32
      %get3A_582 = arith.index_cast %get3A_580 : i32 to index
      %get3A_583 = arith.index_cast %get3A_581 : i32 to index
      %get3A_584 = arith.constant 48 : index
      %get3A_585 = tpu.vector_load %arg6[%get3A_582, %get3A_583, %get3A_584] {strides = array<i32>} : memref<2x80x64xf32, #tpu.memory_space<vmem>>, vector<1x1x16xf32>,
      %get3A_586 = vector.shape_cast %get3A_585 : vector<1x1x16xf32> to vector<16xf32>
      %add3A_587 = arith.addf %add3A_579, %get3A_586 : vector<16xf32>
      %get3A_588 = arith.constant 0 : i32
      %get3A_589 = arith.constant 4 : i32
      %get3A_590 = arith.index_cast %get3A_588 : i32 to index
      %get3A_591 = arith.index_cast %get3A_589 : i32 to index
      %get3A_592 = arith.constant 48 : index
      %get3A_593 = tpu.vector_load %arg6[%get3A_590, %get3A_591, %get3A_592] {strides = array<i32>} : memref<2x80x64xf32, #tpu.memory_space<vmem>>, vector<1x1x16xf32>,
      %get3A_594 = vector.shape_cast %get3A_593 : vector<1x1x16xf32> to vector<16xf32>
      %add3A_595 = arith.addf %add3A_587, %get3A_594 : vector<16xf32>
      %get3A_596 = arith.constant 0 : i32
      %get3A_597 = arith.constant 5 : i32
      %get3A_598 = arith.index_cast %get3A_596 : i32 to index
      %get3A_599 = arith.index_cast %get3A_597 : i32 to index
      %get3A_600 = arith.constant 48 : index
      %get3A_601 = tpu.vector_load %arg6[%get3A_598, %get3A_599, %get3A_600] {strides = array<i32>} : memref<2x80x64xf32, #tpu.memory_space<vmem>>, vector<1x1x16xf32>,
      %get3A_602 = vector.shape_cast %get3A_601 : vector<1x1x16xf32> to vector<16xf32>
      %add3A_603 = arith.addf %add3A_595, %get3A_602 : vector<16xf32>
      %get3A_604 = arith.constant 0 : i32
      %get3A_605 = arith.constant 6 : i32
      %get3A_606 = arith.index_cast %get3A_604 : i32 to index
      %get3A_607 = arith.index_cast %get3A_605 : i32 to index
      %get3A_608 = arith.constant 48 : index
      %get3A_609 = tpu.vector_load %arg6[%get3A_606, %get3A_607, %get3A_608] {strides = array<i32>} : memref<2x80x64xf32, #tpu.memory_space<vmem>>, vector<1x1x16xf32>,
      %get3A_610 = vector.shape_cast %get3A_609 : vector<1x1x16xf32> to vector<16xf32>
      %add3A_611 = arith.addf %add3A_603, %get3A_610 : vector<16xf32>
      %get3A_612 = arith.constant 0 : i32
      %get3A_613 = arith.constant 7 : i32
      %get3A_614 = arith.index_cast %get3A_612 : i32 to index
      %get3A_615 = arith.index_cast %get3A_613 : i32 to index
      %get3A_616 = arith.constant 48 : index
      %get3A_617 = tpu.vector_load %arg6[%get3A_614, %get3A_615, %get3A_616] {strides = array<i32>} : memref<2x80x64xf32, #tpu.memory_space<vmem>>, vector<1x1x16xf32>,
      %get3A_618 = vector.shape_cast %get3A_617 : vector<1x1x16xf32> to vector<16xf32>
      %add3A_619 = arith.addf %add3A_611, %get3A_618 : vector<16xf32>
      %get3A_620 = arith.constant 0 : i32
      %get3A_621 = arith.constant 8 : i32
      %get3A_622 = arith.index_cast %get3A_620 : i32 to index
      %get3A_623 = arith.index_cast %get3A_621 : i32 to index
      %get3A_624 = arith.constant 48 : index
      %get3A_625 = tpu.vector_load %arg6[%get3A_622, %get3A_623, %get3A_624] {strides = array<i32>} : memref<2x80x64xf32, #tpu.memory_space<vmem>>, vector<1x1x16xf32>,
      %get3A_626 = vector.shape_cast %get3A_625 : vector<1x1x16xf32> to vector<16xf32>
      %add3A_627 = arith.addf %add3A_619, %get3A_626 : vector<16xf32>
      %get3A_628 = arith.constant 0 : i32
      %get3A_629 = arith.constant 9 : i32
      %get3A_630 = arith.index_cast %get3A_628 : i32 to index
      %get3A_631 = arith.index_cast %get3A_629 : i32 to index
      %get3A_632 = arith.constant 48 : index
      %get3A_633 = tpu.vector_load %arg6[%get3A_630, %get3A_631, %get3A_632] {strides = array<i32>} : memref<2x80x64xf32, #tpu.memory_space<vmem>>, vector<1x1x16xf32>,
      %get3A_634 = vector.shape_cast %get3A_633 : vector<1x1x16xf32> to vector<16xf32>
      %add3A_635 = arith.addf %add3A_627, %get3A_634 : vector<16xf32>
      %get3A_636 = arith.constant 0 : i32
      %get3A_637 = arith.constant 10 : i32
      %get3A_638 = arith.index_cast %get3A_636 : i32 to index
      %get3A_639 = arith.index_cast %get3A_637 : i32 to index
      %get3A_640 = arith.constant 48 : index
      %get3A_641 = tpu.vector_load %arg6[%get3A_638, %get3A_639, %get3A_640] {strides = array<i32>} : memref<2x80x64xf32, #tpu.memory_space<vmem>>, vector<1x1x16xf32>,
      %get3A_642 = vector.shape_cast %get3A_641 : vector<1x1x16xf32> to vector<16xf32>
      %add3A_643 = arith.addf %add3A_635, %get3A_642 : vector<16xf32>
      %get3A_644 = arith.constant 0 : i32
      %get3A_645 = arith.constant 11 : i32
      %get3A_646 = arith.index_cast %get3A_644 : i32 to index
      %get3A_647 = arith.index_cast %get3A_645 : i32 to index
      %get3A_648 = arith.constant 48 : index
      %get3A_649 = tpu.vector_load %arg6[%get3A_646, %get3A_647, %get3A_648] {strides = array<i32>} : memref<2x80x64xf32, #tpu.memory_space<vmem>>, vector<1x1x16xf32>,
      %get3A_650 = vector.shape_cast %get3A_649 : vector<1x1x16xf32> to vector<16xf32>
      %add3A_651 = arith.addf %add3A_643, %get3A_650 : vector<16xf32>
      %get3A_652 = arith.constant 0 : i32
      %get3A_653 = arith.constant 12 : i32
      %get3A_654 = arith.index_cast %get3A_652 : i32 to index
      %get3A_655 = arith.index_cast %get3A_653 : i32 to index
      %get3A_656 = arith.constant 48 : index
      %get3A_657 = tpu.vector_load %arg6[%get3A_654, %get3A_655, %get3A_656] {strides = array<i32>} : memref<2x80x64xf32, #tpu.memory_space<vmem>>, vector<1x1x16xf32>,
      %get3A_658 = vector.shape_cast %get3A_657 : vector<1x1x16xf32> to vector<16xf32>
      %add3A_659 = arith.addf %add3A_651, %get3A_658 : vector<16xf32>
      %get3A_660 = arith.constant 0 : i32
      %get3A_661 = arith.constant 13 : i32
      %get3A_662 = arith.index_cast %get3A_660 : i32 to index
      %get3A_663 = arith.index_cast %get3A_661 : i32 to index
      %get3A_664 = arith.constant 48 : index
      %get3A_665 = tpu.vector_load %arg6[%get3A_662, %get3A_663, %get3A_664] {strides = array<i32>} : memref<2x80x64xf32, #tpu.memory_space<vmem>>, vector<1x1x16xf32>,
      %get3A_666 = vector.shape_cast %get3A_665 : vector<1x1x16xf32> to vector<16xf32>
      %add3A_667 = arith.addf %add3A_659, %get3A_666 : vector<16xf32>
      %get3A_668 = arith.constant 0 : i32
      %get3A_669 = arith.constant 14 : i32
      %get3A_670 = arith.index_cast %get3A_668 : i32 to index
      %get3A_671 = arith.index_cast %get3A_669 : i32 to index
      %get3A_672 = arith.constant 48 : index
      %get3A_673 = tpu.vector_load %arg6[%get3A_670, %get3A_671, %get3A_672] {strides = array<i32>} : memref<2x80x64xf32, #tpu.memory_space<vmem>>, vector<1x1x16xf32>,
      %get3A_674 = vector.shape_cast %get3A_673 : vector<1x1x16xf32> to vector<16xf32>
      %add3A_675 = arith.addf %add3A_667, %get3A_674 : vector<16xf32>
      %get3A_676 = arith.constant 0 : i32
      %get3A_677 = arith.constant 15 : i32
      %get3A_678 = arith.index_cast %get3A_676 : i32 to index
      %get3A_679 = arith.index_cast %get3A_677 : i32 to index
      %get3A_680 = arith.constant 48 : index
      %get3A_681 = tpu.vector_load %arg6[%get3A_678, %get3A_679, %get3A_680] {strides = array<i32>} : memref<2x80x64xf32, #tpu.memory_space<vmem>>, vector<1x1x16xf32>,
      %get3A_682 = vector.shape_cast %get3A_681 : vector<1x1x16xf32> to vector<16xf32>
      %add3A_683 = arith.addf %add3A_675, %get3A_682 : vector<16xf32>
      %get3A_684 = arith.constant 0 : i32
      %get3A_685 = arith.constant 16 : i32
      %get3A_686 = arith.index_cast %get3A_684 : i32 to index
      %get3A_687 = arith.index_cast %get3A_685 : i32 to index
      %get3A_688 = arith.constant 48 : index
      %get3A_689 = tpu.vector_load %arg6[%get3A_686, %get3A_687, %get3A_688] {strides = array<i32>} : memref<2x80x64xf32, #tpu.memory_space<vmem>>, vector<1x1x16xf32>,
      %get3A_690 = vector.shape_cast %get3A_689 : vector<1x1x16xf32> to vector<16xf32>
      %add3A_691 = arith.addf %add3A_683, %get3A_690 : vector<16xf32>
      %get3A_692 = arith.constant 0 : i32
      %get3A_693 = arith.constant 17 : i32
      %get3A_694 = arith.index_cast %get3A_692 : i32 to index
      %get3A_695 = arith.index_cast %get3A_693 : i32 to index
      %get3A_696 = arith.constant 48 : index
      %get3A_697 = tpu.vector_load %arg6[%get3A_694, %get3A_695, %get3A_696] {strides = array<i32>} : memref<2x80x64xf32, #tpu.memory_space<vmem>>, vector<1x1x16xf32>,
      %get3A_698 = vector.shape_cast %get3A_697 : vector<1x1x16xf32> to vector<16xf32>
      %add3A_699 = arith.addf %add3A_691, %get3A_698 : vector<16xf32>
      %get3A_700 = arith.constant 0 : i32
      %get3A_701 = arith.constant 18 : i32
      %get3A_702 = arith.index_cast %get3A_700 : i32 to index
      %get3A_703 = arith.index_cast %get3A_701 : i32 to index
      %get3A_704 = arith.constant 48 : index
      %get3A_705 = tpu.vector_load %arg6[%get3A_702, %get3A_703, %get3A_704] {strides = array<i32>} : memref<2x80x64xf32, #tpu.memory_space<vmem>>, vector<1x1x16xf32>,
      %get3A_706 = vector.shape_cast %get3A_705 : vector<1x1x16xf32> to vector<16xf32>
      %add3A_707 = arith.addf %add3A_699, %get3A_706 : vector<16xf32>
      %get3A_708 = arith.constant 0 : i32
      %get3A_709 = arith.constant 19 : i32
      %get3A_710 = arith.index_cast %get3A_708 : i32 to index
      %get3A_711 = arith.index_cast %get3A_709 : i32 to index
      %get3A_712 = arith.constant 48 : index
      %get3A_713 = tpu.vector_load %arg6[%get3A_710, %get3A_711, %get3A_712] {strides = array<i32>} : memref<2x80x64xf32, #tpu.memory_space<vmem>>, vector<1x1x16xf32>,
      %get3A_714 = vector.shape_cast %get3A_713 : vector<1x1x16xf32> to vector<16xf32>
      %add3A_715 = arith.addf %add3A_707, %get3A_714 : vector<16xf32>
      %mul3A_716 = arith.constant 5.000000e-02 : f32
      %mul3A_717 = vector.broadcast %mul3A_716 : f32 to vector<16xf32>
      %mul3A_718 = arith.mulf %add3A_715, %mul3A_717 : vector<16xf32>
      %mul3A_719 = arith.constant 4 : i32
      %mul3A_720 = arith.muli %add3A_35, %mul3A_719 : i32
      %add3A_721 = arith.constant 0 : i32
      %add3A_722 = arith.addi %mul3A_720, %add3A_721 : i32
      %swap3A_723 = arith.index_cast %add3A_722 : i32 to index
      %swap3A_724 = arith.constant 48 : index
      %swap3A_725 = tpu.vector_load %arg7[%swap3A_723, %swap3A_724] {strides = array<i32>} : memref<128x64xf32, #tpu.memory_space<vmem>>, vector<1x16xf32>,
      %swap3A_726 = vector.shape_cast %swap3A_725 : vector<1x16xf32> to vector<16xf32>
      %swap3A_727 = vector.shape_cast %mul3A_718 : vector<16xf32> to vector<1x16xf32>
      tpu.vector_store %arg7[%swap3A_723, %swap3A_724], %swap3A_727 {strides = array<i32>} : memref<128x64xf32, #tpu.memory_space<vmem>>, vector<1x16xf32>,
      %get3A_728 = arith.constant 0 : i32
      %get3A_729 = arith.constant 20 : i32
      %get3A_730 = arith.index_cast %get3A_728 : i32 to index
      %get3A_731 = arith.index_cast %get3A_729 : i32 to index
      %get3A_732 = arith.constant 0 : index
      %get3A_733 = tpu.vector_load %arg6[%get3A_730, %get3A_731, %get3A_732] {strides = array<i32>} : memref<2x80x64xf32, #tpu.memory_space<vmem>>, vector<1x1x16xf32>,
      %get3A_734 = vector.shape_cast %get3A_733 : vector<1x1x16xf32> to vector<16xf32>
      %get3A_735 = arith.constant 0 : i32
      %get3A_736 = arith.constant 21 : i32
      %get3A_737 = arith.index_cast %get3A_735 : i32 to index
      %get3A_738 = arith.index_cast %get3A_736 : i32 to index
      %get3A_739 = arith.constant 0 : index
      %get3A_740 = tpu.vector_load %arg6[%get3A_737, %get3A_738, %get3A_739] {strides = array<i32>} : memref<2x80x64xf32, #tpu.memory_space<vmem>>, vector<1x1x16xf32>,
      %get3A_741 = vector.shape_cast %get3A_740 : vector<1x1x16xf32> to vector<16xf32>
      %add3A_742 = arith.addf %get3A_734, %get3A_741 : vector<16xf32>
      %get3A_743 = arith.constant 0 : i32
      %get3A_744 = arith.constant 22 : i32
      %get3A_745 = arith.index_cast %get3A_743 : i32 to index
      %get3A_746 = arith.index_cast %get3A_744 : i32 to index
      %get3A_747 = arith.constant 0 : index
      %get3A_748 = tpu.vector_load %arg6[%get3A_745, %get3A_746, %get3A_747] {strides = array<i32>} : memref<2x80x64xf32, #tpu.memory_space<vmem>>, vector<1x1x16xf32>,
      %get3A_749 = vector.shape_cast %get3A_748 : vector<1x1x16xf32> to vector<16xf32>
      %add3A_750 = arith.addf %add3A_742, %get3A_749 : vector<16xf32>
      %get3A_751 = arith.constant 0 : i32
      %get3A_752 = arith.constant 23 : i32
      %get3A_753 = arith.index_cast %get3A_751 : i32 to index
      %get3A_754 = arith.index_cast %get3A_752 : i32 to index
      %get3A_755 = arith.constant 0 : index
      %get3A_756 = tpu.vector_load %arg6[%get3A_753, %get3A_754, %get3A_755] {strides = array<i32>} : memref<2x80x64xf32, #tpu.memory_space<vmem>>, vector<1x1x16xf32>,
      %get3A_757 = vector.shape_cast %get3A_756 : vector<1x1x16xf32> to vector<16xf32>
      %add3A_758 = arith.addf %add3A_750, %get3A_757 : vector<16xf32>
      %get3A_759 = arith.constant 0 : i32
      %get3A_760 = arith.constant 24 : i32
      %get3A_761 = arith.index_cast %get3A_759 : i32 to index
      %get3A_762 = arith.index_cast %get3A_760 : i32 to index
      %get3A_763 = arith.constant 0 : index
      %get3A_764 = tpu.vector_load %arg6[%get3A_761, %get3A_762, %get3A_763] {strides = array<i32>} : memref<2x80x64xf32, #tpu.memory_space<vmem>>, vector<1x1x16xf32>,
      %get3A_765 = vector.shape_cast %get3A_764 : vector<1x1x16xf32> to vector<16xf32>
      %add3A_766 = arith.addf %add3A_758, %get3A_765 : vector<16xf32>
      %get3A_767 = arith.constant 0 : i32
      %get3A_768 = arith.constant 25 : i32
      %get3A_769 = arith.index_cast %get3A_767 : i32 to index
      %get3A_770 = arith.index_cast %get3A_768 : i32 to index
      %get3A_771 = arith.constant 0 : index
      %get3A_772 = tpu.vector_load %arg6[%get3A_769, %get3A_770, %get3A_771] {strides = array<i32>} : memref<2x80x64xf32, #tpu.memory_space<vmem>>, vector<1x1x16xf32>,
      %get3A_773 = vector.shape_cast %get3A_772 : vector<1x1x16xf32> to vector<16xf32>
      %add3A_774 = arith.addf %add3A_766, %get3A_773 : vector<16xf32>
      %get3A_775 = arith.constant 0 : i32
      %get3A_776 = arith.constant 26 : i32
      %get3A_777 = arith.index_cast %get3A_775 : i32 to index
      %get3A_778 = arith.index_cast %get3A_776 : i32 to index
      %get3A_779 = arith.constant 0 : index
      %get3A_780 = tpu.vector_load %arg6[%get3A_777, %get3A_778, %get3A_779] {strides = array<i32>} : memref<2x80x64xf32, #tpu.memory_space<vmem>>, vector<1x1x16xf32>,
      %get3A_781 = vector.shape_cast %get3A_780 : vector<1x1x16xf32> to vector<16xf32>
      %add3A_782 = arith.addf %add3A_774, %get3A_781 : vector<16xf32>
      %get3A_783 = arith.constant 0 : i32
      %get3A_784 = arith.constant 27 : i32
      %get3A_785 = arith.index_cast %get3A_783 : i32 to index
      %get3A_786 = arith.index_cast %get3A_784 : i32 to index
      %get3A_787 = arith.constant 0 : index
      %get3A_788 = tpu.vector_load %arg6[%get3A_785, %get3A_786, %get3A_787] {strides = array<i32>} : memref<2x80x64xf32, #tpu.memory_space<vmem>>, vector<1x1x16xf32>,
      %get3A_789 = vector.shape_cast %get3A_788 : vector<1x1x16xf32> to vector<16xf32>
      %add3A_790 = arith.addf %add3A_782, %get3A_789 : vector<16xf32>
      %get3A_791 = arith.constant 0 : i32
      %get3A_792 = arith.constant 28 : i32
      %get3A_793 = arith.index_cast %get3A_791 : i32 to index
      %get3A_794 = arith.index_cast %get3A_792 : i32 to index
      %get3A_795 = arith.constant 0 : index
      %get3A_796 = tpu.vector_load %arg6[%get3A_793, %get3A_794, %get3A_795] {strides = array<i32>} : memref<2x80x64xf32, #tpu.memory_space<vmem>>, vector<1x1x16xf32>,
      %get3A_797 = vector.shape_cast %get3A_796 : vector<1x1x16xf32> to vector<16xf32>
      %add3A_798 = arith.addf %add3A_790, %get3A_797 : vector<16xf32>
      %get3A_799 = arith.constant 0 : i32
      %get3A_800 = arith.constant 29 : i32
      %get3A_801 = arith.index_cast %get3A_799 : i32 to index
      %get3A_802 = arith.index_cast %get3A_800 : i32 to index
      %get3A_803 = arith.constant 0 : index
      %get3A_804 = tpu.vector_load %arg6[%get3A_801, %get3A_802, %get3A_803] {strides = array<i32>} : memref<2x80x64xf32, #tpu.memory_space<vmem>>, vector<1x1x16xf32>,
      %get3A_805 = vector.shape_cast %get3A_804 : vector<1x1x16xf32> to vector<16xf32>
      %add3A_806 = arith.addf %add3A_798, %get3A_805 : vector<16xf32>
      %get3A_807 = arith.constant 0 : i32
      %get3A_808 = arith.constant 30 : i32
      %get3A_809 = arith.index_cast %get3A_807 : i32 to index
      %get3A_810 = arith.index_cast %get3A_808 : i32 to index
      %get3A_811 = arith.constant 0 : index
      %get3A_812 = tpu.vector_load %arg6[%get3A_809, %get3A_810, %get3A_811] {strides = array<i32>} : memref<2x80x64xf32, #tpu.memory_space<vmem>>, vector<1x1x16xf32>,
      %get3A_813 = vector.shape_cast %get3A_812 : vector<1x1x16xf32> to vector<16xf32>
      %add3A_814 = arith.addf %add3A_806, %get3A_813 : vector<16xf32>
      %get3A_815 = arith.constant 0 : i32
      %get3A_816 = arith.constant 31 : i32
      %get3A_817 = arith.index_cast %get3A_815 : i32 to index
      %get3A_818 = arith.index_cast %get3A_816 : i32 to index
      %get3A_819 = arith.constant 0 : index
      %get3A_820 = tpu.vector_load %arg6[%get3A_817, %get3A_818, %get3A_819] {strides = array<i32>} : memref<2x80x64xf32, #tpu.memory_space<vmem>>, vector<1x1x16xf32>,
      %get3A_821 = vector.shape_cast %get3A_820 : vector<1x1x16xf32> to vector<16xf32>
      %add3A_822 = arith.addf %add3A_814, %get3A_821 : vector<16xf32>
      %get3A_823 = arith.constant 0 : i32
      %get3A_824 = arith.constant 32 : i32
      %get3A_825 = arith.index_cast %get3A_823 : i32 to index
      %get3A_826 = arith.index_cast %get3A_824 : i32 to index
      %get3A_827 = arith.constant 0 : index
      %get3A_828 = tpu.vector_load %arg6[%get3A_825, %get3A_826, %get3A_827] {strides = array<i32>} : memref<2x80x64xf32, #tpu.memory_space<vmem>>, vector<1x1x16xf32>,
      %get3A_829 = vector.shape_cast %get3A_828 : vector<1x1x16xf32> to vector<16xf32>
      %add3A_830 = arith.addf %add3A_822, %get3A_829 : vector<16xf32>
      %get3A_831 = arith.constant 0 : i32
      %get3A_832 = arith.constant 33 : i32
      %get3A_833 = arith.index_cast %get3A_831 : i32 to index
      %get3A_834 = arith.index_cast %get3A_832 : i32 to index
      %get3A_835 = arith.constant 0 : index
      %get3A_836 = tpu.vector_load %arg6[%get3A_833, %get3A_834, %get3A_835] {strides = array<i32>} : memref<2x80x64xf32, #tpu.memory_space<vmem>>, vector<1x1x16xf32>,
      %get3A_837 = vector.shape_cast %get3A_836 : vector<1x1x16xf32> to vector<16xf32>
      %add3A_838 = arith.addf %add3A_830, %get3A_837 : vector<16xf32>
      %get3A_839 = arith.constant 0 : i32
      %get3A_840 = arith.constant 34 : i32
      %get3A_841 = arith.index_cast %get3A_839 : i32 to index
      %get3A_842 = arith.index_cast %get3A_840 : i32 to index
      %get3A_843 = arith.constant 0 : index
      %get3A_844 = tpu.vector_load %arg6[%get3A_841, %get3A_842, %get3A_843] {strides = array<i32>} : memref<2x80x64xf32, #tpu.memory_space<vmem>>, vector<1x1x16xf32>,
      %get3A_845 = vector.shape_cast %get3A_844 : vector<1x1x16xf32> to vector<16xf32>
      %add3A_846 = arith.addf %add3A_838, %get3A_845 : vector<16xf32>
      %get3A_847 = arith.constant 0 : i32
      %get3A_848 = arith.constant 35 : i32
      %get3A_849 = arith.index_cast %get3A_847 : i32 to index
      %get3A_850 = arith.index_cast %get3A_848 : i32 to index
      %get3A_851 = arith.constant 0 : index
      %get3A_852 = tpu.vector_load %arg6[%get3A_849, %get3A_850, %get3A_851] {strides = array<i32>} : memref<2x80x64xf32, #tpu.memory_space<vmem>>, vector<1x1x16xf32>,
      %get3A_853 = vector.shape_cast %get3A_852 : vector<1x1x16xf32> to vector<16xf32>
      %add3A_854 = arith.addf %add3A_846, %get3A_853 : vector<16xf32>
      %get3A_855 = arith.constant 0 : i32
      %get3A_856 = arith.constant 36 : i32
      %get3A_857 = arith.index_cast %get3A_855 : i32 to index
      %get3A_858 = arith.index_cast %get3A_856 : i32 to index
      %get3A_859 = arith.constant 0 : index
      %get3A_860 = tpu.vector_load %arg6[%get3A_857, %get3A_858, %get3A_859] {strides = array<i32>} : memref<2x80x64xf32, #tpu.memory_space<vmem>>, vector<1x1x16xf32>,
      %get3A_861 = vector.shape_cast %get3A_860 : vector<1x1x16xf32> to vector<16xf32>
      %add3A_862 = arith.addf %add3A_854, %get3A_861 : vector<16xf32>
      %get3A_863 = arith.constant 0 : i32
      %get3A_864 = arith.constant 37 : i32
      %get3A_865 = arith.index_cast %get3A_863 : i32 to index
      %get3A_866 = arith.index_cast %get3A_864 : i32 to index
      %get3A_867 = arith.constant 0 : index
      %get3A_868 = tpu.vector_load %arg6[%get3A_865, %get3A_866, %get3A_867] {strides = array<i32>} : memref<2x80x64xf32, #tpu.memory_space<vmem>>, vector<1x1x16xf32>,
      %get3A_869 = vector.shape_cast %get3A_868 : vector<1x1x16xf32> to vector<16xf32>
      %add3A_870 = arith.addf %add3A_862, %get3A_869 : vector<16xf32>
      %get3A_871 = arith.constant 0 : i32
      %get3A_872 = arith.constant 38 : i32
      %get3A_873 = arith.index_cast %get3A_871 : i32 to index
      %get3A_874 = arith.index_cast %get3A_872 : i32 to index
      %get3A_875 = arith.constant 0 : index
      %get3A_876 = tpu.vector_load %arg6[%get3A_873, %get3A_874, %get3A_875] {strides = array<i32>} : memref<2x80x64xf32, #tpu.memory_space<vmem>>, vector<1x1x16xf32>,
      %get3A_877 = vector.shape_cast %get3A_876 : vector<1x1x16xf32> to vector<16xf32>
      %add3A_878 = arith.addf %add3A_870, %get3A_877 : vector<16xf32>
      %get3A_879 = arith.constant 0 : i32
      %get3A_880 = arith.constant 39 : i32
      %get3A_881 = arith.index_cast %get3A_879 : i32 to index
      %get3A_882 = arith.index_cast %get3A_880 : i32 to index
      %get3A_883 = arith.constant 0 : index
      %get3A_884 = tpu.vector_load %arg6[%get3A_881, %get3A_882, %get3A_883] {strides = array<i32>} : memref<2x80x64xf32, #tpu.memory_space<vmem>>, vector<1x1x16xf32>,
      %get3A_885 = vector.shape_cast %get3A_884 : vector<1x1x16xf32> to vector<16xf32>
      %add3A_886 = arith.addf %add3A_878, %get3A_885 : vector<16xf32>
      %mul3A_887 = arith.constant 5.000000e-02 : f32
      %mul3A_888 = vector.broadcast %mul3A_887 : f32 to vector<16xf32>
      %mul3A_889 = arith.mulf %add3A_886, %mul3A_888 : vector<16xf32>
      %mul3A_890 = arith.constant 4 : i32
      %mul3A_891 = arith.muli %add3A_35, %mul3A_890 : i32
      %add3A_892 = arith.constant 1 : i32
      %add3A_893 = arith.addi %mul3A_891, %add3A_892 : i32
      %swap3A_894 = arith.index_cast %add3A_893 : i32 to index
      %swap3A_895 = arith.constant 0 : index
      %swap3A_896 = tpu.vector_load %arg7[%swap3A_894, %swap3A_895] {strides = array<i32>} : memref<128x64xf32, #tpu.memory_space<vmem>>, vector<1x16xf32>,
      %swap3A_897 = vector.shape_cast %swap3A_896 : vector<1x16xf32> to vector<16xf32>
      %swap3A_898 = vector.shape_cast %mul3A_889 : vector<16xf32> to vector<1x16xf32>
      tpu.vector_store %arg7[%swap3A_894, %swap3A_895], %swap3A_898 {strides = array<i32>} : memref<128x64xf32, #tpu.memory_space<vmem>>, vector<1x16xf32>,
      %get3A_899 = arith.constant 0 : i32
      %get3A_900 = arith.constant 20 : i32
      %get3A_901 = arith.index_cast %get3A_899 : i32 to index
      %get3A_902 = arith.index_cast %get3A_900 : i32 to index
      %get3A_903 = arith.constant 16 : index
      %get3A_904 = tpu.vector_load %arg6[%get3A_901, %get3A_902, %get3A_903] {strides = array<i32>} : memref<2x80x64xf32, #tpu.memory_space<vmem>>, vector<1x1x16xf32>,
      %get3A_905 = vector.shape_cast %get3A_904 : vector<1x1x16xf32> to vector<16xf32>
      %get3A_906 = arith.constant 0 : i32
      %get3A_907 = arith.constant 21 : i32
      %get3A_908 = arith.index_cast %get3A_906 : i32 to index
      %get3A_909 = arith.index_cast %get3A_907 : i32 to index
      %get3A_910 = arith.constant 16 : index
      %get3A_911 = tpu.vector_load %arg6[%get3A_908, %get3A_909, %get3A_910] {strides = array<i32>} : memref<2x80x64xf32, #tpu.memory_space<vmem>>, vector<1x1x16xf32>,
      %get3A_912 = vector.shape_cast %get3A_911 : vector<1x1x16xf32> to vector<16xf32>
      %add3A_913 = arith.addf %get3A_905, %get3A_912 : vector<16xf32>
      %get3A_914 = arith.constant 0 : i32
      %get3A_915 = arith.constant 22 : i32
      %get3A_916 = arith.index_cast %get3A_914 : i32 to index
      %get3A_917 = arith.index_cast %get3A_915 : i32 to index
      %get3A_918 = arith.constant 16 : index
      %get3A_919 = tpu.vector_load %arg6[%get3A_916, %get3A_917, %get3A_918] {strides = array<i32>} : memref<2x80x64xf32, #tpu.memory_space<vmem>>, vector<1x1x16xf32>,
      %get3A_920 = vector.shape_cast %get3A_919 : vector<1x1x16xf32> to vector<16xf32>
      %add3A_921 = arith.addf %add3A_913, %get3A_920 : vector<16xf32>
      %get3A_922 = arith.constant 0 : i32
      %get3A_923 = arith.constant 23 : i32
      %get3A_924 = arith.index_cast %get3A_922 : i32 to index
      %get3A_925 = arith.index_cast %get3A_923 : i32 to index
      %get3A_926 = arith.constant 16 : index
      %get3A_927 = tpu.vector_load %arg6[%get3A_924, %get3A_925, %get3A_926] {strides = array<i32>} : memref<2x80x64xf32, #tpu.memory_space<vmem>>, vector<1x1x16xf32>,
      %get3A_928 = vector.shape_cast %get3A_927 : vector<1x1x16xf32> to vector<16xf32>
      %add3A_929 = arith.addf %add3A_921, %get3A_928 : vector<16xf32>
      %get3A_930 = arith.constant 0 : i32
      %get3A_931 = arith.constant 24 : i32
      %get3A_932 = arith.index_cast %get3A_930 : i32 to index
      %get3A_933 = arith.index_cast %get3A_931 : i32 to index
      %get3A_934 = arith.constant 16 : index
      %get3A_935 = tpu.vector_load %arg6[%get3A_932, %get3A_933, %get3A_934] {strides = array<i32>} : memref<2x80x64xf32, #tpu.memory_space<vmem>>, vector<1x1x16xf32>,
      %get3A_936 = vector.shape_cast %get3A_935 : vector<1x1x16xf32> to vector<16xf32>
      %add3A_937 = arith.addf %add3A_929, %get3A_936 : vector<16xf32>
      %get3A_938 = arith.constant 0 : i32
      %get3A_939 = arith.constant 25 : i32
      %get3A_940 = arith.index_cast %get3A_938 : i32 to index
      %get3A_941 = arith.index_cast %get3A_939 : i32 to index
      %get3A_942 = arith.constant 16 : index
      %get3A_943 = tpu.vector_load %arg6[%get3A_940, %get3A_941, %get3A_942] {strides = array<i32>} : memref<2x80x64xf32, #tpu.memory_space<vmem>>, vector<1x1x16xf32>,
      %get3A_944 = vector.shape_cast %get3A_943 : vector<1x1x16xf32> to vector<16xf32>
      %add3A_945 = arith.addf %add3A_937, %get3A_944 : vector<16xf32>
      %get3A_946 = arith.constant 0 : i32
      %get3A_947 = arith.constant 26 : i32
      %get3A_948 = arith.index_cast %get3A_946 : i32 to index
      %get3A_949 = arith.index_cast %get3A_947 : i32 to index
      %get3A_950 = arith.constant 16 : index
      %get3A_951 = tpu.vector_load %arg6[%get3A_948, %get3A_949, %get3A_950] {strides = array<i32>} : memref<2x80x64xf32, #tpu.memory_space<vmem>>, vector<1x1x16xf32>,
      %get3A_952 = vector.shape_cast %get3A_951 : vector<1x1x16xf32> to vector<16xf32>
      %add3A_953 = arith.addf %add3A_945, %get3A_952 : vector<16xf32>
      %get3A_954 = arith.constant 0 : i32
      %get3A_955 = arith.constant 27 : i32
      %get3A_956 = arith.index_cast %get3A_954 : i32 to index
      %get3A_957 = arith.index_cast %get3A_955 : i32 to index
      %get3A_958 = arith.constant 16 : index
      %get3A_959 = tpu.vector_load %arg6[%get3A_956, %get3A_957, %get3A_958] {strides = array<i32>} : memref<2x80x64xf32, #tpu.memory_space<vmem>>, vector<1x1x16xf32>,
      %get3A_960 = vector.shape_cast %get3A_959 : vector<1x1x16xf32> to vector<16xf32>
      %add3A_961 = arith.addf %add3A_953, %get3A_960 : vector<16xf32>
      %get3A_962 = arith.constant 0 : i32
      %get3A_963 = arith.constant 28 : i32
      %get3A_964 = arith.index_cast %get3A_962 : i32 to index
      %get3A_965 = arith.index_cast %get3A_963 : i32 to index
      %get3A_966 = arith.constant 16 : index
      %get3A_967 = tpu.vector_load %arg6[%get3A_964, %get3A_965, %get3A_966] {strides = array<i32>} : memref<2x80x64xf32, #tpu.memory_space<vmem>>, vector<1x1x16xf32>,
      %get3A_968 = vector.shape_cast %get3A_967 : vector<1x1x16xf32> to vector<16xf32>
      %add3A_969 = arith.addf %add3A_961, %get3A_968 : vector<16xf32>
      %get3A_970 = arith.constant 0 : i32
      %get3A_971 = arith.constant 29 : i32
      %get3A_972 = arith.index_cast %get3A_970 : i32 to index
      %get3A_973 = arith.index_cast %get3A_971 : i32 to index
      %get3A_974 = arith.constant 16 : index
      %get3A_975 = tpu.vector_load %arg6[%get3A_972, %get3A_973, %get3A_974] {strides = array<i32>} : memref<2x80x64xf32, #tpu.memory_space<vmem>>, vector<1x1x16xf32>,
      %get3A_976 = vector.shape_cast %get3A_975 : vector<1x1x16xf32> to vector<16xf32>
      %add3A_977 = arith.addf %add3A_969, %get3A_976 : vector<16xf32>
      %get3A_978 = arith.constant 0 : i32
      %get3A_979 = arith.constant 30 : i32
      %get3A_980 = arith.index_cast %get3A_978 : i32 to index
      %get3A_981 = arith.index_cast %get3A_979 : i32 to index
      %get3A_982 = arith.constant 16 : index
      %get3A_983 = tpu.vector_load %arg6[%get3A_980, %get3A_981, %get3A_982] {strides = array<i32>} : memref<2x80x64xf32, #tpu.memory_space<vmem>>, vector<1x1x16xf32>,
      %get3A_984 = vector.shape_cast %get3A_983 : vector<1x1x16xf32> to vector<16xf32>
      %add3A_985 = arith.addf %add3A_977, %get3A_984 : vector<16xf32>
      %get3A_986 = arith.constant 0 : i32
      %get3A_987 = arith.constant 31 : i32
      %get3A_988 = arith.index_cast %get3A_986 : i32 to index
      %get3A_989 = arith.index_cast %get3A_987 : i32 to index
      %get3A_990 = arith.constant 16 : index
      %get3A_991 = tpu.vector_load %arg6[%get3A_988, %get3A_989, %get3A_990] {strides = array<i32>} : memref<2x80x64xf32, #tpu.memory_space<vmem>>, vector<1x1x16xf32>,
      %get3A_992 = vector.shape_cast %get3A_991 : vector<1x1x16xf32> to vector<16xf32>
      %add3A_993 = arith.addf %add3A_985, %get3A_992 : vector<16xf32>
      %get3A_994 = arith.constant 0 : i32
      %get3A_995 = arith.constant 32 : i32
      %get3A_996 = arith.index_cast %get3A_994 : i32 to index
      %get3A_997 = arith.index_cast %get3A_995 : i32 to index
      %get3A_998 = arith.constant 16 : index
      %get3A_999 = tpu.vector_load %arg6[%get3A_996, %get3A_997, %get3A_998] {strides = array<i32>} : memref<2x80x64xf32, #tpu.memory_space<vmem>>, vector<1x1x16xf32>,
      %get3A_1000 = vector.shape_cast %get3A_999 : vector<1x1x16xf32> to vector<16xf32>
      %add3A_1001 = arith.addf %add3A_993, %get3A_1000 : vector<16xf32>
      %get3A_1002 = arith.constant 0 : i32
      %get3A_1003 = arith.constant 33 : i32
      %get3A_1004 = arith.index_cast %get3A_1002 : i32 to index
      %get3A_1005 = arith.index_cast %get3A_1003 : i32 to index
      %get3A_1006 = arith.constant 16 : index
      %get3A_1007 = tpu.vector_load %arg6[%get3A_1004, %get3A_1005, %get3A_1006] {strides = array<i32>} : memref<2x80x64xf32, #tpu.memory_space<vmem>>, vector<1x1x16xf32>,
      %get3A_1008 = vector.shape_cast %get3A_1007 : vector<1x1x16xf32> to vector<16xf32>
      %add3A_1009 = arith.addf %add3A_1001, %get3A_1008 : vector<16xf32>
      %get3A_1010 = arith.constant 0 : i32
      %get3A_1011 = arith.constant 34 : i32
      %get3A_1012 = arith.index_cast %get3A_1010 : i32 to index
      %get3A_1013 = arith.index_cast %get3A_1011 : i32 to index
      %get3A_1014 = arith.constant 16 : index
      %get3A_1015 = tpu.vector_load %arg6[%get3A_1012, %get3A_1013, %get3A_1014] {strides = array<i32>} : memref<2x80x64xf32, #tpu.memory_space<vmem>>, vector<1x1x16xf32>,
      %get3A_1016 = vector.shape_cast %get3A_1015 : vector<1x1x16xf32> to vector<16xf32>
      %add3A_1017 = arith.addf %add3A_1009, %get3A_1016 : vector<16xf32>
      %get3A_1018 = arith.constant 0 : i32
      %get3A_1019 = arith.constant 35 : i32
      %get3A_1020 = arith.index_cast %get3A_1018 : i32 to index
      %get3A_1021 = arith.index_cast %get3A_1019 : i32 to index
      %get3A_1022 = arith.constant 16 : index
      %get3A_1023 = tpu.vector_load %arg6[%get3A_1020, %get3A_1021, %get3A_1022] {strides = array<i32>} : memref<2x80x64xf32, #tpu.memory_space<vmem>>, vector<1x1x16xf32>,
      %get3A_1024 = vector.shape_cast %get3A_1023 : vector<1x1x16xf32> to vector<16xf32>
      %add3A_1025 = arith.addf %add3A_1017, %get3A_1024 : vector<16xf32>
      %get3A_1026 = arith.constant 0 : i32
      %get3A_1027 = arith.constant 36 : i32
      %get3A_1028 = arith.index_cast %get3A_1026 : i32 to index
      %get3A_1029 = arith.index_cast %get3A_1027 : i32 to index
      %get3A_1030 = arith.constant 16 : index
      %get3A_1031 = tpu.vector_load %arg6[%get3A_1028, %get3A_1029, %get3A_1030] {strides = array<i32>} : memref<2x80x64xf32, #tpu.memory_space<vmem>>, vector<1x1x16xf32>,
      %get3A_1032 = vector.shape_cast %get3A_1031 : vector<1x1x16xf32> to vector<16xf32>
      %add3A_1033 = arith.addf %add3A_1025, %get3A_1032 : vector<16xf32>
      %get3A_1034 = arith.constant 0 : i32
      %get3A_1035 = arith.constant 37 : i32
      %get3A_1036 = arith.index_cast %get3A_1034 : i32 to index
      %get3A_1037 = arith.index_cast %get3A_1035 : i32 to index
      %get3A_1038 = arith.constant 16 : index
      %get3A_1039 = tpu.vector_load %arg6[%get3A_1036, %get3A_1037, %get3A_1038] {strides = array<i32>} : memref<2x80x64xf32, #tpu.memory_space<vmem>>, vector<1x1x16xf32>,
      %get3A_1040 = vector.shape_cast %get3A_1039 : vector<1x1x16xf32> to vector<16xf32>
      %add3A_1041 = arith.addf %add3A_1033, %get3A_1040 : vector<16xf32>
      %get3A_1042 = arith.constant 0 : i32
      %get3A_1043 = arith.constant 38 : i32
      %get3A_1044 = arith.index_cast %get3A_1042 : i32 to index
      %get3A_1045 = arith.index_cast %get3A_1043 : i32 to index
      %get3A_1046 = arith.constant 16 : index
      %get3A_1047 = tpu.vector_load %arg6[%get3A_1044, %get3A_1045, %get3A_1046] {strides = array<i32>} : memref<2x80x64xf32, #tpu.memory_space<vmem>>, vector<1x1x16xf32>,
      %get3A_1048 = vector.shape_cast %get3A_1047 : vector<1x1x16xf32> to vector<16xf32>
      %add3A_1049 = arith.addf %add3A_1041, %get3A_1048 : vector<16xf32>
      %get3A_1050 = arith.constant 0 : i32
      %get3A_1051 = arith.constant 39 : i32
      %get3A_1052 = arith.index_cast %get3A_1050 : i32 to index
      %get3A_1053 = arith.index_cast %get3A_1051 : i32 to index
      %get3A_1054 = arith.constant 16 : index
      %get3A_1055 = tpu.vector_load %arg6[%get3A_1052, %get3A_1053, %get3A_1054] {strides = array<i32>} : memref<2x80x64xf32, #tpu.memory_space<vmem>>, vector<1x1x16xf32>,
      %get3A_1056 = vector.shape_cast %get3A_1055 : vector<1x1x16xf32> to vector<16xf32>
      %add3A_1057 = arith.addf %add3A_1049, %get3A_1056 : vector<16xf32>
      %mul3A_1058 = arith.constant 5.000000e-02 : f32
      %mul3A_1059 = vector.broadcast %mul3A_1058 : f32 to vector<16xf32>
      %mul3A_1060 = arith.mulf %add3A_1057, %mul3A_1059 : vector<16xf32>
      %mul3A_1061 = arith.constant 4 : i32
      %mul3A_1062 = arith.muli %add3A_35, %mul3A_1061 : i32
      %add3A_1063 = arith.constant 1 : i32
      %add3A_1064 = arith.addi %mul3A_1062, %add3A_1063 : i32
      %swap3A_1065 = arith.index_cast %add3A_1064 : i32 to index
      %swap3A_1066 = arith.constant 16 : index
      %swap3A_1067 = tpu.vector_load %arg7[%swap3A_1065, %swap3A_1066] {strides = array<i32>} : memref<128x64xf32, #tpu.memory_space<vmem>>, vector<1x16xf32>,
      %swap3A_1068 = vector.shape_cast %swap3A_1067 : vector<1x16xf32> to vector<16xf32>
      %swap3A_1069 = vector.shape_cast %mul3A_1060 : vector<16xf32> to vector<1x16xf32>
      tpu.vector_store %arg7[%swap3A_1065, %swap3A_1066], %swap3A_1069 {strides = array<i32>} : memref<128x64xf32, #tpu.memory_space<vmem>>, vector<1x16xf32>,
      %get3A_1070 = arith.constant 0 : i32
      %get3A_1071 = arith.constant 20 : i32
      %get3A_1072 = arith.index_cast %get3A_1070 : i32 to index
      %get3A_1073 = arith.index_cast %get3A_1071 : i32 to index
      %get3A_1074 = arith.constant 32 : index
      %get3A_1075 = tpu.vector_load %arg6[%get3A_1072, %get3A_1073, %get3A_1074] {strides = array<i32>} : memref<2x80x64xf32, #tpu.memory_space<vmem>>, vector<1x1x16xf32>,
      %get3A_1076 = vector.shape_cast %get3A_1075 : vector<1x1x16xf32> to vector<16xf32>
      %get3A_1077 = arith.constant 0 : i32
      %get3A_1078 = arith.constant 21 : i32
      %get3A_1079 = arith.index_cast %get3A_1077 : i32 to index
      %get3A_1080 = arith.index_cast %get3A_1078 : i32 to index
      %get3A_1081 = arith.constant 32 : index
      %get3A_1082 = tpu.vector_load %arg6[%get3A_1079, %get3A_1080, %get3A_1081] {strides = array<i32>} : memref<2x80x64xf32, #tpu.memory_space<vmem>>, vector<1x1x16xf32>,
      %get3A_1083 = vector.shape_cast %get3A_1082 : vector<1x1x16xf32> to vector<16xf32>
      %add3A_1084 = arith.addf %get3A_1076, %get3A_1083 : vector<16xf32>
      %get3A_1085 = arith.constant 0 : i32
      %get3A_1086 = arith.constant 22 : i32
      %get3A_1087 = arith.index_cast %get3A_1085 : i32 to index
      %get3A_1088 = arith.index_cast %get3A_1086 : i32 to index
      %get3A_1089 = arith.constant 32 : index
      %get3A_1090 = tpu.vector_load %arg6[%get3A_1087, %get3A_1088, %get3A_1089] {strides = array<i32>} : memref<2x80x64xf32, #tpu.memory_space<vmem>>, vector<1x1x16xf32>,
      %get3A_1091 = vector.shape_cast %get3A_1090 : vector<1x1x16xf32> to vector<16xf32>
      %add3A_1092 = arith.addf %add3A_1084, %get3A_1091 : vector<16xf32>
      %get3A_1093 = arith.constant 0 : i32
      %get3A_1094 = arith.constant 23 : i32
      %get3A_1095 = arith.index_cast %get3A_1093 : i32 to index
      %get3A_1096 = arith.index_cast %get3A_1094 : i32 to index
      %get3A_1097 = arith.constant 32 : index
      %get3A_1098 = tpu.vector_load %arg6[%get3A_1095, %get3A_1096, %get3A_1097] {strides = array<i32>} : memref<2x80x64xf32, #tpu.memory_space<vmem>>, vector<1x1x16xf32>,
      %get3A_1099 = vector.shape_cast %get3A_1098 : vector<1x1x16xf32> to vector<16xf32>
      %add3A_1100 = arith.addf %add3A_1092, %get3A_1099 : vector<16xf32>
      %get3A_1101 = arith.constant 0 : i32
      %get3A_1102 = arith.constant 24 : i32
      %get3A_1103 = arith.index_cast %get3A_1101 : i32 to index
      %get3A_1104 = arith.index_cast %get3A_1102 : i32 to index
      %get3A_1105 = arith.constant 32 : index
      %get3A_1106 = tpu.vector_load %arg6[%get3A_1103, %get3A_1104, %get3A_1105] {strides = array<i32>} : memref<2x80x64xf32, #tpu.memory_space<vmem>>, vector<1x1x16xf32>,
      %get3A_1107 = vector.shape_cast %get3A_1106 : vector<1x1x16xf32> to vector<16xf32>
      %add3A_1108 = arith.addf %add3A_1100, %get3A_1107 : vector<16xf32>
      %get3A_1109 = arith.constant 0 : i32
      %get3A_1110 = arith.constant 25 : i32
      %get3A_1111 = arith.index_cast %get3A_1109 : i32 to index
      %get3A_1112 = arith.index_cast %get3A_1110 : i32 to index
      %get3A_1113 = arith.constant 32 : index
      %get3A_1114 = tpu.vector_load %arg6[%get3A_1111, %get3A_1112, %get3A_1113] {strides = array<i32>} : memref<2x80x64xf32, #tpu.memory_space<vmem>>, vector<1x1x16xf32>,
      %get3A_1115 = vector.shape_cast %get3A_1114 : vector<1x1x16xf32> to vector<16xf32>
      %add3A_1116 = arith.addf %add3A_1108, %get3A_1115 : vector<16xf32>
      %get3A_1117 = arith.constant 0 : i32
      %get3A_1118 = arith.constant 26 : i32
      %get3A_1119 = arith.index_cast %get3A_1117 : i32 to index
      %get3A_1120 = arith.index_cast %get3A_1118 : i32 to index
      %get3A_1121 = arith.constant 32 : index
      %get3A_1122 = tpu.vector_load %arg6[%get3A_1119, %get3A_1120, %get3A_1121] {strides = array<i32>} : memref<2x80x64xf32, #tpu.memory_space<vmem>>, vector<1x1x16xf32>,
      %get3A_1123 = vector.shape_cast %get3A_1122 : vector<1x1x16xf32> to vector<16xf32>
      %add3A_1124 = arith.addf %add3A_1116, %get3A_1123 : vector<16xf32>
      %get3A_1125 = arith.constant 0 : i32
      %get3A_1126 = arith.constant 27 : i32
      %get3A_1127 = arith.index_cast %get3A_1125 : i32 to index
      %get3A_1128 = arith.index_cast %get3A_1126 : i32 to index
      %get3A_1129 = arith.constant 32 : index
      %get3A_1130 = tpu.vector_load %arg6[%get3A_1127, %get3A_1128, %get3A_1129] {strides = array<i32>} : memref<2x80x64xf32, #tpu.memory_space<vmem>>, vector<1x1x16xf32>,
      %get3A_1131 = vector.shape_cast %get3A_1130 : vector<1x1x16xf32> to vector<16xf32>
      %add3A_1132 = arith.addf %add3A_1124, %get3A_1131 : vector<16xf32>
      %get3A_1133 = arith.constant 0 : i32
      %get3A_1134 = arith.constant 28 : i32
      %get3A_1135 = arith.index_cast %get3A_1133 : i32 to index
      %get3A_1136 = arith.index_cast %get3A_1134 : i32 to index
      %get3A_1137 = arith.constant 32 : index
      %get3A_1138 = tpu.vector_load %arg6[%get3A_1135, %get3A_1136, %get3A_1137] {strides = array<i32>} : memref<2x80x64xf32, #tpu.memory_space<vmem>>, vector<1x1x16xf32>,
      %get3A_1139 = vector.shape_cast %get3A_1138 : vector<1x1x16xf32> to vector<16xf32>
      %add3A_1140 = arith.addf %add3A_1132, %get3A_1139 : vector<16xf32>
      %get3A_1141 = arith.constant 0 : i32
      %get3A_1142 = arith.constant 29 : i32
      %get3A_1143 = arith.index_cast %get3A_1141 : i32 to index
      %get3A_1144 = arith.index_cast %get3A_1142 : i32 to index
      %get3A_1145 = arith.constant 32 : index
      %get3A_1146 = tpu.vector_load %arg6[%get3A_1143, %get3A_1144, %get3A_1145] {strides = array<i32>} : memref<2x80x64xf32, #tpu.memory_space<vmem>>, vector<1x1x16xf32>,
      %get3A_1147 = vector.shape_cast %get3A_1146 : vector<1x1x16xf32> to vector<16xf32>
      %add3A_1148 = arith.addf %add3A_1140, %get3A_1147 : vector<16xf32>
      %get3A_1149 = arith.constant 0 : i32
      %get3A_1150 = arith.constant 30 : i32
      %get3A_1151 = arith.index_cast %get3A_1149 : i32 to index
      %get3A_1152 = arith.index_cast %get3A_1150 : i32 to index
      %get3A_1153 = arith.constant 32 : index
      %get3A_1154 = tpu.vector_load %arg6[%get3A_1151, %get3A_1152, %get3A_1153] {strides = array<i32>} : memref<2x80x64xf32, #tpu.memory_space<vmem>>, vector<1x1x16xf32>,
      %get3A_1155 = vector.shape_cast %get3A_1154 : vector<1x1x16xf32> to vector<16xf32>
      %add3A_1156 = arith.addf %add3A_1148, %get3A_1155 : vector<16xf32>
      %get3A_1157 = arith.constant 0 : i32
      %get3A_1158 = arith.constant 31 : i32
      %get3A_1159 = arith.index_cast %get3A_1157 : i32 to index
      %get3A_1160 = arith.index_cast %get3A_1158 : i32 to index
      %get3A_1161 = arith.constant 32 : index
      %get3A_1162 = tpu.vector_load %arg6[%get3A_1159, %get3A_1160, %get3A_1161] {strides = array<i32>} : memref<2x80x64xf32, #tpu.memory_space<vmem>>, vector<1x1x16xf32>,
      %get3A_1163 = vector.shape_cast %get3A_1162 : vector<1x1x16xf32> to vector<16xf32>
      %add3A_1164 = arith.addf %add3A_1156, %get3A_1163 : vector<16xf32>
      %get3A_1165 = arith.constant 0 : i32
      %get3A_1166 = arith.constant 32 : i32
      %get3A_1167 = arith.index_cast %get3A_1165 : i32 to index
      %get3A_1168 = arith.index_cast %get3A_1166 : i32 to index
      %get3A_1169 = arith.constant 32 : index
      %get3A_1170 = tpu.vector_load %arg6[%get3A_1167, %get3A_1168, %get3A_1169] {strides = array<i32>} : memref<2x80x64xf32, #tpu.memory_space<vmem>>, vector<1x1x16xf32>,
      %get3A_1171 = vector.shape_cast %get3A_1170 : vector<1x1x16xf32> to vector<16xf32>
      %add3A_1172 = arith.addf %add3A_1164, %get3A_1171 : vector<16xf32>
      %get3A_1173 = arith.constant 0 : i32
      %get3A_1174 = arith.constant 33 : i32
      %get3A_1175 = arith.index_cast %get3A_1173 : i32 to index
      %get3A_1176 = arith.index_cast %get3A_1174 : i32 to index
      %get3A_1177 = arith.constant 32 : index
      %get3A_1178 = tpu.vector_load %arg6[%get3A_1175, %get3A_1176, %get3A_1177] {strides = array<i32>} : memref<2x80x64xf32, #tpu.memory_space<vmem>>, vector<1x1x16xf32>,
      %get3A_1179 = vector.shape_cast %get3A_1178 : vector<1x1x16xf32> to vector<16xf32>
      %add3A_1180 = arith.addf %add3A_1172, %get3A_1179 : vector<16xf32>
      %get3A_1181 = arith.constant 0 : i32
      %get3A_1182 = arith.constant 34 : i32
      %get3A_1183 = arith.index_cast %get3A_1181 : i32 to index
      %get3A_1184 = arith.index_cast %get3A_1182 : i32 to index
      %get3A_1185 = arith.constant 32 : index
      %get3A_1186 = tpu.vector_load %arg6[%get3A_1183, %get3A_1184, %get3A_1185] {strides = array<i32>} : memref<2x80x64xf32, #tpu.memory_space<vmem>>, vector<1x1x16xf32>,
      %get3A_1187 = vector.shape_cast %get3A_1186 : vector<1x1x16xf32> to vector<16xf32>
      %add3A_1188 = arith.addf %add3A_1180, %get3A_1187 : vector<16xf32>
      %get3A_1189 = arith.constant 0 : i32
      %get3A_1190 = arith.constant 35 : i32
      %get3A_1191 = arith.index_cast %get3A_1189 : i32 to index
      %get3A_1192 = arith.index_cast %get3A_1190 : i32 to index
      %get3A_1193 = arith.constant 32 : index
      %get3A_1194 = tpu.vector_load %arg6[%get3A_1191, %get3A_1192, %get3A_1193] {strides = array<i32>} : memref<2x80x64xf32, #tpu.memory_space<vmem>>, vector<1x1x16xf32>,
      %get3A_1195 = vector.shape_cast %get3A_1194 : vector<1x1x16xf32> to vector<16xf32>
      %add3A_1196 = arith.addf %add3A_1188, %get3A_1195 : vector<16xf32>
      %get3A_1197 = arith.constant 0 : i32
      %get3A_1198 = arith.constant 36 : i32
      %get3A_1199 = arith.index_cast %get3A_1197 : i32 to index
      %get3A_1200 = arith.index_cast %get3A_1198 : i32 to index
      %get3A_1201 = arith.constant 32 : index
      %get3A_1202 = tpu.vector_load %arg6[%get3A_1199, %get3A_1200, %get3A_1201] {strides = array<i32>} : memref<2x80x64xf32, #tpu.memory_space<vmem>>, vector<1x1x16xf32>,
      %get3A_1203 = vector.shape_cast %get3A_1202 : vector<1x1x16xf32> to vector<16xf32>
      %add3A_1204 = arith.addf %add3A_1196, %get3A_1203 : vector<16xf32>
      %get3A_1205 = arith.constant 0 : i32
      %get3A_1206 = arith.constant 37 : i32
      %get3A_1207 = arith.index_cast %get3A_1205 : i32 to index
      %get3A_1208 = arith.index_cast %get3A_1206 : i32 to index
      %get3A_1209 = arith.constant 32 : index
      %get3A_1210 = tpu.vector_load %arg6[%get3A_1207, %get3A_1208, %get3A_1209] {strides = array<i32>} : memref<2x80x64xf32, #tpu.memory_space<vmem>>, vector<1x1x16xf32>,
      %get3A_1211 = vector.shape_cast %get3A_1210 : vector<1x1x16xf32> to vector<16xf32>
      %add3A_1212 = arith.addf %add3A_1204, %get3A_1211 : vector<16xf32>
      %get3A_1213 = arith.constant 0 : i32
      %get3A_1214 = arith.constant 38 : i32
      %get3A_1215 = arith.index_cast %get3A_1213 : i32 to index
      %get3A_1216 = arith.index_cast %get3A_1214 : i32 to index
      %get3A_1217 = arith.constant 32 : index
      %get3A_1218 = tpu.vector_load %arg6[%get3A_1215, %get3A_1216, %get3A_1217] {strides = array<i32>} : memref<2x80x64xf32, #tpu.memory_space<vmem>>, vector<1x1x16xf32>,
      %get3A_1219 = vector.shape_cast %get3A_1218 : vector<1x1x16xf32> to vector<16xf32>
      %add3A_1220 = arith.addf %add3A_1212, %get3A_1219 : vector<16xf32>
      %get3A_1221 = arith.constant 0 : i32
      %get3A_1222 = arith.constant 39 : i32
      %get3A_1223 = arith.index_cast %get3A_1221 : i32 to index
      %get3A_1224 = arith.index_cast %get3A_1222 : i32 to index
      %get3A_1225 = arith.constant 32 : index
      %get3A_1226 = tpu.vector_load %arg6[%get3A_1223, %get3A_1224, %get3A_1225] {strides = array<i32>} : memref<2x80x64xf32, #tpu.memory_space<vmem>>, vector<1x1x16xf32>,
      %get3A_1227 = vector.shape_cast %get3A_1226 : vector<1x1x16xf32> to vector<16xf32>
      %add3A_1228 = arith.addf %add3A_1220, %get3A_1227 : vector<16xf32>
      %mul3A_1229 = arith.constant 5.000000e-02 : f32
      %mul3A_1230 = vector.broadcast %mul3A_1229 : f32 to vector<16xf32>
      %mul3A_1231 = arith.mulf %add3A_1228, %mul3A_1230 : vector<16xf32>
      %mul3A_1232 = arith.constant 4 : i32
      %mul3A_1233 = arith.muli %add3A_35, %mul3A_1232 : i32
      %add3A_1234 = arith.constant 1 : i32
      %add3A_1235 = arith.addi %mul3A_1233, %add3A_1234 : i32
      %swap3A_1236 = arith.index_cast %add3A_1235 : i32 to index
      %swap3A_1237 = arith.constant 32 : index
      %swap3A_1238 = tpu.vector_load %arg7[%swap3A_1236, %swap3A_1237] {strides = array<i32>} : memref<128x64xf32, #tpu.memory_space<vmem>>, vector<1x16xf32>,
      %swap3A_1239 = vector.shape_cast %swap3A_1238 : vector<1x16xf32> to vector<16xf32>
      %swap3A_1240 = vector.shape_cast %mul3A_1231 : vector<16xf32> to vector<1x16xf32>
      tpu.vector_store %arg7[%swap3A_1236, %swap3A_1237], %swap3A_1240 {strides = array<i32>} : memref<128x64xf32, #tpu.memory_space<vmem>>, vector<1x16xf32>,
      %get3A_1241 = arith.constant 0 : i32
      %get3A_1242 = arith.constant 20 : i32
      %get3A_1243 = arith.index_cast %get3A_1241 : i32 to index
      %get3A_1244 = arith.index_cast %get3A_1242 : i32 to index
      %get3A_1245 = arith.constant 48 : index
      %get3A_1246 = tpu.vector_load %arg6[%get3A_1243, %get3A_1244, %get3A_1245] {strides = array<i32>} : memref<2x80x64xf32, #tpu.memory_space<vmem>>, vector<1x1x16xf32>,
      %get3A_1247 = vector.shape_cast %get3A_1246 : vector<1x1x16xf32> to vector<16xf32>
      %get3A_1248 = arith.constant 0 : i32
      %get3A_1249 = arith.constant 21 : i32
      %get3A_1250 = arith.index_cast %get3A_1248 : i32 to index
      %get3A_1251 = arith.index_cast %get3A_1249 : i32 to index
      %get3A_1252 = arith.constant 48 : index
      %get3A_1253 = tpu.vector_load %arg6[%get3A_1250, %get3A_1251, %get3A_1252] {strides = array<i32>} : memref<2x80x64xf32, #tpu.memory_space<vmem>>, vector<1x1x16xf32>,
      %get3A_1254 = vector.shape_cast %get3A_1253 : vector<1x1x16xf32> to vector<16xf32>
      %add3A_1255 = arith.addf %get3A_1247, %get3A_1254 : vector<16xf32>
      %get3A_1256 = arith.constant 0 : i32
      %get3A_1257 = arith.constant 22 : i32
      %get3A_1258 = arith.index_cast %get3A_1256 : i32 to index
      %get3A_1259 = arith.index_cast %get3A_1257 : i32 to index
      %get3A_1260 = arith.constant 48 : index
      %get3A_1261 = tpu.vector_load %arg6[%get3A_1258, %get3A_1259, %get3A_1260] {strides = array<i32>} : memref<2x80x64xf32, #tpu.memory_space<vmem>>, vector<1x1x16xf32>,
      %get3A_1262 = vector.shape_cast %get3A_1261 : vector<1x1x16xf32> to vector<16xf32>
      %add3A_1263 = arith.addf %add3A_1255, %get3A_1262 : vector<16xf32>
      %get3A_1264 = arith.constant 0 : i32
      %get3A_1265 = arith.constant 23 : i32
      %get3A_1266 = arith.index_cast %get3A_1264 : i32 to index
      %get3A_1267 = arith.index_cast %get3A_1265 : i32 to index
      %get3A_1268 = arith.constant 48 : index
      %get3A_1269 = tpu.vector_load %arg6[%get3A_1266, %get3A_1267, %get3A_1268] {strides = array<i32>} : memref<2x80x64xf32, #tpu.memory_space<vmem>>, vector<1x1x16xf32>,
      %get3A_1270 = vector.shape_cast %get3A_1269 : vector<1x1x16xf32> to vector<16xf32>
      %add3A_1271 = arith.addf %add3A_1263, %get3A_1270 : vector<16xf32>
      %get3A_1272 = arith.constant 0 : i32
      %get3A_1273 = arith.constant 24 : i32
      %get3A_1274 = arith.index_cast %get3A_1272 : i32 to index
      %get3A_1275 = arith.index_cast %get3A_1273 : i32 to index
      %get3A_1276 = arith.constant 48 : index
      %get3A_1277 = tpu.vector_load %arg6[%get3A_1274, %get3A_1275, %get3A_1276] {strides = array<i32>} : memref<2x80x64xf32, #tpu.memory_space<vmem>>, vector<1x1x16xf32>,
      %get3A_1278 = vector.shape_cast %get3A_1277 : vector<1x1x16xf32> to vector<16xf32>
      %add3A_1279 = arith.addf %add3A_1271, %get3A_1278 : vector<16xf32>
      %get3A_1280 = arith.constant 0 : i32
      %get3A_1281 = arith.constant 25 : i32
      %get3A_1282 = arith.index_cast %get3A_1280 : i32 to index
      %get3A_1283 = arith.index_cast %get3A_1281 : i32 to index
      %get3A_1284 = arith.constant 48 : index
      %get3A_1285 = tpu.vector_load %arg6[%get3A_1282, %get3A_1283, %get3A_1284] {strides = array<i32>} : memref<2x80x64xf32, #tpu.memory_space<vmem>>, vector<1x1x16xf32>,
      %get3A_1286 = vector.shape_cast %get3A_1285 : vector<1x1x16xf32> to vector<16xf32>
      %add3A_1287 = arith.addf %add3A_1279, %get3A_1286 : vector<16xf32>
      %get3A_1288 = arith.constant 0 : i32
      %get3A_1289 = arith.constant 26 : i32
      %get3A_1290 = arith.index_cast %get3A_1288 : i32 to index
      %get3A_1291 = arith.index_cast %get3A_1289 : i32 to index
      %get3A_1292 = arith.constant 48 : index
      %get3A_1293 = tpu.vector_load %arg6[%get3A_1290, %get3A_1291, %get3A_1292] {strides = array<i32>} : memref<2x80x64xf32, #tpu.memory_space<vmem>>, vector<1x1x16xf32>,
      %get3A_1294 = vector.shape_cast %get3A_1293 : vector<1x1x16xf32> to vector<16xf32>
      %add3A_1295 = arith.addf %add3A_1287, %get3A_1294 : vector<16xf32>
      %get3A_1296 = arith.constant 0 : i32
      %get3A_1297 = arith.constant 27 : i32
      %get3A_1298 = arith.index_cast %get3A_1296 : i32 to index
      %get3A_1299 = arith.index_cast %get3A_1297 : i32 to index
      %get3A_1300 = arith.constant 48 : index
      %get3A_1301 = tpu.vector_load %arg6[%get3A_1298, %get3A_1299, %get3A_1300] {strides = array<i32>} : memref<2x80x64xf32, #tpu.memory_space<vmem>>, vector<1x1x16xf32>,
      %get3A_1302 = vector.shape_cast %get3A_1301 : vector<1x1x16xf32> to vector<16xf32>
      %add3A_1303 = arith.addf %add3A_1295, %get3A_1302 : vector<16xf32>
      %get3A_1304 = arith.constant 0 : i32
      %get3A_1305 = arith.constant 28 : i32
      %get3A_1306 = arith.index_cast %get3A_1304 : i32 to index
      %get3A_1307 = arith.index_cast %get3A_1305 : i32 to index
      %get3A_1308 = arith.constant 48 : index
      %get3A_1309 = tpu.vector_load %arg6[%get3A_1306, %get3A_1307, %get3A_1308] {strides = array<i32>} : memref<2x80x64xf32, #tpu.memory_space<vmem>>, vector<1x1x16xf32>,
      %get3A_1310 = vector.shape_cast %get3A_1309 : vector<1x1x16xf32> to vector<16xf32>
      %add3A_1311 = arith.addf %add3A_1303, %get3A_1310 : vector<16xf32>
      %get3A_1312 = arith.constant 0 : i32
      %get3A_1313 = arith.constant 29 : i32
      %get3A_1314 = arith.index_cast %get3A_1312 : i32 to index
      %get3A_1315 = arith.index_cast %get3A_1313 : i32 to index
      %get3A_1316 = arith.constant 48 : index
      %get3A_1317 = tpu.vector_load %arg6[%get3A_1314, %get3A_1315, %get3A_1316] {strides = array<i32>} : memref<2x80x64xf32, #tpu.memory_space<vmem>>, vector<1x1x16xf32>,
      %get3A_1318 = vector.shape_cast %get3A_1317 : vector<1x1x16xf32> to vector<16xf32>
      %add3A_1319 = arith.addf %add3A_1311, %get3A_1318 : vector<16xf32>
      %get3A_1320 = arith.constant 0 : i32
      %get3A_1321 = arith.constant 30 : i32
      %get3A_1322 = arith.index_cast %get3A_1320 : i32 to index
      %get3A_1323 = arith.index_cast %get3A_1321 : i32 to index
      %get3A_1324 = arith.constant 48 : index
      %get3A_1325 = tpu.vector_load %arg6[%get3A_1322, %get3A_1323, %get3A_1324] {strides = array<i32>} : memref<2x80x64xf32, #tpu.memory_space<vmem>>, vector<1x1x16xf32>,
      %get3A_1326 = vector.shape_cast %get3A_1325 : vector<1x1x16xf32> to vector<16xf32>
      %add3A_1327 = arith.addf %add3A_1319, %get3A_1326 : vector<16xf32>
      %get3A_1328 = arith.constant 0 : i32
      %get3A_1329 = arith.constant 31 : i32
      %get3A_1330 = arith.index_cast %get3A_1328 : i32 to index
      %get3A_1331 = arith.index_cast %get3A_1329 : i32 to index
      %get3A_1332 = arith.constant 48 : index
      %get3A_1333 = tpu.vector_load %arg6[%get3A_1330, %get3A_1331, %get3A_1332] {strides = array<i32>} : memref<2x80x64xf32, #tpu.memory_space<vmem>>, vector<1x1x16xf32>,
      %get3A_1334 = vector.shape_cast %get3A_1333 : vector<1x1x16xf32> to vector<16xf32>
      %add3A_1335 = arith.addf %add3A_1327, %get3A_1334 : vector<16xf32>
      %get3A_1336 = arith.constant 0 : i32
      %get3A_1337 = arith.constant 32 : i32
      %get3A_1338 = arith.index_cast %get3A_1336 : i32 to index
      %get3A_1339 = arith.index_cast %get3A_1337 : i32 to index
      %get3A_1340 = arith.constant 48 : index
      %get3A_1341 = tpu.vector_load %arg6[%get3A_1338, %get3A_1339, %get3A_1340] {strides = array<i32>} : memref<2x80x64xf32, #tpu.memory_space<vmem>>, vector<1x1x16xf32>,
      %get3A_1342 = vector.shape_cast %get3A_1341 : vector<1x1x16xf32> to vector<16xf32>
      %add3A_1343 = arith.addf %add3A_1335, %get3A_1342 : vector<16xf32>
      %get3A_1344 = arith.constant 0 : i32
      %get3A_1345 = arith.constant 33 : i32
      %get3A_1346 = arith.index_cast %get3A_1344 : i32 to index
      %get3A_1347 = arith.index_cast %get3A_1345 : i32 to index
      %get3A_1348 = arith.constant 48 : index
      %get3A_1349 = tpu.vector_load %arg6[%get3A_1346, %get3A_1347, %get3A_1348] {strides = array<i32>} : memref<2x80x64xf32, #tpu.memory_space<vmem>>, vector<1x1x16xf32>,
      %get3A_1350 = vector.shape_cast %get3A_1349 : vector<1x1x16xf32> to vector<16xf32>
      %add3A_1351 = arith.addf %add3A_1343, %get3A_1350 : vector<16xf32>
      %get3A_1352 = arith.constant 0 : i32
      %get3A_1353 = arith.constant 34 : i32
      %get3A_1354 = arith.index_cast %get3A_1352 : i32 to index
      %get3A_1355 = arith.index_cast %get3A_1353 : i32 to index
      %get3A_1356 = arith.constant 48 : index
      %get3A_1357 = tpu.vector_load %arg6[%get3A_1354, %get3A_1355, %get3A_1356] {strides = array<i32>} : memref<2x80x64xf32, #tpu.memory_space<vmem>>, vector<1x1x16xf32>,
      %get3A_1358 = vector.shape_cast %get3A_1357 : vector<1x1x16xf32> to vector<16xf32>
      %add3A_1359 = arith.addf %add3A_1351, %get3A_1358 : vector<16xf32>
      %get3A_1360 = arith.constant 0 : i32
      %get3A_1361 = arith.constant 35 : i32
      %get3A_1362 = arith.index_cast %get3A_1360 : i32 to index
      %get3A_1363 = arith.index_cast %get3A_1361 : i32 to index
      %get3A_1364 = arith.constant 48 : index
      %get3A_1365 = tpu.vector_load %arg6[%get3A_1362, %get3A_1363, %get3A_1364] {strides = array<i32>} : memref<2x80x64xf32, #tpu.memory_space<vmem>>, vector<1x1x16xf32>,
      %get3A_1366 = vector.shape_cast %get3A_1365 : vector<1x1x16xf32> to vector<16xf32>
      %add3A_1367 = arith.addf %add3A_1359, %get3A_1366 : vector<16xf32>
      %get3A_1368 = arith.constant 0 : i32
      %get3A_1369 = arith.constant 36 : i32
      %get3A_1370 = arith.index_cast %get3A_1368 : i32 to index
      %get3A_1371 = arith.index_cast %get3A_1369 : i32 to index
      %get3A_1372 = arith.constant 48 : index
      %get3A_1373 = tpu.vector_load %arg6[%get3A_1370, %get3A_1371, %get3A_1372] {strides = array<i32>} : memref<2x80x64xf32, #tpu.memory_space<vmem>>, vector<1x1x16xf32>,
      %get3A_1374 = vector.shape_cast %get3A_1373 : vector<1x1x16xf32> to vector<16xf32>
      %add3A_1375 = arith.addf %add3A_1367, %get3A_1374 : vector<16xf32>
      %get3A_1376 = arith.constant 0 : i32
      %get3A_1377 = arith.constant 37 : i32
      %get3A_1378 = arith.index_cast %get3A_1376 : i32 to index
      %get3A_1379 = arith.index_cast %get3A_1377 : i32 to index
      %get3A_1380 = arith.constant 48 : index
      %get3A_1381 = tpu.vector_load %arg6[%get3A_1378, %get3A_1379, %get3A_1380] {strides = array<i32>} : memref<2x80x64xf32, #tpu.memory_space<vmem>>, vector<1x1x16xf32>,
      %get3A_1382 = vector.shape_cast %get3A_1381 : vector<1x1x16xf32> to vector<16xf32>
      %add3A_1383 = arith.addf %add3A_1375, %get3A_1382 : vector<16xf32>
      %get3A_1384 = arith.constant 0 : i32
      %get3A_1385 = arith.constant 38 : i32
      %get3A_1386 = arith.index_cast %get3A_1384 : i32 to index
      %get3A_1387 = arith.index_cast %get3A_1385 : i32 to index
      %get3A_1388 = arith.constant 48 : index
      %get3A_1389 = tpu.vector_load %arg6[%get3A_1386, %get3A_1387, %get3A_1388] {strides = array<i32>} : memref<2x80x64xf32, #tpu.memory_space<vmem>>, vector<1x1x16xf32>,
      %get3A_1390 = vector.shape_cast %get3A_1389 : vector<1x1x16xf32> to vector<16xf32>
      %add3A_1391 = arith.addf %add3A_1383, %get3A_1390 : vector<16xf32>
      %get3A_1392 = arith.constant 0 : i32
      %get3A_1393 = arith.constant 39 : i32
      %get3A_1394 = arith.index_cast %get3A_1392 : i32 to index
      %get3A_1395 = arith.index_cast %get3A_1393 : i32 to index
      %get3A_1396 = arith.constant 48 : index
      %get3A_1397 = tpu.vector_load %arg6[%get3A_1394, %get3A_1395, %get3A_1396] {strides = array<i32>} : memref<2x80x64xf32, #tpu.memory_space<vmem>>, vector<1x1x16xf32>,
      %get3A_1398 = vector.shape_cast %get3A_1397 : vector<1x1x16xf32> to vector<16xf32>
      %add3A_1399 = arith.addf %add3A_1391, %get3A_1398 : vector<16xf32>
      %mul3A_1400 = arith.constant 5.000000e-02 : f32
      %mul3A_1401 = vector.broadcast %mul3A_1400 : f32 to vector<16xf32>
      %mul3A_1402 = arith.mulf %add3A_1399, %mul3A_1401 : vector<16xf32>
      %mul3A_1403 = arith.constant 4 : i32
      %mul3A_1404 = arith.muli %add3A_35, %mul3A_1403 : i32
      %add3A_1405 = arith.constant 1 : i32
      %add3A_1406 = arith.addi %mul3A_1404, %add3A_1405 : i32
      %swap3A_1407 = arith.index_cast %add3A_1406 : i32 to index
      %swap3A_1408 = arith.constant 48 : index
      %swap3A_1409 = tpu.vector_load %arg7[%swap3A_1407, %swap3A_1408] {strides = array<i32>} : memref<128x64xf32, #tpu.memory_space<vmem>>, vector<1x16xf32>,
      %swap3A_1410 = vector.shape_cast %swap3A_1409 : vector<1x16xf32> to vector<16xf32>
      %swap3A_1411 = vector.shape_cast %mul3A_1402 : vector<16xf32> to vector<1x16xf32>
      tpu.vector_store %arg7[%swap3A_1407, %swap3A_1408], %swap3A_1411 {strides = array<i32>} : memref<128x64xf32, #tpu.memory_space<vmem>>, vector<1x16xf32>,
      %get3A_1412 = arith.constant 0 : i32
      %get3A_1413 = arith.constant 40 : i32
      %get3A_1414 = arith.index_cast %get3A_1412 : i32 to index
      %get3A_1415 = arith.index_cast %get3A_1413 : i32 to index
      %get3A_1416 = arith.constant 0 : index
      %get3A_1417 = tpu.vector_load %arg6[%get3A_1414, %get3A_1415, %get3A_1416] {strides = array<i32>} : memref<2x80x64xf32, #tpu.memory_space<vmem>>, vector<1x1x16xf32>,
      %get3A_1418 = vector.shape_cast %get3A_1417 : vector<1x1x16xf32> to vector<16xf32>
      %get3A_1419 = arith.constant 0 : i32
      %get3A_1420 = arith.constant 41 : i32
      %get3A_1421 = arith.index_cast %get3A_1419 : i32 to index
      %get3A_1422 = arith.index_cast %get3A_1420 : i32 to index
      %get3A_1423 = arith.constant 0 : index
      %get3A_1424 = tpu.vector_load %arg6[%get3A_1421, %get3A_1422, %get3A_1423] {strides = array<i32>} : memref<2x80x64xf32, #tpu.memory_space<vmem>>, vector<1x1x16xf32>,
      %get3A_1425 = vector.shape_cast %get3A_1424 : vector<1x1x16xf32> to vector<16xf32>
      %add3A_1426 = arith.addf %get3A_1418, %get3A_1425 : vector<16xf32>
      %get3A_1427 = arith.constant 0 : i32
      %get3A_1428 = arith.constant 42 : i32
      %get3A_1429 = arith.index_cast %get3A_1427 : i32 to index
      %get3A_1430 = arith.index_cast %get3A_1428 : i32 to index
      %get3A_1431 = arith.constant 0 : index
      %get3A_1432 = tpu.vector_load %arg6[%get3A_1429, %get3A_1430, %get3A_1431] {strides = array<i32>} : memref<2x80x64xf32, #tpu.memory_space<vmem>>, vector<1x1x16xf32>,
      %get3A_1433 = vector.shape_cast %get3A_1432 : vector<1x1x16xf32> to vector<16xf32>
      %add3A_1434 = arith.addf %add3A_1426, %get3A_1433 : vector<16xf32>
      %get3A_1435 = arith.constant 0 : i32
      %get3A_1436 = arith.constant 43 : i32
      %get3A_1437 = arith.index_cast %get3A_1435 : i32 to index
      %get3A_1438 = arith.index_cast %get3A_1436 : i32 to index
      %get3A_1439 = arith.constant 0 : index
      %get3A_1440 = tpu.vector_load %arg6[%get3A_1437, %get3A_1438, %get3A_1439] {strides = array<i32>} : memref<2x80x64xf32, #tpu.memory_space<vmem>>, vector<1x1x16xf32>,
      %get3A_1441 = vector.shape_cast %get3A_1440 : vector<1x1x16xf32> to vector<16xf32>
      %add3A_1442 = arith.addf %add3A_1434, %get3A_1441 : vector<16xf32>
      %get3A_1443 = arith.constant 0 : i32
      %get3A_1444 = arith.constant 44 : i32
      %get3A_1445 = arith.index_cast %get3A_1443 : i32 to index
      %get3A_1446 = arith.index_cast %get3A_1444 : i32 to index
      %get3A_1447 = arith.constant 0 : index
      %get3A_1448 = tpu.vector_load %arg6[%get3A_1445, %get3A_1446, %get3A_1447] {strides = array<i32>} : memref<2x80x64xf32, #tpu.memory_space<vmem>>, vector<1x1x16xf32>,
      %get3A_1449 = vector.shape_cast %get3A_1448 : vector<1x1x16xf32> to vector<16xf32>
      %add3A_1450 = arith.addf %add3A_1442, %get3A_1449 : vector<16xf32>
      %get3A_1451 = arith.constant 0 : i32
      %get3A_1452 = arith.constant 45 : i32
      %get3A_1453 = arith.index_cast %get3A_1451 : i32 to index
      %get3A_1454 = arith.index_cast %get3A_1452 : i32 to index
      %get3A_1455 = arith.constant 0 : index
      %get3A_1456 = tpu.vector_load %arg6[%get3A_1453, %get3A_1454, %get3A_1455] {strides = array<i32>} : memref<2x80x64xf32, #tpu.memory_space<vmem>>, vector<1x1x16xf32>,
      %get3A_1457 = vector.shape_cast %get3A_1456 : vector<1x1x16xf32> to vector<16xf32>
      %add3A_1458 = arith.addf %add3A_1450, %get3A_1457 : vector<16xf32>
      %get3A_1459 = arith.constant 0 : i32
      %get3A_1460 = arith.constant 46 : i32
      %get3A_1461 = arith.index_cast %get3A_1459 : i32 to index
      %get3A_1462 = arith.index_cast %get3A_1460 : i32 to index
      %get3A_1463 = arith.constant 0 : index
      %get3A_1464 = tpu.vector_load %arg6[%get3A_1461, %get3A_1462, %get3A_1463] {strides = array<i32>} : memref<2x80x64xf32, #tpu.memory_space<vmem>>, vector<1x1x16xf32>,
      %get3A_1465 = vector.shape_cast %get3A_1464 : vector<1x1x16xf32> to vector<16xf32>
      %add3A_1466 = arith.addf %add3A_1458, %get3A_1465 : vector<16xf32>
      %get3A_1467 = arith.constant 0 : i32
      %get3A_1468 = arith.constant 47 : i32
      %get3A_1469 = arith.index_cast %get3A_1467 : i32 to index
      %get3A_1470 = arith.index_cast %get3A_1468 : i32 to index
      %get3A_1471 = arith.constant 0 : index
      %get3A_1472 = tpu.vector_load %arg6[%get3A_1469, %get3A_1470, %get3A_1471] {strides = array<i32>} : memref<2x80x64xf32, #tpu.memory_space<vmem>>, vector<1x1x16xf32>,
      %get3A_1473 = vector.shape_cast %get3A_1472 : vector<1x1x16xf32> to vector<16xf32>
      %add3A_1474 = arith.addf %add3A_1466, %get3A_1473 : vector<16xf32>
      %get3A_1475 = arith.constant 0 : i32
      %get3A_1476 = arith.constant 48 : i32
      %get3A_1477 = arith.index_cast %get3A_1475 : i32 to index
      %get3A_1478 = arith.index_cast %get3A_1476 : i32 to index
      %get3A_1479 = arith.constant 0 : index
      %get3A_1480 = tpu.vector_load %arg6[%get3A_1477, %get3A_1478, %get3A_1479] {strides = array<i32>} : memref<2x80x64xf32, #tpu.memory_space<vmem>>, vector<1x1x16xf32>,
      %get3A_1481 = vector.shape_cast %get3A_1480 : vector<1x1x16xf32> to vector<16xf32>
      %add3A_1482 = arith.addf %add3A_1474, %get3A_1481 : vector<16xf32>
      %get3A_1483 = arith.constant 0 : i32
      %get3A_1484 = arith.constant 49 : i32
      %get3A_1485 = arith.index_cast %get3A_1483 : i32 to index
      %get3A_1486 = arith.index_cast %get3A_1484 : i32 to index
      %get3A_1487 = arith.constant 0 : index
      %get3A_1488 = tpu.vector_load %arg6[%get3A_1485, %get3A_1486, %get3A_1487] {strides = array<i32>} : memref<2x80x64xf32, #tpu.memory_space<vmem>>, vector<1x1x16xf32>,
      %get3A_1489 = vector.shape_cast %get3A_1488 : vector<1x1x16xf32> to vector<16xf32>
      %add3A_1490 = arith.addf %add3A_1482, %get3A_1489 : vector<16xf32>
      %get3A_1491 = arith.constant 0 : i32
      %get3A_1492 = arith.constant 50 : i32
      %get3A_1493 = arith.index_cast %get3A_1491 : i32 to index
      %get3A_1494 = arith.index_cast %get3A_1492 : i32 to index
      %get3A_1495 = arith.constant 0 : index
      %get3A_1496 = tpu.vector_load %arg6[%get3A_1493, %get3A_1494, %get3A_1495] {strides = array<i32>} : memref<2x80x64xf32, #tpu.memory_space<vmem>>, vector<1x1x16xf32>,
      %get3A_1497 = vector.shape_cast %get3A_1496 : vector<1x1x16xf32> to vector<16xf32>
      %add3A_1498 = arith.addf %add3A_1490, %get3A_1497 : vector<16xf32>
      %get3A_1499 = arith.constant 0 : i32
      %get3A_1500 = arith.constant 51 : i32
      %get3A_1501 = arith.index_cast %get3A_1499 : i32 to index
      %get3A_1502 = arith.index_cast %get3A_1500 : i32 to index
      %get3A_1503 = arith.constant 0 : index
      %get3A_1504 = tpu.vector_load %arg6[%get3A_1501, %get3A_1502, %get3A_1503] {strides = array<i32>} : memref<2x80x64xf32, #tpu.memory_space<vmem>>, vector<1x1x16xf32>,
      %get3A_1505 = vector.shape_cast %get3A_1504 : vector<1x1x16xf32> to vector<16xf32>
      %add3A_1506 = arith.addf %add3A_1498, %get3A_1505 : vector<16xf32>
      %get3A_1507 = arith.constant 0 : i32
      %get3A_1508 = arith.constant 52 : i32
      %get3A_1509 = arith.index_cast %get3A_1507 : i32 to index
      %get3A_1510 = arith.index_cast %get3A_1508 : i32 to index
      %get3A_1511 = arith.constant 0 : index
      %get3A_1512 = tpu.vector_load %arg6[%get3A_1509, %get3A_1510, %get3A_1511] {strides = array<i32>} : memref<2x80x64xf32, #tpu.memory_space<vmem>>, vector<1x1x16xf32>,
      %get3A_1513 = vector.shape_cast %get3A_1512 : vector<1x1x16xf32> to vector<16xf32>
      %add3A_1514 = arith.addf %add3A_1506, %get3A_1513 : vector<16xf32>
      %get3A_1515 = arith.constant 0 : i32
      %get3A_1516 = arith.constant 53 : i32
      %get3A_1517 = arith.index_cast %get3A_1515 : i32 to index
      %get3A_1518 = arith.index_cast %get3A_1516 : i32 to index
      %get3A_1519 = arith.constant 0 : index
      %get3A_1520 = tpu.vector_load %arg6[%get3A_1517, %get3A_1518, %get3A_1519] {strides = array<i32>} : memref<2x80x64xf32, #tpu.memory_space<vmem>>, vector<1x1x16xf32>,
      %get3A_1521 = vector.shape_cast %get3A_1520 : vector<1x1x16xf32> to vector<16xf32>
      %add3A_1522 = arith.addf %add3A_1514, %get3A_1521 : vector<16xf32>
      %get3A_1523 = arith.constant 0 : i32
      %get3A_1524 = arith.constant 54 : i32
      %get3A_1525 = arith.index_cast %get3A_1523 : i32 to index
      %get3A_1526 = arith.index_cast %get3A_1524 : i32 to index
      %get3A_1527 = arith.constant 0 : index
      %get3A_1528 = tpu.vector_load %arg6[%get3A_1525, %get3A_1526, %get3A_1527] {strides = array<i32>} : memref<2x80x64xf32, #tpu.memory_space<vmem>>, vector<1x1x16xf32>,
      %get3A_1529 = vector.shape_cast %get3A_1528 : vector<1x1x16xf32> to vector<16xf32>
      %add3A_1530 = arith.addf %add3A_1522, %get3A_1529 : vector<16xf32>
      %get3A_1531 = arith.constant 0 : i32
      %get3A_1532 = arith.constant 55 : i32
      %get3A_1533 = arith.index_cast %get3A_1531 : i32 to index
      %get3A_1534 = arith.index_cast %get3A_1532 : i32 to index
      %get3A_1535 = arith.constant 0 : index
      %get3A_1536 = tpu.vector_load %arg6[%get3A_1533, %get3A_1534, %get3A_1535] {strides = array<i32>} : memref<2x80x64xf32, #tpu.memory_space<vmem>>, vector<1x1x16xf32>,
      %get3A_1537 = vector.shape_cast %get3A_1536 : vector<1x1x16xf32> to vector<16xf32>
      %add3A_1538 = arith.addf %add3A_1530, %get3A_1537 : vector<16xf32>
      %get3A_1539 = arith.constant 0 : i32
      %get3A_1540 = arith.constant 56 : i32
      %get3A_1541 = arith.index_cast %get3A_1539 : i32 to index
      %get3A_1542 = arith.index_cast %get3A_1540 : i32 to index
      %get3A_1543 = arith.constant 0 : index
      %get3A_1544 = tpu.vector_load %arg6[%get3A_1541, %get3A_1542, %get3A_1543] {strides = array<i32>} : memref<2x80x64xf32, #tpu.memory_space<vmem>>, vector<1x1x16xf32>,
      %get3A_1545 = vector.shape_cast %get3A_1544 : vector<1x1x16xf32> to vector<16xf32>
      %add3A_1546 = arith.addf %add3A_1538, %get3A_1545 : vector<16xf32>
      %get3A_1547 = arith.constant 0 : i32
      %get3A_1548 = arith.constant 57 : i32
      %get3A_1549 = arith.index_cast %get3A_1547 : i32 to index
      %get3A_1550 = arith.index_cast %get3A_1548 : i32 to index
      %get3A_1551 = arith.constant 0 : index
      %get3A_1552 = tpu.vector_load %arg6[%get3A_1549, %get3A_1550, %get3A_1551] {strides = array<i32>} : memref<2x80x64xf32, #tpu.memory_space<vmem>>, vector<1x1x16xf32>,
      %get3A_1553 = vector.shape_cast %get3A_1552 : vector<1x1x16xf32> to vector<16xf32>
      %add3A_1554 = arith.addf %add3A_1546, %get3A_1553 : vector<16xf32>
      %get3A_1555 = arith.constant 0 : i32
      %get3A_1556 = arith.constant 58 : i32
      %get3A_1557 = arith.index_cast %get3A_1555 : i32 to index
      %get3A_1558 = arith.index_cast %get3A_1556 : i32 to index
      %get3A_1559 = arith.constant 0 : index
      %get3A_1560 = tpu.vector_load %arg6[%get3A_1557, %get3A_1558, %get3A_1559] {strides = array<i32>} : memref<2x80x64xf32, #tpu.memory_space<vmem>>, vector<1x1x16xf32>,
      %get3A_1561 = vector.shape_cast %get3A_1560 : vector<1x1x16xf32> to vector<16xf32>
      %add3A_1562 = arith.addf %add3A_1554, %get3A_1561 : vector<16xf32>
      %get3A_1563 = arith.constant 0 : i32
      %get3A_1564 = arith.constant 59 : i32
      %get3A_1565 = arith.index_cast %get3A_1563 : i32 to index
      %get3A_1566 = arith.index_cast %get3A_1564 : i32 to index
      %get3A_1567 = arith.constant 0 : index
      %get3A_1568 = tpu.vector_load %arg6[%get3A_1565, %get3A_1566, %get3A_1567] {strides = array<i32>} : memref<2x80x64xf32, #tpu.memory_space<vmem>>, vector<1x1x16xf32>,
      %get3A_1569 = vector.shape_cast %get3A_1568 : vector<1x1x16xf32> to vector<16xf32>
      %add3A_1570 = arith.addf %add3A_1562, %get3A_1569 : vector<16xf32>
      %mul3A_1571 = arith.constant 5.000000e-02 : f32
      %mul3A_1572 = vector.broadcast %mul3A_1571 : f32 to vector<16xf32>
      %mul3A_1573 = arith.mulf %add3A_1570, %mul3A_1572 : vector<16xf32>
      %mul3A_1574 = arith.constant 4 : i32
      %mul3A_1575 = arith.muli %add3A_35, %mul3A_1574 : i32
      %add3A_1576 = arith.constant 2 : i32
      %add3A_1577 = arith.addi %mul3A_1575, %add3A_1576 : i32
      %swap3A_1578 = arith.index_cast %add3A_1577 : i32 to index
      %swap3A_1579 = arith.constant 0 : index
      %swap3A_1580 = tpu.vector_load %arg7[%swap3A_1578, %swap3A_1579] {strides = array<i32>} : memref<128x64xf32, #tpu.memory_space<vmem>>, vector<1x16xf32>,
      %swap3A_1581 = vector.shape_cast %swap3A_1580 : vector<1x16xf32> to vector<16xf32>
      %swap3A_1582 = vector.shape_cast %mul3A_1573 : vector<16xf32> to vector<1x16xf32>
      tpu.vector_store %arg7[%swap3A_1578, %swap3A_1579], %swap3A_1582 {strides = array<i32>} : memref<128x64xf32, #tpu.memory_space<vmem>>, vector<1x16xf32>,
      %get3A_1583 = arith.constant 0 : i32
      %get3A_1584 = arith.constant 40 : i32
      %get3A_1585 = arith.index_cast %get3A_1583 : i32 to index
      %get3A_1586 = arith.index_cast %get3A_1584 : i32 to index
      %get3A_1587 = arith.constant 16 : index
      %get3A_1588 = tpu.vector_load %arg6[%get3A_1585, %get3A_1586, %get3A_1587] {strides = array<i32>} : memref<2x80x64xf32, #tpu.memory_space<vmem>>, vector<1x1x16xf32>,
      %get3A_1589 = vector.shape_cast %get3A_1588 : vector<1x1x16xf32> to vector<16xf32>
      %get3A_1590 = arith.constant 0 : i32
      %get3A_1591 = arith.constant 41 : i32
      %get3A_1592 = arith.index_cast %get3A_1590 : i32 to index
      %get3A_1593 = arith.index_cast %get3A_1591 : i32 to index
      %get3A_1594 = arith.constant 16 : index
      %get3A_1595 = tpu.vector_load %arg6[%get3A_1592, %get3A_1593, %get3A_1594] {strides = array<i32>} : memref<2x80x64xf32, #tpu.memory_space<vmem>>, vector<1x1x16xf32>,
      %get3A_1596 = vector.shape_cast %get3A_1595 : vector<1x1x16xf32> to vector<16xf32>
      %add3A_1597 = arith.addf %get3A_1589, %get3A_1596 : vector<16xf32>
      %get3A_1598 = arith.constant 0 : i32
      %get3A_1599 = arith.constant 42 : i32
      %get3A_1600 = arith.index_cast %get3A_1598 : i32 to index
      %get3A_1601 = arith.index_cast %get3A_1599 : i32 to index
      %get3A_1602 = arith.constant 16 : index
      %get3A_1603 = tpu.vector_load %arg6[%get3A_1600, %get3A_1601, %get3A_1602] {strides = array<i32>} : memref<2x80x64xf32, #tpu.memory_space<vmem>>, vector<1x1x16xf32>,
      %get3A_1604 = vector.shape_cast %get3A_1603 : vector<1x1x16xf32> to vector<16xf32>
      %add3A_1605 = arith.addf %add3A_1597, %get3A_1604 : vector<16xf32>
      %get3A_1606 = arith.constant 0 : i32
      %get3A_1607 = arith.constant 43 : i32
      %get3A_1608 = arith.index_cast %get3A_1606 : i32 to index
      %get3A_1609 = arith.index_cast %get3A_1607 : i32 to index
      %get3A_1610 = arith.constant 16 : index
      %get3A_1611 = tpu.vector_load %arg6[%get3A_1608, %get3A_1609, %get3A_1610] {strides = array<i32>} : memref<2x80x64xf32, #tpu.memory_space<vmem>>, vector<1x1x16xf32>,
      %get3A_1612 = vector.shape_cast %get3A_1611 : vector<1x1x16xf32> to vector<16xf32>
      %add3A_1613 = arith.addf %add3A_1605, %get3A_1612 : vector<16xf32>
      %get3A_1614 = arith.constant 0 : i32
      %get3A_1615 = arith.constant 44 : i32
      %get3A_1616 = arith.index_cast %get3A_1614 : i32 to index
      %get3A_1617 = arith.index_cast %get3A_1615 : i32 to index
      %get3A_1618 = arith.constant 16 : index
      %get3A_1619 = tpu.vector_load %arg6[%get3A_1616, %get3A_1617, %get3A_1618] {strides = array<i32>} : memref<2x80x64xf32, #tpu.memory_space<vmem>>, vector<1x1x16xf32>,
      %get3A_1620 = vector.shape_cast %get3A_1619 : vector<1x1x16xf32> to vector<16xf32>
      %add3A_1621 = arith.addf %add3A_1613, %get3A_1620 : vector<16xf32>
      %get3A_1622 = arith.constant 0 : i32
      %get3A_1623 = arith.constant 45 : i32
      %get3A_1624 = arith.index_cast %get3A_1622 : i32 to index
      %get3A_1625 = arith.index_cast %get3A_1623 : i32 to index
      %get3A_1626 = arith.constant 16 : index
      %get3A_1627 = tpu.vector_load %arg6[%get3A_1624, %get3A_1625, %get3A_1626] {strides = array<i32>} : memref<2x80x64xf32, #tpu.memory_space<vmem>>, vector<1x1x16xf32>,
      %get3A_1628 = vector.shape_cast %get3A_1627 : vector<1x1x16xf32> to vector<16xf32>
      %add3A_1629 = arith.addf %add3A_1621, %get3A_1628 : vector<16xf32>
      %get3A_1630 = arith.constant 0 : i32
      %get3A_1631 = arith.constant 46 : i32
      %get3A_1632 = arith.index_cast %get3A_1630 : i32 to index
      %get3A_1633 = arith.index_cast %get3A_1631 : i32 to index
      %get3A_1634 = arith.constant 16 : index
      %get3A_1635 = tpu.vector_load %arg6[%get3A_1632, %get3A_1633, %get3A_1634] {strides = array<i32>} : memref<2x80x64xf32, #tpu.memory_space<vmem>>, vector<1x1x16xf32>,
      %get3A_1636 = vector.shape_cast %get3A_1635 : vector<1x1x16xf32> to vector<16xf32>
      %add3A_1637 = arith.addf %add3A_1629, %get3A_1636 : vector<16xf32>
      %get3A_1638 = arith.constant 0 : i32
      %get3A_1639 = arith.constant 47 : i32
      %get3A_1640 = arith.index_cast %get3A_1638 : i32 to index
      %get3A_1641 = arith.index_cast %get3A_1639 : i32 to index
      %get3A_1642 = arith.constant 16 : index
      %get3A_1643 = tpu.vector_load %arg6[%get3A_1640, %get3A_1641, %get3A_1642] {strides = array<i32>} : memref<2x80x64xf32, #tpu.memory_space<vmem>>, vector<1x1x16xf32>,
      %get3A_1644 = vector.shape_cast %get3A_1643 : vector<1x1x16xf32> to vector<16xf32>
      %add3A_1645 = arith.addf %add3A_1637, %get3A_1644 : vector<16xf32>
      %get3A_1646 = arith.constant 0 : i32
      %get3A_1647 = arith.constant 48 : i32
      %get3A_1648 = arith.index_cast %get3A_1646 : i32 to index
      %get3A_1649 = arith.index_cast %get3A_1647 : i32 to index
      %get3A_1650 = arith.constant 16 : index
      %get3A_1651 = tpu.vector_load %arg6[%get3A_1648, %get3A_1649, %get3A_1650] {strides = array<i32>} : memref<2x80x64xf32, #tpu.memory_space<vmem>>, vector<1x1x16xf32>,
      %get3A_1652 = vector.shape_cast %get3A_1651 : vector<1x1x16xf32> to vector<16xf32>
      %add3A_1653 = arith.addf %add3A_1645, %get3A_1652 : vector<16xf32>
      %get3A_1654 = arith.constant 0 : i32
      %get3A_1655 = arith.constant 49 : i32
      %get3A_1656 = arith.index_cast %get3A_1654 : i32 to index
      %get3A_1657 = arith.index_cast %get3A_1655 : i32 to index
      %get3A_1658 = arith.constant 16 : index
      %get3A_1659 = tpu.vector_load %arg6[%get3A_1656, %get3A_1657, %get3A_1658] {strides = array<i32>} : memref<2x80x64xf32, #tpu.memory_space<vmem>>, vector<1x1x16xf32>,
      %get3A_1660 = vector.shape_cast %get3A_1659 : vector<1x1x16xf32> to vector<16xf32>
      %add3A_1661 = arith.addf %add3A_1653, %get3A_1660 : vector<16xf32>
      %get3A_1662 = arith.constant 0 : i32
      %get3A_1663 = arith.constant 50 : i32
      %get3A_1664 = arith.index_cast %get3A_1662 : i32 to index
      %get3A_1665 = arith.index_cast %get3A_1663 : i32 to index
      %get3A_1666 = arith.constant 16 : index
      %get3A_1667 = tpu.vector_load %arg6[%get3A_1664, %get3A_1665, %get3A_1666] {strides = array<i32>} : memref<2x80x64xf32, #tpu.memory_space<vmem>>, vector<1x1x16xf32>,
      %get3A_1668 = vector.shape_cast %get3A_1667 : vector<1x1x16xf32> to vector<16xf32>
      %add3A_1669 = arith.addf %add3A_1661, %get3A_1668 : vector<16xf32>
      %get3A_1670 = arith.constant 0 : i32
      %get3A_1671 = arith.constant 51 : i32
      %get3A_1672 = arith.index_cast %get3A_1670 : i32 to index
      %get3A_1673 = arith.index_cast %get3A_1671 : i32 to index
      %get3A_1674 = arith.constant 16 : index
      %get3A_1675 = tpu.vector_load %arg6[%get3A_1672, %get3A_1673, %get3A_1674] {strides = array<i32>} : memref<2x80x64xf32, #tpu.memory_space<vmem>>, vector<1x1x16xf32>,
      %get3A_1676 = vector.shape_cast %get3A_1675 : vector<1x1x16xf32> to vector<16xf32>
      %add3A_1677 = arith.addf %add3A_1669, %get3A_1676 : vector<16xf32>
      %get3A_1678 = arith.constant 0 : i32
      %get3A_1679 = arith.constant 52 : i32
      %get3A_1680 = arith.index_cast %get3A_1678 : i32 to index
      %get3A_1681 = arith.index_cast %get3A_1679 : i32 to index
      %get3A_1682 = arith.constant 16 : index
      %get3A_1683 = tpu.vector_load %arg6[%get3A_1680, %get3A_1681, %get3A_1682] {strides = array<i32>} : memref<2x80x64xf32, #tpu.memory_space<vmem>>, vector<1x1x16xf32>,
      %get3A_1684 = vector.shape_cast %get3A_1683 : vector<1x1x16xf32> to vector<16xf32>
      %add3A_1685 = arith.addf %add3A_1677, %get3A_1684 : vector<16xf32>
      %get3A_1686 = arith.constant 0 : i32
      %get3A_1687 = arith.constant 53 : i32
      %get3A_1688 = arith.index_cast %get3A_1686 : i32 to index
      %get3A_1689 = arith.index_cast %get3A_1687 : i32 to index
      %get3A_1690 = arith.constant 16 : index
      %get3A_1691 = tpu.vector_load %arg6[%get3A_1688, %get3A_1689, %get3A_1690] {strides = array<i32>} : memref<2x80x64xf32, #tpu.memory_space<vmem>>, vector<1x1x16xf32>,
      %get3A_1692 = vector.shape_cast %get3A_1691 : vector<1x1x16xf32> to vector<16xf32>
      %add3A_1693 = arith.addf %add3A_1685, %get3A_1692 : vector<16xf32>
      %get3A_1694 = arith.constant 0 : i32
      %get3A_1695 = arith.constant 54 : i32
      %get3A_1696 = arith.index_cast %get3A_1694 : i32 to index
      %get3A_1697 = arith.index_cast %get3A_1695 : i32 to index
      %get3A_1698 = arith.constant 16 : index
      %get3A_1699 = tpu.vector_load %arg6[%get3A_1696, %get3A_1697, %get3A_1698] {strides = array<i32>} : memref<2x80x64xf32, #tpu.memory_space<vmem>>, vector<1x1x16xf32>,
      %get3A_1700 = vector.shape_cast %get3A_1699 : vector<1x1x16xf32> to vector<16xf32>
      %add3A_1701 = arith.addf %add3A_1693, %get3A_1700 : vector<16xf32>
      %get3A_1702 = arith.constant 0 : i32
      %get3A_1703 = arith.constant 55 : i32
      %get3A_1704 = arith.index_cast %get3A_1702 : i32 to index
      %get3A_1705 = arith.index_cast %get3A_1703 : i32 to index
      %get3A_1706 = arith.constant 16 : index
      %get3A_1707 = tpu.vector_load %arg6[%get3A_1704, %get3A_1705, %get3A_1706] {strides = array<i32>} : memref<2x80x64xf32, #tpu.memory_space<vmem>>, vector<1x1x16xf32>,
      %get3A_1708 = vector.shape_cast %get3A_1707 : vector<1x1x16xf32> to vector<16xf32>
      %add3A_1709 = arith.addf %add3A_1701, %get3A_1708 : vector<16xf32>
      %get3A_1710 = arith.constant 0 : i32
      %get3A_1711 = arith.constant 56 : i32
      %get3A_1712 = arith.index_cast %get3A_1710 : i32 to index
      %get3A_1713 = arith.index_cast %get3A_1711 : i32 to index
      %get3A_1714 = arith.constant 16 : index
      %get3A_1715 = tpu.vector_load %arg6[%get3A_1712, %get3A_1713, %get3A_1714] {strides = array<i32>} : memref<2x80x64xf32, #tpu.memory_space<vmem>>, vector<1x1x16xf32>,
      %get3A_1716 = vector.shape_cast %get3A_1715 : vector<1x1x16xf32> to vector<16xf32>
      %add3A_1717 = arith.addf %add3A_1709, %get3A_1716 : vector<16xf32>
      %get3A_1718 = arith.constant 0 : i32
      %get3A_1719 = arith.constant 57 : i32
      %get3A_1720 = arith.index_cast %get3A_1718 : i32 to index
      %get3A_1721 = arith.index_cast %get3A_1719 : i32 to index
      %get3A_1722 = arith.constant 16 : index
      %get3A_1723 = tpu.vector_load %arg6[%get3A_1720, %get3A_1721, %get3A_1722] {strides = array<i32>} : memref<2x80x64xf32, #tpu.memory_space<vmem>>, vector<1x1x16xf32>,
      %get3A_1724 = vector.shape_cast %get3A_1723 : vector<1x1x16xf32> to vector<16xf32>
      %add3A_1725 = arith.addf %add3A_1717, %get3A_1724 : vector<16xf32>
      %get3A_1726 = arith.constant 0 : i32
      %get3A_1727 = arith.constant 58 : i32
      %get3A_1728 = arith.index_cast %get3A_1726 : i32 to index
      %get3A_1729 = arith.index_cast %get3A_1727 : i32 to index
      %get3A_1730 = arith.constant 16 : index
      %get3A_1731 = tpu.vector_load %arg6[%get3A_1728, %get3A_1729, %get3A_1730] {strides = array<i32>} : memref<2x80x64xf32, #tpu.memory_space<vmem>>, vector<1x1x16xf32>,
      %get3A_1732 = vector.shape_cast %get3A_1731 : vector<1x1x16xf32> to vector<16xf32>
      %add3A_1733 = arith.addf %add3A_1725, %get3A_1732 : vector<16xf32>
      %get3A_1734 = arith.constant 0 : i32
      %get3A_1735 = arith.constant 59 : i32
      %get3A_1736 = arith.index_cast %get3A_1734 : i32 to index
      %get3A_1737 = arith.index_cast %get3A_1735 : i32 to index
      %get3A_1738 = arith.constant 16 : index
      %get3A_1739 = tpu.vector_load %arg6[%get3A_1736, %get3A_1737, %get3A_1738] {strides = array<i32>} : memref<2x80x64xf32, #tpu.memory_space<vmem>>, vector<1x1x16xf32>,
      %get3A_1740 = vector.shape_cast %get3A_1739 : vector<1x1x16xf32> to vector<16xf32>
      %add3A_1741 = arith.addf %add3A_1733, %get3A_1740 : vector<16xf32>
      %mul3A_1742 = arith.constant 5.000000e-02 : f32
      %mul3A_1743 = vector.broadcast %mul3A_1742 : f32 to vector<16xf32>
      %mul3A_1744 = arith.mulf %add3A_1741, %mul3A_1743 : vector<16xf32>
      %mul3A_1745 = arith.constant 4 : i32
      %mul3A_1746 = arith.muli %add3A_35, %mul3A_1745 : i32
      %add3A_1747 = arith.constant 2 : i32
      %add3A_1748 = arith.addi %mul3A_1746, %add3A_1747 : i32
      %swap3A_1749 = arith.index_cast %add3A_1748 : i32 to index
      %swap3A_1750 = arith.constant 16 : index
      %swap3A_1751 = tpu.vector_load %arg7[%swap3A_1749, %swap3A_1750] {strides = array<i32>} : memref<128x64xf32, #tpu.memory_space<vmem>>, vector<1x16xf32>,
      %swap3A_1752 = vector.shape_cast %swap3A_1751 : vector<1x16xf32> to vector<16xf32>
      %swap3A_1753 = vector.shape_cast %mul3A_1744 : vector<16xf32> to vector<1x16xf32>
      tpu.vector_store %arg7[%swap3A_1749, %swap3A_1750], %swap3A_1753 {strides = array<i32>} : memref<128x64xf32, #tpu.memory_space<vmem>>, vector<1x16xf32>,
      %get3A_1754 = arith.constant 0 : i32
      %get3A_1755 = arith.constant 40 : i32
      %get3A_1756 = arith.index_cast %get3A_1754 : i32 to index
      %get3A_1757 = arith.index_cast %get3A_1755 : i32 to index
      %get3A_1758 = arith.constant 32 : index
      %get3A_1759 = tpu.vector_load %arg6[%get3A_1756, %get3A_1757, %get3A_1758] {strides = array<i32>} : memref<2x80x64xf32, #tpu.memory_space<vmem>>, vector<1x1x16xf32>,
      %get3A_1760 = vector.shape_cast %get3A_1759 : vector<1x1x16xf32> to vector<16xf32>
      %get3A_1761 = arith.constant 0 : i32
      %get3A_1762 = arith.constant 41 : i32
      %get3A_1763 = arith.index_cast %get3A_1761 : i32 to index
      %get3A_1764 = arith.index_cast %get3A_1762 : i32 to index
      %get3A_1765 = arith.constant 32 : index
      %get3A_1766 = tpu.vector_load %arg6[%get3A_1763, %get3A_1764, %get3A_1765] {strides = array<i32>} : memref<2x80x64xf32, #tpu.memory_space<vmem>>, vector<1x1x16xf32>,
      %get3A_1767 = vector.shape_cast %get3A_1766 : vector<1x1x16xf32> to vector<16xf32>
      %add3A_1768 = arith.addf %get3A_1760, %get3A_1767 : vector<16xf32>
      %get3A_1769 = arith.constant 0 : i32
      %get3A_1770 = arith.constant 42 : i32
      %get3A_1771 = arith.index_cast %get3A_1769 : i32 to index
      %get3A_1772 = arith.index_cast %get3A_1770 : i32 to index
      %get3A_1773 = arith.constant 32 : index
      %get3A_1774 = tpu.vector_load %arg6[%get3A_1771, %get3A_1772, %get3A_1773] {strides = array<i32>} : memref<2x80x64xf32, #tpu.memory_space<vmem>>, vector<1x1x16xf32>,
      %get3A_1775 = vector.shape_cast %get3A_1774 : vector<1x1x16xf32> to vector<16xf32>
      %add3A_1776 = arith.addf %add3A_1768, %get3A_1775 : vector<16xf32>
      %get3A_1777 = arith.constant 0 : i32
      %get3A_1778 = arith.constant 43 : i32
      %get3A_1779 = arith.index_cast %get3A_1777 : i32 to index
      %get3A_1780 = arith.index_cast %get3A_1778 : i32 to index
      %get3A_1781 = arith.constant 32 : index
      %get3A_1782 = tpu.vector_load %arg6[%get3A_1779, %get3A_1780, %get3A_1781] {strides = array<i32>} : memref<2x80x64xf32, #tpu.memory_space<vmem>>, vector<1x1x16xf32>,
      %get3A_1783 = vector.shape_cast %get3A_1782 : vector<1x1x16xf32> to vector<16xf32>
      %add3A_1784 = arith.addf %add3A_1776, %get3A_1783 : vector<16xf32>
      %get3A_1785 = arith.constant 0 : i32
      %get3A_1786 = arith.constant 44 : i32
      %get3A_1787 = arith.index_cast %get3A_1785 : i32 to index
      %get3A_1788 = arith.index_cast %get3A_1786 : i32 to index
      %get3A_1789 = arith.constant 32 : index
      %get3A_1790 = tpu.vector_load %arg6[%get3A_1787, %get3A_1788, %get3A_1789] {strides = array<i32>} : memref<2x80x64xf32, #tpu.memory_space<vmem>>, vector<1x1x16xf32>,
      %get3A_1791 = vector.shape_cast %get3A_1790 : vector<1x1x16xf32> to vector<16xf32>
      %add3A_1792 = arith.addf %add3A_1784, %get3A_1791 : vector<16xf32>
      %get3A_1793 = arith.constant 0 : i32
      %get3A_1794 = arith.constant 45 : i32
      %get3A_1795 = arith.index_cast %get3A_1793 : i32 to index
      %get3A_1796 = arith.index_cast %get3A_1794 : i32 to index
      %get3A_1797 = arith.constant 32 : index
      %get3A_1798 = tpu.vector_load %arg6[%get3A_1795, %get3A_1796, %get3A_1797] {strides = array<i32>} : memref<2x80x64xf32, #tpu.memory_space<vmem>>, vector<1x1x16xf32>,
      %get3A_1799 = vector.shape_cast %get3A_1798 : vector<1x1x16xf32> to vector<16xf32>
      %add3A_1800 = arith.addf %add3A_1792, %get3A_1799 : vector<16xf32>
      %get3A_1801 = arith.constant 0 : i32
      %get3A_1802 = arith.constant 46 : i32
      %get3A_1803 = arith.index_cast %get3A_1801 : i32 to index
      %get3A_1804 = arith.index_cast %get3A_1802 : i32 to index
      %get3A_1805 = arith.constant 32 : index
      %get3A_1806 = tpu.vector_load %arg6[%get3A_1803, %get3A_1804, %get3A_1805] {strides = array<i32>} : memref<2x80x64xf32, #tpu.memory_space<vmem>>, vector<1x1x16xf32>,
      %get3A_1807 = vector.shape_cast %get3A_1806 : vector<1x1x16xf32> to vector<16xf32>
      %add3A_1808 = arith.addf %add3A_1800, %get3A_1807 : vector<16xf32>
      %get3A_1809 = arith.constant 0 : i32
      %get3A_1810 = arith.constant 47 : i32
      %get3A_1811 = arith.index_cast %get3A_1809 : i32 to index
      %get3A_1812 = arith.index_cast %get3A_1810 : i32 to index
      %get3A_1813 = arith.constant 32 : index
      %get3A_1814 = tpu.vector_load %arg6[%get3A_1811, %get3A_1812, %get3A_1813] {strides = array<i32>} : memref<2x80x64xf32, #tpu.memory_space<vmem>>, vector<1x1x16xf32>,
      %get3A_1815 = vector.shape_cast %get3A_1814 : vector<1x1x16xf32> to vector<16xf32>
      %add3A_1816 = arith.addf %add3A_1808, %get3A_1815 : vector<16xf32>
      %get3A_1817 = arith.constant 0 : i32
      %get3A_1818 = arith.constant 48 : i32
      %get3A_1819 = arith.index_cast %get3A_1817 : i32 to index
      %get3A_1820 = arith.index_cast %get3A_1818 : i32 to index
      %get3A_1821 = arith.constant 32 : index
      %get3A_1822 = tpu.vector_load %arg6[%get3A_1819, %get3A_1820, %get3A_1821] {strides = array<i32>} : memref<2x80x64xf32, #tpu.memory_space<vmem>>, vector<1x1x16xf32>,
      %get3A_1823 = vector.shape_cast %get3A_1822 : vector<1x1x16xf32> to vector<16xf32>
      %add3A_1824 = arith.addf %add3A_1816, %get3A_1823 : vector<16xf32>
      %get3A_1825 = arith.constant 0 : i32
      %get3A_1826 = arith.constant 49 : i32
      %get3A_1827 = arith.index_cast %get3A_1825 : i32 to index
      %get3A_1828 = arith.index_cast %get3A_1826 : i32 to index
      %get3A_1829 = arith.constant 32 : index
      %get3A_1830 = tpu.vector_load %arg6[%get3A_1827, %get3A_1828, %get3A_1829] {strides = array<i32>} : memref<2x80x64xf32, #tpu.memory_space<vmem>>, vector<1x1x16xf32>,
      %get3A_1831 = vector.shape_cast %get3A_1830 : vector<1x1x16xf32> to vector<16xf32>
      %add3A_1832 = arith.addf %add3A_1824, %get3A_1831 : vector<16xf32>
      %get3A_1833 = arith.constant 0 : i32
      %get3A_1834 = arith.constant 50 : i32
      %get3A_1835 = arith.index_cast %get3A_1833 : i32 to index
      %get3A_1836 = arith.index_cast %get3A_1834 : i32 to index
      %get3A_1837 = arith.constant 32 : index
      %get3A_1838 = tpu.vector_load %arg6[%get3A_1835, %get3A_1836, %get3A_1837] {strides = array<i32>} : memref<2x80x64xf32, #tpu.memory_space<vmem>>, vector<1x1x16xf32>,
      %get3A_1839 = vector.shape_cast %get3A_1838 : vector<1x1x16xf32> to vector<16xf32>
      %add3A_1840 = arith.addf %add3A_1832, %get3A_1839 : vector<16xf32>
      %get3A_1841 = arith.constant 0 : i32
      %get3A_1842 = arith.constant 51 : i32
      %get3A_1843 = arith.index_cast %get3A_1841 : i32 to index
      %get3A_1844 = arith.index_cast %get3A_1842 : i32 to index
      %get3A_1845 = arith.constant 32 : index
      %get3A_1846 = tpu.vector_load %arg6[%get3A_1843, %get3A_1844, %get3A_1845] {strides = array<i32>} : memref<2x80x64xf32, #tpu.memory_space<vmem>>, vector<1x1x16xf32>,
      %get3A_1847 = vector.shape_cast %get3A_1846 : vector<1x1x16xf32> to vector<16xf32>
      %add3A_1848 = arith.addf %add3A_1840, %get3A_1847 : vector<16xf32>
      %get3A_1849 = arith.constant 0 : i32
      %get3A_1850 = arith.constant 52 : i32
      %get3A_1851 = arith.index_cast %get3A_1849 : i32 to index
      %get3A_1852 = arith.index_cast %get3A_1850 : i32 to index
      %get3A_1853 = arith.constant 32 : index
      %get3A_1854 = tpu.vector_load %arg6[%get3A_1851, %get3A_1852, %get3A_1853] {strides = array<i32>} : memref<2x80x64xf32, #tpu.memory_space<vmem>>, vector<1x1x16xf32>,
      %get3A_1855 = vector.shape_cast %get3A_1854 : vector<1x1x16xf32> to vector<16xf32>
      %add3A_1856 = arith.addf %add3A_1848, %get3A_1855 : vector<16xf32>
      %get3A_1857 = arith.constant 0 : i32
      %get3A_1858 = arith.constant 53 : i32
      %get3A_1859 = arith.index_cast %get3A_1857 : i32 to index
      %get3A_1860 = arith.index_cast %get3A_1858 : i32 to index
      %get3A_1861 = arith.constant 32 : index
      %get3A_1862 = tpu.vector_load %arg6[%get3A_1859, %get3A_1860, %get3A_1861] {strides = array<i32>} : memref<2x80x64xf32, #tpu.memory_space<vmem>>, vector<1x1x16xf32>,
      %get3A_1863 = vector.shape_cast %get3A_1862 : vector<1x1x16xf32> to vector<16xf32>
      %add3A_1864 = arith.addf %add3A_1856, %get3A_1863 : vector<16xf32>
      %get3A_1865 = arith.constant 0 : i32
      %get3A_1866 = arith.constant 54 : i32
      %get3A_1867 = arith.index_cast %get3A_1865 : i32 to index
      %get3A_1868 = arith.index_cast %get3A_1866 : i32 to index
      %get3A_1869 = arith.constant 32 : index
      %get3A_1870 = tpu.vector_load %arg6[%get3A_1867, %get3A_1868, %get3A_1869] {strides = array<i32>} : memref<2x80x64xf32, #tpu.memory_space<vmem>>, vector<1x1x16xf32>,
      %get3A_1871 = vector.shape_cast %get3A_1870 : vector<1x1x16xf32> to vector<16xf32>
      %add3A_1872 = arith.addf %add3A_1864, %get3A_1871 : vector<16xf32>
      %get3A_1873 = arith.constant 0 : i32
      %get3A_1874 = arith.constant 55 : i32
      %get3A_1875 = arith.index_cast %get3A_1873 : i32 to index
      %get3A_1876 = arith.index_cast %get3A_1874 : i32 to index
      %get3A_1877 = arith.constant 32 : index
      %get3A_1878 = tpu.vector_load %arg6[%get3A_1875, %get3A_1876, %get3A_1877] {strides = array<i32>} : memref<2x80x64xf32, #tpu.memory_space<vmem>>, vector<1x1x16xf32>,
      %get3A_1879 = vector.shape_cast %get3A_1878 : vector<1x1x16xf32> to vector<16xf32>
      %add3A_1880 = arith.addf %add3A_1872, %get3A_1879 : vector<16xf32>
      %get3A_1881 = arith.constant 0 : i32
      %get3A_1882 = arith.constant 56 : i32
      %get3A_1883 = arith.index_cast %get3A_1881 : i32 to index
      %get3A_1884 = arith.index_cast %get3A_1882 : i32 to index
      %get3A_1885 = arith.constant 32 : index
      %get3A_1886 = tpu.vector_load %arg6[%get3A_1883, %get3A_1884, %get3A_1885] {strides = array<i32>} : memref<2x80x64xf32, #tpu.memory_space<vmem>>, vector<1x1x16xf32>,
      %get3A_1887 = vector.shape_cast %get3A_1886 : vector<1x1x16xf32> to vector<16xf32>
      %add3A_1888 = arith.addf %add3A_1880, %get3A_1887 : vector<16xf32>
      %get3A_1889 = arith.constant 0 : i32
      %get3A_1890 = arith.constant 57 : i32
      %get3A_1891 = arith.index_cast %get3A_1889 : i32 to index
      %get3A_1892 = arith.index_cast %get3A_1890 : i32 to index
      %get3A_1893 = arith.constant 32 : index
      %get3A_1894 = tpu.vector_load %arg6[%get3A_1891, %get3A_1892, %get3A_1893] {strides = array<i32>} : memref<2x80x64xf32, #tpu.memory_space<vmem>>, vector<1x1x16xf32>,
      %get3A_1895 = vector.shape_cast %get3A_1894 : vector<1x1x16xf32> to vector<16xf32>
      %add3A_1896 = arith.addf %add3A_1888, %get3A_1895 : vector<16xf32>
      %get3A_1897 = arith.constant 0 : i32
      %get3A_1898 = arith.constant 58 : i32
      %get3A_1899 = arith.index_cast %get3A_1897 : i32 to index
      %get3A_1900 = arith.index_cast %get3A_1898 : i32 to index
      %get3A_1901 = arith.constant 32 : index
      %get3A_1902 = tpu.vector_load %arg6[%get3A_1899, %get3A_1900, %get3A_1901] {strides = array<i32>} : memref<2x80x64xf32, #tpu.memory_space<vmem>>, vector<1x1x16xf32>,
      %get3A_1903 = vector.shape_cast %get3A_1902 : vector<1x1x16xf32> to vector<16xf32>
      %add3A_1904 = arith.addf %add3A_1896, %get3A_1903 : vector<16xf32>
      %get3A_1905 = arith.constant 0 : i32
      %get3A_1906 = arith.constant 59 : i32
      %get3A_1907 = arith.index_cast %get3A_1905 : i32 to index
      %get3A_1908 = arith.index_cast %get3A_1906 : i32 to index
      %get3A_1909 = arith.constant 32 : index
      %get3A_1910 = tpu.vector_load %arg6[%get3A_1907, %get3A_1908, %get3A_1909] {strides = array<i32>} : memref<2x80x64xf32, #tpu.memory_space<vmem>>, vector<1x1x16xf32>,
      %get3A_1911 = vector.shape_cast %get3A_1910 : vector<1x1x16xf32> to vector<16xf32>
      %add3A_1912 = arith.addf %add3A_1904, %get3A_1911 : vector<16xf32>
      %mul3A_1913 = arith.constant 5.000000e-02 : f32
      %mul3A_1914 = vector.broadcast %mul3A_1913 : f32 to vector<16xf32>
      %mul3A_1915 = arith.mulf %add3A_1912, %mul3A_1914 : vector<16xf32>
      %mul3A_1916 = arith.constant 4 : i32
      %mul3A_1917 = arith.muli %add3A_35, %mul3A_1916 : i32
      %add3A_1918 = arith.constant 2 : i32
      %add3A_1919 = arith.addi %mul3A_1917, %add3A_1918 : i32
      %swap3A_1920 = arith.index_cast %add3A_1919 : i32 to index
      %swap3A_1921 = arith.constant 32 : index
      %swap3A_1922 = tpu.vector_load %arg7[%swap3A_1920, %swap3A_1921] {strides = array<i32>} : memref<128x64xf32, #tpu.memory_space<vmem>>, vector<1x16xf32>,
      %swap3A_1923 = vector.shape_cast %swap3A_1922 : vector<1x16xf32> to vector<16xf32>
      %swap3A_1924 = vector.shape_cast %mul3A_1915 : vector<16xf32> to vector<1x16xf32>
      tpu.vector_store %arg7[%swap3A_1920, %swap3A_1921], %swap3A_1924 {strides = array<i32>} : memref<128x64xf32, #tpu.memory_space<vmem>>, vector<1x16xf32>,
      %get3A_1925 = arith.constant 0 : i32
      %get3A_1926 = arith.constant 40 : i32
      %get3A_1927 = arith.index_cast %get3A_1925 : i32 to index
      %get3A_1928 = arith.index_cast %get3A_1926 : i32 to index
      %get3A_1929 = arith.constant 48 : index
      %get3A_1930 = tpu.vector_load %arg6[%get3A_1927, %get3A_1928, %get3A_1929] {strides = array<i32>} : memref<2x80x64xf32, #tpu.memory_space<vmem>>, vector<1x1x16xf32>,
      %get3A_1931 = vector.shape_cast %get3A_1930 : vector<1x1x16xf32> to vector<16xf32>
      %get3A_1932 = arith.constant 0 : i32
      %get3A_1933 = arith.constant 41 : i32
      %get3A_1934 = arith.index_cast %get3A_1932 : i32 to index
      %get3A_1935 = arith.index_cast %get3A_1933 : i32 to index
      %get3A_1936 = arith.constant 48 : index
      %get3A_1937 = tpu.vector_load %arg6[%get3A_1934, %get3A_1935, %get3A_1936] {strides = array<i32>} : memref<2x80x64xf32, #tpu.memory_space<vmem>>, vector<1x1x16xf32>,
      %get3A_1938 = vector.shape_cast %get3A_1937 : vector<1x1x16xf32> to vector<16xf32>
      %add3A_1939 = arith.addf %get3A_1931, %get3A_1938 : vector<16xf32>
      %get3A_1940 = arith.constant 0 : i32
      %get3A_1941 = arith.constant 42 : i32
      %get3A_1942 = arith.index_cast %get3A_1940 : i32 to index
      %get3A_1943 = arith.index_cast %get3A_1941 : i32 to index
      %get3A_1944 = arith.constant 48 : index
      %get3A_1945 = tpu.vector_load %arg6[%get3A_1942, %get3A_1943, %get3A_1944] {strides = array<i32>} : memref<2x80x64xf32, #tpu.memory_space<vmem>>, vector<1x1x16xf32>,
      %get3A_1946 = vector.shape_cast %get3A_1945 : vector<1x1x16xf32> to vector<16xf32>
      %add3A_1947 = arith.addf %add3A_1939, %get3A_1946 : vector<16xf32>
      %get3A_1948 = arith.constant 0 : i32
      %get3A_1949 = arith.constant 43 : i32
      %get3A_1950 = arith.index_cast %get3A_1948 : i32 to index
      %get3A_1951 = arith.index_cast %get3A_1949 : i32 to index
      %get3A_1952 = arith.constant 48 : index
      %get3A_1953 = tpu.vector_load %arg6[%get3A_1950, %get3A_1951, %get3A_1952] {strides = array<i32>} : memref<2x80x64xf32, #tpu.memory_space<vmem>>, vector<1x1x16xf32>,
      %get3A_1954 = vector.shape_cast %get3A_1953 : vector<1x1x16xf32> to vector<16xf32>
      %add3A_1955 = arith.addf %add3A_1947, %get3A_1954 : vector<16xf32>
      %get3A_1956 = arith.constant 0 : i32
      %get3A_1957 = arith.constant 44 : i32
      %get3A_1958 = arith.index_cast %get3A_1956 : i32 to index
      %get3A_1959 = arith.index_cast %get3A_1957 : i32 to index
      %get3A_1960 = arith.constant 48 : index
      %get3A_1961 = tpu.vector_load %arg6[%get3A_1958, %get3A_1959, %get3A_1960] {strides = array<i32>} : memref<2x80x64xf32, #tpu.memory_space<vmem>>, vector<1x1x16xf32>,
      %get3A_1962 = vector.shape_cast %get3A_1961 : vector<1x1x16xf32> to vector<16xf32>
      %add3A_1963 = arith.addf %add3A_1955, %get3A_1962 : vector<16xf32>
      %get3A_1964 = arith.constant 0 : i32
      %get3A_1965 = arith.constant 45 : i32
      %get3A_1966 = arith.index_cast %get3A_1964 : i32 to index
      %get3A_1967 = arith.index_cast %get3A_1965 : i32 to index
      %get3A_1968 = arith.constant 48 : index
      %get3A_1969 = tpu.vector_load %arg6[%get3A_1966, %get3A_1967, %get3A_1968] {strides = array<i32>} : memref<2x80x64xf32, #tpu.memory_space<vmem>>, vector<1x1x16xf32>,
      %get3A_1970 = vector.shape_cast %get3A_1969 : vector<1x1x16xf32> to vector<16xf32>
      %add3A_1971 = arith.addf %add3A_1963, %get3A_1970 : vector<16xf32>
      %get3A_1972 = arith.constant 0 : i32
      %get3A_1973 = arith.constant 46 : i32
      %get3A_1974 = arith.index_cast %get3A_1972 : i32 to index
      %get3A_1975 = arith.index_cast %get3A_1973 : i32 to index
      %get3A_1976 = arith.constant 48 : index
      %get3A_1977 = tpu.vector_load %arg6[%get3A_1974, %get3A_1975, %get3A_1976] {strides = array<i32>} : memref<2x80x64xf32, #tpu.memory_space<vmem>>, vector<1x1x16xf32>,
      %get3A_1978 = vector.shape_cast %get3A_1977 : vector<1x1x16xf32> to vector<16xf32>
      %add3A_1979 = arith.addf %add3A_1971, %get3A_1978 : vector<16xf32>
      %get3A_1980 = arith.constant 0 : i32
      %get3A_1981 = arith.constant 47 : i32
      %get3A_1982 = arith.index_cast %get3A_1980 : i32 to index
      %get3A_1983 = arith.index_cast %get3A_1981 : i32 to index
      %get3A_1984 = arith.constant 48 : index
      %get3A_1985 = tpu.vector_load %arg6[%get3A_1982, %get3A_1983, %get3A_1984] {strides = array<i32>} : memref<2x80x64xf32, #tpu.memory_space<vmem>>, vector<1x1x16xf32>,
      %get3A_1986 = vector.shape_cast %get3A_1985 : vector<1x1x16xf32> to vector<16xf32>
      %add3A_1987 = arith.addf %add3A_1979, %get3A_1986 : vector<16xf32>
      %get3A_1988 = arith.constant 0 : i32
      %get3A_1989 = arith.constant 48 : i32
      %get3A_1990 = arith.index_cast %get3A_1988 : i32 to index
      %get3A_1991 = arith.index_cast %get3A_1989 : i32 to index
      %get3A_1992 = arith.constant 48 : index
      %get3A_1993 = tpu.vector_load %arg6[%get3A_1990, %get3A_1991, %get3A_1992] {strides = array<i32>} : memref<2x80x64xf32, #tpu.memory_space<vmem>>, vector<1x1x16xf32>,
      %get3A_1994 = vector.shape_cast %get3A_1993 : vector<1x1x16xf32> to vector<16xf32>
      %add3A_1995 = arith.addf %add3A_1987, %get3A_1994 : vector<16xf32>
      %get3A_1996 = arith.constant 0 : i32
      %get3A_1997 = arith.constant 49 : i32
      %get3A_1998 = arith.index_cast %get3A_1996 : i32 to index
      %get3A_1999 = arith.index_cast %get3A_1997 : i32 to index
      %get3A_2000 = arith.constant 48 : index
      %get3A_2001 = tpu.vector_load %arg6[%get3A_1998, %get3A_1999, %get3A_2000] {strides = array<i32>} : memref<2x80x64xf32, #tpu.memory_space<vmem>>, vector<1x1x16xf32>,
      %get3A_2002 = vector.shape_cast %get3A_2001 : vector<1x1x16xf32> to vector<16xf32>
      %add3A_2003 = arith.addf %add3A_1995, %get3A_2002 : vector<16xf32>
      %get3A_2004 = arith.constant 0 : i32
      %get3A_2005 = arith.constant 50 : i32
      %get3A_2006 = arith.index_cast %get3A_2004 : i32 to index
      %get3A_2007 = arith.index_cast %get3A_2005 : i32 to index
      %get3A_2008 = arith.constant 48 : index
      %get3A_2009 = tpu.vector_load %arg6[%get3A_2006, %get3A_2007, %get3A_2008] {strides = array<i32>} : memref<2x80x64xf32, #tpu.memory_space<vmem>>, vector<1x1x16xf32>,
      %get3A_2010 = vector.shape_cast %get3A_2009 : vector<1x1x16xf32> to vector<16xf32>
      %add3A_2011 = arith.addf %add3A_2003, %get3A_2010 : vector<16xf32>
      %get3A_2012 = arith.constant 0 : i32
      %get3A_2013 = arith.constant 51 : i32
      %get3A_2014 = arith.index_cast %get3A_2012 : i32 to index
      %get3A_2015 = arith.index_cast %get3A_2013 : i32 to index
      %get3A_2016 = arith.constant 48 : index
      %get3A_2017 = tpu.vector_load %arg6[%get3A_2014, %get3A_2015, %get3A_2016] {strides = array<i32>} : memref<2x80x64xf32, #tpu.memory_space<vmem>>, vector<1x1x16xf32>,
      %get3A_2018 = vector.shape_cast %get3A_2017 : vector<1x1x16xf32> to vector<16xf32>
      %add3A_2019 = arith.addf %add3A_2011, %get3A_2018 : vector<16xf32>
      %get3A_2020 = arith.constant 0 : i32
      %get3A_2021 = arith.constant 52 : i32
      %get3A_2022 = arith.index_cast %get3A_2020 : i32 to index
      %get3A_2023 = arith.index_cast %get3A_2021 : i32 to index
      %get3A_2024 = arith.constant 48 : index
      %get3A_2025 = tpu.vector_load %arg6[%get3A_2022, %get3A_2023, %get3A_2024] {strides = array<i32>} : memref<2x80x64xf32, #tpu.memory_space<vmem>>, vector<1x1x16xf32>,
      %get3A_2026 = vector.shape_cast %get3A_2025 : vector<1x1x16xf32> to vector<16xf32>
      %add3A_2027 = arith.addf %add3A_2019, %get3A_2026 : vector<16xf32>
      %get3A_2028 = arith.constant 0 : i32
      %get3A_2029 = arith.constant 53 : i32
      %get3A_2030 = arith.index_cast %get3A_2028 : i32 to index
      %get3A_2031 = arith.index_cast %get3A_2029 : i32 to index
      %get3A_2032 = arith.constant 48 : index
      %get3A_2033 = tpu.vector_load %arg6[%get3A_2030, %get3A_2031, %get3A_2032] {strides = array<i32>} : memref<2x80x64xf32, #tpu.memory_space<vmem>>, vector<1x1x16xf32>,
      %get3A_2034 = vector.shape_cast %get3A_2033 : vector<1x1x16xf32> to vector<16xf32>
      %add3A_2035 = arith.addf %add3A_2027, %get3A_2034 : vector<16xf32>
      %get3A_2036 = arith.constant 0 : i32
      %get3A_2037 = arith.constant 54 : i32
      %get3A_2038 = arith.index_cast %get3A_2036 : i32 to index
      %get3A_2039 = arith.index_cast %get3A_2037 : i32 to index
      %get3A_2040 = arith.constant 48 : index
      %get3A_2041 = tpu.vector_load %arg6[%get3A_2038, %get3A_2039, %get3A_2040] {strides = array<i32>} : memref<2x80x64xf32, #tpu.memory_space<vmem>>, vector<1x1x16xf32>,
      %get3A_2042 = vector.shape_cast %get3A_2041 : vector<1x1x16xf32> to vector<16xf32>
      %add3A_2043 = arith.addf %add3A_2035, %get3A_2042 : vector<16xf32>
      %get3A_2044 = arith.constant 0 : i32
      %get3A_2045 = arith.constant 55 : i32
      %get3A_2046 = arith.index_cast %get3A_2044 : i32 to index
      %get3A_2047 = arith.index_cast %get3A_2045 : i32 to index
      %get3A_2048 = arith.constant 48 : index
      %get3A_2049 = tpu.vector_load %arg6[%get3A_2046, %get3A_2047, %get3A_2048] {strides = array<i32>} : memref<2x80x64xf32, #tpu.memory_space<vmem>>, vector<1x1x16xf32>,
      %get3A_2050 = vector.shape_cast %get3A_2049 : vector<1x1x16xf32> to vector<16xf32>
      %add3A_2051 = arith.addf %add3A_2043, %get3A_2050 : vector<16xf32>
      %get3A_2052 = arith.constant 0 : i32
      %get3A_2053 = arith.constant 56 : i32
      %get3A_2054 = arith.index_cast %get3A_2052 : i32 to index
      %get3A_2055 = arith.index_cast %get3A_2053 : i32 to index
      %get3A_2056 = arith.constant 48 : index
      %get3A_2057 = tpu.vector_load %arg6[%get3A_2054, %get3A_2055, %get3A_2056] {strides = array<i32>} : memref<2x80x64xf32, #tpu.memory_space<vmem>>, vector<1x1x16xf32>,
      %get3A_2058 = vector.shape_cast %get3A_2057 : vector<1x1x16xf32> to vector<16xf32>
      %add3A_2059 = arith.addf %add3A_2051, %get3A_2058 : vector<16xf32>
      %get3A_2060 = arith.constant 0 : i32
      %get3A_2061 = arith.constant 57 : i32
      %get3A_2062 = arith.index_cast %get3A_2060 : i32 to index
      %get3A_2063 = arith.index_cast %get3A_2061 : i32 to index
      %get3A_2064 = arith.constant 48 : index
      %get3A_2065 = tpu.vector_load %arg6[%get3A_2062, %get3A_2063, %get3A_2064] {strides = array<i32>} : memref<2x80x64xf32, #tpu.memory_space<vmem>>, vector<1x1x16xf32>,
      %get3A_2066 = vector.shape_cast %get3A_2065 : vector<1x1x16xf32> to vector<16xf32>
      %add3A_2067 = arith.addf %add3A_2059, %get3A_2066 : vector<16xf32>
      %get3A_2068 = arith.constant 0 : i32
      %get3A_2069 = arith.constant 58 : i32
      %get3A_2070 = arith.index_cast %get3A_2068 : i32 to index
      %get3A_2071 = arith.index_cast %get3A_2069 : i32 to index
      %get3A_2072 = arith.constant 48 : index
      %get3A_2073 = tpu.vector_load %arg6[%get3A_2070, %get3A_2071, %get3A_2072] {strides = array<i32>} : memref<2x80x64xf32, #tpu.memory_space<vmem>>, vector<1x1x16xf32>,
      %get3A_2074 = vector.shape_cast %get3A_2073 : vector<1x1x16xf32> to vector<16xf32>
      %add3A_2075 = arith.addf %add3A_2067, %get3A_2074 : vector<16xf32>
      %get3A_2076 = arith.constant 0 : i32
      %get3A_2077 = arith.constant 59 : i32
      %get3A_2078 = arith.index_cast %get3A_2076 : i32 to index
      %get3A_2079 = arith.index_cast %get3A_2077 : i32 to index
      %get3A_2080 = arith.constant 48 : index
      %get3A_2081 = tpu.vector_load %arg6[%get3A_2078, %get3A_2079, %get3A_2080] {strides = array<i32>} : memref<2x80x64xf32, #tpu.memory_space<vmem>>, vector<1x1x16xf32>,
      %get3A_2082 = vector.shape_cast %get3A_2081 : vector<1x1x16xf32> to vector<16xf32>
      %add3A_2083 = arith.addf %add3A_2075, %get3A_2082 : vector<16xf32>
      %mul3A_2084 = arith.constant 5.000000e-02 : f32
      %mul3A_2085 = vector.broadcast %mul3A_2084 : f32 to vector<16xf32>
      %mul3A_2086 = arith.mulf %add3A_2083, %mul3A_2085 : vector<16xf32>
      %mul3A_2087 = arith.constant 4 : i32
      %mul3A_2088 = arith.muli %add3A_35, %mul3A_2087 : i32
      %add3A_2089 = arith.constant 2 : i32
      %add3A_2090 = arith.addi %mul3A_2088, %add3A_2089 : i32
      %swap3A_2091 = arith.index_cast %add3A_2090 : i32 to index
      %swap3A_2092 = arith.constant 48 : index
      %swap3A_2093 = tpu.vector_load %arg7[%swap3A_2091, %swap3A_2092] {strides = array<i32>} : memref<128x64xf32, #tpu.memory_space<vmem>>, vector<1x16xf32>,
      %swap3A_2094 = vector.shape_cast %swap3A_2093 : vector<1x16xf32> to vector<16xf32>
      %swap3A_2095 = vector.shape_cast %mul3A_2086 : vector<16xf32> to vector<1x16xf32>
      tpu.vector_store %arg7[%swap3A_2091, %swap3A_2092], %swap3A_2095 {strides = array<i32>} : memref<128x64xf32, #tpu.memory_space<vmem>>, vector<1x16xf32>,
      %get3A_2096 = arith.constant 0 : i32
      %get3A_2097 = arith.constant 60 : i32
      %get3A_2098 = arith.index_cast %get3A_2096 : i32 to index
      %get3A_2099 = arith.index_cast %get3A_2097 : i32 to index
      %get3A_2100 = arith.constant 0 : index
      %get3A_2101 = tpu.vector_load %arg6[%get3A_2098, %get3A_2099, %get3A_2100] {strides = array<i32>} : memref<2x80x64xf32, #tpu.memory_space<vmem>>, vector<1x1x16xf32>,
      %get3A_2102 = vector.shape_cast %get3A_2101 : vector<1x1x16xf32> to vector<16xf32>
      %get3A_2103 = arith.constant 0 : i32
      %get3A_2104 = arith.constant 61 : i32
      %get3A_2105 = arith.index_cast %get3A_2103 : i32 to index
      %get3A_2106 = arith.index_cast %get3A_2104 : i32 to index
      %get3A_2107 = arith.constant 0 : index
      %get3A_2108 = tpu.vector_load %arg6[%get3A_2105, %get3A_2106, %get3A_2107] {strides = array<i32>} : memref<2x80x64xf32, #tpu.memory_space<vmem>>, vector<1x1x16xf32>,
      %get3A_2109 = vector.shape_cast %get3A_2108 : vector<1x1x16xf32> to vector<16xf32>
      %add3A_2110 = arith.addf %get3A_2102, %get3A_2109 : vector<16xf32>
      %get3A_2111 = arith.constant 0 : i32
      %get3A_2112 = arith.constant 62 : i32
      %get3A_2113 = arith.index_cast %get3A_2111 : i32 to index
      %get3A_2114 = arith.index_cast %get3A_2112 : i32 to index
      %get3A_2115 = arith.constant 0 : index
      %get3A_2116 = tpu.vector_load %arg6[%get3A_2113, %get3A_2114, %get3A_2115] {strides = array<i32>} : memref<2x80x64xf32, #tpu.memory_space<vmem>>, vector<1x1x16xf32>,
      %get3A_2117 = vector.shape_cast %get3A_2116 : vector<1x1x16xf32> to vector<16xf32>
      %add3A_2118 = arith.addf %add3A_2110, %get3A_2117 : vector<16xf32>
      %get3A_2119 = arith.constant 0 : i32
      %get3A_2120 = arith.constant 63 : i32
      %get3A_2121 = arith.index_cast %get3A_2119 : i32 to index
      %get3A_2122 = arith.index_cast %get3A_2120 : i32 to index
      %get3A_2123 = arith.constant 0 : index
      %get3A_2124 = tpu.vector_load %arg6[%get3A_2121, %get3A_2122, %get3A_2123] {strides = array<i32>} : memref<2x80x64xf32, #tpu.memory_space<vmem>>, vector<1x1x16xf32>,
      %get3A_2125 = vector.shape_cast %get3A_2124 : vector<1x1x16xf32> to vector<16xf32>
      %add3A_2126 = arith.addf %add3A_2118, %get3A_2125 : vector<16xf32>
      %get3A_2127 = arith.constant 0 : i32
      %get3A_2128 = arith.constant 64 : i32
      %get3A_2129 = arith.index_cast %get3A_2127 : i32 to index
      %get3A_2130 = arith.index_cast %get3A_2128 : i32 to index
      %get3A_2131 = arith.constant 0 : index
      %get3A_2132 = tpu.vector_load %arg6[%get3A_2129, %get3A_2130, %get3A_2131] {strides = array<i32>} : memref<2x80x64xf32, #tpu.memory_space<vmem>>, vector<1x1x16xf32>,
      %get3A_2133 = vector.shape_cast %get3A_2132 : vector<1x1x16xf32> to vector<16xf32>
      %add3A_2134 = arith.addf %add3A_2126, %get3A_2133 : vector<16xf32>
      %get3A_2135 = arith.constant 0 : i32
      %get3A_2136 = arith.constant 65 : i32
      %get3A_2137 = arith.index_cast %get3A_2135 : i32 to index
      %get3A_2138 = arith.index_cast %get3A_2136 : i32 to index
      %get3A_2139 = arith.constant 0 : index
      %get3A_2140 = tpu.vector_load %arg6[%get3A_2137, %get3A_2138, %get3A_2139] {strides = array<i32>} : memref<2x80x64xf32, #tpu.memory_space<vmem>>, vector<1x1x16xf32>,
      %get3A_2141 = vector.shape_cast %get3A_2140 : vector<1x1x16xf32> to vector<16xf32>
      %add3A_2142 = arith.addf %add3A_2134, %get3A_2141 : vector<16xf32>
      %get3A_2143 = arith.constant 0 : i32
      %get3A_2144 = arith.constant 66 : i32
      %get3A_2145 = arith.index_cast %get3A_2143 : i32 to index
      %get3A_2146 = arith.index_cast %get3A_2144 : i32 to index
      %get3A_2147 = arith.constant 0 : index
      %get3A_2148 = tpu.vector_load %arg6[%get3A_2145, %get3A_2146, %get3A_2147] {strides = array<i32>} : memref<2x80x64xf32, #tpu.memory_space<vmem>>, vector<1x1x16xf32>,
      %get3A_2149 = vector.shape_cast %get3A_2148 : vector<1x1x16xf32> to vector<16xf32>
      %add3A_2150 = arith.addf %add3A_2142, %get3A_2149 : vector<16xf32>
      %get3A_2151 = arith.constant 0 : i32
      %get3A_2152 = arith.constant 67 : i32
      %get3A_2153 = arith.index_cast %get3A_2151 : i32 to index
      %get3A_2154 = arith.index_cast %get3A_2152 : i32 to index
      %get3A_2155 = arith.constant 0 : index
      %get3A_2156 = tpu.vector_load %arg6[%get3A_2153, %get3A_2154, %get3A_2155] {strides = array<i32>} : memref<2x80x64xf32, #tpu.memory_space<vmem>>, vector<1x1x16xf32>,
      %get3A_2157 = vector.shape_cast %get3A_2156 : vector<1x1x16xf32> to vector<16xf32>
      %add3A_2158 = arith.addf %add3A_2150, %get3A_2157 : vector<16xf32>
      %get3A_2159 = arith.constant 0 : i32
      %get3A_2160 = arith.constant 68 : i32
      %get3A_2161 = arith.index_cast %get3A_2159 : i32 to index
      %get3A_2162 = arith.index_cast %get3A_2160 : i32 to index
      %get3A_2163 = arith.constant 0 : index
      %get3A_2164 = tpu.vector_load %arg6[%get3A_2161, %get3A_2162, %get3A_2163] {strides = array<i32>} : memref<2x80x64xf32, #tpu.memory_space<vmem>>, vector<1x1x16xf32>,
      %get3A_2165 = vector.shape_cast %get3A_2164 : vector<1x1x16xf32> to vector<16xf32>
      %add3A_2166 = arith.addf %add3A_2158, %get3A_2165 : vector<16xf32>
      %get3A_2167 = arith.constant 0 : i32
      %get3A_2168 = arith.constant 69 : i32
      %get3A_2169 = arith.index_cast %get3A_2167 : i32 to index
      %get3A_2170 = arith.index_cast %get3A_2168 : i32 to index
      %get3A_2171 = arith.constant 0 : index
      %get3A_2172 = tpu.vector_load %arg6[%get3A_2169, %get3A_2170, %get3A_2171] {strides = array<i32>} : memref<2x80x64xf32, #tpu.memory_space<vmem>>, vector<1x1x16xf32>,
      %get3A_2173 = vector.shape_cast %get3A_2172 : vector<1x1x16xf32> to vector<16xf32>
      %add3A_2174 = arith.addf %add3A_2166, %get3A_2173 : vector<16xf32>
      %get3A_2175 = arith.constant 0 : i32
      %get3A_2176 = arith.constant 70 : i32
      %get3A_2177 = arith.index_cast %get3A_2175 : i32 to index
      %get3A_2178 = arith.index_cast %get3A_2176 : i32 to index
      %get3A_2179 = arith.constant 0 : index
      %get3A_2180 = tpu.vector_load %arg6[%get3A_2177, %get3A_2178, %get3A_2179] {strides = array<i32>} : memref<2x80x64xf32, #tpu.memory_space<vmem>>, vector<1x1x16xf32>,
      %get3A_2181 = vector.shape_cast %get3A_2180 : vector<1x1x16xf32> to vector<16xf32>
      %add3A_2182 = arith.addf %add3A_2174, %get3A_2181 : vector<16xf32>
      %get3A_2183 = arith.constant 0 : i32
      %get3A_2184 = arith.constant 71 : i32
      %get3A_2185 = arith.index_cast %get3A_2183 : i32 to index
      %get3A_2186 = arith.index_cast %get3A_2184 : i32 to index
      %get3A_2187 = arith.constant 0 : index
      %get3A_2188 = tpu.vector_load %arg6[%get3A_2185, %get3A_2186, %get3A_2187] {strides = array<i32>} : memref<2x80x64xf32, #tpu.memory_space<vmem>>, vector<1x1x16xf32>,
      %get3A_2189 = vector.shape_cast %get3A_2188 : vector<1x1x16xf32> to vector<16xf32>
      %add3A_2190 = arith.addf %add3A_2182, %get3A_2189 : vector<16xf32>
      %get3A_2191 = arith.constant 0 : i32
      %get3A_2192 = arith.constant 72 : i32
      %get3A_2193 = arith.index_cast %get3A_2191 : i32 to index
      %get3A_2194 = arith.index_cast %get3A_2192 : i32 to index
      %get3A_2195 = arith.constant 0 : index
      %get3A_2196 = tpu.vector_load %arg6[%get3A_2193, %get3A_2194, %get3A_2195] {strides = array<i32>} : memref<2x80x64xf32, #tpu.memory_space<vmem>>, vector<1x1x16xf32>,
      %get3A_2197 = vector.shape_cast %get3A_2196 : vector<1x1x16xf32> to vector<16xf32>
      %add3A_2198 = arith.addf %add3A_2190, %get3A_2197 : vector<16xf32>
      %get3A_2199 = arith.constant 0 : i32
      %get3A_2200 = arith.constant 73 : i32
      %get3A_2201 = arith.index_cast %get3A_2199 : i32 to index
      %get3A_2202 = arith.index_cast %get3A_2200 : i32 to index
      %get3A_2203 = arith.constant 0 : index
      %get3A_2204 = tpu.vector_load %arg6[%get3A_2201, %get3A_2202, %get3A_2203] {strides = array<i32>} : memref<2x80x64xf32, #tpu.memory_space<vmem>>, vector<1x1x16xf32>,
      %get3A_2205 = vector.shape_cast %get3A_2204 : vector<1x1x16xf32> to vector<16xf32>
      %add3A_2206 = arith.addf %add3A_2198, %get3A_2205 : vector<16xf32>
      %get3A_2207 = arith.constant 0 : i32
      %get3A_2208 = arith.constant 74 : i32
      %get3A_2209 = arith.index_cast %get3A_2207 : i32 to index
      %get3A_2210 = arith.index_cast %get3A_2208 : i32 to index
      %get3A_2211 = arith.constant 0 : index
      %get3A_2212 = tpu.vector_load %arg6[%get3A_2209, %get3A_2210, %get3A_2211] {strides = array<i32>} : memref<2x80x64xf32, #tpu.memory_space<vmem>>, vector<1x1x16xf32>,
      %get3A_2213 = vector.shape_cast %get3A_2212 : vector<1x1x16xf32> to vector<16xf32>
      %add3A_2214 = arith.addf %add3A_2206, %get3A_2213 : vector<16xf32>
      %get3A_2215 = arith.constant 0 : i32
      %get3A_2216 = arith.constant 75 : i32
      %get3A_2217 = arith.index_cast %get3A_2215 : i32 to index
      %get3A_2218 = arith.index_cast %get3A_2216 : i32 to index
      %get3A_2219 = arith.constant 0 : index
      %get3A_2220 = tpu.vector_load %arg6[%get3A_2217, %get3A_2218, %get3A_2219] {strides = array<i32>} : memref<2x80x64xf32, #tpu.memory_space<vmem>>, vector<1x1x16xf32>,
      %get3A_2221 = vector.shape_cast %get3A_2220 : vector<1x1x16xf32> to vector<16xf32>
      %add3A_2222 = arith.addf %add3A_2214, %get3A_2221 : vector<16xf32>
      %get3A_2223 = arith.constant 0 : i32
      %get3A_2224 = arith.constant 76 : i32
      %get3A_2225 = arith.index_cast %get3A_2223 : i32 to index
      %get3A_2226 = arith.index_cast %get3A_2224 : i32 to index
      %get3A_2227 = arith.constant 0 : index
      %get3A_2228 = tpu.vector_load %arg6[%get3A_2225, %get3A_2226, %get3A_2227] {strides = array<i32>} : memref<2x80x64xf32, #tpu.memory_space<vmem>>, vector<1x1x16xf32>,
      %get3A_2229 = vector.shape_cast %get3A_2228 : vector<1x1x16xf32> to vector<16xf32>
      %add3A_2230 = arith.addf %add3A_2222, %get3A_2229 : vector<16xf32>
      %get3A_2231 = arith.constant 0 : i32
      %get3A_2232 = arith.constant 77 : i32
      %get3A_2233 = arith.index_cast %get3A_2231 : i32 to index
      %get3A_2234 = arith.index_cast %get3A_2232 : i32 to index
      %get3A_2235 = arith.constant 0 : index
      %get3A_2236 = tpu.vector_load %arg6[%get3A_2233, %get3A_2234, %get3A_2235] {strides = array<i32>} : memref<2x80x64xf32, #tpu.memory_space<vmem>>, vector<1x1x16xf32>,
      %get3A_2237 = vector.shape_cast %get3A_2236 : vector<1x1x16xf32> to vector<16xf32>
      %add3A_2238 = arith.addf %add3A_2230, %get3A_2237 : vector<16xf32>
      %get3A_2239 = arith.constant 0 : i32
      %get3A_2240 = arith.constant 78 : i32
      %get3A_2241 = arith.index_cast %get3A_2239 : i32 to index
      %get3A_2242 = arith.index_cast %get3A_2240 : i32 to index
      %get3A_2243 = arith.constant 0 : index
      %get3A_2244 = tpu.vector_load %arg6[%get3A_2241, %get3A_2242, %get3A_2243] {strides = array<i32>} : memref<2x80x64xf32, #tpu.memory_space<vmem>>, vector<1x1x16xf32>,
      %get3A_2245 = vector.shape_cast %get3A_2244 : vector<1x1x16xf32> to vector<16xf32>
      %add3A_2246 = arith.addf %add3A_2238, %get3A_2245 : vector<16xf32>
      %get3A_2247 = arith.constant 0 : i32
      %get3A_2248 = arith.constant 79 : i32
      %get3A_2249 = arith.index_cast %get3A_2247 : i32 to index
      %get3A_2250 = arith.index_cast %get3A_2248 : i32 to index
      %get3A_2251 = arith.constant 0 : index
      %get3A_2252 = tpu.vector_load %arg6[%get3A_2249, %get3A_2250, %get3A_2251] {strides = array<i32>} : memref<2x80x64xf32, #tpu.memory_space<vmem>>, vector<1x1x16xf32>,
      %get3A_2253 = vector.shape_cast %get3A_2252 : vector<1x1x16xf32> to vector<16xf32>
      %add3A_2254 = arith.addf %add3A_2246, %get3A_2253 : vector<16xf32>
      %mul3A_2255 = arith.constant 5.000000e-02 : f32
      %mul3A_2256 = vector.broadcast %mul3A_2255 : f32 to vector<16xf32>
      %mul3A_2257 = arith.mulf %add3A_2254, %mul3A_2256 : vector<16xf32>
      %mul3A_2258 = arith.constant 4 : i32
      %mul3A_2259 = arith.muli %add3A_35, %mul3A_2258 : i32
      %add3A_2260 = arith.constant 3 : i32
      %add3A_2261 = arith.addi %mul3A_2259, %add3A_2260 : i32
      %swap3A_2262 = arith.index_cast %add3A_2261 : i32 to index
      %swap3A_2263 = arith.constant 0 : index
      %swap3A_2264 = tpu.vector_load %arg7[%swap3A_2262, %swap3A_2263] {strides = array<i32>} : memref<128x64xf32, #tpu.memory_space<vmem>>, vector<1x16xf32>,
      %swap3A_2265 = vector.shape_cast %swap3A_2264 : vector<1x16xf32> to vector<16xf32>
      %swap3A_2266 = vector.shape_cast %mul3A_2257 : vector<16xf32> to vector<1x16xf32>
      tpu.vector_store %arg7[%swap3A_2262, %swap3A_2263], %swap3A_2266 {strides = array<i32>} : memref<128x64xf32, #tpu.memory_space<vmem>>, vector<1x16xf32>,
      %get3A_2267 = arith.constant 0 : i32
      %get3A_2268 = arith.constant 60 : i32
      %get3A_2269 = arith.index_cast %get3A_2267 : i32 to index
      %get3A_2270 = arith.index_cast %get3A_2268 : i32 to index
      %get3A_2271 = arith.constant 16 : index
      %get3A_2272 = tpu.vector_load %arg6[%get3A_2269, %get3A_2270, %get3A_2271] {strides = array<i32>} : memref<2x80x64xf32, #tpu.memory_space<vmem>>, vector<1x1x16xf32>,
      %get3A_2273 = vector.shape_cast %get3A_2272 : vector<1x1x16xf32> to vector<16xf32>
      %get3A_2274 = arith.constant 0 : i32
      %get3A_2275 = arith.constant 61 : i32
      %get3A_2276 = arith.index_cast %get3A_2274 : i32 to index
      %get3A_2277 = arith.index_cast %get3A_2275 : i32 to index
      %get3A_2278 = arith.constant 16 : index
      %get3A_2279 = tpu.vector_load %arg6[%get3A_2276, %get3A_2277, %get3A_2278] {strides = array<i32>} : memref<2x80x64xf32, #tpu.memory_space<vmem>>, vector<1x1x16xf32>,
      %get3A_2280 = vector.shape_cast %get3A_2279 : vector<1x1x16xf32> to vector<16xf32>
      %add3A_2281 = arith.addf %get3A_2273, %get3A_2280 : vector<16xf32>
      %get3A_2282 = arith.constant 0 : i32
      %get3A_2283 = arith.constant 62 : i32
      %get3A_2284 = arith.index_cast %get3A_2282 : i32 to index
      %get3A_2285 = arith.index_cast %get3A_2283 : i32 to index
      %get3A_2286 = arith.constant 16 : index
      %get3A_2287 = tpu.vector_load %arg6[%get3A_2284, %get3A_2285, %get3A_2286] {strides = array<i32>} : memref<2x80x64xf32, #tpu.memory_space<vmem>>, vector<1x1x16xf32>,
      %get3A_2288 = vector.shape_cast %get3A_2287 : vector<1x1x16xf32> to vector<16xf32>
      %add3A_2289 = arith.addf %add3A_2281, %get3A_2288 : vector<16xf32>
      %get3A_2290 = arith.constant 0 : i32
      %get3A_2291 = arith.constant 63 : i32
      %get3A_2292 = arith.index_cast %get3A_2290 : i32 to index
      %get3A_2293 = arith.index_cast %get3A_2291 : i32 to index
      %get3A_2294 = arith.constant 16 : index
      %get3A_2295 = tpu.vector_load %arg6[%get3A_2292, %get3A_2293, %get3A_2294] {strides = array<i32>} : memref<2x80x64xf32, #tpu.memory_space<vmem>>, vector<1x1x16xf32>,
      %get3A_2296 = vector.shape_cast %get3A_2295 : vector<1x1x16xf32> to vector<16xf32>
      %add3A_2297 = arith.addf %add3A_2289, %get3A_2296 : vector<16xf32>
      %get3A_2298 = arith.constant 0 : i32
      %get3A_2299 = arith.constant 64 : i32
      %get3A_2300 = arith.index_cast %get3A_2298 : i32 to index
      %get3A_2301 = arith.index_cast %get3A_2299 : i32 to index
      %get3A_2302 = arith.constant 16 : index
      %get3A_2303 = tpu.vector_load %arg6[%get3A_2300, %get3A_2301, %get3A_2302] {strides = array<i32>} : memref<2x80x64xf32, #tpu.memory_space<vmem>>, vector<1x1x16xf32>,
      %get3A_2304 = vector.shape_cast %get3A_2303 : vector<1x1x16xf32> to vector<16xf32>
      %add3A_2305 = arith.addf %add3A_2297, %get3A_2304 : vector<16xf32>
      %get3A_2306 = arith.constant 0 : i32
      %get3A_2307 = arith.constant 65 : i32
      %get3A_2308 = arith.index_cast %get3A_2306 : i32 to index
      %get3A_2309 = arith.index_cast %get3A_2307 : i32 to index
      %get3A_2310 = arith.constant 16 : index
      %get3A_2311 = tpu.vector_load %arg6[%get3A_2308, %get3A_2309, %get3A_2310] {strides = array<i32>} : memref<2x80x64xf32, #tpu.memory_space<vmem>>, vector<1x1x16xf32>,
      %get3A_2312 = vector.shape_cast %get3A_2311 : vector<1x1x16xf32> to vector<16xf32>
      %add3A_2313 = arith.addf %add3A_2305, %get3A_2312 : vector<16xf32>
      %get3A_2314 = arith.constant 0 : i32
      %get3A_2315 = arith.constant 66 : i32
      %get3A_2316 = arith.index_cast %get3A_2314 : i32 to index
      %get3A_2317 = arith.index_cast %get3A_2315 : i32 to index
      %get3A_2318 = arith.constant 16 : index
      %get3A_2319 = tpu.vector_load %arg6[%get3A_2316, %get3A_2317, %get3A_2318] {strides = array<i32>} : memref<2x80x64xf32, #tpu.memory_space<vmem>>, vector<1x1x16xf32>,
      %get3A_2320 = vector.shape_cast %get3A_2319 : vector<1x1x16xf32> to vector<16xf32>
      %add3A_2321 = arith.addf %add3A_2313, %get3A_2320 : vector<16xf32>
      %get3A_2322 = arith.constant 0 : i32
      %get3A_2323 = arith.constant 67 : i32
      %get3A_2324 = arith.index_cast %get3A_2322 : i32 to index
      %get3A_2325 = arith.index_cast %get3A_2323 : i32 to index
      %get3A_2326 = arith.constant 16 : index
      %get3A_2327 = tpu.vector_load %arg6[%get3A_2324, %get3A_2325, %get3A_2326] {strides = array<i32>} : memref<2x80x64xf32, #tpu.memory_space<vmem>>, vector<1x1x16xf32>,
      %get3A_2328 = vector.shape_cast %get3A_2327 : vector<1x1x16xf32> to vector<16xf32>
      %add3A_2329 = arith.addf %add3A_2321, %get3A_2328 : vector<16xf32>
      %get3A_2330 = arith.constant 0 : i32
      %get3A_2331 = arith.constant 68 : i32
      %get3A_2332 = arith.index_cast %get3A_2330 : i32 to index
      %get3A_2333 = arith.index_cast %get3A_2331 : i32 to index
      %get3A_2334 = arith.constant 16 : index
      %get3A_2335 = tpu.vector_load %arg6[%get3A_2332, %get3A_2333, %get3A_2334] {strides = array<i32>} : memref<2x80x64xf32, #tpu.memory_space<vmem>>, vector<1x1x16xf32>,
      %get3A_2336 = vector.shape_cast %get3A_2335 : vector<1x1x16xf32> to vector<16xf32>
      %add3A_2337 = arith.addf %add3A_2329, %get3A_2336 : vector<16xf32>
      %get3A_2338 = arith.constant 0 : i32
      %get3A_2339 = arith.constant 69 : i32
      %get3A_2340 = arith.index_cast %get3A_2338 : i32 to index
      %get3A_2341 = arith.index_cast %get3A_2339 : i32 to index
      %get3A_2342 = arith.constant 16 : index
      %get3A_2343 = tpu.vector_load %arg6[%get3A_2340, %get3A_2341, %get3A_2342] {strides = array<i32>} : memref<2x80x64xf32, #tpu.memory_space<vmem>>, vector<1x1x16xf32>,
      %get3A_2344 = vector.shape_cast %get3A_2343 : vector<1x1x16xf32> to vector<16xf32>
      %add3A_2345 = arith.addf %add3A_2337, %get3A_2344 : vector<16xf32>
      %get3A_2346 = arith.constant 0 : i32
      %get3A_2347 = arith.constant 70 : i32
      %get3A_2348 = arith.index_cast %get3A_2346 : i32 to index
      %get3A_2349 = arith.index_cast %get3A_2347 : i32 to index
      %get3A_2350 = arith.constant 16 : index
      %get3A_2351 = tpu.vector_load %arg6[%get3A_2348, %get3A_2349, %get3A_2350] {strides = array<i32>} : memref<2x80x64xf32, #tpu.memory_space<vmem>>, vector<1x1x16xf32>,
      %get3A_2352 = vector.shape_cast %get3A_2351 : vector<1x1x16xf32> to vector<16xf32>
      %add3A_2353 = arith.addf %add3A_2345, %get3A_2352 : vector<16xf32>
      %get3A_2354 = arith.constant 0 : i32
      %get3A_2355 = arith.constant 71 : i32
      %get3A_2356 = arith.index_cast %get3A_2354 : i32 to index
      %get3A_2357 = arith.index_cast %get3A_2355 : i32 to index
      %get3A_2358 = arith.constant 16 : index
      %get3A_2359 = tpu.vector_load %arg6[%get3A_2356, %get3A_2357, %get3A_2358] {strides = array<i32>} : memref<2x80x64xf32, #tpu.memory_space<vmem>>, vector<1x1x16xf32>,
      %get3A_2360 = vector.shape_cast %get3A_2359 : vector<1x1x16xf32> to vector<16xf32>
      %add3A_2361 = arith.addf %add3A_2353, %get3A_2360 : vector<16xf32>
      %get3A_2362 = arith.constant 0 : i32
      %get3A_2363 = arith.constant 72 : i32
      %get3A_2364 = arith.index_cast %get3A_2362 : i32 to index
      %get3A_2365 = arith.index_cast %get3A_2363 : i32 to index
      %get3A_2366 = arith.constant 16 : index
      %get3A_2367 = tpu.vector_load %arg6[%get3A_2364, %get3A_2365, %get3A_2366] {strides = array<i32>} : memref<2x80x64xf32, #tpu.memory_space<vmem>>, vector<1x1x16xf32>,
      %get3A_2368 = vector.shape_cast %get3A_2367 : vector<1x1x16xf32> to vector<16xf32>
      %add3A_2369 = arith.addf %add3A_2361, %get3A_2368 : vector<16xf32>
      %get3A_2370 = arith.constant 0 : i32
      %get3A_2371 = arith.constant 73 : i32
      %get3A_2372 = arith.index_cast %get3A_2370 : i32 to index
      %get3A_2373 = arith.index_cast %get3A_2371 : i32 to index
      %get3A_2374 = arith.constant 16 : index
      %get3A_2375 = tpu.vector_load %arg6[%get3A_2372, %get3A_2373, %get3A_2374] {strides = array<i32>} : memref<2x80x64xf32, #tpu.memory_space<vmem>>, vector<1x1x16xf32>,
      %get3A_2376 = vector.shape_cast %get3A_2375 : vector<1x1x16xf32> to vector<16xf32>
      %add3A_2377 = arith.addf %add3A_2369, %get3A_2376 : vector<16xf32>
      %get3A_2378 = arith.constant 0 : i32
      %get3A_2379 = arith.constant 74 : i32
      %get3A_2380 = arith.index_cast %get3A_2378 : i32 to index
      %get3A_2381 = arith.index_cast %get3A_2379 : i32 to index
      %get3A_2382 = arith.constant 16 : index
      %get3A_2383 = tpu.vector_load %arg6[%get3A_2380, %get3A_2381, %get3A_2382] {strides = array<i32>} : memref<2x80x64xf32, #tpu.memory_space<vmem>>, vector<1x1x16xf32>,
      %get3A_2384 = vector.shape_cast %get3A_2383 : vector<1x1x16xf32> to vector<16xf32>
      %add3A_2385 = arith.addf %add3A_2377, %get3A_2384 : vector<16xf32>
      %get3A_2386 = arith.constant 0 : i32
      %get3A_2387 = arith.constant 75 : i32
      %get3A_2388 = arith.index_cast %get3A_2386 : i32 to index
      %get3A_2389 = arith.index_cast %get3A_2387 : i32 to index
      %get3A_2390 = arith.constant 16 : index
      %get3A_2391 = tpu.vector_load %arg6[%get3A_2388, %get3A_2389, %get3A_2390] {strides = array<i32>} : memref<2x80x64xf32, #tpu.memory_space<vmem>>, vector<1x1x16xf32>,
      %get3A_2392 = vector.shape_cast %get3A_2391 : vector<1x1x16xf32> to vector<16xf32>
      %add3A_2393 = arith.addf %add3A_2385, %get3A_2392 : vector<16xf32>
      %get3A_2394 = arith.constant 0 : i32
      %get3A_2395 = arith.constant 76 : i32
      %get3A_2396 = arith.index_cast %get3A_2394 : i32 to index
      %get3A_2397 = arith.index_cast %get3A_2395 : i32 to index
      %get3A_2398 = arith.constant 16 : index
      %get3A_2399 = tpu.vector_load %arg6[%get3A_2396, %get3A_2397, %get3A_2398] {strides = array<i32>} : memref<2x80x64xf32, #tpu.memory_space<vmem>>, vector<1x1x16xf32>,
      %get3A_2400 = vector.shape_cast %get3A_2399 : vector<1x1x16xf32> to vector<16xf32>
      %add3A_2401 = arith.addf %add3A_2393, %get3A_2400 : vector<16xf32>
      %get3A_2402 = arith.constant 0 : i32
      %get3A_2403 = arith.constant 77 : i32
      %get3A_2404 = arith.index_cast %get3A_2402 : i32 to index
      %get3A_2405 = arith.index_cast %get3A_2403 : i32 to index
      %get3A_2406 = arith.constant 16 : index
      %get3A_2407 = tpu.vector_load %arg6[%get3A_2404, %get3A_2405, %get3A_2406] {strides = array<i32>} : memref<2x80x64xf32, #tpu.memory_space<vmem>>, vector<1x1x16xf32>,
      %get3A_2408 = vector.shape_cast %get3A_2407 : vector<1x1x16xf32> to vector<16xf32>
      %add3A_2409 = arith.addf %add3A_2401, %get3A_2408 : vector<16xf32>
      %get3A_2410 = arith.constant 0 : i32
      %get3A_2411 = arith.constant 78 : i32
      %get3A_2412 = arith.index_cast %get3A_2410 : i32 to index
      %get3A_2413 = arith.index_cast %get3A_2411 : i32 to index
      %get3A_2414 = arith.constant 16 : index
      %get3A_2415 = tpu.vector_load %arg6[%get3A_2412, %get3A_2413, %get3A_2414] {strides = array<i32>} : memref<2x80x64xf32, #tpu.memory_space<vmem>>, vector<1x1x16xf32>,
      %get3A_2416 = vector.shape_cast %get3A_2415 : vector<1x1x16xf32> to vector<16xf32>
      %add3A_2417 = arith.addf %add3A_2409, %get3A_2416 : vector<16xf32>
      %get3A_2418 = arith.constant 0 : i32
      %get3A_2419 = arith.constant 79 : i32
      %get3A_2420 = arith.index_cast %get3A_2418 : i32 to index
      %get3A_2421 = arith.index_cast %get3A_2419 : i32 to index
      %get3A_2422 = arith.constant 16 : index
      %get3A_2423 = tpu.vector_load %arg6[%get3A_2420, %get3A_2421, %get3A_2422] {strides = array<i32>} : memref<2x80x64xf32, #tpu.memory_space<vmem>>, vector<1x1x16xf32>,
      %get3A_2424 = vector.shape_cast %get3A_2423 : vector<1x1x16xf32> to vector<16xf32>
      %add3A_2425 = arith.addf %add3A_2417, %get3A_2424 : vector<16xf32>
      %mul3A_2426 = arith.constant 5.000000e-02 : f32
      %mul3A_2427 = vector.broadcast %mul3A_2426 : f32 to vector<16xf32>
      %mul3A_2428 = arith.mulf %add3A_2425, %mul3A_2427 : vector<16xf32>
      %mul3A_2429 = arith.constant 4 : i32
      %mul3A_2430 = arith.muli %add3A_35, %mul3A_2429 : i32
      %add3A_2431 = arith.constant 3 : i32
      %add3A_2432 = arith.addi %mul3A_2430, %add3A_2431 : i32
      %swap3A_2433 = arith.index_cast %add3A_2432 : i32 to index
      %swap3A_2434 = arith.constant 16 : index
      %swap3A_2435 = tpu.vector_load %arg7[%swap3A_2433, %swap3A_2434] {strides = array<i32>} : memref<128x64xf32, #tpu.memory_space<vmem>>, vector<1x16xf32>,
      %swap3A_2436 = vector.shape_cast %swap3A_2435 : vector<1x16xf32> to vector<16xf32>
      %swap3A_2437 = vector.shape_cast %mul3A_2428 : vector<16xf32> to vector<1x16xf32>
      tpu.vector_store %arg7[%swap3A_2433, %swap3A_2434], %swap3A_2437 {strides = array<i32>} : memref<128x64xf32, #tpu.memory_space<vmem>>, vector<1x16xf32>,
      %get3A_2438 = arith.constant 0 : i32
      %get3A_2439 = arith.constant 60 : i32
      %get3A_2440 = arith.index_cast %get3A_2438 : i32 to index
      %get3A_2441 = arith.index_cast %get3A_2439 : i32 to index
      %get3A_2442 = arith.constant 32 : index
      %get3A_2443 = tpu.vector_load %arg6[%get3A_2440, %get3A_2441, %get3A_2442] {strides = array<i32>} : memref<2x80x64xf32, #tpu.memory_space<vmem>>, vector<1x1x16xf32>,
      %get3A_2444 = vector.shape_cast %get3A_2443 : vector<1x1x16xf32> to vector<16xf32>
      %get3A_2445 = arith.constant 0 : i32
      %get3A_2446 = arith.constant 61 : i32
      %get3A_2447 = arith.index_cast %get3A_2445 : i32 to index
      %get3A_2448 = arith.index_cast %get3A_2446 : i32 to index
      %get3A_2449 = arith.constant 32 : index
      %get3A_2450 = tpu.vector_load %arg6[%get3A_2447, %get3A_2448, %get3A_2449] {strides = array<i32>} : memref<2x80x64xf32, #tpu.memory_space<vmem>>, vector<1x1x16xf32>,
      %get3A_2451 = vector.shape_cast %get3A_2450 : vector<1x1x16xf32> to vector<16xf32>
      %add3A_2452 = arith.addf %get3A_2444, %get3A_2451 : vector<16xf32>
      %get3A_2453 = arith.constant 0 : i32
      %get3A_2454 = arith.constant 62 : i32
      %get3A_2455 = arith.index_cast %get3A_2453 : i32 to index
      %get3A_2456 = arith.index_cast %get3A_2454 : i32 to index
      %get3A_2457 = arith.constant 32 : index
      %get3A_2458 = tpu.vector_load %arg6[%get3A_2455, %get3A_2456, %get3A_2457] {strides = array<i32>} : memref<2x80x64xf32, #tpu.memory_space<vmem>>, vector<1x1x16xf32>,
      %get3A_2459 = vector.shape_cast %get3A_2458 : vector<1x1x16xf32> to vector<16xf32>
      %add3A_2460 = arith.addf %add3A_2452, %get3A_2459 : vector<16xf32>
      %get3A_2461 = arith.constant 0 : i32
      %get3A_2462 = arith.constant 63 : i32
      %get3A_2463 = arith.index_cast %get3A_2461 : i32 to index
      %get3A_2464 = arith.index_cast %get3A_2462 : i32 to index
      %get3A_2465 = arith.constant 32 : index
      %get3A_2466 = tpu.vector_load %arg6[%get3A_2463, %get3A_2464, %get3A_2465] {strides = array<i32>} : memref<2x80x64xf32, #tpu.memory_space<vmem>>, vector<1x1x16xf32>,
      %get3A_2467 = vector.shape_cast %get3A_2466 : vector<1x1x16xf32> to vector<16xf32>
      %add3A_2468 = arith.addf %add3A_2460, %get3A_2467 : vector<16xf32>
      %get3A_2469 = arith.constant 0 : i32
      %get3A_2470 = arith.constant 64 : i32
      %get3A_2471 = arith.index_cast %get3A_2469 : i32 to index
      %get3A_2472 = arith.index_cast %get3A_2470 : i32 to index
      %get3A_2473 = arith.constant 32 : index
      %get3A_2474 = tpu.vector_load %arg6[%get3A_2471, %get3A_2472, %get3A_2473] {strides = array<i32>} : memref<2x80x64xf32, #tpu.memory_space<vmem>>, vector<1x1x16xf32>,
      %get3A_2475 = vector.shape_cast %get3A_2474 : vector<1x1x16xf32> to vector<16xf32>
      %add3A_2476 = arith.addf %add3A_2468, %get3A_2475 : vector<16xf32>
      %get3A_2477 = arith.constant 0 : i32
      %get3A_2478 = arith.constant 65 : i32
      %get3A_2479 = arith.index_cast %get3A_2477 : i32 to index
      %get3A_2480 = arith.index_cast %get3A_2478 : i32 to index
      %get3A_2481 = arith.constant 32 : index
      %get3A_2482 = tpu.vector_load %arg6[%get3A_2479, %get3A_2480, %get3A_2481] {strides = array<i32>} : memref<2x80x64xf32, #tpu.memory_space<vmem>>, vector<1x1x16xf32>,
      %get3A_2483 = vector.shape_cast %get3A_2482 : vector<1x1x16xf32> to vector<16xf32>
      %add3A_2484 = arith.addf %add3A_2476, %get3A_2483 : vector<16xf32>
      %get3A_2485 = arith.constant 0 : i32
      %get3A_2486 = arith.constant 66 : i32
      %get3A_2487 = arith.index_cast %get3A_2485 : i32 to index
      %get3A_2488 = arith.index_cast %get3A_2486 : i32 to index
      %get3A_2489 = arith.constant 32 : index
      %get3A_2490 = tpu.vector_load %arg6[%get3A_2487, %get3A_2488, %get3A_2489] {strides = array<i32>} : memref<2x80x64xf32, #tpu.memory_space<vmem>>, vector<1x1x16xf32>,
      %get3A_2491 = vector.shape_cast %get3A_2490 : vector<1x1x16xf32> to vector<16xf32>
      %add3A_2492 = arith.addf %add3A_2484, %get3A_2491 : vector<16xf32>
      %get3A_2493 = arith.constant 0 : i32
      %get3A_2494 = arith.constant 67 : i32
      %get3A_2495 = arith.index_cast %get3A_2493 : i32 to index
      %get3A_2496 = arith.index_cast %get3A_2494 : i32 to index
      %get3A_2497 = arith.constant 32 : index
      %get3A_2498 = tpu.vector_load %arg6[%get3A_2495, %get3A_2496, %get3A_2497] {strides = array<i32>} : memref<2x80x64xf32, #tpu.memory_space<vmem>>, vector<1x1x16xf32>,
      %get3A_2499 = vector.shape_cast %get3A_2498 : vector<1x1x16xf32> to vector<16xf32>
      %add3A_2500 = arith.addf %add3A_2492, %get3A_2499 : vector<16xf32>
      %get3A_2501 = arith.constant 0 : i32
      %get3A_2502 = arith.constant 68 : i32
      %get3A_2503 = arith.index_cast %get3A_2501 : i32 to index
      %get3A_2504 = arith.index_cast %get3A_2502 : i32 to index
      %get3A_2505 = arith.constant 32 : index
      %get3A_2506 = tpu.vector_load %arg6[%get3A_2503, %get3A_2504, %get3A_2505] {strides = array<i32>} : memref<2x80x64xf32, #tpu.memory_space<vmem>>, vector<1x1x16xf32>,
      %get3A_2507 = vector.shape_cast %get3A_2506 : vector<1x1x16xf32> to vector<16xf32>
      %add3A_2508 = arith.addf %add3A_2500, %get3A_2507 : vector<16xf32>
      %get3A_2509 = arith.constant 0 : i32
      %get3A_2510 = arith.constant 69 : i32
      %get3A_2511 = arith.index_cast %get3A_2509 : i32 to index
      %get3A_2512 = arith.index_cast %get3A_2510 : i32 to index
      %get3A_2513 = arith.constant 32 : index
      %get3A_2514 = tpu.vector_load %arg6[%get3A_2511, %get3A_2512, %get3A_2513] {strides = array<i32>} : memref<2x80x64xf32, #tpu.memory_space<vmem>>, vector<1x1x16xf32>,
      %get3A_2515 = vector.shape_cast %get3A_2514 : vector<1x1x16xf32> to vector<16xf32>
      %add3A_2516 = arith.addf %add3A_2508, %get3A_2515 : vector<16xf32>
      %get3A_2517 = arith.constant 0 : i32
      %get3A_2518 = arith.constant 70 : i32
      %get3A_2519 = arith.index_cast %get3A_2517 : i32 to index
      %get3A_2520 = arith.index_cast %get3A_2518 : i32 to index
      %get3A_2521 = arith.constant 32 : index
      %get3A_2522 = tpu.vector_load %arg6[%get3A_2519, %get3A_2520, %get3A_2521] {strides = array<i32>} : memref<2x80x64xf32, #tpu.memory_space<vmem>>, vector<1x1x16xf32>,
      %get3A_2523 = vector.shape_cast %get3A_2522 : vector<1x1x16xf32> to vector<16xf32>
      %add3A_2524 = arith.addf %add3A_2516, %get3A_2523 : vector<16xf32>
      %get3A_2525 = arith.constant 0 : i32
      %get3A_2526 = arith.constant 71 : i32
      %get3A_2527 = arith.index_cast %get3A_2525 : i32 to index
      %get3A_2528 = arith.index_cast %get3A_2526 : i32 to index
      %get3A_2529 = arith.constant 32 : index
      %get3A_2530 = tpu.vector_load %arg6[%get3A_2527, %get3A_2528, %get3A_2529] {strides = array<i32>} : memref<2x80x64xf32, #tpu.memory_space<vmem>>, vector<1x1x16xf32>,
      %get3A_2531 = vector.shape_cast %get3A_2530 : vector<1x1x16xf32> to vector<16xf32>
      %add3A_2532 = arith.addf %add3A_2524, %get3A_2531 : vector<16xf32>
      %get3A_2533 = arith.constant 0 : i32
      %get3A_2534 = arith.constant 72 : i32
      %get3A_2535 = arith.index_cast %get3A_2533 : i32 to index
      %get3A_2536 = arith.index_cast %get3A_2534 : i32 to index
      %get3A_2537 = arith.constant 32 : index
      %get3A_2538 = tpu.vector_load %arg6[%get3A_2535, %get3A_2536, %get3A_2537] {strides = array<i32>} : memref<2x80x64xf32, #tpu.memory_space<vmem>>, vector<1x1x16xf32>,
      %get3A_2539 = vector.shape_cast %get3A_2538 : vector<1x1x16xf32> to vector<16xf32>
      %add3A_2540 = arith.addf %add3A_2532, %get3A_2539 : vector<16xf32>
      %get3A_2541 = arith.constant 0 : i32
      %get3A_2542 = arith.constant 73 : i32
      %get3A_2543 = arith.index_cast %get3A_2541 : i32 to index
      %get3A_2544 = arith.index_cast %get3A_2542 : i32 to index
      %get3A_2545 = arith.constant 32 : index
      %get3A_2546 = tpu.vector_load %arg6[%get3A_2543, %get3A_2544, %get3A_2545] {strides = array<i32>} : memref<2x80x64xf32, #tpu.memory_space<vmem>>, vector<1x1x16xf32>,
      %get3A_2547 = vector.shape_cast %get3A_2546 : vector<1x1x16xf32> to vector<16xf32>
      %add3A_2548 = arith.addf %add3A_2540, %get3A_2547 : vector<16xf32>
      %get3A_2549 = arith.constant 0 : i32
      %get3A_2550 = arith.constant 74 : i32
      %get3A_2551 = arith.index_cast %get3A_2549 : i32 to index
      %get3A_2552 = arith.index_cast %get3A_2550 : i32 to index
      %get3A_2553 = arith.constant 32 : index
      %get3A_2554 = tpu.vector_load %arg6[%get3A_2551, %get3A_2552, %get3A_2553] {strides = array<i32>} : memref<2x80x64xf32, #tpu.memory_space<vmem>>, vector<1x1x16xf32>,
      %get3A_2555 = vector.shape_cast %get3A_2554 : vector<1x1x16xf32> to vector<16xf32>
      %add3A_2556 = arith.addf %add3A_2548, %get3A_2555 : vector<16xf32>
      %get3A_2557 = arith.constant 0 : i32
      %get3A_2558 = arith.constant 75 : i32
      %get3A_2559 = arith.index_cast %get3A_2557 : i32 to index
      %get3A_2560 = arith.index_cast %get3A_2558 : i32 to index
      %get3A_2561 = arith.constant 32 : index
      %get3A_2562 = tpu.vector_load %arg6[%get3A_2559, %get3A_2560, %get3A_2561] {strides = array<i32>} : memref<2x80x64xf32, #tpu.memory_space<vmem>>, vector<1x1x16xf32>,
      %get3A_2563 = vector.shape_cast %get3A_2562 : vector<1x1x16xf32> to vector<16xf32>
      %add3A_2564 = arith.addf %add3A_2556, %get3A_2563 : vector<16xf32>
      %get3A_2565 = arith.constant 0 : i32
      %get3A_2566 = arith.constant 76 : i32
      %get3A_2567 = arith.index_cast %get3A_2565 : i32 to index
      %get3A_2568 = arith.index_cast %get3A_2566 : i32 to index
      %get3A_2569 = arith.constant 32 : index
      %get3A_2570 = tpu.vector_load %arg6[%get3A_2567, %get3A_2568, %get3A_2569] {strides = array<i32>} : memref<2x80x64xf32, #tpu.memory_space<vmem>>, vector<1x1x16xf32>,
      %get3A_2571 = vector.shape_cast %get3A_2570 : vector<1x1x16xf32> to vector<16xf32>
      %add3A_2572 = arith.addf %add3A_2564, %get3A_2571 : vector<16xf32>
      %get3A_2573 = arith.constant 0 : i32
      %get3A_2574 = arith.constant 77 : i32
      %get3A_2575 = arith.index_cast %get3A_2573 : i32 to index
      %get3A_2576 = arith.index_cast %get3A_2574 : i32 to index
      %get3A_2577 = arith.constant 32 : index
      %get3A_2578 = tpu.vector_load %arg6[%get3A_2575, %get3A_2576, %get3A_2577] {strides = array<i32>} : memref<2x80x64xf32, #tpu.memory_space<vmem>>, vector<1x1x16xf32>,
      %get3A_2579 = vector.shape_cast %get3A_2578 : vector<1x1x16xf32> to vector<16xf32>
      %add3A_2580 = arith.addf %add3A_2572, %get3A_2579 : vector<16xf32>
      %get3A_2581 = arith.constant 0 : i32
      %get3A_2582 = arith.constant 78 : i32
      %get3A_2583 = arith.index_cast %get3A_2581 : i32 to index
      %get3A_2584 = arith.index_cast %get3A_2582 : i32 to index
      %get3A_2585 = arith.constant 32 : index
      %get3A_2586 = tpu.vector_load %arg6[%get3A_2583, %get3A_2584, %get3A_2585] {strides = array<i32>} : memref<2x80x64xf32, #tpu.memory_space<vmem>>, vector<1x1x16xf32>,
      %get3A_2587 = vector.shape_cast %get3A_2586 : vector<1x1x16xf32> to vector<16xf32>
      %add3A_2588 = arith.addf %add3A_2580, %get3A_2587 : vector<16xf32>
      %get3A_2589 = arith.constant 0 : i32
      %get3A_2590 = arith.constant 79 : i32
      %get3A_2591 = arith.index_cast %get3A_2589 : i32 to index
      %get3A_2592 = arith.index_cast %get3A_2590 : i32 to index
      %get3A_2593 = arith.constant 32 : index
      %get3A_2594 = tpu.vector_load %arg6[%get3A_2591, %get3A_2592, %get3A_2593] {strides = array<i32>} : memref<2x80x64xf32, #tpu.memory_space<vmem>>, vector<1x1x16xf32>,
      %get3A_2595 = vector.shape_cast %get3A_2594 : vector<1x1x16xf32> to vector<16xf32>
      %add3A_2596 = arith.addf %add3A_2588, %get3A_2595 : vector<16xf32>
      %mul3A_2597 = arith.constant 5.000000e-02 : f32
      %mul3A_2598 = vector.broadcast %mul3A_2597 : f32 to vector<16xf32>
      %mul3A_2599 = arith.mulf %add3A_2596, %mul3A_2598 : vector<16xf32>
      %mul3A_2600 = arith.constant 4 : i32
      %mul3A_2601 = arith.muli %add3A_35, %mul3A_2600 : i32
      %add3A_2602 = arith.constant 3 : i32
      %add3A_2603 = arith.addi %mul3A_2601, %add3A_2602 : i32
      %swap3A_2604 = arith.index_cast %add3A_2603 : i32 to index
      %swap3A_2605 = arith.constant 32 : index
      %swap3A_2606 = tpu.vector_load %arg7[%swap3A_2604, %swap3A_2605] {strides = array<i32>} : memref<128x64xf32, #tpu.memory_space<vmem>>, vector<1x16xf32>,
      %swap3A_2607 = vector.shape_cast %swap3A_2606 : vector<1x16xf32> to vector<16xf32>
      %swap3A_2608 = vector.shape_cast %mul3A_2599 : vector<16xf32> to vector<1x16xf32>
      tpu.vector_store %arg7[%swap3A_2604, %swap3A_2605], %swap3A_2608 {strides = array<i32>} : memref<128x64xf32, #tpu.memory_space<vmem>>, vector<1x16xf32>,
      %get3A_2609 = arith.constant 0 : i32
      %get3A_2610 = arith.constant 60 : i32
      %get3A_2611 = arith.index_cast %get3A_2609 : i32 to index
      %get3A_2612 = arith.index_cast %get3A_2610 : i32 to index
      %get3A_2613 = arith.constant 48 : index
      %get3A_2614 = tpu.vector_load %arg6[%get3A_2611, %get3A_2612, %get3A_2613] {strides = array<i32>} : memref<2x80x64xf32, #tpu.memory_space<vmem>>, vector<1x1x16xf32>,
      %get3A_2615 = vector.shape_cast %get3A_2614 : vector<1x1x16xf32> to vector<16xf32>
      %get3A_2616 = arith.constant 0 : i32
      %get3A_2617 = arith.constant 61 : i32
      %get3A_2618 = arith.index_cast %get3A_2616 : i32 to index
      %get3A_2619 = arith.index_cast %get3A_2617 : i32 to index
      %get3A_2620 = arith.constant 48 : index
      %get3A_2621 = tpu.vector_load %arg6[%get3A_2618, %get3A_2619, %get3A_2620] {strides = array<i32>} : memref<2x80x64xf32, #tpu.memory_space<vmem>>, vector<1x1x16xf32>,
      %get3A_2622 = vector.shape_cast %get3A_2621 : vector<1x1x16xf32> to vector<16xf32>
      %add3A_2623 = arith.addf %get3A_2615, %get3A_2622 : vector<16xf32>
      %get3A_2624 = arith.constant 0 : i32
      %get3A_2625 = arith.constant 62 : i32
      %get3A_2626 = arith.index_cast %get3A_2624 : i32 to index
      %get3A_2627 = arith.index_cast %get3A_2625 : i32 to index
      %get3A_2628 = arith.constant 48 : index
      %get3A_2629 = tpu.vector_load %arg6[%get3A_2626, %get3A_2627, %get3A_2628] {strides = array<i32>} : memref<2x80x64xf32, #tpu.memory_space<vmem>>, vector<1x1x16xf32>,
      %get3A_2630 = vector.shape_cast %get3A_2629 : vector<1x1x16xf32> to vector<16xf32>
      %add3A_2631 = arith.addf %add3A_2623, %get3A_2630 : vector<16xf32>
      %get3A_2632 = arith.constant 0 : i32
      %get3A_2633 = arith.constant 63 : i32
      %get3A_2634 = arith.index_cast %get3A_2632 : i32 to index
      %get3A_2635 = arith.index_cast %get3A_2633 : i32 to index
      %get3A_2636 = arith.constant 48 : index
      %get3A_2637 = tpu.vector_load %arg6[%get3A_2634, %get3A_2635, %get3A_2636] {strides = array<i32>} : memref<2x80x64xf32, #tpu.memory_space<vmem>>, vector<1x1x16xf32>,
      %get3A_2638 = vector.shape_cast %get3A_2637 : vector<1x1x16xf32> to vector<16xf32>
      %add3A_2639 = arith.addf %add3A_2631, %get3A_2638 : vector<16xf32>
      %get3A_2640 = arith.constant 0 : i32
      %get3A_2641 = arith.constant 64 : i32
      %get3A_2642 = arith.index_cast %get3A_2640 : i32 to index
      %get3A_2643 = arith.index_cast %get3A_2641 : i32 to index
      %get3A_2644 = arith.constant 48 : index
      %get3A_2645 = tpu.vector_load %arg6[%get3A_2642, %get3A_2643, %get3A_2644] {strides = array<i32>} : memref<2x80x64xf32, #tpu.memory_space<vmem>>, vector<1x1x16xf32>,
      %get3A_2646 = vector.shape_cast %get3A_2645 : vector<1x1x16xf32> to vector<16xf32>
      %add3A_2647 = arith.addf %add3A_2639, %get3A_2646 : vector<16xf32>
      %get3A_2648 = arith.constant 0 : i32
      %get3A_2649 = arith.constant 65 : i32
      %get3A_2650 = arith.index_cast %get3A_2648 : i32 to index
      %get3A_2651 = arith.index_cast %get3A_2649 : i32 to index
      %get3A_2652 = arith.constant 48 : index
      %get3A_2653 = tpu.vector_load %arg6[%get3A_2650, %get3A_2651, %get3A_2652] {strides = array<i32>} : memref<2x80x64xf32, #tpu.memory_space<vmem>>, vector<1x1x16xf32>,
      %get3A_2654 = vector.shape_cast %get3A_2653 : vector<1x1x16xf32> to vector<16xf32>
      %add3A_2655 = arith.addf %add3A_2647, %get3A_2654 : vector<16xf32>
      %get3A_2656 = arith.constant 0 : i32
      %get3A_2657 = arith.constant 66 : i32
      %get3A_2658 = arith.index_cast %get3A_2656 : i32 to index
      %get3A_2659 = arith.index_cast %get3A_2657 : i32 to index
      %get3A_2660 = arith.constant 48 : index
      %get3A_2661 = tpu.vector_load %arg6[%get3A_2658, %get3A_2659, %get3A_2660] {strides = array<i32>} : memref<2x80x64xf32, #tpu.memory_space<vmem>>, vector<1x1x16xf32>,
      %get3A_2662 = vector.shape_cast %get3A_2661 : vector<1x1x16xf32> to vector<16xf32>
      %add3A_2663 = arith.addf %add3A_2655, %get3A_2662 : vector<16xf32>
      %get3A_2664 = arith.constant 0 : i32
      %get3A_2665 = arith.constant 67 : i32
      %get3A_2666 = arith.index_cast %get3A_2664 : i32 to index
      %get3A_2667 = arith.index_cast %get3A_2665 : i32 to index
      %get3A_2668 = arith.constant 48 : index
      %get3A_2669 = tpu.vector_load %arg6[%get3A_2666, %get3A_2667, %get3A_2668] {strides = array<i32>} : memref<2x80x64xf32, #tpu.memory_space<vmem>>, vector<1x1x16xf32>,
      %get3A_2670 = vector.shape_cast %get3A_2669 : vector<1x1x16xf32> to vector<16xf32>
      %add3A_2671 = arith.addf %add3A_2663, %get3A_2670 : vector<16xf32>
      %get3A_2672 = arith.constant 0 : i32
      %get3A_2673 = arith.constant 68 : i32
      %get3A_2674 = arith.index_cast %get3A_2672 : i32 to index
      %get3A_2675 = arith.index_cast %get3A_2673 : i32 to index
      %get3A_2676 = arith.constant 48 : index
      %get3A_2677 = tpu.vector_load %arg6[%get3A_2674, %get3A_2675, %get3A_2676] {strides = array<i32>} : memref<2x80x64xf32, #tpu.memory_space<vmem>>, vector<1x1x16xf32>,
      %get3A_2678 = vector.shape_cast %get3A_2677 : vector<1x1x16xf32> to vector<16xf32>
      %add3A_2679 = arith.addf %add3A_2671, %get3A_2678 : vector<16xf32>
      %get3A_2680 = arith.constant 0 : i32
      %get3A_2681 = arith.constant 69 : i32
      %get3A_2682 = arith.index_cast %get3A_2680 : i32 to index
      %get3A_2683 = arith.index_cast %get3A_2681 : i32 to index
      %get3A_2684 = arith.constant 48 : index
      %get3A_2685 = tpu.vector_load %arg6[%get3A_2682, %get3A_2683, %get3A_2684] {strides = array<i32>} : memref<2x80x64xf32, #tpu.memory_space<vmem>>, vector<1x1x16xf32>,
      %get3A_2686 = vector.shape_cast %get3A_2685 : vector<1x1x16xf32> to vector<16xf32>
      %add3A_2687 = arith.addf %add3A_2679, %get3A_2686 : vector<16xf32>
      %get3A_2688 = arith.constant 0 : i32
      %get3A_2689 = arith.constant 70 : i32
      %get3A_2690 = arith.index_cast %get3A_2688 : i32 to index
      %get3A_2691 = arith.index_cast %get3A_2689 : i32 to index
      %get3A_2692 = arith.constant 48 : index
      %get3A_2693 = tpu.vector_load %arg6[%get3A_2690, %get3A_2691, %get3A_2692] {strides = array<i32>} : memref<2x80x64xf32, #tpu.memory_space<vmem>>, vector<1x1x16xf32>,
      %get3A_2694 = vector.shape_cast %get3A_2693 : vector<1x1x16xf32> to vector<16xf32>
      %add3A_2695 = arith.addf %add3A_2687, %get3A_2694 : vector<16xf32>
      %get3A_2696 = arith.constant 0 : i32
      %get3A_2697 = arith.constant 71 : i32
      %get3A_2698 = arith.index_cast %get3A_2696 : i32 to index
      %get3A_2699 = arith.index_cast %get3A_2697 : i32 to index
      %get3A_2700 = arith.constant 48 : index
      %get3A_2701 = tpu.vector_load %arg6[%get3A_2698, %get3A_2699, %get3A_2700] {strides = array<i32>} : memref<2x80x64xf32, #tpu.memory_space<vmem>>, vector<1x1x16xf32>,
      %get3A_2702 = vector.shape_cast %get3A_2701 : vector<1x1x16xf32> to vector<16xf32>
      %add3A_2703 = arith.addf %add3A_2695, %get3A_2702 : vector<16xf32>
      %get3A_2704 = arith.constant 0 : i32
      %get3A_2705 = arith.constant 72 : i32
      %get3A_2706 = arith.index_cast %get3A_2704 : i32 to index
      %get3A_2707 = arith.index_cast %get3A_2705 : i32 to index
      %get3A_2708 = arith.constant 48 : index
      %get3A_2709 = tpu.vector_load %arg6[%get3A_2706, %get3A_2707, %get3A_2708] {strides = array<i32>} : memref<2x80x64xf32, #tpu.memory_space<vmem>>, vector<1x1x16xf32>,
      %get3A_2710 = vector.shape_cast %get3A_2709 : vector<1x1x16xf32> to vector<16xf32>
      %add3A_2711 = arith.addf %add3A_2703, %get3A_2710 : vector<16xf32>
      %get3A_2712 = arith.constant 0 : i32
      %get3A_2713 = arith.constant 73 : i32
      %get3A_2714 = arith.index_cast %get3A_2712 : i32 to index
      %get3A_2715 = arith.index_cast %get3A_2713 : i32 to index
      %get3A_2716 = arith.constant 48 : index
      %get3A_2717 = tpu.vector_load %arg6[%get3A_2714, %get3A_2715, %get3A_2716] {strides = array<i32>} : memref<2x80x64xf32, #tpu.memory_space<vmem>>, vector<1x1x16xf32>,
      %get3A_2718 = vector.shape_cast %get3A_2717 : vector<1x1x16xf32> to vector<16xf32>
      %add3A_2719 = arith.addf %add3A_2711, %get3A_2718 : vector<16xf32>
      %get3A_2720 = arith.constant 0 : i32
      %get3A_2721 = arith.constant 74 : i32
      %get3A_2722 = arith.index_cast %get3A_2720 : i32 to index
      %get3A_2723 = arith.index_cast %get3A_2721 : i32 to index
      %get3A_2724 = arith.constant 48 : index
      %get3A_2725 = tpu.vector_load %arg6[%get3A_2722, %get3A_2723, %get3A_2724] {strides = array<i32>} : memref<2x80x64xf32, #tpu.memory_space<vmem>>, vector<1x1x16xf32>,
      %get3A_2726 = vector.shape_cast %get3A_2725 : vector<1x1x16xf32> to vector<16xf32>
      %add3A_2727 = arith.addf %add3A_2719, %get3A_2726 : vector<16xf32>
      %get3A_2728 = arith.constant 0 : i32
      %get3A_2729 = arith.constant 75 : i32
      %get3A_2730 = arith.index_cast %get3A_2728 : i32 to index
      %get3A_2731 = arith.index_cast %get3A_2729 : i32 to index
      %get3A_2732 = arith.constant 48 : index
      %get3A_2733 = tpu.vector_load %arg6[%get3A_2730, %get3A_2731, %get3A_2732] {strides = array<i32>} : memref<2x80x64xf32, #tpu.memory_space<vmem>>, vector<1x1x16xf32>,
      %get3A_2734 = vector.shape_cast %get3A_2733 : vector<1x1x16xf32> to vector<16xf32>
      %add3A_2735 = arith.addf %add3A_2727, %get3A_2734 : vector<16xf32>
      %get3A_2736 = arith.constant 0 : i32
      %get3A_2737 = arith.constant 76 : i32
      %get3A_2738 = arith.index_cast %get3A_2736 : i32 to index
      %get3A_2739 = arith.index_cast %get3A_2737 : i32 to index
      %get3A_2740 = arith.constant 48 : index
      %get3A_2741 = tpu.vector_load %arg6[%get3A_2738, %get3A_2739, %get3A_2740] {strides = array<i32>} : memref<2x80x64xf32, #tpu.memory_space<vmem>>, vector<1x1x16xf32>,
      %get3A_2742 = vector.shape_cast %get3A_2741 : vector<1x1x16xf32> to vector<16xf32>
      %add3A_2743 = arith.addf %add3A_2735, %get3A_2742 : vector<16xf32>
      %get3A_2744 = arith.constant 0 : i32
      %get3A_2745 = arith.constant 77 : i32
      %get3A_2746 = arith.index_cast %get3A_2744 : i32 to index
      %get3A_2747 = arith.index_cast %get3A_2745 : i32 to index
      %get3A_2748 = arith.constant 48 : index
      %get3A_2749 = tpu.vector_load %arg6[%get3A_2746, %get3A_2747, %get3A_2748] {strides = array<i32>} : memref<2x80x64xf32, #tpu.memory_space<vmem>>, vector<1x1x16xf32>,
      %get3A_2750 = vector.shape_cast %get3A_2749 : vector<1x1x16xf32> to vector<16xf32>
      %add3A_2751 = arith.addf %add3A_2743, %get3A_2750 : vector<16xf32>
      %get3A_2752 = arith.constant 0 : i32
      %get3A_2753 = arith.constant 78 : i32
      %get3A_2754 = arith.index_cast %get3A_2752 : i32 to index
      %get3A_2755 = arith.index_cast %get3A_2753 : i32 to index
      %get3A_2756 = arith.constant 48 : index
      %get3A_2757 = tpu.vector_load %arg6[%get3A_2754, %get3A_2755, %get3A_2756] {strides = array<i32>} : memref<2x80x64xf32, #tpu.memory_space<vmem>>, vector<1x1x16xf32>,
      %get3A_2758 = vector.shape_cast %get3A_2757 : vector<1x1x16xf32> to vector<16xf32>
      %add3A_2759 = arith.addf %add3A_2751, %get3A_2758 : vector<16xf32>
      %get3A_2760 = arith.constant 0 : i32
      %get3A_2761 = arith.constant 79 : i32
      %get3A_2762 = arith.index_cast %get3A_2760 : i32 to index
      %get3A_2763 = arith.index_cast %get3A_2761 : i32 to index
      %get3A_2764 = arith.constant 48 : index
      %get3A_2765 = tpu.vector_load %arg6[%get3A_2762, %get3A_2763, %get3A_2764] {strides = array<i32>} : memref<2x80x64xf32, #tpu.memory_space<vmem>>, vector<1x1x16xf32>,
      %get3A_2766 = vector.shape_cast %get3A_2765 : vector<1x1x16xf32> to vector<16xf32>
      %add3A_2767 = arith.addf %add3A_2759, %get3A_2766 : vector<16xf32>
      %mul3A_2768 = arith.constant 5.000000e-02 : f32
      %mul3A_2769 = vector.broadcast %mul3A_2768 : f32 to vector<16xf32>
      %mul3A_2770 = arith.mulf %add3A_2767, %mul3A_2769 : vector<16xf32>
      %mul3A_2771 = arith.constant 4 : i32
      %mul3A_2772 = arith.muli %add3A_35, %mul3A_2771 : i32
      %add3A_2773 = arith.constant 3 : i32
      %add3A_2774 = arith.addi %mul3A_2772, %add3A_2773 : i32
      %swap3A_2775 = arith.index_cast %add3A_2774 : i32 to index
      %swap3A_2776 = arith.constant 48 : index
      %swap3A_2777 = tpu.vector_load %arg7[%swap3A_2775, %swap3A_2776] {strides = array<i32>} : memref<128x64xf32, #tpu.memory_space<vmem>>, vector<1x16xf32>,
      %swap3A_2778 = vector.shape_cast %swap3A_2777 : vector<1x16xf32> to vector<16xf32>
      %swap3A_2779 = vector.shape_cast %mul3A_2770 : vector<16xf32> to vector<1x16xf32>
      tpu.vector_store %arg7[%swap3A_2775, %swap3A_2776], %swap3A_2779 {strides = array<i32>} : memref<128x64xf32, #tpu.memory_space<vmem>>, vector<1x16xf32>,
      %add3A_2780 = arith.constant 2 : i32
      %add3A_2781 = arith.addi %add3A_35, %add3A_2780 : i32
      %lt3A = arith.constant 32 : i32
      %lt3A_2782 = arith.cmpi slt, %add3A_2781, %lt3A : i32
      %convert_element_type3A = arith.extui %lt3A_2782 : i1 to i32
      %cond3A = arith.constant 0 : i32
      %cond3A_2783 = arith.cmpi ne, %convert_element_type3A, %cond3A : i32
      scf.if %cond3A_2783 {
        %add3A_5542 = arith.constant 2 : i32
        %add3A_5543 = arith.addi %add3A_35, %add3A_5542 : i32
        %dma_start3A_5544 = arith.constant 0 : i32
        %dma_start3A_5545 = arith.constant 0 : i32
        %dma_start3A_5546 = arith.constant 0 : i32
        %dma_start3A_5547 = tpu.memref_slice %arg6[%dma_start3A_5544, %dma_start3A_5545, %dma_start3A_5546] : memref<2x80x64xf32, #tpu.memory_space<vmem>> -> memref<1x80x64xf32, #tpu.memory_space<vmem>>
        %dma_start3A_5548 = tpu.memref_squeeze %dma_start3A_5547 : memref<1x80x64xf32, #tpu.memory_space<vmem>> -> memref<80x64xf32, #tpu.memory_space<vmem>>
        %dma_start3A_5549 = arith.constant 0 : i32
        %dma_start3A_5550 = tpu.memref_slice %arg5[%add3A_5543, %dma_start3A_5549] : memref<32x80xi32, #tpu.memory_space<vmem>> -> memref<1x80xi32, #tpu.memory_space<vmem>>
        %dma_start3A_5551 = tpu.memref_squeeze %dma_start3A_5550 : memref<1x80xi32, #tpu.memory_space<vmem>> -> memref<80xi32, #tpu.memory_space<vmem>>
        %dma_start3A_5552 = arith.constant 0 : i32
        %dma_start3A_5553 = arith.constant 0 : i32
        %dma_start3A_5554 = tpu.memref_slice %arg3[%dma_start3A_5552, %dma_start3A_5553] : memref<100000x64xf32, #tpu.memory_space<hbm>> -> memref<100000x64xf32, #tpu.memory_space<hbm>>
        tpu.enqueue_indirect_dma source(%dma_start3A_5554 : memref<100000x64xf32, #tpu.memory_space<hbm>>) target(%dma_start3A_5548 : memref<80x64xf32, #tpu.memory_space<vmem>>) offsets(%dma_start3A_5551 : memref<80xi32, #tpu.memory_space<vmem>>) semaphore(%arg8 : memref<!tpu.dma_semaphore, #tpu.memory_space<semaphore_mem>>)
      } else {
      }
      %mul3A_2784 = arith.constant 2 : i32
      %mul3A_2785 = arith.muli %scan3A_31, %mul3A_2784 : i32
      %add3A_2786 = arith.constant 1 : i32
      %add3A_2787 = arith.addi %mul3A_2785, %add3A_2786 : i32
      %dma_wait3A_2788 = arith.constant 1 : i32
      %dma_wait3A_2789 = arith.constant 0 : i32
      %dma_wait3A_2790 = arith.constant 0 : i32
      %dma_wait3A_2791 = tpu.memref_slice %arg6[%dma_wait3A_2788, %dma_wait3A_2789, %dma_wait3A_2790] : memref<2x80x64xf32, #tpu.memory_space<vmem>> -> memref<1x80x64xf32, #tpu.memory_space<vmem>>
      %dma_wait3A_2792 = tpu.memref_squeeze %dma_wait3A_2791 : memref<1x80x64xf32, #tpu.memory_space<vmem>> -> memref<80x64xf32, #tpu.memory_space<vmem>>
      %dma_wait3A_2793 = arith.constant 0 : i32
      %dma_wait3A_2794 = tpu.memref_slice %arg5[%add3A_2787, %dma_wait3A_2793] : memref<32x80xi32, #tpu.memory_space<vmem>> -> memref<1x80xi32, #tpu.memory_space<vmem>>
      %dma_wait3A_2795 = tpu.memref_squeeze %dma_wait3A_2794 : memref<1x80xi32, #tpu.memory_space<vmem>> -> memref<80xi32, #tpu.memory_space<vmem>>
      %dma_wait3A_2796 = arith.constant 0 : i32
      %dma_wait3A_2797 = arith.constant 0 : i32
      %dma_wait3A_2798 = tpu.memref_slice %arg3[%dma_wait3A_2796, %dma_wait3A_2797] : memref<100000x64xf32, #tpu.memory_space<hbm>> -> memref<100000x64xf32, #tpu.memory_space<hbm>>
      tpu.wait_indirect_dma semaphore(%arg9 : memref<!tpu.dma_semaphore, #tpu.memory_space<semaphore_mem>>) src(%dma_wait3A_2798 : memref<100000x64xf32, #tpu.memory_space<hbm>>) dst(%dma_wait3A_2792 : memref<80x64xf32, #tpu.memory_space<vmem>>)
      %get3A_2799 = arith.constant 1 : i32
      %get3A_2800 = arith.constant 0 : i32
      %get3A_2801 = arith.index_cast %get3A_2799 : i32 to index
      %get3A_2802 = arith.index_cast %get3A_2800 : i32 to index
      %get3A_2803 = arith.constant 0 : index
      %get3A_2804 = tpu.vector_load %arg6[%get3A_2801, %get3A_2802, %get3A_2803] {strides = array<i32>} : memref<2x80x64xf32, #tpu.memory_space<vmem>>, vector<1x1x16xf32>,
      %get3A_2805 = vector.shape_cast %get3A_2804 : vector<1x1x16xf32> to vector<16xf32>
      %get3A_2806 = arith.constant 1 : i32
      %get3A_2807 = arith.constant 1 : i32
      %get3A_2808 = arith.index_cast %get3A_2806 : i32 to index
      %get3A_2809 = arith.index_cast %get3A_2807 : i32 to index
      %get3A_2810 = arith.constant 0 : index
      %get3A_2811 = tpu.vector_load %arg6[%get3A_2808, %get3A_2809, %get3A_2810] {strides = array<i32>} : memref<2x80x64xf32, #tpu.memory_space<vmem>>, vector<1x1x16xf32>,
      %get3A_2812 = vector.shape_cast %get3A_2811 : vector<1x1x16xf32> to vector<16xf32>
      %add3A_2813 = arith.addf %get3A_2805, %get3A_2812 : vector<16xf32>
      %get3A_2814 = arith.constant 1 : i32
      %get3A_2815 = arith.constant 2 : i32
      %get3A_2816 = arith.index_cast %get3A_2814 : i32 to index
      %get3A_2817 = arith.index_cast %get3A_2815 : i32 to index
      %get3A_2818 = arith.constant 0 : index
      %get3A_2819 = tpu.vector_load %arg6[%get3A_2816, %get3A_2817, %get3A_2818] {strides = array<i32>} : memref<2x80x64xf32, #tpu.memory_space<vmem>>, vector<1x1x16xf32>,
      %get3A_2820 = vector.shape_cast %get3A_2819 : vector<1x1x16xf32> to vector<16xf32>
      %add3A_2821 = arith.addf %add3A_2813, %get3A_2820 : vector<16xf32>
      %get3A_2822 = arith.constant 1 : i32
      %get3A_2823 = arith.constant 3 : i32
      %get3A_2824 = arith.index_cast %get3A_2822 : i32 to index
      %get3A_2825 = arith.index_cast %get3A_2823 : i32 to index
      %get3A_2826 = arith.constant 0 : index
      %get3A_2827 = tpu.vector_load %arg6[%get3A_2824, %get3A_2825, %get3A_2826] {strides = array<i32>} : memref<2x80x64xf32, #tpu.memory_space<vmem>>, vector<1x1x16xf32>,
      %get3A_2828 = vector.shape_cast %get3A_2827 : vector<1x1x16xf32> to vector<16xf32>
      %add3A_2829 = arith.addf %add3A_2821, %get3A_2828 : vector<16xf32>
      %get3A_2830 = arith.constant 1 : i32
      %get3A_2831 = arith.constant 4 : i32
      %get3A_2832 = arith.index_cast %get3A_2830 : i32 to index
      %get3A_2833 = arith.index_cast %get3A_2831 : i32 to index
      %get3A_2834 = arith.constant 0 : index
      %get3A_2835 = tpu.vector_load %arg6[%get3A_2832, %get3A_2833, %get3A_2834] {strides = array<i32>} : memref<2x80x64xf32, #tpu.memory_space<vmem>>, vector<1x1x16xf32>,
      %get3A_2836 = vector.shape_cast %get3A_2835 : vector<1x1x16xf32> to vector<16xf32>
      %add3A_2837 = arith.addf %add3A_2829, %get3A_2836 : vector<16xf32>
      %get3A_2838 = arith.constant 1 : i32
      %get3A_2839 = arith.constant 5 : i32
      %get3A_2840 = arith.index_cast %get3A_2838 : i32 to index
      %get3A_2841 = arith.index_cast %get3A_2839 : i32 to index
      %get3A_2842 = arith.constant 0 : index
      %get3A_2843 = tpu.vector_load %arg6[%get3A_2840, %get3A_2841, %get3A_2842] {strides = array<i32>} : memref<2x80x64xf32, #tpu.memory_space<vmem>>, vector<1x1x16xf32>,
      %get3A_2844 = vector.shape_cast %get3A_2843 : vector<1x1x16xf32> to vector<16xf32>
      %add3A_2845 = arith.addf %add3A_2837, %get3A_2844 : vector<16xf32>
      %get3A_2846 = arith.constant 1 : i32
      %get3A_2847 = arith.constant 6 : i32
      %get3A_2848 = arith.index_cast %get3A_2846 : i32 to index
      %get3A_2849 = arith.index_cast %get3A_2847 : i32 to index
      %get3A_2850 = arith.constant 0 : index
      %get3A_2851 = tpu.vector_load %arg6[%get3A_2848, %get3A_2849, %get3A_2850] {strides = array<i32>} : memref<2x80x64xf32, #tpu.memory_space<vmem>>, vector<1x1x16xf32>,
      %get3A_2852 = vector.shape_cast %get3A_2851 : vector<1x1x16xf32> to vector<16xf32>
      %add3A_2853 = arith.addf %add3A_2845, %get3A_2852 : vector<16xf32>
      %get3A_2854 = arith.constant 1 : i32
      %get3A_2855 = arith.constant 7 : i32
      %get3A_2856 = arith.index_cast %get3A_2854 : i32 to index
      %get3A_2857 = arith.index_cast %get3A_2855 : i32 to index
      %get3A_2858 = arith.constant 0 : index
      %get3A_2859 = tpu.vector_load %arg6[%get3A_2856, %get3A_2857, %get3A_2858] {strides = array<i32>} : memref<2x80x64xf32, #tpu.memory_space<vmem>>, vector<1x1x16xf32>,
      %get3A_2860 = vector.shape_cast %get3A_2859 : vector<1x1x16xf32> to vector<16xf32>
      %add3A_2861 = arith.addf %add3A_2853, %get3A_2860 : vector<16xf32>
      %get3A_2862 = arith.constant 1 : i32
      %get3A_2863 = arith.constant 8 : i32
      %get3A_2864 = arith.index_cast %get3A_2862 : i32 to index
      %get3A_2865 = arith.index_cast %get3A_2863 : i32 to index
      %get3A_2866 = arith.constant 0 : index
      %get3A_2867 = tpu.vector_load %arg6[%get3A_2864, %get3A_2865, %get3A_2866] {strides = array<i32>} : memref<2x80x64xf32, #tpu.memory_space<vmem>>, vector<1x1x16xf32>,
      %get3A_2868 = vector.shape_cast %get3A_2867 : vector<1x1x16xf32> to vector<16xf32>
      %add3A_2869 = arith.addf %add3A_2861, %get3A_2868 : vector<16xf32>
      %get3A_2870 = arith.constant 1 : i32
      %get3A_2871 = arith.constant 9 : i32
      %get3A_2872 = arith.index_cast %get3A_2870 : i32 to index
      %get3A_2873 = arith.index_cast %get3A_2871 : i32 to index
      %get3A_2874 = arith.constant 0 : index
      %get3A_2875 = tpu.vector_load %arg6[%get3A_2872, %get3A_2873, %get3A_2874] {strides = array<i32>} : memref<2x80x64xf32, #tpu.memory_space<vmem>>, vector<1x1x16xf32>,
      %get3A_2876 = vector.shape_cast %get3A_2875 : vector<1x1x16xf32> to vector<16xf32>
      %add3A_2877 = arith.addf %add3A_2869, %get3A_2876 : vector<16xf32>
      %get3A_2878 = arith.constant 1 : i32
      %get3A_2879 = arith.constant 10 : i32
      %get3A_2880 = arith.index_cast %get3A_2878 : i32 to index
      %get3A_2881 = arith.index_cast %get3A_2879 : i32 to index
      %get3A_2882 = arith.constant 0 : index
      %get3A_2883 = tpu.vector_load %arg6[%get3A_2880, %get3A_2881, %get3A_2882] {strides = array<i32>} : memref<2x80x64xf32, #tpu.memory_space<vmem>>, vector<1x1x16xf32>,
      %get3A_2884 = vector.shape_cast %get3A_2883 : vector<1x1x16xf32> to vector<16xf32>
      %add3A_2885 = arith.addf %add3A_2877, %get3A_2884 : vector<16xf32>
      %get3A_2886 = arith.constant 1 : i32
      %get3A_2887 = arith.constant 11 : i32
      %get3A_2888 = arith.index_cast %get3A_2886 : i32 to index
      %get3A_2889 = arith.index_cast %get3A_2887 : i32 to index
      %get3A_2890 = arith.constant 0 : index
      %get3A_2891 = tpu.vector_load %arg6[%get3A_2888, %get3A_2889, %get3A_2890] {strides = array<i32>} : memref<2x80x64xf32, #tpu.memory_space<vmem>>, vector<1x1x16xf32>,
      %get3A_2892 = vector.shape_cast %get3A_2891 : vector<1x1x16xf32> to vector<16xf32>
      %add3A_2893 = arith.addf %add3A_2885, %get3A_2892 : vector<16xf32>
      %get3A_2894 = arith.constant 1 : i32
      %get3A_2895 = arith.constant 12 : i32
      %get3A_2896 = arith.index_cast %get3A_2894 : i32 to index
      %get3A_2897 = arith.index_cast %get3A_2895 : i32 to index
      %get3A_2898 = arith.constant 0 : index
      %get3A_2899 = tpu.vector_load %arg6[%get3A_2896, %get3A_2897, %get3A_2898] {strides = array<i32>} : memref<2x80x64xf32, #tpu.memory_space<vmem>>, vector<1x1x16xf32>,
      %get3A_2900 = vector.shape_cast %get3A_2899 : vector<1x1x16xf32> to vector<16xf32>
      %add3A_2901 = arith.addf %add3A_2893, %get3A_2900 : vector<16xf32>
      %get3A_2902 = arith.constant 1 : i32
      %get3A_2903 = arith.constant 13 : i32
      %get3A_2904 = arith.index_cast %get3A_2902 : i32 to index
      %get3A_2905 = arith.index_cast %get3A_2903 : i32 to index
      %get3A_2906 = arith.constant 0 : index
      %get3A_2907 = tpu.vector_load %arg6[%get3A_2904, %get3A_2905, %get3A_2906] {strides = array<i32>} : memref<2x80x64xf32, #tpu.memory_space<vmem>>, vector<1x1x16xf32>,
      %get3A_2908 = vector.shape_cast %get3A_2907 : vector<1x1x16xf32> to vector<16xf32>
      %add3A_2909 = arith.addf %add3A_2901, %get3A_2908 : vector<16xf32>
      %get3A_2910 = arith.constant 1 : i32
      %get3A_2911 = arith.constant 14 : i32
      %get3A_2912 = arith.index_cast %get3A_2910 : i32 to index
      %get3A_2913 = arith.index_cast %get3A_2911 : i32 to index
      %get3A_2914 = arith.constant 0 : index
      %get3A_2915 = tpu.vector_load %arg6[%get3A_2912, %get3A_2913, %get3A_2914] {strides = array<i32>} : memref<2x80x64xf32, #tpu.memory_space<vmem>>, vector<1x1x16xf32>,
      %get3A_2916 = vector.shape_cast %get3A_2915 : vector<1x1x16xf32> to vector<16xf32>
      %add3A_2917 = arith.addf %add3A_2909, %get3A_2916 : vector<16xf32>
      %get3A_2918 = arith.constant 1 : i32
      %get3A_2919 = arith.constant 15 : i32
      %get3A_2920 = arith.index_cast %get3A_2918 : i32 to index
      %get3A_2921 = arith.index_cast %get3A_2919 : i32 to index
      %get3A_2922 = arith.constant 0 : index
      %get3A_2923 = tpu.vector_load %arg6[%get3A_2920, %get3A_2921, %get3A_2922] {strides = array<i32>} : memref<2x80x64xf32, #tpu.memory_space<vmem>>, vector<1x1x16xf32>,
      %get3A_2924 = vector.shape_cast %get3A_2923 : vector<1x1x16xf32> to vector<16xf32>
      %add3A_2925 = arith.addf %add3A_2917, %get3A_2924 : vector<16xf32>
      %get3A_2926 = arith.constant 1 : i32
      %get3A_2927 = arith.constant 16 : i32
      %get3A_2928 = arith.index_cast %get3A_2926 : i32 to index
      %get3A_2929 = arith.index_cast %get3A_2927 : i32 to index
      %get3A_2930 = arith.constant 0 : index
      %get3A_2931 = tpu.vector_load %arg6[%get3A_2928, %get3A_2929, %get3A_2930] {strides = array<i32>} : memref<2x80x64xf32, #tpu.memory_space<vmem>>, vector<1x1x16xf32>,
      %get3A_2932 = vector.shape_cast %get3A_2931 : vector<1x1x16xf32> to vector<16xf32>
      %add3A_2933 = arith.addf %add3A_2925, %get3A_2932 : vector<16xf32>
      %get3A_2934 = arith.constant 1 : i32
      %get3A_2935 = arith.constant 17 : i32
      %get3A_2936 = arith.index_cast %get3A_2934 : i32 to index
      %get3A_2937 = arith.index_cast %get3A_2935 : i32 to index
      %get3A_2938 = arith.constant 0 : index
      %get3A_2939 = tpu.vector_load %arg6[%get3A_2936, %get3A_2937, %get3A_2938] {strides = array<i32>} : memref<2x80x64xf32, #tpu.memory_space<vmem>>, vector<1x1x16xf32>,
      %get3A_2940 = vector.shape_cast %get3A_2939 : vector<1x1x16xf32> to vector<16xf32>
      %add3A_2941 = arith.addf %add3A_2933, %get3A_2940 : vector<16xf32>
      %get3A_2942 = arith.constant 1 : i32
      %get3A_2943 = arith.constant 18 : i32
      %get3A_2944 = arith.index_cast %get3A_2942 : i32 to index
      %get3A_2945 = arith.index_cast %get3A_2943 : i32 to index
      %get3A_2946 = arith.constant 0 : index
      %get3A_2947 = tpu.vector_load %arg6[%get3A_2944, %get3A_2945, %get3A_2946] {strides = array<i32>} : memref<2x80x64xf32, #tpu.memory_space<vmem>>, vector<1x1x16xf32>,
      %get3A_2948 = vector.shape_cast %get3A_2947 : vector<1x1x16xf32> to vector<16xf32>
      %add3A_2949 = arith.addf %add3A_2941, %get3A_2948 : vector<16xf32>
      %get3A_2950 = arith.constant 1 : i32
      %get3A_2951 = arith.constant 19 : i32
      %get3A_2952 = arith.index_cast %get3A_2950 : i32 to index
      %get3A_2953 = arith.index_cast %get3A_2951 : i32 to index
      %get3A_2954 = arith.constant 0 : index
      %get3A_2955 = tpu.vector_load %arg6[%get3A_2952, %get3A_2953, %get3A_2954] {strides = array<i32>} : memref<2x80x64xf32, #tpu.memory_space<vmem>>, vector<1x1x16xf32>,
      %get3A_2956 = vector.shape_cast %get3A_2955 : vector<1x1x16xf32> to vector<16xf32>
      %add3A_2957 = arith.addf %add3A_2949, %get3A_2956 : vector<16xf32>
      %mul3A_2958 = arith.constant 5.000000e-02 : f32
      %mul3A_2959 = vector.broadcast %mul3A_2958 : f32 to vector<16xf32>
      %mul3A_2960 = arith.mulf %add3A_2957, %mul3A_2959 : vector<16xf32>
      %mul3A_2961 = arith.constant 4 : i32
      %mul3A_2962 = arith.muli %add3A_2787, %mul3A_2961 : i32
      %add3A_2963 = arith.constant 0 : i32
      %add3A_2964 = arith.addi %mul3A_2962, %add3A_2963 : i32
      %swap3A_2965 = arith.index_cast %add3A_2964 : i32 to index
      %swap3A_2966 = arith.constant 0 : index
      %swap3A_2967 = tpu.vector_load %arg7[%swap3A_2965, %swap3A_2966] {strides = array<i32>} : memref<128x64xf32, #tpu.memory_space<vmem>>, vector<1x16xf32>,
      %swap3A_2968 = vector.shape_cast %swap3A_2967 : vector<1x16xf32> to vector<16xf32>
      %swap3A_2969 = vector.shape_cast %mul3A_2960 : vector<16xf32> to vector<1x16xf32>
      tpu.vector_store %arg7[%swap3A_2965, %swap3A_2966], %swap3A_2969 {strides = array<i32>} : memref<128x64xf32, #tpu.memory_space<vmem>>, vector<1x16xf32>,
      %get3A_2970 = arith.constant 1 : i32
      %get3A_2971 = arith.constant 0 : i32
      %get3A_2972 = arith.index_cast %get3A_2970 : i32 to index
      %get3A_2973 = arith.index_cast %get3A_2971 : i32 to index
      %get3A_2974 = arith.constant 16 : index
      %get3A_2975 = tpu.vector_load %arg6[%get3A_2972, %get3A_2973, %get3A_2974] {strides = array<i32>} : memref<2x80x64xf32, #tpu.memory_space<vmem>>, vector<1x1x16xf32>,
      %get3A_2976 = vector.shape_cast %get3A_2975 : vector<1x1x16xf32> to vector<16xf32>
      %get3A_2977 = arith.constant 1 : i32
      %get3A_2978 = arith.constant 1 : i32
      %get3A_2979 = arith.index_cast %get3A_2977 : i32 to index
      %get3A_2980 = arith.index_cast %get3A_2978 : i32 to index
      %get3A_2981 = arith.constant 16 : index
      %get3A_2982 = tpu.vector_load %arg6[%get3A_2979, %get3A_2980, %get3A_2981] {strides = array<i32>} : memref<2x80x64xf32, #tpu.memory_space<vmem>>, vector<1x1x16xf32>,
      %get3A_2983 = vector.shape_cast %get3A_2982 : vector<1x1x16xf32> to vector<16xf32>
      %add3A_2984 = arith.addf %get3A_2976, %get3A_2983 : vector<16xf32>
      %get3A_2985 = arith.constant 1 : i32
      %get3A_2986 = arith.constant 2 : i32
      %get3A_2987 = arith.index_cast %get3A_2985 : i32 to index
      %get3A_2988 = arith.index_cast %get3A_2986 : i32 to index
      %get3A_2989 = arith.constant 16 : index
      %get3A_2990 = tpu.vector_load %arg6[%get3A_2987, %get3A_2988, %get3A_2989] {strides = array<i32>} : memref<2x80x64xf32, #tpu.memory_space<vmem>>, vector<1x1x16xf32>,
      %get3A_2991 = vector.shape_cast %get3A_2990 : vector<1x1x16xf32> to vector<16xf32>
      %add3A_2992 = arith.addf %add3A_2984, %get3A_2991 : vector<16xf32>
      %get3A_2993 = arith.constant 1 : i32
      %get3A_2994 = arith.constant 3 : i32
      %get3A_2995 = arith.index_cast %get3A_2993 : i32 to index
      %get3A_2996 = arith.index_cast %get3A_2994 : i32 to index
      %get3A_2997 = arith.constant 16 : index
      %get3A_2998 = tpu.vector_load %arg6[%get3A_2995, %get3A_2996, %get3A_2997] {strides = array<i32>} : memref<2x80x64xf32, #tpu.memory_space<vmem>>, vector<1x1x16xf32>,
      %get3A_2999 = vector.shape_cast %get3A_2998 : vector<1x1x16xf32> to vector<16xf32>
      %add3A_3000 = arith.addf %add3A_2992, %get3A_2999 : vector<16xf32>
      %get3A_3001 = arith.constant 1 : i32
      %get3A_3002 = arith.constant 4 : i32
      %get3A_3003 = arith.index_cast %get3A_3001 : i32 to index
      %get3A_3004 = arith.index_cast %get3A_3002 : i32 to index
      %get3A_3005 = arith.constant 16 : index
      %get3A_3006 = tpu.vector_load %arg6[%get3A_3003, %get3A_3004, %get3A_3005] {strides = array<i32>} : memref<2x80x64xf32, #tpu.memory_space<vmem>>, vector<1x1x16xf32>,
      %get3A_3007 = vector.shape_cast %get3A_3006 : vector<1x1x16xf32> to vector<16xf32>
      %add3A_3008 = arith.addf %add3A_3000, %get3A_3007 : vector<16xf32>
      %get3A_3009 = arith.constant 1 : i32
      %get3A_3010 = arith.constant 5 : i32
      %get3A_3011 = arith.index_cast %get3A_3009 : i32 to index
      %get3A_3012 = arith.index_cast %get3A_3010 : i32 to index
      %get3A_3013 = arith.constant 16 : index
      %get3A_3014 = tpu.vector_load %arg6[%get3A_3011, %get3A_3012, %get3A_3013] {strides = array<i32>} : memref<2x80x64xf32, #tpu.memory_space<vmem>>, vector<1x1x16xf32>,
      %get3A_3015 = vector.shape_cast %get3A_3014 : vector<1x1x16xf32> to vector<16xf32>
      %add3A_3016 = arith.addf %add3A_3008, %get3A_3015 : vector<16xf32>
      %get3A_3017 = arith.constant 1 : i32
      %get3A_3018 = arith.constant 6 : i32
      %get3A_3019 = arith.index_cast %get3A_3017 : i32 to index
      %get3A_3020 = arith.index_cast %get3A_3018 : i32 to index
      %get3A_3021 = arith.constant 16 : index
      %get3A_3022 = tpu.vector_load %arg6[%get3A_3019, %get3A_3020, %get3A_3021] {strides = array<i32>} : memref<2x80x64xf32, #tpu.memory_space<vmem>>, vector<1x1x16xf32>,
      %get3A_3023 = vector.shape_cast %get3A_3022 : vector<1x1x16xf32> to vector<16xf32>
      %add3A_3024 = arith.addf %add3A_3016, %get3A_3023 : vector<16xf32>
      %get3A_3025 = arith.constant 1 : i32
      %get3A_3026 = arith.constant 7 : i32
      %get3A_3027 = arith.index_cast %get3A_3025 : i32 to index
      %get3A_3028 = arith.index_cast %get3A_3026 : i32 to index
      %get3A_3029 = arith.constant 16 : index
      %get3A_3030 = tpu.vector_load %arg6[%get3A_3027, %get3A_3028, %get3A_3029] {strides = array<i32>} : memref<2x80x64xf32, #tpu.memory_space<vmem>>, vector<1x1x16xf32>,
      %get3A_3031 = vector.shape_cast %get3A_3030 : vector<1x1x16xf32> to vector<16xf32>
      %add3A_3032 = arith.addf %add3A_3024, %get3A_3031 : vector<16xf32>
      %get3A_3033 = arith.constant 1 : i32
      %get3A_3034 = arith.constant 8 : i32
      %get3A_3035 = arith.index_cast %get3A_3033 : i32 to index
      %get3A_3036 = arith.index_cast %get3A_3034 : i32 to index
      %get3A_3037 = arith.constant 16 : index
      %get3A_3038 = tpu.vector_load %arg6[%get3A_3035, %get3A_3036, %get3A_3037] {strides = array<i32>} : memref<2x80x64xf32, #tpu.memory_space<vmem>>, vector<1x1x16xf32>,
      %get3A_3039 = vector.shape_cast %get3A_3038 : vector<1x1x16xf32> to vector<16xf32>
      %add3A_3040 = arith.addf %add3A_3032, %get3A_3039 : vector<16xf32>
      %get3A_3041 = arith.constant 1 : i32
      %get3A_3042 = arith.constant 9 : i32
      %get3A_3043 = arith.index_cast %get3A_3041 : i32 to index
      %get3A_3044 = arith.index_cast %get3A_3042 : i32 to index
      %get3A_3045 = arith.constant 16 : index
      %get3A_3046 = tpu.vector_load %arg6[%get3A_3043, %get3A_3044, %get3A_3045] {strides = array<i32>} : memref<2x80x64xf32, #tpu.memory_space<vmem>>, vector<1x1x16xf32>,
      %get3A_3047 = vector.shape_cast %get3A_3046 : vector<1x1x16xf32> to vector<16xf32>
      %add3A_3048 = arith.addf %add3A_3040, %get3A_3047 : vector<16xf32>
      %get3A_3049 = arith.constant 1 : i32
      %get3A_3050 = arith.constant 10 : i32
      %get3A_3051 = arith.index_cast %get3A_3049 : i32 to index
      %get3A_3052 = arith.index_cast %get3A_3050 : i32 to index
      %get3A_3053 = arith.constant 16 : index
      %get3A_3054 = tpu.vector_load %arg6[%get3A_3051, %get3A_3052, %get3A_3053] {strides = array<i32>} : memref<2x80x64xf32, #tpu.memory_space<vmem>>, vector<1x1x16xf32>,
      %get3A_3055 = vector.shape_cast %get3A_3054 : vector<1x1x16xf32> to vector<16xf32>
      %add3A_3056 = arith.addf %add3A_3048, %get3A_3055 : vector<16xf32>
      %get3A_3057 = arith.constant 1 : i32
      %get3A_3058 = arith.constant 11 : i32
      %get3A_3059 = arith.index_cast %get3A_3057 : i32 to index
      %get3A_3060 = arith.index_cast %get3A_3058 : i32 to index
      %get3A_3061 = arith.constant 16 : index
      %get3A_3062 = tpu.vector_load %arg6[%get3A_3059, %get3A_3060, %get3A_3061] {strides = array<i32>} : memref<2x80x64xf32, #tpu.memory_space<vmem>>, vector<1x1x16xf32>,
      %get3A_3063 = vector.shape_cast %get3A_3062 : vector<1x1x16xf32> to vector<16xf32>
      %add3A_3064 = arith.addf %add3A_3056, %get3A_3063 : vector<16xf32>
      %get3A_3065 = arith.constant 1 : i32
      %get3A_3066 = arith.constant 12 : i32
      %get3A_3067 = arith.index_cast %get3A_3065 : i32 to index
      %get3A_3068 = arith.index_cast %get3A_3066 : i32 to index
      %get3A_3069 = arith.constant 16 : index
      %get3A_3070 = tpu.vector_load %arg6[%get3A_3067, %get3A_3068, %get3A_3069] {strides = array<i32>} : memref<2x80x64xf32, #tpu.memory_space<vmem>>, vector<1x1x16xf32>,
      %get3A_3071 = vector.shape_cast %get3A_3070 : vector<1x1x16xf32> to vector<16xf32>
      %add3A_3072 = arith.addf %add3A_3064, %get3A_3071 : vector<16xf32>
      %get3A_3073 = arith.constant 1 : i32
      %get3A_3074 = arith.constant 13 : i32
      %get3A_3075 = arith.index_cast %get3A_3073 : i32 to index
      %get3A_3076 = arith.index_cast %get3A_3074 : i32 to index
      %get3A_3077 = arith.constant 16 : index
      %get3A_3078 = tpu.vector_load %arg6[%get3A_3075, %get3A_3076, %get3A_3077] {strides = array<i32>} : memref<2x80x64xf32, #tpu.memory_space<vmem>>, vector<1x1x16xf32>,
      %get3A_3079 = vector.shape_cast %get3A_3078 : vector<1x1x16xf32> to vector<16xf32>
      %add3A_3080 = arith.addf %add3A_3072, %get3A_3079 : vector<16xf32>
      %get3A_3081 = arith.constant 1 : i32
      %get3A_3082 = arith.constant 14 : i32
      %get3A_3083 = arith.index_cast %get3A_3081 : i32 to index
      %get3A_3084 = arith.index_cast %get3A_3082 : i32 to index
      %get3A_3085 = arith.constant 16 : index
      %get3A_3086 = tpu.vector_load %arg6[%get3A_3083, %get3A_3084, %get3A_3085] {strides = array<i32>} : memref<2x80x64xf32, #tpu.memory_space<vmem>>, vector<1x1x16xf32>,
      %get3A_3087 = vector.shape_cast %get3A_3086 : vector<1x1x16xf32> to vector<16xf32>
      %add3A_3088 = arith.addf %add3A_3080, %get3A_3087 : vector<16xf32>
      %get3A_3089 = arith.constant 1 : i32
      %get3A_3090 = arith.constant 15 : i32
      %get3A_3091 = arith.index_cast %get3A_3089 : i32 to index
      %get3A_3092 = arith.index_cast %get3A_3090 : i32 to index
      %get3A_3093 = arith.constant 16 : index
      %get3A_3094 = tpu.vector_load %arg6[%get3A_3091, %get3A_3092, %get3A_3093] {strides = array<i32>} : memref<2x80x64xf32, #tpu.memory_space<vmem>>, vector<1x1x16xf32>,
      %get3A_3095 = vector.shape_cast %get3A_3094 : vector<1x1x16xf32> to vector<16xf32>
      %add3A_3096 = arith.addf %add3A_3088, %get3A_3095 : vector<16xf32>
      %get3A_3097 = arith.constant 1 : i32
      %get3A_3098 = arith.constant 16 : i32
      %get3A_3099 = arith.index_cast %get3A_3097 : i32 to index
      %get3A_3100 = arith.index_cast %get3A_3098 : i32 to index
      %get3A_3101 = arith.constant 16 : index
      %get3A_3102 = tpu.vector_load %arg6[%get3A_3099, %get3A_3100, %get3A_3101] {strides = array<i32>} : memref<2x80x64xf32, #tpu.memory_space<vmem>>, vector<1x1x16xf32>,
      %get3A_3103 = vector.shape_cast %get3A_3102 : vector<1x1x16xf32> to vector<16xf32>
      %add3A_3104 = arith.addf %add3A_3096, %get3A_3103 : vector<16xf32>
      %get3A_3105 = arith.constant 1 : i32
      %get3A_3106 = arith.constant 17 : i32
      %get3A_3107 = arith.index_cast %get3A_3105 : i32 to index
      %get3A_3108 = arith.index_cast %get3A_3106 : i32 to index
      %get3A_3109 = arith.constant 16 : index
      %get3A_3110 = tpu.vector_load %arg6[%get3A_3107, %get3A_3108, %get3A_3109] {strides = array<i32>} : memref<2x80x64xf32, #tpu.memory_space<vmem>>, vector<1x1x16xf32>,
      %get3A_3111 = vector.shape_cast %get3A_3110 : vector<1x1x16xf32> to vector<16xf32>
      %add3A_3112 = arith.addf %add3A_3104, %get3A_3111 : vector<16xf32>
      %get3A_3113 = arith.constant 1 : i32
      %get3A_3114 = arith.constant 18 : i32
      %get3A_3115 = arith.index_cast %get3A_3113 : i32 to index
      %get3A_3116 = arith.index_cast %get3A_3114 : i32 to index
      %get3A_3117 = arith.constant 16 : index
      %get3A_3118 = tpu.vector_load %arg6[%get3A_3115, %get3A_3116, %get3A_3117] {strides = array<i32>} : memref<2x80x64xf32, #tpu.memory_space<vmem>>, vector<1x1x16xf32>,
      %get3A_3119 = vector.shape_cast %get3A_3118 : vector<1x1x16xf32> to vector<16xf32>
      %add3A_3120 = arith.addf %add3A_3112, %get3A_3119 : vector<16xf32>
      %get3A_3121 = arith.constant 1 : i32
      %get3A_3122 = arith.constant 19 : i32
      %get3A_3123 = arith.index_cast %get3A_3121 : i32 to index
      %get3A_3124 = arith.index_cast %get3A_3122 : i32 to index
      %get3A_3125 = arith.constant 16 : index
      %get3A_3126 = tpu.vector_load %arg6[%get3A_3123, %get3A_3124, %get3A_3125] {strides = array<i32>} : memref<2x80x64xf32, #tpu.memory_space<vmem>>, vector<1x1x16xf32>,
      %get3A_3127 = vector.shape_cast %get3A_3126 : vector<1x1x16xf32> to vector<16xf32>
      %add3A_3128 = arith.addf %add3A_3120, %get3A_3127 : vector<16xf32>
      %mul3A_3129 = arith.constant 5.000000e-02 : f32
      %mul3A_3130 = vector.broadcast %mul3A_3129 : f32 to vector<16xf32>
      %mul3A_3131 = arith.mulf %add3A_3128, %mul3A_3130 : vector<16xf32>
      %mul3A_3132 = arith.constant 4 : i32
      %mul3A_3133 = arith.muli %add3A_2787, %mul3A_3132 : i32
      %add3A_3134 = arith.constant 0 : i32
      %add3A_3135 = arith.addi %mul3A_3133, %add3A_3134 : i32
      %swap3A_3136 = arith.index_cast %add3A_3135 : i32 to index
      %swap3A_3137 = arith.constant 16 : index
      %swap3A_3138 = tpu.vector_load %arg7[%swap3A_3136, %swap3A_3137] {strides = array<i32>} : memref<128x64xf32, #tpu.memory_space<vmem>>, vector<1x16xf32>,
      %swap3A_3139 = vector.shape_cast %swap3A_3138 : vector<1x16xf32> to vector<16xf32>
      %swap3A_3140 = vector.shape_cast %mul3A_3131 : vector<16xf32> to vector<1x16xf32>
      tpu.vector_store %arg7[%swap3A_3136, %swap3A_3137], %swap3A_3140 {strides = array<i32>} : memref<128x64xf32, #tpu.memory_space<vmem>>, vector<1x16xf32>,
      %get3A_3141 = arith.constant 1 : i32
      %get3A_3142 = arith.constant 0 : i32
      %get3A_3143 = arith.index_cast %get3A_3141 : i32 to index
      %get3A_3144 = arith.index_cast %get3A_3142 : i32 to index
      %get3A_3145 = arith.constant 32 : index
      %get3A_3146 = tpu.vector_load %arg6[%get3A_3143, %get3A_3144, %get3A_3145] {strides = array<i32>} : memref<2x80x64xf32, #tpu.memory_space<vmem>>, vector<1x1x16xf32>,
      %get3A_3147 = vector.shape_cast %get3A_3146 : vector<1x1x16xf32> to vector<16xf32>
      %get3A_3148 = arith.constant 1 : i32
      %get3A_3149 = arith.constant 1 : i32
      %get3A_3150 = arith.index_cast %get3A_3148 : i32 to index
      %get3A_3151 = arith.index_cast %get3A_3149 : i32 to index
      %get3A_3152 = arith.constant 32 : index
      %get3A_3153 = tpu.vector_load %arg6[%get3A_3150, %get3A_3151, %get3A_3152] {strides = array<i32>} : memref<2x80x64xf32, #tpu.memory_space<vmem>>, vector<1x1x16xf32>,
      %get3A_3154 = vector.shape_cast %get3A_3153 : vector<1x1x16xf32> to vector<16xf32>
      %add3A_3155 = arith.addf %get3A_3147, %get3A_3154 : vector<16xf32>
      %get3A_3156 = arith.constant 1 : i32
      %get3A_3157 = arith.constant 2 : i32
      %get3A_3158 = arith.index_cast %get3A_3156 : i32 to index
      %get3A_3159 = arith.index_cast %get3A_3157 : i32 to index
      %get3A_3160 = arith.constant 32 : index
      %get3A_3161 = tpu.vector_load %arg6[%get3A_3158, %get3A_3159, %get3A_3160] {strides = array<i32>} : memref<2x80x64xf32, #tpu.memory_space<vmem>>, vector<1x1x16xf32>,
      %get3A_3162 = vector.shape_cast %get3A_3161 : vector<1x1x16xf32> to vector<16xf32>
      %add3A_3163 = arith.addf %add3A_3155, %get3A_3162 : vector<16xf32>
      %get3A_3164 = arith.constant 1 : i32
      %get3A_3165 = arith.constant 3 : i32
      %get3A_3166 = arith.index_cast %get3A_3164 : i32 to index
      %get3A_3167 = arith.index_cast %get3A_3165 : i32 to index
      %get3A_3168 = arith.constant 32 : index
      %get3A_3169 = tpu.vector_load %arg6[%get3A_3166, %get3A_3167, %get3A_3168] {strides = array<i32>} : memref<2x80x64xf32, #tpu.memory_space<vmem>>, vector<1x1x16xf32>,
      %get3A_3170 = vector.shape_cast %get3A_3169 : vector<1x1x16xf32> to vector<16xf32>
      %add3A_3171 = arith.addf %add3A_3163, %get3A_3170 : vector<16xf32>
      %get3A_3172 = arith.constant 1 : i32
      %get3A_3173 = arith.constant 4 : i32
      %get3A_3174 = arith.index_cast %get3A_3172 : i32 to index
      %get3A_3175 = arith.index_cast %get3A_3173 : i32 to index
      %get3A_3176 = arith.constant 32 : index
      %get3A_3177 = tpu.vector_load %arg6[%get3A_3174, %get3A_3175, %get3A_3176] {strides = array<i32>} : memref<2x80x64xf32, #tpu.memory_space<vmem>>, vector<1x1x16xf32>,
      %get3A_3178 = vector.shape_cast %get3A_3177 : vector<1x1x16xf32> to vector<16xf32>
      %add3A_3179 = arith.addf %add3A_3171, %get3A_3178 : vector<16xf32>
      %get3A_3180 = arith.constant 1 : i32
      %get3A_3181 = arith.constant 5 : i32
      %get3A_3182 = arith.index_cast %get3A_3180 : i32 to index
      %get3A_3183 = arith.index_cast %get3A_3181 : i32 to index
      %get3A_3184 = arith.constant 32 : index
      %get3A_3185 = tpu.vector_load %arg6[%get3A_3182, %get3A_3183, %get3A_3184] {strides = array<i32>} : memref<2x80x64xf32, #tpu.memory_space<vmem>>, vector<1x1x16xf32>,
      %get3A_3186 = vector.shape_cast %get3A_3185 : vector<1x1x16xf32> to vector<16xf32>
      %add3A_3187 = arith.addf %add3A_3179, %get3A_3186 : vector<16xf32>
      %get3A_3188 = arith.constant 1 : i32
      %get3A_3189 = arith.constant 6 : i32
      %get3A_3190 = arith.index_cast %get3A_3188 : i32 to index
      %get3A_3191 = arith.index_cast %get3A_3189 : i32 to index
      %get3A_3192 = arith.constant 32 : index
      %get3A_3193 = tpu.vector_load %arg6[%get3A_3190, %get3A_3191, %get3A_3192] {strides = array<i32>} : memref<2x80x64xf32, #tpu.memory_space<vmem>>, vector<1x1x16xf32>,
      %get3A_3194 = vector.shape_cast %get3A_3193 : vector<1x1x16xf32> to vector<16xf32>
      %add3A_3195 = arith.addf %add3A_3187, %get3A_3194 : vector<16xf32>
      %get3A_3196 = arith.constant 1 : i32
      %get3A_3197 = arith.constant 7 : i32
      %get3A_3198 = arith.index_cast %get3A_3196 : i32 to index
      %get3A_3199 = arith.index_cast %get3A_3197 : i32 to index
      %get3A_3200 = arith.constant 32 : index
      %get3A_3201 = tpu.vector_load %arg6[%get3A_3198, %get3A_3199, %get3A_3200] {strides = array<i32>} : memref<2x80x64xf32, #tpu.memory_space<vmem>>, vector<1x1x16xf32>,
      %get3A_3202 = vector.shape_cast %get3A_3201 : vector<1x1x16xf32> to vector<16xf32>
      %add3A_3203 = arith.addf %add3A_3195, %get3A_3202 : vector<16xf32>
      %get3A_3204 = arith.constant 1 : i32
      %get3A_3205 = arith.constant 8 : i32
      %get3A_3206 = arith.index_cast %get3A_3204 : i32 to index
      %get3A_3207 = arith.index_cast %get3A_3205 : i32 to index
      %get3A_3208 = arith.constant 32 : index
      %get3A_3209 = tpu.vector_load %arg6[%get3A_3206, %get3A_3207, %get3A_3208] {strides = array<i32>} : memref<2x80x64xf32, #tpu.memory_space<vmem>>, vector<1x1x16xf32>,
      %get3A_3210 = vector.shape_cast %get3A_3209 : vector<1x1x16xf32> to vector<16xf32>
      %add3A_3211 = arith.addf %add3A_3203, %get3A_3210 : vector<16xf32>
      %get3A_3212 = arith.constant 1 : i32
      %get3A_3213 = arith.constant 9 : i32
      %get3A_3214 = arith.index_cast %get3A_3212 : i32 to index
      %get3A_3215 = arith.index_cast %get3A_3213 : i32 to index
      %get3A_3216 = arith.constant 32 : index
      %get3A_3217 = tpu.vector_load %arg6[%get3A_3214, %get3A_3215, %get3A_3216] {strides = array<i32>} : memref<2x80x64xf32, #tpu.memory_space<vmem>>, vector<1x1x16xf32>,
      %get3A_3218 = vector.shape_cast %get3A_3217 : vector<1x1x16xf32> to vector<16xf32>
      %add3A_3219 = arith.addf %add3A_3211, %get3A_3218 : vector<16xf32>
      %get3A_3220 = arith.constant 1 : i32
      %get3A_3221 = arith.constant 10 : i32
      %get3A_3222 = arith.index_cast %get3A_3220 : i32 to index
      %get3A_3223 = arith.index_cast %get3A_3221 : i32 to index
      %get3A_3224 = arith.constant 32 : index
      %get3A_3225 = tpu.vector_load %arg6[%get3A_3222, %get3A_3223, %get3A_3224] {strides = array<i32>} : memref<2x80x64xf32, #tpu.memory_space<vmem>>, vector<1x1x16xf32>,
      %get3A_3226 = vector.shape_cast %get3A_3225 : vector<1x1x16xf32> to vector<16xf32>
      %add3A_3227 = arith.addf %add3A_3219, %get3A_3226 : vector<16xf32>
      %get3A_3228 = arith.constant 1 : i32
      %get3A_3229 = arith.constant 11 : i32
      %get3A_3230 = arith.index_cast %get3A_3228 : i32 to index
      %get3A_3231 = arith.index_cast %get3A_3229 : i32 to index
      %get3A_3232 = arith.constant 32 : index
      %get3A_3233 = tpu.vector_load %arg6[%get3A_3230, %get3A_3231, %get3A_3232] {strides = array<i32>} : memref<2x80x64xf32, #tpu.memory_space<vmem>>, vector<1x1x16xf32>,
      %get3A_3234 = vector.shape_cast %get3A_3233 : vector<1x1x16xf32> to vector<16xf32>
      %add3A_3235 = arith.addf %add3A_3227, %get3A_3234 : vector<16xf32>
      %get3A_3236 = arith.constant 1 : i32
      %get3A_3237 = arith.constant 12 : i32
      %get3A_3238 = arith.index_cast %get3A_3236 : i32 to index
      %get3A_3239 = arith.index_cast %get3A_3237 : i32 to index
      %get3A_3240 = arith.constant 32 : index
      %get3A_3241 = tpu.vector_load %arg6[%get3A_3238, %get3A_3239, %get3A_3240] {strides = array<i32>} : memref<2x80x64xf32, #tpu.memory_space<vmem>>, vector<1x1x16xf32>,
      %get3A_3242 = vector.shape_cast %get3A_3241 : vector<1x1x16xf32> to vector<16xf32>
      %add3A_3243 = arith.addf %add3A_3235, %get3A_3242 : vector<16xf32>
      %get3A_3244 = arith.constant 1 : i32
      %get3A_3245 = arith.constant 13 : i32
      %get3A_3246 = arith.index_cast %get3A_3244 : i32 to index
      %get3A_3247 = arith.index_cast %get3A_3245 : i32 to index
      %get3A_3248 = arith.constant 32 : index
      %get3A_3249 = tpu.vector_load %arg6[%get3A_3246, %get3A_3247, %get3A_3248] {strides = array<i32>} : memref<2x80x64xf32, #tpu.memory_space<vmem>>, vector<1x1x16xf32>,
      %get3A_3250 = vector.shape_cast %get3A_3249 : vector<1x1x16xf32> to vector<16xf32>
      %add3A_3251 = arith.addf %add3A_3243, %get3A_3250 : vector<16xf32>
      %get3A_3252 = arith.constant 1 : i32
      %get3A_3253 = arith.constant 14 : i32
      %get3A_3254 = arith.index_cast %get3A_3252 : i32 to index
      %get3A_3255 = arith.index_cast %get3A_3253 : i32 to index
      %get3A_3256 = arith.constant 32 : index
      %get3A_3257 = tpu.vector_load %arg6[%get3A_3254, %get3A_3255, %get3A_3256] {strides = array<i32>} : memref<2x80x64xf32, #tpu.memory_space<vmem>>, vector<1x1x16xf32>,
      %get3A_3258 = vector.shape_cast %get3A_3257 : vector<1x1x16xf32> to vector<16xf32>
      %add3A_3259 = arith.addf %add3A_3251, %get3A_3258 : vector<16xf32>
      %get3A_3260 = arith.constant 1 : i32
      %get3A_3261 = arith.constant 15 : i32
      %get3A_3262 = arith.index_cast %get3A_3260 : i32 to index
      %get3A_3263 = arith.index_cast %get3A_3261 : i32 to index
      %get3A_3264 = arith.constant 32 : index
      %get3A_3265 = tpu.vector_load %arg6[%get3A_3262, %get3A_3263, %get3A_3264] {strides = array<i32>} : memref<2x80x64xf32, #tpu.memory_space<vmem>>, vector<1x1x16xf32>,
      %get3A_3266 = vector.shape_cast %get3A_3265 : vector<1x1x16xf32> to vector<16xf32>
      %add3A_3267 = arith.addf %add3A_3259, %get3A_3266 : vector<16xf32>
      %get3A_3268 = arith.constant 1 : i32
      %get3A_3269 = arith.constant 16 : i32
      %get3A_3270 = arith.index_cast %get3A_3268 : i32 to index
      %get3A_3271 = arith.index_cast %get3A_3269 : i32 to index
      %get3A_3272 = arith.constant 32 : index
      %get3A_3273 = tpu.vector_load %arg6[%get3A_3270, %get3A_3271, %get3A_3272] {strides = array<i32>} : memref<2x80x64xf32, #tpu.memory_space<vmem>>, vector<1x1x16xf32>,
      %get3A_3274 = vector.shape_cast %get3A_3273 : vector<1x1x16xf32> to vector<16xf32>
      %add3A_3275 = arith.addf %add3A_3267, %get3A_3274 : vector<16xf32>
      %get3A_3276 = arith.constant 1 : i32
      %get3A_3277 = arith.constant 17 : i32
      %get3A_3278 = arith.index_cast %get3A_3276 : i32 to index
      %get3A_3279 = arith.index_cast %get3A_3277 : i32 to index
      %get3A_3280 = arith.constant 32 : index
      %get3A_3281 = tpu.vector_load %arg6[%get3A_3278, %get3A_3279, %get3A_3280] {strides = array<i32>} : memref<2x80x64xf32, #tpu.memory_space<vmem>>, vector<1x1x16xf32>,
      %get3A_3282 = vector.shape_cast %get3A_3281 : vector<1x1x16xf32> to vector<16xf32>
      %add3A_3283 = arith.addf %add3A_3275, %get3A_3282 : vector<16xf32>
      %get3A_3284 = arith.constant 1 : i32
      %get3A_3285 = arith.constant 18 : i32
      %get3A_3286 = arith.index_cast %get3A_3284 : i32 to index
      %get3A_3287 = arith.index_cast %get3A_3285 : i32 to index
      %get3A_3288 = arith.constant 32 : index
      %get3A_3289 = tpu.vector_load %arg6[%get3A_3286, %get3A_3287, %get3A_3288] {strides = array<i32>} : memref<2x80x64xf32, #tpu.memory_space<vmem>>, vector<1x1x16xf32>,
      %get3A_3290 = vector.shape_cast %get3A_3289 : vector<1x1x16xf32> to vector<16xf32>
      %add3A_3291 = arith.addf %add3A_3283, %get3A_3290 : vector<16xf32>
      %get3A_3292 = arith.constant 1 : i32
      %get3A_3293 = arith.constant 19 : i32
      %get3A_3294 = arith.index_cast %get3A_3292 : i32 to index
      %get3A_3295 = arith.index_cast %get3A_3293 : i32 to index
      %get3A_3296 = arith.constant 32 : index
      %get3A_3297 = tpu.vector_load %arg6[%get3A_3294, %get3A_3295, %get3A_3296] {strides = array<i32>} : memref<2x80x64xf32, #tpu.memory_space<vmem>>, vector<1x1x16xf32>,
      %get3A_3298 = vector.shape_cast %get3A_3297 : vector<1x1x16xf32> to vector<16xf32>
      %add3A_3299 = arith.addf %add3A_3291, %get3A_3298 : vector<16xf32>
      %mul3A_3300 = arith.constant 5.000000e-02 : f32
      %mul3A_3301 = vector.broadcast %mul3A_3300 : f32 to vector<16xf32>
      %mul3A_3302 = arith.mulf %add3A_3299, %mul3A_3301 : vector<16xf32>
      %mul3A_3303 = arith.constant 4 : i32
      %mul3A_3304 = arith.muli %add3A_2787, %mul3A_3303 : i32
      %add3A_3305 = arith.constant 0 : i32
      %add3A_3306 = arith.addi %mul3A_3304, %add3A_3305 : i32
      %swap3A_3307 = arith.index_cast %add3A_3306 : i32 to index
      %swap3A_3308 = arith.constant 32 : index
      %swap3A_3309 = tpu.vector_load %arg7[%swap3A_3307, %swap3A_3308] {strides = array<i32>} : memref<128x64xf32, #tpu.memory_space<vmem>>, vector<1x16xf32>,
      %swap3A_3310 = vector.shape_cast %swap3A_3309 : vector<1x16xf32> to vector<16xf32>
      %swap3A_3311 = vector.shape_cast %mul3A_3302 : vector<16xf32> to vector<1x16xf32>
      tpu.vector_store %arg7[%swap3A_3307, %swap3A_3308], %swap3A_3311 {strides = array<i32>} : memref<128x64xf32, #tpu.memory_space<vmem>>, vector<1x16xf32>,
      %get3A_3312 = arith.constant 1 : i32
      %get3A_3313 = arith.constant 0 : i32
      %get3A_3314 = arith.index_cast %get3A_3312 : i32 to index
      %get3A_3315 = arith.index_cast %get3A_3313 : i32 to index
      %get3A_3316 = arith.constant 48 : index
      %get3A_3317 = tpu.vector_load %arg6[%get3A_3314, %get3A_3315, %get3A_3316] {strides = array<i32>} : memref<2x80x64xf32, #tpu.memory_space<vmem>>, vector<1x1x16xf32>,
      %get3A_3318 = vector.shape_cast %get3A_3317 : vector<1x1x16xf32> to vector<16xf32>
      %get3A_3319 = arith.constant 1 : i32
      %get3A_3320 = arith.constant 1 : i32
      %get3A_3321 = arith.index_cast %get3A_3319 : i32 to index
      %get3A_3322 = arith.index_cast %get3A_3320 : i32 to index
      %get3A_3323 = arith.constant 48 : index
      %get3A_3324 = tpu.vector_load %arg6[%get3A_3321, %get3A_3322, %get3A_3323] {strides = array<i32>} : memref<2x80x64xf32, #tpu.memory_space<vmem>>, vector<1x1x16xf32>,
      %get3A_3325 = vector.shape_cast %get3A_3324 : vector<1x1x16xf32> to vector<16xf32>
      %add3A_3326 = arith.addf %get3A_3318, %get3A_3325 : vector<16xf32>
      %get3A_3327 = arith.constant 1 : i32
      %get3A_3328 = arith.constant 2 : i32
      %get3A_3329 = arith.index_cast %get3A_3327 : i32 to index
      %get3A_3330 = arith.index_cast %get3A_3328 : i32 to index
      %get3A_3331 = arith.constant 48 : index
      %get3A_3332 = tpu.vector_load %arg6[%get3A_3329, %get3A_3330, %get3A_3331] {strides = array<i32>} : memref<2x80x64xf32, #tpu.memory_space<vmem>>, vector<1x1x16xf32>,
      %get3A_3333 = vector.shape_cast %get3A_3332 : vector<1x1x16xf32> to vector<16xf32>
      %add3A_3334 = arith.addf %add3A_3326, %get3A_3333 : vector<16xf32>
      %get3A_3335 = arith.constant 1 : i32
      %get3A_3336 = arith.constant 3 : i32
      %get3A_3337 = arith.index_cast %get3A_3335 : i32 to index
      %get3A_3338 = arith.index_cast %get3A_3336 : i32 to index
      %get3A_3339 = arith.constant 48 : index
      %get3A_3340 = tpu.vector_load %arg6[%get3A_3337, %get3A_3338, %get3A_3339] {strides = array<i32>} : memref<2x80x64xf32, #tpu.memory_space<vmem>>, vector<1x1x16xf32>,
      %get3A_3341 = vector.shape_cast %get3A_3340 : vector<1x1x16xf32> to vector<16xf32>
      %add3A_3342 = arith.addf %add3A_3334, %get3A_3341 : vector<16xf32>
      %get3A_3343 = arith.constant 1 : i32
      %get3A_3344 = arith.constant 4 : i32
      %get3A_3345 = arith.index_cast %get3A_3343 : i32 to index
      %get3A_3346 = arith.index_cast %get3A_3344 : i32 to index
      %get3A_3347 = arith.constant 48 : index
      %get3A_3348 = tpu.vector_load %arg6[%get3A_3345, %get3A_3346, %get3A_3347] {strides = array<i32>} : memref<2x80x64xf32, #tpu.memory_space<vmem>>, vector<1x1x16xf32>,
      %get3A_3349 = vector.shape_cast %get3A_3348 : vector<1x1x16xf32> to vector<16xf32>
      %add3A_3350 = arith.addf %add3A_3342, %get3A_3349 : vector<16xf32>
      %get3A_3351 = arith.constant 1 : i32
      %get3A_3352 = arith.constant 5 : i32
      %get3A_3353 = arith.index_cast %get3A_3351 : i32 to index
      %get3A_3354 = arith.index_cast %get3A_3352 : i32 to index
      %get3A_3355 = arith.constant 48 : index
      %get3A_3356 = tpu.vector_load %arg6[%get3A_3353, %get3A_3354, %get3A_3355] {strides = array<i32>} : memref<2x80x64xf32, #tpu.memory_space<vmem>>, vector<1x1x16xf32>,
      %get3A_3357 = vector.shape_cast %get3A_3356 : vector<1x1x16xf32> to vector<16xf32>
      %add3A_3358 = arith.addf %add3A_3350, %get3A_3357 : vector<16xf32>
      %get3A_3359 = arith.constant 1 : i32
      %get3A_3360 = arith.constant 6 : i32
      %get3A_3361 = arith.index_cast %get3A_3359 : i32 to index
      %get3A_3362 = arith.index_cast %get3A_3360 : i32 to index
      %get3A_3363 = arith.constant 48 : index
      %get3A_3364 = tpu.vector_load %arg6[%get3A_3361, %get3A_3362, %get3A_3363] {strides = array<i32>} : memref<2x80x64xf32, #tpu.memory_space<vmem>>, vector<1x1x16xf32>,
      %get3A_3365 = vector.shape_cast %get3A_3364 : vector<1x1x16xf32> to vector<16xf32>
      %add3A_3366 = arith.addf %add3A_3358, %get3A_3365 : vector<16xf32>
      %get3A_3367 = arith.constant 1 : i32
      %get3A_3368 = arith.constant 7 : i32
      %get3A_3369 = arith.index_cast %get3A_3367 : i32 to index
      %get3A_3370 = arith.index_cast %get3A_3368 : i32 to index
      %get3A_3371 = arith.constant 48 : index
      %get3A_3372 = tpu.vector_load %arg6[%get3A_3369, %get3A_3370, %get3A_3371] {strides = array<i32>} : memref<2x80x64xf32, #tpu.memory_space<vmem>>, vector<1x1x16xf32>,
      %get3A_3373 = vector.shape_cast %get3A_3372 : vector<1x1x16xf32> to vector<16xf32>
      %add3A_3374 = arith.addf %add3A_3366, %get3A_3373 : vector<16xf32>
      %get3A_3375 = arith.constant 1 : i32
      %get3A_3376 = arith.constant 8 : i32
      %get3A_3377 = arith.index_cast %get3A_3375 : i32 to index
      %get3A_3378 = arith.index_cast %get3A_3376 : i32 to index
      %get3A_3379 = arith.constant 48 : index
      %get3A_3380 = tpu.vector_load %arg6[%get3A_3377, %get3A_3378, %get3A_3379] {strides = array<i32>} : memref<2x80x64xf32, #tpu.memory_space<vmem>>, vector<1x1x16xf32>,
      %get3A_3381 = vector.shape_cast %get3A_3380 : vector<1x1x16xf32> to vector<16xf32>
      %add3A_3382 = arith.addf %add3A_3374, %get3A_3381 : vector<16xf32>
      %get3A_3383 = arith.constant 1 : i32
      %get3A_3384 = arith.constant 9 : i32
      %get3A_3385 = arith.index_cast %get3A_3383 : i32 to index
      %get3A_3386 = arith.index_cast %get3A_3384 : i32 to index
      %get3A_3387 = arith.constant 48 : index
      %get3A_3388 = tpu.vector_load %arg6[%get3A_3385, %get3A_3386, %get3A_3387] {strides = array<i32>} : memref<2x80x64xf32, #tpu.memory_space<vmem>>, vector<1x1x16xf32>,
      %get3A_3389 = vector.shape_cast %get3A_3388 : vector<1x1x16xf32> to vector<16xf32>
      %add3A_3390 = arith.addf %add3A_3382, %get3A_3389 : vector<16xf32>
      %get3A_3391 = arith.constant 1 : i32
      %get3A_3392 = arith.constant 10 : i32
      %get3A_3393 = arith.index_cast %get3A_3391 : i32 to index
      %get3A_3394 = arith.index_cast %get3A_3392 : i32 to index
      %get3A_3395 = arith.constant 48 : index
      %get3A_3396 = tpu.vector_load %arg6[%get3A_3393, %get3A_3394, %get3A_3395] {strides = array<i32>} : memref<2x80x64xf32, #tpu.memory_space<vmem>>, vector<1x1x16xf32>,
      %get3A_3397 = vector.shape_cast %get3A_3396 : vector<1x1x16xf32> to vector<16xf32>
      %add3A_3398 = arith.addf %add3A_3390, %get3A_3397 : vector<16xf32>
      %get3A_3399 = arith.constant 1 : i32
      %get3A_3400 = arith.constant 11 : i32
      %get3A_3401 = arith.index_cast %get3A_3399 : i32 to index
      %get3A_3402 = arith.index_cast %get3A_3400 : i32 to index
      %get3A_3403 = arith.constant 48 : index
      %get3A_3404 = tpu.vector_load %arg6[%get3A_3401, %get3A_3402, %get3A_3403] {strides = array<i32>} : memref<2x80x64xf32, #tpu.memory_space<vmem>>, vector<1x1x16xf32>,
      %get3A_3405 = vector.shape_cast %get3A_3404 : vector<1x1x16xf32> to vector<16xf32>
      %add3A_3406 = arith.addf %add3A_3398, %get3A_3405 : vector<16xf32>
      %get3A_3407 = arith.constant 1 : i32
      %get3A_3408 = arith.constant 12 : i32
      %get3A_3409 = arith.index_cast %get3A_3407 : i32 to index
      %get3A_3410 = arith.index_cast %get3A_3408 : i32 to index
      %get3A_3411 = arith.constant 48 : index
      %get3A_3412 = tpu.vector_load %arg6[%get3A_3409, %get3A_3410, %get3A_3411] {strides = array<i32>} : memref<2x80x64xf32, #tpu.memory_space<vmem>>, vector<1x1x16xf32>,
      %get3A_3413 = vector.shape_cast %get3A_3412 : vector<1x1x16xf32> to vector<16xf32>
      %add3A_3414 = arith.addf %add3A_3406, %get3A_3413 : vector<16xf32>
      %get3A_3415 = arith.constant 1 : i32
      %get3A_3416 = arith.constant 13 : i32
      %get3A_3417 = arith.index_cast %get3A_3415 : i32 to index
      %get3A_3418 = arith.index_cast %get3A_3416 : i32 to index
      %get3A_3419 = arith.constant 48 : index
      %get3A_3420 = tpu.vector_load %arg6[%get3A_3417, %get3A_3418, %get3A_3419] {strides = array<i32>} : memref<2x80x64xf32, #tpu.memory_space<vmem>>, vector<1x1x16xf32>,
      %get3A_3421 = vector.shape_cast %get3A_3420 : vector<1x1x16xf32> to vector<16xf32>
      %add3A_3422 = arith.addf %add3A_3414, %get3A_3421 : vector<16xf32>
      %get3A_3423 = arith.constant 1 : i32
      %get3A_3424 = arith.constant 14 : i32
      %get3A_3425 = arith.index_cast %get3A_3423 : i32 to index
      %get3A_3426 = arith.index_cast %get3A_3424 : i32 to index
      %get3A_3427 = arith.constant 48 : index
      %get3A_3428 = tpu.vector_load %arg6[%get3A_3425, %get3A_3426, %get3A_3427] {strides = array<i32>} : memref<2x80x64xf32, #tpu.memory_space<vmem>>, vector<1x1x16xf32>,
      %get3A_3429 = vector.shape_cast %get3A_3428 : vector<1x1x16xf32> to vector<16xf32>
      %add3A_3430 = arith.addf %add3A_3422, %get3A_3429 : vector<16xf32>
      %get3A_3431 = arith.constant 1 : i32
      %get3A_3432 = arith.constant 15 : i32
      %get3A_3433 = arith.index_cast %get3A_3431 : i32 to index
      %get3A_3434 = arith.index_cast %get3A_3432 : i32 to index
      %get3A_3435 = arith.constant 48 : index
      %get3A_3436 = tpu.vector_load %arg6[%get3A_3433, %get3A_3434, %get3A_3435] {strides = array<i32>} : memref<2x80x64xf32, #tpu.memory_space<vmem>>, vector<1x1x16xf32>,
      %get3A_3437 = vector.shape_cast %get3A_3436 : vector<1x1x16xf32> to vector<16xf32>
      %add3A_3438 = arith.addf %add3A_3430, %get3A_3437 : vector<16xf32>
      %get3A_3439 = arith.constant 1 : i32
      %get3A_3440 = arith.constant 16 : i32
      %get3A_3441 = arith.index_cast %get3A_3439 : i32 to index
      %get3A_3442 = arith.index_cast %get3A_3440 : i32 to index
      %get3A_3443 = arith.constant 48 : index
      %get3A_3444 = tpu.vector_load %arg6[%get3A_3441, %get3A_3442, %get3A_3443] {strides = array<i32>} : memref<2x80x64xf32, #tpu.memory_space<vmem>>, vector<1x1x16xf32>,
      %get3A_3445 = vector.shape_cast %get3A_3444 : vector<1x1x16xf32> to vector<16xf32>
      %add3A_3446 = arith.addf %add3A_3438, %get3A_3445 : vector<16xf32>
      %get3A_3447 = arith.constant 1 : i32
      %get3A_3448 = arith.constant 17 : i32
      %get3A_3449 = arith.index_cast %get3A_3447 : i32 to index
      %get3A_3450 = arith.index_cast %get3A_3448 : i32 to index
      %get3A_3451 = arith.constant 48 : index
      %get3A_3452 = tpu.vector_load %arg6[%get3A_3449, %get3A_3450, %get3A_3451] {strides = array<i32>} : memref<2x80x64xf32, #tpu.memory_space<vmem>>, vector<1x1x16xf32>,
      %get3A_3453 = vector.shape_cast %get3A_3452 : vector<1x1x16xf32> to vector<16xf32>
      %add3A_3454 = arith.addf %add3A_3446, %get3A_3453 : vector<16xf32>
      %get3A_3455 = arith.constant 1 : i32
      %get3A_3456 = arith.constant 18 : i32
      %get3A_3457 = arith.index_cast %get3A_3455 : i32 to index
      %get3A_3458 = arith.index_cast %get3A_3456 : i32 to index
      %get3A_3459 = arith.constant 48 : index
      %get3A_3460 = tpu.vector_load %arg6[%get3A_3457, %get3A_3458, %get3A_3459] {strides = array<i32>} : memref<2x80x64xf32, #tpu.memory_space<vmem>>, vector<1x1x16xf32>,
      %get3A_3461 = vector.shape_cast %get3A_3460 : vector<1x1x16xf32> to vector<16xf32>
      %add3A_3462 = arith.addf %add3A_3454, %get3A_3461 : vector<16xf32>
      %get3A_3463 = arith.constant 1 : i32
      %get3A_3464 = arith.constant 19 : i32
      %get3A_3465 = arith.index_cast %get3A_3463 : i32 to index
      %get3A_3466 = arith.index_cast %get3A_3464 : i32 to index
      %get3A_3467 = arith.constant 48 : index
      %get3A_3468 = tpu.vector_load %arg6[%get3A_3465, %get3A_3466, %get3A_3467] {strides = array<i32>} : memref<2x80x64xf32, #tpu.memory_space<vmem>>, vector<1x1x16xf32>,
      %get3A_3469 = vector.shape_cast %get3A_3468 : vector<1x1x16xf32> to vector<16xf32>
      %add3A_3470 = arith.addf %add3A_3462, %get3A_3469 : vector<16xf32>
      %mul3A_3471 = arith.constant 5.000000e-02 : f32
      %mul3A_3472 = vector.broadcast %mul3A_3471 : f32 to vector<16xf32>
      %mul3A_3473 = arith.mulf %add3A_3470, %mul3A_3472 : vector<16xf32>
      %mul3A_3474 = arith.constant 4 : i32
      %mul3A_3475 = arith.muli %add3A_2787, %mul3A_3474 : i32
      %add3A_3476 = arith.constant 0 : i32
      %add3A_3477 = arith.addi %mul3A_3475, %add3A_3476 : i32
      %swap3A_3478 = arith.index_cast %add3A_3477 : i32 to index
      %swap3A_3479 = arith.constant 48 : index
      %swap3A_3480 = tpu.vector_load %arg7[%swap3A_3478, %swap3A_3479] {strides = array<i32>} : memref<128x64xf32, #tpu.memory_space<vmem>>, vector<1x16xf32>,
      %swap3A_3481 = vector.shape_cast %swap3A_3480 : vector<1x16xf32> to vector<16xf32>
      %swap3A_3482 = vector.shape_cast %mul3A_3473 : vector<16xf32> to vector<1x16xf32>
      tpu.vector_store %arg7[%swap3A_3478, %swap3A_3479], %swap3A_3482 {strides = array<i32>} : memref<128x64xf32, #tpu.memory_space<vmem>>, vector<1x16xf32>,
      %get3A_3483 = arith.constant 1 : i32
      %get3A_3484 = arith.constant 20 : i32
      %get3A_3485 = arith.index_cast %get3A_3483 : i32 to index
      %get3A_3486 = arith.index_cast %get3A_3484 : i32 to index
      %get3A_3487 = arith.constant 0 : index
      %get3A_3488 = tpu.vector_load %arg6[%get3A_3485, %get3A_3486, %get3A_3487] {strides = array<i32>} : memref<2x80x64xf32, #tpu.memory_space<vmem>>, vector<1x1x16xf32>,
      %get3A_3489 = vector.shape_cast %get3A_3488 : vector<1x1x16xf32> to vector<16xf32>
      %get3A_3490 = arith.constant 1 : i32
      %get3A_3491 = arith.constant 21 : i32
      %get3A_3492 = arith.index_cast %get3A_3490 : i32 to index
      %get3A_3493 = arith.index_cast %get3A_3491 : i32 to index
      %get3A_3494 = arith.constant 0 : index
      %get3A_3495 = tpu.vector_load %arg6[%get3A_3492, %get3A_3493, %get3A_3494] {strides = array<i32>} : memref<2x80x64xf32, #tpu.memory_space<vmem>>, vector<1x1x16xf32>,
      %get3A_3496 = vector.shape_cast %get3A_3495 : vector<1x1x16xf32> to vector<16xf32>
      %add3A_3497 = arith.addf %get3A_3489, %get3A_3496 : vector<16xf32>
      %get3A_3498 = arith.constant 1 : i32
      %get3A_3499 = arith.constant 22 : i32
      %get3A_3500 = arith.index_cast %get3A_3498 : i32 to index
      %get3A_3501 = arith.index_cast %get3A_3499 : i32 to index
      %get3A_3502 = arith.constant 0 : index
      %get3A_3503 = tpu.vector_load %arg6[%get3A_3500, %get3A_3501, %get3A_3502] {strides = array<i32>} : memref<2x80x64xf32, #tpu.memory_space<vmem>>, vector<1x1x16xf32>,
      %get3A_3504 = vector.shape_cast %get3A_3503 : vector<1x1x16xf32> to vector<16xf32>
      %add3A_3505 = arith.addf %add3A_3497, %get3A_3504 : vector<16xf32>
      %get3A_3506 = arith.constant 1 : i32
      %get3A_3507 = arith.constant 23 : i32
      %get3A_3508 = arith.index_cast %get3A_3506 : i32 to index
      %get3A_3509 = arith.index_cast %get3A_3507 : i32 to index
      %get3A_3510 = arith.constant 0 : index
      %get3A_3511 = tpu.vector_load %arg6[%get3A_3508, %get3A_3509, %get3A_3510] {strides = array<i32>} : memref<2x80x64xf32, #tpu.memory_space<vmem>>, vector<1x1x16xf32>,
      %get3A_3512 = vector.shape_cast %get3A_3511 : vector<1x1x16xf32> to vector<16xf32>
      %add3A_3513 = arith.addf %add3A_3505, %get3A_3512 : vector<16xf32>
      %get3A_3514 = arith.constant 1 : i32
      %get3A_3515 = arith.constant 24 : i32
      %get3A_3516 = arith.index_cast %get3A_3514 : i32 to index
      %get3A_3517 = arith.index_cast %get3A_3515 : i32 to index
      %get3A_3518 = arith.constant 0 : index
      %get3A_3519 = tpu.vector_load %arg6[%get3A_3516, %get3A_3517, %get3A_3518] {strides = array<i32>} : memref<2x80x64xf32, #tpu.memory_space<vmem>>, vector<1x1x16xf32>,
      %get3A_3520 = vector.shape_cast %get3A_3519 : vector<1x1x16xf32> to vector<16xf32>
      %add3A_3521 = arith.addf %add3A_3513, %get3A_3520 : vector<16xf32>
      %get3A_3522 = arith.constant 1 : i32
      %get3A_3523 = arith.constant 25 : i32
      %get3A_3524 = arith.index_cast %get3A_3522 : i32 to index
      %get3A_3525 = arith.index_cast %get3A_3523 : i32 to index
      %get3A_3526 = arith.constant 0 : index
      %get3A_3527 = tpu.vector_load %arg6[%get3A_3524, %get3A_3525, %get3A_3526] {strides = array<i32>} : memref<2x80x64xf32, #tpu.memory_space<vmem>>, vector<1x1x16xf32>,
      %get3A_3528 = vector.shape_cast %get3A_3527 : vector<1x1x16xf32> to vector<16xf32>
      %add3A_3529 = arith.addf %add3A_3521, %get3A_3528 : vector<16xf32>
      %get3A_3530 = arith.constant 1 : i32
      %get3A_3531 = arith.constant 26 : i32
      %get3A_3532 = arith.index_cast %get3A_3530 : i32 to index
      %get3A_3533 = arith.index_cast %get3A_3531 : i32 to index
      %get3A_3534 = arith.constant 0 : index
      %get3A_3535 = tpu.vector_load %arg6[%get3A_3532, %get3A_3533, %get3A_3534] {strides = array<i32>} : memref<2x80x64xf32, #tpu.memory_space<vmem>>, vector<1x1x16xf32>,
      %get3A_3536 = vector.shape_cast %get3A_3535 : vector<1x1x16xf32> to vector<16xf32>
      %add3A_3537 = arith.addf %add3A_3529, %get3A_3536 : vector<16xf32>
      %get3A_3538 = arith.constant 1 : i32
      %get3A_3539 = arith.constant 27 : i32
      %get3A_3540 = arith.index_cast %get3A_3538 : i32 to index
      %get3A_3541 = arith.index_cast %get3A_3539 : i32 to index
      %get3A_3542 = arith.constant 0 : index
      %get3A_3543 = tpu.vector_load %arg6[%get3A_3540, %get3A_3541, %get3A_3542] {strides = array<i32>} : memref<2x80x64xf32, #tpu.memory_space<vmem>>, vector<1x1x16xf32>,
      %get3A_3544 = vector.shape_cast %get3A_3543 : vector<1x1x16xf32> to vector<16xf32>
      %add3A_3545 = arith.addf %add3A_3537, %get3A_3544 : vector<16xf32>
      %get3A_3546 = arith.constant 1 : i32
      %get3A_3547 = arith.constant 28 : i32
      %get3A_3548 = arith.index_cast %get3A_3546 : i32 to index
      %get3A_3549 = arith.index_cast %get3A_3547 : i32 to index
      %get3A_3550 = arith.constant 0 : index
      %get3A_3551 = tpu.vector_load %arg6[%get3A_3548, %get3A_3549, %get3A_3550] {strides = array<i32>} : memref<2x80x64xf32, #tpu.memory_space<vmem>>, vector<1x1x16xf32>,
      %get3A_3552 = vector.shape_cast %get3A_3551 : vector<1x1x16xf32> to vector<16xf32>
      %add3A_3553 = arith.addf %add3A_3545, %get3A_3552 : vector<16xf32>
      %get3A_3554 = arith.constant 1 : i32
      %get3A_3555 = arith.constant 29 : i32
      %get3A_3556 = arith.index_cast %get3A_3554 : i32 to index
      %get3A_3557 = arith.index_cast %get3A_3555 : i32 to index
      %get3A_3558 = arith.constant 0 : index
      %get3A_3559 = tpu.vector_load %arg6[%get3A_3556, %get3A_3557, %get3A_3558] {strides = array<i32>} : memref<2x80x64xf32, #tpu.memory_space<vmem>>, vector<1x1x16xf32>,
      %get3A_3560 = vector.shape_cast %get3A_3559 : vector<1x1x16xf32> to vector<16xf32>
      %add3A_3561 = arith.addf %add3A_3553, %get3A_3560 : vector<16xf32>
      %get3A_3562 = arith.constant 1 : i32
      %get3A_3563 = arith.constant 30 : i32
      %get3A_3564 = arith.index_cast %get3A_3562 : i32 to index
      %get3A_3565 = arith.index_cast %get3A_3563 : i32 to index
      %get3A_3566 = arith.constant 0 : index
      %get3A_3567 = tpu.vector_load %arg6[%get3A_3564, %get3A_3565, %get3A_3566] {strides = array<i32>} : memref<2x80x64xf32, #tpu.memory_space<vmem>>, vector<1x1x16xf32>,
      %get3A_3568 = vector.shape_cast %get3A_3567 : vector<1x1x16xf32> to vector<16xf32>
      %add3A_3569 = arith.addf %add3A_3561, %get3A_3568 : vector<16xf32>
      %get3A_3570 = arith.constant 1 : i32
      %get3A_3571 = arith.constant 31 : i32
      %get3A_3572 = arith.index_cast %get3A_3570 : i32 to index
      %get3A_3573 = arith.index_cast %get3A_3571 : i32 to index
      %get3A_3574 = arith.constant 0 : index
      %get3A_3575 = tpu.vector_load %arg6[%get3A_3572, %get3A_3573, %get3A_3574] {strides = array<i32>} : memref<2x80x64xf32, #tpu.memory_space<vmem>>, vector<1x1x16xf32>,
      %get3A_3576 = vector.shape_cast %get3A_3575 : vector<1x1x16xf32> to vector<16xf32>
      %add3A_3577 = arith.addf %add3A_3569, %get3A_3576 : vector<16xf32>
      %get3A_3578 = arith.constant 1 : i32
      %get3A_3579 = arith.constant 32 : i32
      %get3A_3580 = arith.index_cast %get3A_3578 : i32 to index
      %get3A_3581 = arith.index_cast %get3A_3579 : i32 to index
      %get3A_3582 = arith.constant 0 : index
      %get3A_3583 = tpu.vector_load %arg6[%get3A_3580, %get3A_3581, %get3A_3582] {strides = array<i32>} : memref<2x80x64xf32, #tpu.memory_space<vmem>>, vector<1x1x16xf32>,
      %get3A_3584 = vector.shape_cast %get3A_3583 : vector<1x1x16xf32> to vector<16xf32>
      %add3A_3585 = arith.addf %add3A_3577, %get3A_3584 : vector<16xf32>
      %get3A_3586 = arith.constant 1 : i32
      %get3A_3587 = arith.constant 33 : i32
      %get3A_3588 = arith.index_cast %get3A_3586 : i32 to index
      %get3A_3589 = arith.index_cast %get3A_3587 : i32 to index
      %get3A_3590 = arith.constant 0 : index
      %get3A_3591 = tpu.vector_load %arg6[%get3A_3588, %get3A_3589, %get3A_3590] {strides = array<i32>} : memref<2x80x64xf32, #tpu.memory_space<vmem>>, vector<1x1x16xf32>,
      %get3A_3592 = vector.shape_cast %get3A_3591 : vector<1x1x16xf32> to vector<16xf32>
      %add3A_3593 = arith.addf %add3A_3585, %get3A_3592 : vector<16xf32>
      %get3A_3594 = arith.constant 1 : i32
      %get3A_3595 = arith.constant 34 : i32
      %get3A_3596 = arith.index_cast %get3A_3594 : i32 to index
      %get3A_3597 = arith.index_cast %get3A_3595 : i32 to index
      %get3A_3598 = arith.constant 0 : index
      %get3A_3599 = tpu.vector_load %arg6[%get3A_3596, %get3A_3597, %get3A_3598] {strides = array<i32>} : memref<2x80x64xf32, #tpu.memory_space<vmem>>, vector<1x1x16xf32>,
      %get3A_3600 = vector.shape_cast %get3A_3599 : vector<1x1x16xf32> to vector<16xf32>
      %add3A_3601 = arith.addf %add3A_3593, %get3A_3600 : vector<16xf32>
      %get3A_3602 = arith.constant 1 : i32
      %get3A_3603 = arith.constant 35 : i32
      %get3A_3604 = arith.index_cast %get3A_3602 : i32 to index
      %get3A_3605 = arith.index_cast %get3A_3603 : i32 to index
      %get3A_3606 = arith.constant 0 : index
      %get3A_3607 = tpu.vector_load %arg6[%get3A_3604, %get3A_3605, %get3A_3606] {strides = array<i32>} : memref<2x80x64xf32, #tpu.memory_space<vmem>>, vector<1x1x16xf32>,
      %get3A_3608 = vector.shape_cast %get3A_3607 : vector<1x1x16xf32> to vector<16xf32>
      %add3A_3609 = arith.addf %add3A_3601, %get3A_3608 : vector<16xf32>
      %get3A_3610 = arith.constant 1 : i32
      %get3A_3611 = arith.constant 36 : i32
      %get3A_3612 = arith.index_cast %get3A_3610 : i32 to index
      %get3A_3613 = arith.index_cast %get3A_3611 : i32 to index
      %get3A_3614 = arith.constant 0 : index
      %get3A_3615 = tpu.vector_load %arg6[%get3A_3612, %get3A_3613, %get3A_3614] {strides = array<i32>} : memref<2x80x64xf32, #tpu.memory_space<vmem>>, vector<1x1x16xf32>,
      %get3A_3616 = vector.shape_cast %get3A_3615 : vector<1x1x16xf32> to vector<16xf32>
      %add3A_3617 = arith.addf %add3A_3609, %get3A_3616 : vector<16xf32>
      %get3A_3618 = arith.constant 1 : i32
      %get3A_3619 = arith.constant 37 : i32
      %get3A_3620 = arith.index_cast %get3A_3618 : i32 to index
      %get3A_3621 = arith.index_cast %get3A_3619 : i32 to index
      %get3A_3622 = arith.constant 0 : index
      %get3A_3623 = tpu.vector_load %arg6[%get3A_3620, %get3A_3621, %get3A_3622] {strides = array<i32>} : memref<2x80x64xf32, #tpu.memory_space<vmem>>, vector<1x1x16xf32>,
      %get3A_3624 = vector.shape_cast %get3A_3623 : vector<1x1x16xf32> to vector<16xf32>
      %add3A_3625 = arith.addf %add3A_3617, %get3A_3624 : vector<16xf32>
      %get3A_3626 = arith.constant 1 : i32
      %get3A_3627 = arith.constant 38 : i32
      %get3A_3628 = arith.index_cast %get3A_3626 : i32 to index
      %get3A_3629 = arith.index_cast %get3A_3627 : i32 to index
      %get3A_3630 = arith.constant 0 : index
      %get3A_3631 = tpu.vector_load %arg6[%get3A_3628, %get3A_3629, %get3A_3630] {strides = array<i32>} : memref<2x80x64xf32, #tpu.memory_space<vmem>>, vector<1x1x16xf32>,
      %get3A_3632 = vector.shape_cast %get3A_3631 : vector<1x1x16xf32> to vector<16xf32>
      %add3A_3633 = arith.addf %add3A_3625, %get3A_3632 : vector<16xf32>
      %get3A_3634 = arith.constant 1 : i32
      %get3A_3635 = arith.constant 39 : i32
      %get3A_3636 = arith.index_cast %get3A_3634 : i32 to index
      %get3A_3637 = arith.index_cast %get3A_3635 : i32 to index
      %get3A_3638 = arith.constant 0 : index
      %get3A_3639 = tpu.vector_load %arg6[%get3A_3636, %get3A_3637, %get3A_3638] {strides = array<i32>} : memref<2x80x64xf32, #tpu.memory_space<vmem>>, vector<1x1x16xf32>,
      %get3A_3640 = vector.shape_cast %get3A_3639 : vector<1x1x16xf32> to vector<16xf32>
      %add3A_3641 = arith.addf %add3A_3633, %get3A_3640 : vector<16xf32>
      %mul3A_3642 = arith.constant 5.000000e-02 : f32
      %mul3A_3643 = vector.broadcast %mul3A_3642 : f32 to vector<16xf32>
      %mul3A_3644 = arith.mulf %add3A_3641, %mul3A_3643 : vector<16xf32>
      %mul3A_3645 = arith.constant 4 : i32
      %mul3A_3646 = arith.muli %add3A_2787, %mul3A_3645 : i32
      %add3A_3647 = arith.constant 1 : i32
      %add3A_3648 = arith.addi %mul3A_3646, %add3A_3647 : i32
      %swap3A_3649 = arith.index_cast %add3A_3648 : i32 to index
      %swap3A_3650 = arith.constant 0 : index
      %swap3A_3651 = tpu.vector_load %arg7[%swap3A_3649, %swap3A_3650] {strides = array<i32>} : memref<128x64xf32, #tpu.memory_space<vmem>>, vector<1x16xf32>,
      %swap3A_3652 = vector.shape_cast %swap3A_3651 : vector<1x16xf32> to vector<16xf32>
      %swap3A_3653 = vector.shape_cast %mul3A_3644 : vector<16xf32> to vector<1x16xf32>
      tpu.vector_store %arg7[%swap3A_3649, %swap3A_3650], %swap3A_3653 {strides = array<i32>} : memref<128x64xf32, #tpu.memory_space<vmem>>, vector<1x16xf32>,
      %get3A_3654 = arith.constant 1 : i32
      %get3A_3655 = arith.constant 20 : i32
      %get3A_3656 = arith.index_cast %get3A_3654 : i32 to index
      %get3A_3657 = arith.index_cast %get3A_3655 : i32 to index
      %get3A_3658 = arith.constant 16 : index
      %get3A_3659 = tpu.vector_load %arg6[%get3A_3656, %get3A_3657, %get3A_3658] {strides = array<i32>} : memref<2x80x64xf32, #tpu.memory_space<vmem>>, vector<1x1x16xf32>,
      %get3A_3660 = vector.shape_cast %get3A_3659 : vector<1x1x16xf32> to vector<16xf32>
      %get3A_3661 = arith.constant 1 : i32
      %get3A_3662 = arith.constant 21 : i32
      %get3A_3663 = arith.index_cast %get3A_3661 : i32 to index
      %get3A_3664 = arith.index_cast %get3A_3662 : i32 to index
      %get3A_3665 = arith.constant 16 : index
      %get3A_3666 = tpu.vector_load %arg6[%get3A_3663, %get3A_3664, %get3A_3665] {strides = array<i32>} : memref<2x80x64xf32, #tpu.memory_space<vmem>>, vector<1x1x16xf32>,
      %get3A_3667 = vector.shape_cast %get3A_3666 : vector<1x1x16xf32> to vector<16xf32>
      %add3A_3668 = arith.addf %get3A_3660, %get3A_3667 : vector<16xf32>
      %get3A_3669 = arith.constant 1 : i32
      %get3A_3670 = arith.constant 22 : i32
      %get3A_3671 = arith.index_cast %get3A_3669 : i32 to index
      %get3A_3672 = arith.index_cast %get3A_3670 : i32 to index
      %get3A_3673 = arith.constant 16 : index
      %get3A_3674 = tpu.vector_load %arg6[%get3A_3671, %get3A_3672, %get3A_3673] {strides = array<i32>} : memref<2x80x64xf32, #tpu.memory_space<vmem>>, vector<1x1x16xf32>,
      %get3A_3675 = vector.shape_cast %get3A_3674 : vector<1x1x16xf32> to vector<16xf32>
      %add3A_3676 = arith.addf %add3A_3668, %get3A_3675 : vector<16xf32>
      %get3A_3677 = arith.constant 1 : i32
      %get3A_3678 = arith.constant 23 : i32
      %get3A_3679 = arith.index_cast %get3A_3677 : i32 to index
      %get3A_3680 = arith.index_cast %get3A_3678 : i32 to index
      %get3A_3681 = arith.constant 16 : index
      %get3A_3682 = tpu.vector_load %arg6[%get3A_3679, %get3A_3680, %get3A_3681] {strides = array<i32>} : memref<2x80x64xf32, #tpu.memory_space<vmem>>, vector<1x1x16xf32>,
      %get3A_3683 = vector.shape_cast %get3A_3682 : vector<1x1x16xf32> to vector<16xf32>
      %add3A_3684 = arith.addf %add3A_3676, %get3A_3683 : vector<16xf32>
      %get3A_3685 = arith.constant 1 : i32
      %get3A_3686 = arith.constant 24 : i32
      %get3A_3687 = arith.index_cast %get3A_3685 : i32 to index
      %get3A_3688 = arith.index_cast %get3A_3686 : i32 to index
      %get3A_3689 = arith.constant 16 : index
      %get3A_3690 = tpu.vector_load %arg6[%get3A_3687, %get3A_3688, %get3A_3689] {strides = array<i32>} : memref<2x80x64xf32, #tpu.memory_space<vmem>>, vector<1x1x16xf32>,
      %get3A_3691 = vector.shape_cast %get3A_3690 : vector<1x1x16xf32> to vector<16xf32>
      %add3A_3692 = arith.addf %add3A_3684, %get3A_3691 : vector<16xf32>
      %get3A_3693 = arith.constant 1 : i32
      %get3A_3694 = arith.constant 25 : i32
      %get3A_3695 = arith.index_cast %get3A_3693 : i32 to index
      %get3A_3696 = arith.index_cast %get3A_3694 : i32 to index
      %get3A_3697 = arith.constant 16 : index
      %get3A_3698 = tpu.vector_load %arg6[%get3A_3695, %get3A_3696, %get3A_3697] {strides = array<i32>} : memref<2x80x64xf32, #tpu.memory_space<vmem>>, vector<1x1x16xf32>,
      %get3A_3699 = vector.shape_cast %get3A_3698 : vector<1x1x16xf32> to vector<16xf32>
      %add3A_3700 = arith.addf %add3A_3692, %get3A_3699 : vector<16xf32>
      %get3A_3701 = arith.constant 1 : i32
      %get3A_3702 = arith.constant 26 : i32
      %get3A_3703 = arith.index_cast %get3A_3701 : i32 to index
      %get3A_3704 = arith.index_cast %get3A_3702 : i32 to index
      %get3A_3705 = arith.constant 16 : index
      %get3A_3706 = tpu.vector_load %arg6[%get3A_3703, %get3A_3704, %get3A_3705] {strides = array<i32>} : memref<2x80x64xf32, #tpu.memory_space<vmem>>, vector<1x1x16xf32>,
      %get3A_3707 = vector.shape_cast %get3A_3706 : vector<1x1x16xf32> to vector<16xf32>
      %add3A_3708 = arith.addf %add3A_3700, %get3A_3707 : vector<16xf32>
      %get3A_3709 = arith.constant 1 : i32
      %get3A_3710 = arith.constant 27 : i32
      %get3A_3711 = arith.index_cast %get3A_3709 : i32 to index
      %get3A_3712 = arith.index_cast %get3A_3710 : i32 to index
      %get3A_3713 = arith.constant 16 : index
      %get3A_3714 = tpu.vector_load %arg6[%get3A_3711, %get3A_3712, %get3A_3713] {strides = array<i32>} : memref<2x80x64xf32, #tpu.memory_space<vmem>>, vector<1x1x16xf32>,
      %get3A_3715 = vector.shape_cast %get3A_3714 : vector<1x1x16xf32> to vector<16xf32>
      %add3A_3716 = arith.addf %add3A_3708, %get3A_3715 : vector<16xf32>
      %get3A_3717 = arith.constant 1 : i32
      %get3A_3718 = arith.constant 28 : i32
      %get3A_3719 = arith.index_cast %get3A_3717 : i32 to index
      %get3A_3720 = arith.index_cast %get3A_3718 : i32 to index
      %get3A_3721 = arith.constant 16 : index
      %get3A_3722 = tpu.vector_load %arg6[%get3A_3719, %get3A_3720, %get3A_3721] {strides = array<i32>} : memref<2x80x64xf32, #tpu.memory_space<vmem>>, vector<1x1x16xf32>,
      %get3A_3723 = vector.shape_cast %get3A_3722 : vector<1x1x16xf32> to vector<16xf32>
      %add3A_3724 = arith.addf %add3A_3716, %get3A_3723 : vector<16xf32>
      %get3A_3725 = arith.constant 1 : i32
      %get3A_3726 = arith.constant 29 : i32
      %get3A_3727 = arith.index_cast %get3A_3725 : i32 to index
      %get3A_3728 = arith.index_cast %get3A_3726 : i32 to index
      %get3A_3729 = arith.constant 16 : index
      %get3A_3730 = tpu.vector_load %arg6[%get3A_3727, %get3A_3728, %get3A_3729] {strides = array<i32>} : memref<2x80x64xf32, #tpu.memory_space<vmem>>, vector<1x1x16xf32>,
      %get3A_3731 = vector.shape_cast %get3A_3730 : vector<1x1x16xf32> to vector<16xf32>
      %add3A_3732 = arith.addf %add3A_3724, %get3A_3731 : vector<16xf32>
      %get3A_3733 = arith.constant 1 : i32
      %get3A_3734 = arith.constant 30 : i32
      %get3A_3735 = arith.index_cast %get3A_3733 : i32 to index
      %get3A_3736 = arith.index_cast %get3A_3734 : i32 to index
      %get3A_3737 = arith.constant 16 : index
      %get3A_3738 = tpu.vector_load %arg6[%get3A_3735, %get3A_3736, %get3A_3737] {strides = array<i32>} : memref<2x80x64xf32, #tpu.memory_space<vmem>>, vector<1x1x16xf32>,
      %get3A_3739 = vector.shape_cast %get3A_3738 : vector<1x1x16xf32> to vector<16xf32>
      %add3A_3740 = arith.addf %add3A_3732, %get3A_3739 : vector<16xf32>
      %get3A_3741 = arith.constant 1 : i32
      %get3A_3742 = arith.constant 31 : i32
      %get3A_3743 = arith.index_cast %get3A_3741 : i32 to index
      %get3A_3744 = arith.index_cast %get3A_3742 : i32 to index
      %get3A_3745 = arith.constant 16 : index
      %get3A_3746 = tpu.vector_load %arg6[%get3A_3743, %get3A_3744, %get3A_3745] {strides = array<i32>} : memref<2x80x64xf32, #tpu.memory_space<vmem>>, vector<1x1x16xf32>,
      %get3A_3747 = vector.shape_cast %get3A_3746 : vector<1x1x16xf32> to vector<16xf32>
      %add3A_3748 = arith.addf %add3A_3740, %get3A_3747 : vector<16xf32>
      %get3A_3749 = arith.constant 1 : i32
      %get3A_3750 = arith.constant 32 : i32
      %get3A_3751 = arith.index_cast %get3A_3749 : i32 to index
      %get3A_3752 = arith.index_cast %get3A_3750 : i32 to index
      %get3A_3753 = arith.constant 16 : index
      %get3A_3754 = tpu.vector_load %arg6[%get3A_3751, %get3A_3752, %get3A_3753] {strides = array<i32>} : memref<2x80x64xf32, #tpu.memory_space<vmem>>, vector<1x1x16xf32>,
      %get3A_3755 = vector.shape_cast %get3A_3754 : vector<1x1x16xf32> to vector<16xf32>
      %add3A_3756 = arith.addf %add3A_3748, %get3A_3755 : vector<16xf32>
      %get3A_3757 = arith.constant 1 : i32
      %get3A_3758 = arith.constant 33 : i32
      %get3A_3759 = arith.index_cast %get3A_3757 : i32 to index
      %get3A_3760 = arith.index_cast %get3A_3758 : i32 to index
      %get3A_3761 = arith.constant 16 : index
      %get3A_3762 = tpu.vector_load %arg6[%get3A_3759, %get3A_3760, %get3A_3761] {strides = array<i32>} : memref<2x80x64xf32, #tpu.memory_space<vmem>>, vector<1x1x16xf32>,
      %get3A_3763 = vector.shape_cast %get3A_3762 : vector<1x1x16xf32> to vector<16xf32>
      %add3A_3764 = arith.addf %add3A_3756, %get3A_3763 : vector<16xf32>
      %get3A_3765 = arith.constant 1 : i32
      %get3A_3766 = arith.constant 34 : i32
      %get3A_3767 = arith.index_cast %get3A_3765 : i32 to index
      %get3A_3768 = arith.index_cast %get3A_3766 : i32 to index
      %get3A_3769 = arith.constant 16 : index
      %get3A_3770 = tpu.vector_load %arg6[%get3A_3767, %get3A_3768, %get3A_3769] {strides = array<i32>} : memref<2x80x64xf32, #tpu.memory_space<vmem>>, vector<1x1x16xf32>,
      %get3A_3771 = vector.shape_cast %get3A_3770 : vector<1x1x16xf32> to vector<16xf32>
      %add3A_3772 = arith.addf %add3A_3764, %get3A_3771 : vector<16xf32>
      %get3A_3773 = arith.constant 1 : i32
      %get3A_3774 = arith.constant 35 : i32
      %get3A_3775 = arith.index_cast %get3A_3773 : i32 to index
      %get3A_3776 = arith.index_cast %get3A_3774 : i32 to index
      %get3A_3777 = arith.constant 16 : index
      %get3A_3778 = tpu.vector_load %arg6[%get3A_3775, %get3A_3776, %get3A_3777] {strides = array<i32>} : memref<2x80x64xf32, #tpu.memory_space<vmem>>, vector<1x1x16xf32>,
      %get3A_3779 = vector.shape_cast %get3A_3778 : vector<1x1x16xf32> to vector<16xf32>
      %add3A_3780 = arith.addf %add3A_3772, %get3A_3779 : vector<16xf32>
      %get3A_3781 = arith.constant 1 : i32
      %get3A_3782 = arith.constant 36 : i32
      %get3A_3783 = arith.index_cast %get3A_3781 : i32 to index
      %get3A_3784 = arith.index_cast %get3A_3782 : i32 to index
      %get3A_3785 = arith.constant 16 : index
      %get3A_3786 = tpu.vector_load %arg6[%get3A_3783, %get3A_3784, %get3A_3785] {strides = array<i32>} : memref<2x80x64xf32, #tpu.memory_space<vmem>>, vector<1x1x16xf32>,
      %get3A_3787 = vector.shape_cast %get3A_3786 : vector<1x1x16xf32> to vector<16xf32>
      %add3A_3788 = arith.addf %add3A_3780, %get3A_3787 : vector<16xf32>
      %get3A_3789 = arith.constant 1 : i32
      %get3A_3790 = arith.constant 37 : i32
      %get3A_3791 = arith.index_cast %get3A_3789 : i32 to index
      %get3A_3792 = arith.index_cast %get3A_3790 : i32 to index
      %get3A_3793 = arith.constant 16 : index
      %get3A_3794 = tpu.vector_load %arg6[%get3A_3791, %get3A_3792, %get3A_3793] {strides = array<i32>} : memref<2x80x64xf32, #tpu.memory_space<vmem>>, vector<1x1x16xf32>,
      %get3A_3795 = vector.shape_cast %get3A_3794 : vector<1x1x16xf32> to vector<16xf32>
      %add3A_3796 = arith.addf %add3A_3788, %get3A_3795 : vector<16xf32>
      %get3A_3797 = arith.constant 1 : i32
      %get3A_3798 = arith.constant 38 : i32
      %get3A_3799 = arith.index_cast %get3A_3797 : i32 to index
      %get3A_3800 = arith.index_cast %get3A_3798 : i32 to index
      %get3A_3801 = arith.constant 16 : index
      %get3A_3802 = tpu.vector_load %arg6[%get3A_3799, %get3A_3800, %get3A_3801] {strides = array<i32>} : memref<2x80x64xf32, #tpu.memory_space<vmem>>, vector<1x1x16xf32>,
      %get3A_3803 = vector.shape_cast %get3A_3802 : vector<1x1x16xf32> to vector<16xf32>
      %add3A_3804 = arith.addf %add3A_3796, %get3A_3803 : vector<16xf32>
      %get3A_3805 = arith.constant 1 : i32
      %get3A_3806 = arith.constant 39 : i32
      %get3A_3807 = arith.index_cast %get3A_3805 : i32 to index
      %get3A_3808 = arith.index_cast %get3A_3806 : i32 to index
      %get3A_3809 = arith.constant 16 : index
      %get3A_3810 = tpu.vector_load %arg6[%get3A_3807, %get3A_3808, %get3A_3809] {strides = array<i32>} : memref<2x80x64xf32, #tpu.memory_space<vmem>>, vector<1x1x16xf32>,
      %get3A_3811 = vector.shape_cast %get3A_3810 : vector<1x1x16xf32> to vector<16xf32>
      %add3A_3812 = arith.addf %add3A_3804, %get3A_3811 : vector<16xf32>
      %mul3A_3813 = arith.constant 5.000000e-02 : f32
      %mul3A_3814 = vector.broadcast %mul3A_3813 : f32 to vector<16xf32>
      %mul3A_3815 = arith.mulf %add3A_3812, %mul3A_3814 : vector<16xf32>
      %mul3A_3816 = arith.constant 4 : i32
      %mul3A_3817 = arith.muli %add3A_2787, %mul3A_3816 : i32
      %add3A_3818 = arith.constant 1 : i32
      %add3A_3819 = arith.addi %mul3A_3817, %add3A_3818 : i32
      %swap3A_3820 = arith.index_cast %add3A_3819 : i32 to index
      %swap3A_3821 = arith.constant 16 : index
      %swap3A_3822 = tpu.vector_load %arg7[%swap3A_3820, %swap3A_3821] {strides = array<i32>} : memref<128x64xf32, #tpu.memory_space<vmem>>, vector<1x16xf32>,
      %swap3A_3823 = vector.shape_cast %swap3A_3822 : vector<1x16xf32> to vector<16xf32>
      %swap3A_3824 = vector.shape_cast %mul3A_3815 : vector<16xf32> to vector<1x16xf32>
      tpu.vector_store %arg7[%swap3A_3820, %swap3A_3821], %swap3A_3824 {strides = array<i32>} : memref<128x64xf32, #tpu.memory_space<vmem>>, vector<1x16xf32>,
      %get3A_3825 = arith.constant 1 : i32
      %get3A_3826 = arith.constant 20 : i32
      %get3A_3827 = arith.index_cast %get3A_3825 : i32 to index
      %get3A_3828 = arith.index_cast %get3A_3826 : i32 to index
      %get3A_3829 = arith.constant 32 : index
      %get3A_3830 = tpu.vector_load %arg6[%get3A_3827, %get3A_3828, %get3A_3829] {strides = array<i32>} : memref<2x80x64xf32, #tpu.memory_space<vmem>>, vector<1x1x16xf32>,
      %get3A_3831 = vector.shape_cast %get3A_3830 : vector<1x1x16xf32> to vector<16xf32>
      %get3A_3832 = arith.constant 1 : i32
      %get3A_3833 = arith.constant 21 : i32
      %get3A_3834 = arith.index_cast %get3A_3832 : i32 to index
      %get3A_3835 = arith.index_cast %get3A_3833 : i32 to index
      %get3A_3836 = arith.constant 32 : index
      %get3A_3837 = tpu.vector_load %arg6[%get3A_3834, %get3A_3835, %get3A_3836] {strides = array<i32>} : memref<2x80x64xf32, #tpu.memory_space<vmem>>, vector<1x1x16xf32>,
      %get3A_3838 = vector.shape_cast %get3A_3837 : vector<1x1x16xf32> to vector<16xf32>
      %add3A_3839 = arith.addf %get3A_3831, %get3A_3838 : vector<16xf32>
      %get3A_3840 = arith.constant 1 : i32
      %get3A_3841 = arith.constant 22 : i32
      %get3A_3842 = arith.index_cast %get3A_3840 : i32 to index
      %get3A_3843 = arith.index_cast %get3A_3841 : i32 to index
      %get3A_3844 = arith.constant 32 : index
      %get3A_3845 = tpu.vector_load %arg6[%get3A_3842, %get3A_3843, %get3A_3844] {strides = array<i32>} : memref<2x80x64xf32, #tpu.memory_space<vmem>>, vector<1x1x16xf32>,
      %get3A_3846 = vector.shape_cast %get3A_3845 : vector<1x1x16xf32> to vector<16xf32>
      %add3A_3847 = arith.addf %add3A_3839, %get3A_3846 : vector<16xf32>
      %get3A_3848 = arith.constant 1 : i32
      %get3A_3849 = arith.constant 23 : i32
      %get3A_3850 = arith.index_cast %get3A_3848 : i32 to index
      %get3A_3851 = arith.index_cast %get3A_3849 : i32 to index
      %get3A_3852 = arith.constant 32 : index
      %get3A_3853 = tpu.vector_load %arg6[%get3A_3850, %get3A_3851, %get3A_3852] {strides = array<i32>} : memref<2x80x64xf32, #tpu.memory_space<vmem>>, vector<1x1x16xf32>,
      %get3A_3854 = vector.shape_cast %get3A_3853 : vector<1x1x16xf32> to vector<16xf32>
      %add3A_3855 = arith.addf %add3A_3847, %get3A_3854 : vector<16xf32>
      %get3A_3856 = arith.constant 1 : i32
      %get3A_3857 = arith.constant 24 : i32
      %get3A_3858 = arith.index_cast %get3A_3856 : i32 to index
      %get3A_3859 = arith.index_cast %get3A_3857 : i32 to index
      %get3A_3860 = arith.constant 32 : index
      %get3A_3861 = tpu.vector_load %arg6[%get3A_3858, %get3A_3859, %get3A_3860] {strides = array<i32>} : memref<2x80x64xf32, #tpu.memory_space<vmem>>, vector<1x1x16xf32>,
      %get3A_3862 = vector.shape_cast %get3A_3861 : vector<1x1x16xf32> to vector<16xf32>
      %add3A_3863 = arith.addf %add3A_3855, %get3A_3862 : vector<16xf32>
      %get3A_3864 = arith.constant 1 : i32
      %get3A_3865 = arith.constant 25 : i32
      %get3A_3866 = arith.index_cast %get3A_3864 : i32 to index
      %get3A_3867 = arith.index_cast %get3A_3865 : i32 to index
      %get3A_3868 = arith.constant 32 : index
      %get3A_3869 = tpu.vector_load %arg6[%get3A_3866, %get3A_3867, %get3A_3868] {strides = array<i32>} : memref<2x80x64xf32, #tpu.memory_space<vmem>>, vector<1x1x16xf32>,
      %get3A_3870 = vector.shape_cast %get3A_3869 : vector<1x1x16xf32> to vector<16xf32>
      %add3A_3871 = arith.addf %add3A_3863, %get3A_3870 : vector<16xf32>
      %get3A_3872 = arith.constant 1 : i32
      %get3A_3873 = arith.constant 26 : i32
      %get3A_3874 = arith.index_cast %get3A_3872 : i32 to index
      %get3A_3875 = arith.index_cast %get3A_3873 : i32 to index
      %get3A_3876 = arith.constant 32 : index
      %get3A_3877 = tpu.vector_load %arg6[%get3A_3874, %get3A_3875, %get3A_3876] {strides = array<i32>} : memref<2x80x64xf32, #tpu.memory_space<vmem>>, vector<1x1x16xf32>,
      %get3A_3878 = vector.shape_cast %get3A_3877 : vector<1x1x16xf32> to vector<16xf32>
      %add3A_3879 = arith.addf %add3A_3871, %get3A_3878 : vector<16xf32>
      %get3A_3880 = arith.constant 1 : i32
      %get3A_3881 = arith.constant 27 : i32
      %get3A_3882 = arith.index_cast %get3A_3880 : i32 to index
      %get3A_3883 = arith.index_cast %get3A_3881 : i32 to index
      %get3A_3884 = arith.constant 32 : index
      %get3A_3885 = tpu.vector_load %arg6[%get3A_3882, %get3A_3883, %get3A_3884] {strides = array<i32>} : memref<2x80x64xf32, #tpu.memory_space<vmem>>, vector<1x1x16xf32>,
      %get3A_3886 = vector.shape_cast %get3A_3885 : vector<1x1x16xf32> to vector<16xf32>
      %add3A_3887 = arith.addf %add3A_3879, %get3A_3886 : vector<16xf32>
      %get3A_3888 = arith.constant 1 : i32
      %get3A_3889 = arith.constant 28 : i32
      %get3A_3890 = arith.index_cast %get3A_3888 : i32 to index
      %get3A_3891 = arith.index_cast %get3A_3889 : i32 to index
      %get3A_3892 = arith.constant 32 : index
      %get3A_3893 = tpu.vector_load %arg6[%get3A_3890, %get3A_3891, %get3A_3892] {strides = array<i32>} : memref<2x80x64xf32, #tpu.memory_space<vmem>>, vector<1x1x16xf32>,
      %get3A_3894 = vector.shape_cast %get3A_3893 : vector<1x1x16xf32> to vector<16xf32>
      %add3A_3895 = arith.addf %add3A_3887, %get3A_3894 : vector<16xf32>
      %get3A_3896 = arith.constant 1 : i32
      %get3A_3897 = arith.constant 29 : i32
      %get3A_3898 = arith.index_cast %get3A_3896 : i32 to index
      %get3A_3899 = arith.index_cast %get3A_3897 : i32 to index
      %get3A_3900 = arith.constant 32 : index
      %get3A_3901 = tpu.vector_load %arg6[%get3A_3898, %get3A_3899, %get3A_3900] {strides = array<i32>} : memref<2x80x64xf32, #tpu.memory_space<vmem>>, vector<1x1x16xf32>,
      %get3A_3902 = vector.shape_cast %get3A_3901 : vector<1x1x16xf32> to vector<16xf32>
      %add3A_3903 = arith.addf %add3A_3895, %get3A_3902 : vector<16xf32>
      %get3A_3904 = arith.constant 1 : i32
      %get3A_3905 = arith.constant 30 : i32
      %get3A_3906 = arith.index_cast %get3A_3904 : i32 to index
      %get3A_3907 = arith.index_cast %get3A_3905 : i32 to index
      %get3A_3908 = arith.constant 32 : index
      %get3A_3909 = tpu.vector_load %arg6[%get3A_3906, %get3A_3907, %get3A_3908] {strides = array<i32>} : memref<2x80x64xf32, #tpu.memory_space<vmem>>, vector<1x1x16xf32>,
      %get3A_3910 = vector.shape_cast %get3A_3909 : vector<1x1x16xf32> to vector<16xf32>
      %add3A_3911 = arith.addf %add3A_3903, %get3A_3910 : vector<16xf32>
      %get3A_3912 = arith.constant 1 : i32
      %get3A_3913 = arith.constant 31 : i32
      %get3A_3914 = arith.index_cast %get3A_3912 : i32 to index
      %get3A_3915 = arith.index_cast %get3A_3913 : i32 to index
      %get3A_3916 = arith.constant 32 : index
      %get3A_3917 = tpu.vector_load %arg6[%get3A_3914, %get3A_3915, %get3A_3916] {strides = array<i32>} : memref<2x80x64xf32, #tpu.memory_space<vmem>>, vector<1x1x16xf32>,
      %get3A_3918 = vector.shape_cast %get3A_3917 : vector<1x1x16xf32> to vector<16xf32>
      %add3A_3919 = arith.addf %add3A_3911, %get3A_3918 : vector<16xf32>
      %get3A_3920 = arith.constant 1 : i32
      %get3A_3921 = arith.constant 32 : i32
      %get3A_3922 = arith.index_cast %get3A_3920 : i32 to index
      %get3A_3923 = arith.index_cast %get3A_3921 : i32 to index
      %get3A_3924 = arith.constant 32 : index
      %get3A_3925 = tpu.vector_load %arg6[%get3A_3922, %get3A_3923, %get3A_3924] {strides = array<i32>} : memref<2x80x64xf32, #tpu.memory_space<vmem>>, vector<1x1x16xf32>,
      %get3A_3926 = vector.shape_cast %get3A_3925 : vector<1x1x16xf32> to vector<16xf32>
      %add3A_3927 = arith.addf %add3A_3919, %get3A_3926 : vector<16xf32>
      %get3A_3928 = arith.constant 1 : i32
      %get3A_3929 = arith.constant 33 : i32
      %get3A_3930 = arith.index_cast %get3A_3928 : i32 to index
      %get3A_3931 = arith.index_cast %get3A_3929 : i32 to index
      %get3A_3932 = arith.constant 32 : index
      %get3A_3933 = tpu.vector_load %arg6[%get3A_3930, %get3A_3931, %get3A_3932] {strides = array<i32>} : memref<2x80x64xf32, #tpu.memory_space<vmem>>, vector<1x1x16xf32>,
      %get3A_3934 = vector.shape_cast %get3A_3933 : vector<1x1x16xf32> to vector<16xf32>
      %add3A_3935 = arith.addf %add3A_3927, %get3A_3934 : vector<16xf32>
      %get3A_3936 = arith.constant 1 : i32
      %get3A_3937 = arith.constant 34 : i32
      %get3A_3938 = arith.index_cast %get3A_3936 : i32 to index
      %get3A_3939 = arith.index_cast %get3A_3937 : i32 to index
      %get3A_3940 = arith.constant 32 : index
      %get3A_3941 = tpu.vector_load %arg6[%get3A_3938, %get3A_3939, %get3A_3940] {strides = array<i32>} : memref<2x80x64xf32, #tpu.memory_space<vmem>>, vector<1x1x16xf32>,
      %get3A_3942 = vector.shape_cast %get3A_3941 : vector<1x1x16xf32> to vector<16xf32>
      %add3A_3943 = arith.addf %add3A_3935, %get3A_3942 : vector<16xf32>
      %get3A_3944 = arith.constant 1 : i32
      %get3A_3945 = arith.constant 35 : i32
      %get3A_3946 = arith.index_cast %get3A_3944 : i32 to index
      %get3A_3947 = arith.index_cast %get3A_3945 : i32 to index
      %get3A_3948 = arith.constant 32 : index
      %get3A_3949 = tpu.vector_load %arg6[%get3A_3946, %get3A_3947, %get3A_3948] {strides = array<i32>} : memref<2x80x64xf32, #tpu.memory_space<vmem>>, vector<1x1x16xf32>,
      %get3A_3950 = vector.shape_cast %get3A_3949 : vector<1x1x16xf32> to vector<16xf32>
      %add3A_3951 = arith.addf %add3A_3943, %get3A_3950 : vector<16xf32>
      %get3A_3952 = arith.constant 1 : i32
      %get3A_3953 = arith.constant 36 : i32
      %get3A_3954 = arith.index_cast %get3A_3952 : i32 to index
      %get3A_3955 = arith.index_cast %get3A_3953 : i32 to index
      %get3A_3956 = arith.constant 32 : index
      %get3A_3957 = tpu.vector_load %arg6[%get3A_3954, %get3A_3955, %get3A_3956] {strides = array<i32>} : memref<2x80x64xf32, #tpu.memory_space<vmem>>, vector<1x1x16xf32>,
      %get3A_3958 = vector.shape_cast %get3A_3957 : vector<1x1x16xf32> to vector<16xf32>
      %add3A_3959 = arith.addf %add3A_3951, %get3A_3958 : vector<16xf32>
      %get3A_3960 = arith.constant 1 : i32
      %get3A_3961 = arith.constant 37 : i32
      %get3A_3962 = arith.index_cast %get3A_3960 : i32 to index
      %get3A_3963 = arith.index_cast %get3A_3961 : i32 to index
      %get3A_3964 = arith.constant 32 : index
      %get3A_3965 = tpu.vector_load %arg6[%get3A_3962, %get3A_3963, %get3A_3964] {strides = array<i32>} : memref<2x80x64xf32, #tpu.memory_space<vmem>>, vector<1x1x16xf32>,
      %get3A_3966 = vector.shape_cast %get3A_3965 : vector<1x1x16xf32> to vector<16xf32>
      %add3A_3967 = arith.addf %add3A_3959, %get3A_3966 : vector<16xf32>
      %get3A_3968 = arith.constant 1 : i32
      %get3A_3969 = arith.constant 38 : i32
      %get3A_3970 = arith.index_cast %get3A_3968 : i32 to index
      %get3A_3971 = arith.index_cast %get3A_3969 : i32 to index
      %get3A_3972 = arith.constant 32 : index
      %get3A_3973 = tpu.vector_load %arg6[%get3A_3970, %get3A_3971, %get3A_3972] {strides = array<i32>} : memref<2x80x64xf32, #tpu.memory_space<vmem>>, vector<1x1x16xf32>,
      %get3A_3974 = vector.shape_cast %get3A_3973 : vector<1x1x16xf32> to vector<16xf32>
      %add3A_3975 = arith.addf %add3A_3967, %get3A_3974 : vector<16xf32>
      %get3A_3976 = arith.constant 1 : i32
      %get3A_3977 = arith.constant 39 : i32
      %get3A_3978 = arith.index_cast %get3A_3976 : i32 to index
      %get3A_3979 = arith.index_cast %get3A_3977 : i32 to index
      %get3A_3980 = arith.constant 32 : index
      %get3A_3981 = tpu.vector_load %arg6[%get3A_3978, %get3A_3979, %get3A_3980] {strides = array<i32>} : memref<2x80x64xf32, #tpu.memory_space<vmem>>, vector<1x1x16xf32>,
      %get3A_3982 = vector.shape_cast %get3A_3981 : vector<1x1x16xf32> to vector<16xf32>
      %add3A_3983 = arith.addf %add3A_3975, %get3A_3982 : vector<16xf32>
      %mul3A_3984 = arith.constant 5.000000e-02 : f32
      %mul3A_3985 = vector.broadcast %mul3A_3984 : f32 to vector<16xf32>
      %mul3A_3986 = arith.mulf %add3A_3983, %mul3A_3985 : vector<16xf32>
      %mul3A_3987 = arith.constant 4 : i32
      %mul3A_3988 = arith.muli %add3A_2787, %mul3A_3987 : i32
      %add3A_3989 = arith.constant 1 : i32
      %add3A_3990 = arith.addi %mul3A_3988, %add3A_3989 : i32
      %swap3A_3991 = arith.index_cast %add3A_3990 : i32 to index
      %swap3A_3992 = arith.constant 32 : index
      %swap3A_3993 = tpu.vector_load %arg7[%swap3A_3991, %swap3A_3992] {strides = array<i32>} : memref<128x64xf32, #tpu.memory_space<vmem>>, vector<1x16xf32>,
      %swap3A_3994 = vector.shape_cast %swap3A_3993 : vector<1x16xf32> to vector<16xf32>
      %swap3A_3995 = vector.shape_cast %mul3A_3986 : vector<16xf32> to vector<1x16xf32>
      tpu.vector_store %arg7[%swap3A_3991, %swap3A_3992], %swap3A_3995 {strides = array<i32>} : memref<128x64xf32, #tpu.memory_space<vmem>>, vector<1x16xf32>,
      %get3A_3996 = arith.constant 1 : i32
      %get3A_3997 = arith.constant 20 : i32
      %get3A_3998 = arith.index_cast %get3A_3996 : i32 to index
      %get3A_3999 = arith.index_cast %get3A_3997 : i32 to index
      %get3A_4000 = arith.constant 48 : index
      %get3A_4001 = tpu.vector_load %arg6[%get3A_3998, %get3A_3999, %get3A_4000] {strides = array<i32>} : memref<2x80x64xf32, #tpu.memory_space<vmem>>, vector<1x1x16xf32>,
      %get3A_4002 = vector.shape_cast %get3A_4001 : vector<1x1x16xf32> to vector<16xf32>
      %get3A_4003 = arith.constant 1 : i32
      %get3A_4004 = arith.constant 21 : i32
      %get3A_4005 = arith.index_cast %get3A_4003 : i32 to index
      %get3A_4006 = arith.index_cast %get3A_4004 : i32 to index
      %get3A_4007 = arith.constant 48 : index
      %get3A_4008 = tpu.vector_load %arg6[%get3A_4005, %get3A_4006, %get3A_4007] {strides = array<i32>} : memref<2x80x64xf32, #tpu.memory_space<vmem>>, vector<1x1x16xf32>,
      %get3A_4009 = vector.shape_cast %get3A_4008 : vector<1x1x16xf32> to vector<16xf32>
      %add3A_4010 = arith.addf %get3A_4002, %get3A_4009 : vector<16xf32>
      %get3A_4011 = arith.constant 1 : i32
      %get3A_4012 = arith.constant 22 : i32
      %get3A_4013 = arith.index_cast %get3A_4011 : i32 to index
      %get3A_4014 = arith.index_cast %get3A_4012 : i32 to index
      %get3A_4015 = arith.constant 48 : index
      %get3A_4016 = tpu.vector_load %arg6[%get3A_4013, %get3A_4014, %get3A_4015] {strides = array<i32>} : memref<2x80x64xf32, #tpu.memory_space<vmem>>, vector<1x1x16xf32>,
      %get3A_4017 = vector.shape_cast %get3A_4016 : vector<1x1x16xf32> to vector<16xf32>
      %add3A_4018 = arith.addf %add3A_4010, %get3A_4017 : vector<16xf32>
      %get3A_4019 = arith.constant 1 : i32
      %get3A_4020 = arith.constant 23 : i32
      %get3A_4021 = arith.index_cast %get3A_4019 : i32 to index
      %get3A_4022 = arith.index_cast %get3A_4020 : i32 to index
      %get3A_4023 = arith.constant 48 : index
      %get3A_4024 = tpu.vector_load %arg6[%get3A_4021, %get3A_4022, %get3A_4023] {strides = array<i32>} : memref<2x80x64xf32, #tpu.memory_space<vmem>>, vector<1x1x16xf32>,
      %get3A_4025 = vector.shape_cast %get3A_4024 : vector<1x1x16xf32> to vector<16xf32>
      %add3A_4026 = arith.addf %add3A_4018, %get3A_4025 : vector<16xf32>
      %get3A_4027 = arith.constant 1 : i32
      %get3A_4028 = arith.constant 24 : i32
      %get3A_4029 = arith.index_cast %get3A_4027 : i32 to index
      %get3A_4030 = arith.index_cast %get3A_4028 : i32 to index
      %get3A_4031 = arith.constant 48 : index
      %get3A_4032 = tpu.vector_load %arg6[%get3A_4029, %get3A_4030, %get3A_4031] {strides = array<i32>} : memref<2x80x64xf32, #tpu.memory_space<vmem>>, vector<1x1x16xf32>,
      %get3A_4033 = vector.shape_cast %get3A_4032 : vector<1x1x16xf32> to vector<16xf32>
      %add3A_4034 = arith.addf %add3A_4026, %get3A_4033 : vector<16xf32>
      %get3A_4035 = arith.constant 1 : i32
      %get3A_4036 = arith.constant 25 : i32
      %get3A_4037 = arith.index_cast %get3A_4035 : i32 to index
      %get3A_4038 = arith.index_cast %get3A_4036 : i32 to index
      %get3A_4039 = arith.constant 48 : index
      %get3A_4040 = tpu.vector_load %arg6[%get3A_4037, %get3A_4038, %get3A_4039] {strides = array<i32>} : memref<2x80x64xf32, #tpu.memory_space<vmem>>, vector<1x1x16xf32>,
      %get3A_4041 = vector.shape_cast %get3A_4040 : vector<1x1x16xf32> to vector<16xf32>
      %add3A_4042 = arith.addf %add3A_4034, %get3A_4041 : vector<16xf32>
      %get3A_4043 = arith.constant 1 : i32
      %get3A_4044 = arith.constant 26 : i32
      %get3A_4045 = arith.index_cast %get3A_4043 : i32 to index
      %get3A_4046 = arith.index_cast %get3A_4044 : i32 to index
      %get3A_4047 = arith.constant 48 : index
      %get3A_4048 = tpu.vector_load %arg6[%get3A_4045, %get3A_4046, %get3A_4047] {strides = array<i32>} : memref<2x80x64xf32, #tpu.memory_space<vmem>>, vector<1x1x16xf32>,
      %get3A_4049 = vector.shape_cast %get3A_4048 : vector<1x1x16xf32> to vector<16xf32>
      %add3A_4050 = arith.addf %add3A_4042, %get3A_4049 : vector<16xf32>
      %get3A_4051 = arith.constant 1 : i32
      %get3A_4052 = arith.constant 27 : i32
      %get3A_4053 = arith.index_cast %get3A_4051 : i32 to index
      %get3A_4054 = arith.index_cast %get3A_4052 : i32 to index
      %get3A_4055 = arith.constant 48 : index
      %get3A_4056 = tpu.vector_load %arg6[%get3A_4053, %get3A_4054, %get3A_4055] {strides = array<i32>} : memref<2x80x64xf32, #tpu.memory_space<vmem>>, vector<1x1x16xf32>,
      %get3A_4057 = vector.shape_cast %get3A_4056 : vector<1x1x16xf32> to vector<16xf32>
      %add3A_4058 = arith.addf %add3A_4050, %get3A_4057 : vector<16xf32>
      %get3A_4059 = arith.constant 1 : i32
      %get3A_4060 = arith.constant 28 : i32
      %get3A_4061 = arith.index_cast %get3A_4059 : i32 to index
      %get3A_4062 = arith.index_cast %get3A_4060 : i32 to index
      %get3A_4063 = arith.constant 48 : index
      %get3A_4064 = tpu.vector_load %arg6[%get3A_4061, %get3A_4062, %get3A_4063] {strides = array<i32>} : memref<2x80x64xf32, #tpu.memory_space<vmem>>, vector<1x1x16xf32>,
      %get3A_4065 = vector.shape_cast %get3A_4064 : vector<1x1x16xf32> to vector<16xf32>
      %add3A_4066 = arith.addf %add3A_4058, %get3A_4065 : vector<16xf32>
      %get3A_4067 = arith.constant 1 : i32
      %get3A_4068 = arith.constant 29 : i32
      %get3A_4069 = arith.index_cast %get3A_4067 : i32 to index
      %get3A_4070 = arith.index_cast %get3A_4068 : i32 to index
      %get3A_4071 = arith.constant 48 : index
      %get3A_4072 = tpu.vector_load %arg6[%get3A_4069, %get3A_4070, %get3A_4071] {strides = array<i32>} : memref<2x80x64xf32, #tpu.memory_space<vmem>>, vector<1x1x16xf32>,
      %get3A_4073 = vector.shape_cast %get3A_4072 : vector<1x1x16xf32> to vector<16xf32>
      %add3A_4074 = arith.addf %add3A_4066, %get3A_4073 : vector<16xf32>
      %get3A_4075 = arith.constant 1 : i32
      %get3A_4076 = arith.constant 30 : i32
      %get3A_4077 = arith.index_cast %get3A_4075 : i32 to index
      %get3A_4078 = arith.index_cast %get3A_4076 : i32 to index
      %get3A_4079 = arith.constant 48 : index
      %get3A_4080 = tpu.vector_load %arg6[%get3A_4077, %get3A_4078, %get3A_4079] {strides = array<i32>} : memref<2x80x64xf32, #tpu.memory_space<vmem>>, vector<1x1x16xf32>,
      %get3A_4081 = vector.shape_cast %get3A_4080 : vector<1x1x16xf32> to vector<16xf32>
      %add3A_4082 = arith.addf %add3A_4074, %get3A_4081 : vector<16xf32>
      %get3A_4083 = arith.constant 1 : i32
      %get3A_4084 = arith.constant 31 : i32
      %get3A_4085 = arith.index_cast %get3A_4083 : i32 to index
      %get3A_4086 = arith.index_cast %get3A_4084 : i32 to index
      %get3A_4087 = arith.constant 48 : index
      %get3A_4088 = tpu.vector_load %arg6[%get3A_4085, %get3A_4086, %get3A_4087] {strides = array<i32>} : memref<2x80x64xf32, #tpu.memory_space<vmem>>, vector<1x1x16xf32>,
      %get3A_4089 = vector.shape_cast %get3A_4088 : vector<1x1x16xf32> to vector<16xf32>
      %add3A_4090 = arith.addf %add3A_4082, %get3A_4089 : vector<16xf32>
      %get3A_4091 = arith.constant 1 : i32
      %get3A_4092 = arith.constant 32 : i32
      %get3A_4093 = arith.index_cast %get3A_4091 : i32 to index
      %get3A_4094 = arith.index_cast %get3A_4092 : i32 to index
      %get3A_4095 = arith.constant 48 : index
      %get3A_4096 = tpu.vector_load %arg6[%get3A_4093, %get3A_4094, %get3A_4095] {strides = array<i32>} : memref<2x80x64xf32, #tpu.memory_space<vmem>>, vector<1x1x16xf32>,
      %get3A_4097 = vector.shape_cast %get3A_4096 : vector<1x1x16xf32> to vector<16xf32>
      %add3A_4098 = arith.addf %add3A_4090, %get3A_4097 : vector<16xf32>
      %get3A_4099 = arith.constant 1 : i32
      %get3A_4100 = arith.constant 33 : i32
      %get3A_4101 = arith.index_cast %get3A_4099 : i32 to index
      %get3A_4102 = arith.index_cast %get3A_4100 : i32 to index
      %get3A_4103 = arith.constant 48 : index
      %get3A_4104 = tpu.vector_load %arg6[%get3A_4101, %get3A_4102, %get3A_4103] {strides = array<i32>} : memref<2x80x64xf32, #tpu.memory_space<vmem>>, vector<1x1x16xf32>,
      %get3A_4105 = vector.shape_cast %get3A_4104 : vector<1x1x16xf32> to vector<16xf32>
      %add3A_4106 = arith.addf %add3A_4098, %get3A_4105 : vector<16xf32>
      %get3A_4107 = arith.constant 1 : i32
      %get3A_4108 = arith.constant 34 : i32
      %get3A_4109 = arith.index_cast %get3A_4107 : i32 to index
      %get3A_4110 = arith.index_cast %get3A_4108 : i32 to index
      %get3A_4111 = arith.constant 48 : index
      %get3A_4112 = tpu.vector_load %arg6[%get3A_4109, %get3A_4110, %get3A_4111] {strides = array<i32>} : memref<2x80x64xf32, #tpu.memory_space<vmem>>, vector<1x1x16xf32>,
      %get3A_4113 = vector.shape_cast %get3A_4112 : vector<1x1x16xf32> to vector<16xf32>
      %add3A_4114 = arith.addf %add3A_4106, %get3A_4113 : vector<16xf32>
      %get3A_4115 = arith.constant 1 : i32
      %get3A_4116 = arith.constant 35 : i32
      %get3A_4117 = arith.index_cast %get3A_4115 : i32 to index
      %get3A_4118 = arith.index_cast %get3A_4116 : i32 to index
      %get3A_4119 = arith.constant 48 : index
      %get3A_4120 = tpu.vector_load %arg6[%get3A_4117, %get3A_4118, %get3A_4119] {strides = array<i32>} : memref<2x80x64xf32, #tpu.memory_space<vmem>>, vector<1x1x16xf32>,
      %get3A_4121 = vector.shape_cast %get3A_4120 : vector<1x1x16xf32> to vector<16xf32>
      %add3A_4122 = arith.addf %add3A_4114, %get3A_4121 : vector<16xf32>
      %get3A_4123 = arith.constant 1 : i32
      %get3A_4124 = arith.constant 36 : i32
      %get3A_4125 = arith.index_cast %get3A_4123 : i32 to index
      %get3A_4126 = arith.index_cast %get3A_4124 : i32 to index
      %get3A_4127 = arith.constant 48 : index
      %get3A_4128 = tpu.vector_load %arg6[%get3A_4125, %get3A_4126, %get3A_4127] {strides = array<i32>} : memref<2x80x64xf32, #tpu.memory_space<vmem>>, vector<1x1x16xf32>,
      %get3A_4129 = vector.shape_cast %get3A_4128 : vector<1x1x16xf32> to vector<16xf32>
      %add3A_4130 = arith.addf %add3A_4122, %get3A_4129 : vector<16xf32>
      %get3A_4131 = arith.constant 1 : i32
      %get3A_4132 = arith.constant 37 : i32
      %get3A_4133 = arith.index_cast %get3A_4131 : i32 to index
      %get3A_4134 = arith.index_cast %get3A_4132 : i32 to index
      %get3A_4135 = arith.constant 48 : index
      %get3A_4136 = tpu.vector_load %arg6[%get3A_4133, %get3A_4134, %get3A_4135] {strides = array<i32>} : memref<2x80x64xf32, #tpu.memory_space<vmem>>, vector<1x1x16xf32>,
      %get3A_4137 = vector.shape_cast %get3A_4136 : vector<1x1x16xf32> to vector<16xf32>
      %add3A_4138 = arith.addf %add3A_4130, %get3A_4137 : vector<16xf32>
      %get3A_4139 = arith.constant 1 : i32
      %get3A_4140 = arith.constant 38 : i32
      %get3A_4141 = arith.index_cast %get3A_4139 : i32 to index
      %get3A_4142 = arith.index_cast %get3A_4140 : i32 to index
      %get3A_4143 = arith.constant 48 : index
      %get3A_4144 = tpu.vector_load %arg6[%get3A_4141, %get3A_4142, %get3A_4143] {strides = array<i32>} : memref<2x80x64xf32, #tpu.memory_space<vmem>>, vector<1x1x16xf32>,
      %get3A_4145 = vector.shape_cast %get3A_4144 : vector<1x1x16xf32> to vector<16xf32>
      %add3A_4146 = arith.addf %add3A_4138, %get3A_4145 : vector<16xf32>
      %get3A_4147 = arith.constant 1 : i32
      %get3A_4148 = arith.constant 39 : i32
      %get3A_4149 = arith.index_cast %get3A_4147 : i32 to index
      %get3A_4150 = arith.index_cast %get3A_4148 : i32 to index
      %get3A_4151 = arith.constant 48 : index
      %get3A_4152 = tpu.vector_load %arg6[%get3A_4149, %get3A_4150, %get3A_4151] {strides = array<i32>} : memref<2x80x64xf32, #tpu.memory_space<vmem>>, vector<1x1x16xf32>,
      %get3A_4153 = vector.shape_cast %get3A_4152 : vector<1x1x16xf32> to vector<16xf32>
      %add3A_4154 = arith.addf %add3A_4146, %get3A_4153 : vector<16xf32>
      %mul3A_4155 = arith.constant 5.000000e-02 : f32
      %mul3A_4156 = vector.broadcast %mul3A_4155 : f32 to vector<16xf32>
      %mul3A_4157 = arith.mulf %add3A_4154, %mul3A_4156 : vector<16xf32>
      %mul3A_4158 = arith.constant 4 : i32
      %mul3A_4159 = arith.muli %add3A_2787, %mul3A_4158 : i32
      %add3A_4160 = arith.constant 1 : i32
      %add3A_4161 = arith.addi %mul3A_4159, %add3A_4160 : i32
      %swap3A_4162 = arith.index_cast %add3A_4161 : i32 to index
      %swap3A_4163 = arith.constant 48 : index
      %swap3A_4164 = tpu.vector_load %arg7[%swap3A_4162, %swap3A_4163] {strides = array<i32>} : memref<128x64xf32, #tpu.memory_space<vmem>>, vector<1x16xf32>,
      %swap3A_4165 = vector.shape_cast %swap3A_4164 : vector<1x16xf32> to vector<16xf32>
      %swap3A_4166 = vector.shape_cast %mul3A_4157 : vector<16xf32> to vector<1x16xf32>
      tpu.vector_store %arg7[%swap3A_4162, %swap3A_4163], %swap3A_4166 {strides = array<i32>} : memref<128x64xf32, #tpu.memory_space<vmem>>, vector<1x16xf32>,
      %get3A_4167 = arith.constant 1 : i32
      %get3A_4168 = arith.constant 40 : i32
      %get3A_4169 = arith.index_cast %get3A_4167 : i32 to index
      %get3A_4170 = arith.index_cast %get3A_4168 : i32 to index
      %get3A_4171 = arith.constant 0 : index
      %get3A_4172 = tpu.vector_load %arg6[%get3A_4169, %get3A_4170, %get3A_4171] {strides = array<i32>} : memref<2x80x64xf32, #tpu.memory_space<vmem>>, vector<1x1x16xf32>,
      %get3A_4173 = vector.shape_cast %get3A_4172 : vector<1x1x16xf32> to vector<16xf32>
      %get3A_4174 = arith.constant 1 : i32
      %get3A_4175 = arith.constant 41 : i32
      %get3A_4176 = arith.index_cast %get3A_4174 : i32 to index
      %get3A_4177 = arith.index_cast %get3A_4175 : i32 to index
      %get3A_4178 = arith.constant 0 : index
      %get3A_4179 = tpu.vector_load %arg6[%get3A_4176, %get3A_4177, %get3A_4178] {strides = array<i32>} : memref<2x80x64xf32, #tpu.memory_space<vmem>>, vector<1x1x16xf32>,
      %get3A_4180 = vector.shape_cast %get3A_4179 : vector<1x1x16xf32> to vector<16xf32>
      %add3A_4181 = arith.addf %get3A_4173, %get3A_4180 : vector<16xf32>
      %get3A_4182 = arith.constant 1 : i32
      %get3A_4183 = arith.constant 42 : i32
      %get3A_4184 = arith.index_cast %get3A_4182 : i32 to index
      %get3A_4185 = arith.index_cast %get3A_4183 : i32 to index
      %get3A_4186 = arith.constant 0 : index
      %get3A_4187 = tpu.vector_load %arg6[%get3A_4184, %get3A_4185, %get3A_4186] {strides = array<i32>} : memref<2x80x64xf32, #tpu.memory_space<vmem>>, vector<1x1x16xf32>,
      %get3A_4188 = vector.shape_cast %get3A_4187 : vector<1x1x16xf32> to vector<16xf32>
      %add3A_4189 = arith.addf %add3A_4181, %get3A_4188 : vector<16xf32>
      %get3A_4190 = arith.constant 1 : i32
      %get3A_4191 = arith.constant 43 : i32
      %get3A_4192 = arith.index_cast %get3A_4190 : i32 to index
      %get3A_4193 = arith.index_cast %get3A_4191 : i32 to index
      %get3A_4194 = arith.constant 0 : index
      %get3A_4195 = tpu.vector_load %arg6[%get3A_4192, %get3A_4193, %get3A_4194] {strides = array<i32>} : memref<2x80x64xf32, #tpu.memory_space<vmem>>, vector<1x1x16xf32>,
      %get3A_4196 = vector.shape_cast %get3A_4195 : vector<1x1x16xf32> to vector<16xf32>
      %add3A_4197 = arith.addf %add3A_4189, %get3A_4196 : vector<16xf32>
      %get3A_4198 = arith.constant 1 : i32
      %get3A_4199 = arith.constant 44 : i32
      %get3A_4200 = arith.index_cast %get3A_4198 : i32 to index
      %get3A_4201 = arith.index_cast %get3A_4199 : i32 to index
      %get3A_4202 = arith.constant 0 : index
      %get3A_4203 = tpu.vector_load %arg6[%get3A_4200, %get3A_4201, %get3A_4202] {strides = array<i32>} : memref<2x80x64xf32, #tpu.memory_space<vmem>>, vector<1x1x16xf32>,
      %get3A_4204 = vector.shape_cast %get3A_4203 : vector<1x1x16xf32> to vector<16xf32>
      %add3A_4205 = arith.addf %add3A_4197, %get3A_4204 : vector<16xf32>
      %get3A_4206 = arith.constant 1 : i32
      %get3A_4207 = arith.constant 45 : i32
      %get3A_4208 = arith.index_cast %get3A_4206 : i32 to index
      %get3A_4209 = arith.index_cast %get3A_4207 : i32 to index
      %get3A_4210 = arith.constant 0 : index
      %get3A_4211 = tpu.vector_load %arg6[%get3A_4208, %get3A_4209, %get3A_4210] {strides = array<i32>} : memref<2x80x64xf32, #tpu.memory_space<vmem>>, vector<1x1x16xf32>,
      %get3A_4212 = vector.shape_cast %get3A_4211 : vector<1x1x16xf32> to vector<16xf32>
      %add3A_4213 = arith.addf %add3A_4205, %get3A_4212 : vector<16xf32>
      %get3A_4214 = arith.constant 1 : i32
      %get3A_4215 = arith.constant 46 : i32
      %get3A_4216 = arith.index_cast %get3A_4214 : i32 to index
      %get3A_4217 = arith.index_cast %get3A_4215 : i32 to index
      %get3A_4218 = arith.constant 0 : index
      %get3A_4219 = tpu.vector_load %arg6[%get3A_4216, %get3A_4217, %get3A_4218] {strides = array<i32>} : memref<2x80x64xf32, #tpu.memory_space<vmem>>, vector<1x1x16xf32>,
      %get3A_4220 = vector.shape_cast %get3A_4219 : vector<1x1x16xf32> to vector<16xf32>
      %add3A_4221 = arith.addf %add3A_4213, %get3A_4220 : vector<16xf32>
      %get3A_4222 = arith.constant 1 : i32
      %get3A_4223 = arith.constant 47 : i32
      %get3A_4224 = arith.index_cast %get3A_4222 : i32 to index
      %get3A_4225 = arith.index_cast %get3A_4223 : i32 to index
      %get3A_4226 = arith.constant 0 : index
      %get3A_4227 = tpu.vector_load %arg6[%get3A_4224, %get3A_4225, %get3A_4226] {strides = array<i32>} : memref<2x80x64xf32, #tpu.memory_space<vmem>>, vector<1x1x16xf32>,
      %get3A_4228 = vector.shape_cast %get3A_4227 : vector<1x1x16xf32> to vector<16xf32>
      %add3A_4229 = arith.addf %add3A_4221, %get3A_4228 : vector<16xf32>
      %get3A_4230 = arith.constant 1 : i32
      %get3A_4231 = arith.constant 48 : i32
      %get3A_4232 = arith.index_cast %get3A_4230 : i32 to index
      %get3A_4233 = arith.index_cast %get3A_4231 : i32 to index
      %get3A_4234 = arith.constant 0 : index
      %get3A_4235 = tpu.vector_load %arg6[%get3A_4232, %get3A_4233, %get3A_4234] {strides = array<i32>} : memref<2x80x64xf32, #tpu.memory_space<vmem>>, vector<1x1x16xf32>,
      %get3A_4236 = vector.shape_cast %get3A_4235 : vector<1x1x16xf32> to vector<16xf32>
      %add3A_4237 = arith.addf %add3A_4229, %get3A_4236 : vector<16xf32>
      %get3A_4238 = arith.constant 1 : i32
      %get3A_4239 = arith.constant 49 : i32
      %get3A_4240 = arith.index_cast %get3A_4238 : i32 to index
      %get3A_4241 = arith.index_cast %get3A_4239 : i32 to index
      %get3A_4242 = arith.constant 0 : index
      %get3A_4243 = tpu.vector_load %arg6[%get3A_4240, %get3A_4241, %get3A_4242] {strides = array<i32>} : memref<2x80x64xf32, #tpu.memory_space<vmem>>, vector<1x1x16xf32>,
      %get3A_4244 = vector.shape_cast %get3A_4243 : vector<1x1x16xf32> to vector<16xf32>
      %add3A_4245 = arith.addf %add3A_4237, %get3A_4244 : vector<16xf32>
      %get3A_4246 = arith.constant 1 : i32
      %get3A_4247 = arith.constant 50 : i32
      %get3A_4248 = arith.index_cast %get3A_4246 : i32 to index
      %get3A_4249 = arith.index_cast %get3A_4247 : i32 to index
      %get3A_4250 = arith.constant 0 : index
      %get3A_4251 = tpu.vector_load %arg6[%get3A_4248, %get3A_4249, %get3A_4250] {strides = array<i32>} : memref<2x80x64xf32, #tpu.memory_space<vmem>>, vector<1x1x16xf32>,
      %get3A_4252 = vector.shape_cast %get3A_4251 : vector<1x1x16xf32> to vector<16xf32>
      %add3A_4253 = arith.addf %add3A_4245, %get3A_4252 : vector<16xf32>
      %get3A_4254 = arith.constant 1 : i32
      %get3A_4255 = arith.constant 51 : i32
      %get3A_4256 = arith.index_cast %get3A_4254 : i32 to index
      %get3A_4257 = arith.index_cast %get3A_4255 : i32 to index
      %get3A_4258 = arith.constant 0 : index
      %get3A_4259 = tpu.vector_load %arg6[%get3A_4256, %get3A_4257, %get3A_4258] {strides = array<i32>} : memref<2x80x64xf32, #tpu.memory_space<vmem>>, vector<1x1x16xf32>,
      %get3A_4260 = vector.shape_cast %get3A_4259 : vector<1x1x16xf32> to vector<16xf32>
      %add3A_4261 = arith.addf %add3A_4253, %get3A_4260 : vector<16xf32>
      %get3A_4262 = arith.constant 1 : i32
      %get3A_4263 = arith.constant 52 : i32
      %get3A_4264 = arith.index_cast %get3A_4262 : i32 to index
      %get3A_4265 = arith.index_cast %get3A_4263 : i32 to index
      %get3A_4266 = arith.constant 0 : index
      %get3A_4267 = tpu.vector_load %arg6[%get3A_4264, %get3A_4265, %get3A_4266] {strides = array<i32>} : memref<2x80x64xf32, #tpu.memory_space<vmem>>, vector<1x1x16xf32>,
      %get3A_4268 = vector.shape_cast %get3A_4267 : vector<1x1x16xf32> to vector<16xf32>
      %add3A_4269 = arith.addf %add3A_4261, %get3A_4268 : vector<16xf32>
      %get3A_4270 = arith.constant 1 : i32
      %get3A_4271 = arith.constant 53 : i32
      %get3A_4272 = arith.index_cast %get3A_4270 : i32 to index
      %get3A_4273 = arith.index_cast %get3A_4271 : i32 to index
      %get3A_4274 = arith.constant 0 : index
      %get3A_4275 = tpu.vector_load %arg6[%get3A_4272, %get3A_4273, %get3A_4274] {strides = array<i32>} : memref<2x80x64xf32, #tpu.memory_space<vmem>>, vector<1x1x16xf32>,
      %get3A_4276 = vector.shape_cast %get3A_4275 : vector<1x1x16xf32> to vector<16xf32>
      %add3A_4277 = arith.addf %add3A_4269, %get3A_4276 : vector<16xf32>
      %get3A_4278 = arith.constant 1 : i32
      %get3A_4279 = arith.constant 54 : i32
      %get3A_4280 = arith.index_cast %get3A_4278 : i32 to index
      %get3A_4281 = arith.index_cast %get3A_4279 : i32 to index
      %get3A_4282 = arith.constant 0 : index
      %get3A_4283 = tpu.vector_load %arg6[%get3A_4280, %get3A_4281, %get3A_4282] {strides = array<i32>} : memref<2x80x64xf32, #tpu.memory_space<vmem>>, vector<1x1x16xf32>,
      %get3A_4284 = vector.shape_cast %get3A_4283 : vector<1x1x16xf32> to vector<16xf32>
      %add3A_4285 = arith.addf %add3A_4277, %get3A_4284 : vector<16xf32>
      %get3A_4286 = arith.constant 1 : i32
      %get3A_4287 = arith.constant 55 : i32
      %get3A_4288 = arith.index_cast %get3A_4286 : i32 to index
      %get3A_4289 = arith.index_cast %get3A_4287 : i32 to index
      %get3A_4290 = arith.constant 0 : index
      %get3A_4291 = tpu.vector_load %arg6[%get3A_4288, %get3A_4289, %get3A_4290] {strides = array<i32>} : memref<2x80x64xf32, #tpu.memory_space<vmem>>, vector<1x1x16xf32>,
      %get3A_4292 = vector.shape_cast %get3A_4291 : vector<1x1x16xf32> to vector<16xf32>
      %add3A_4293 = arith.addf %add3A_4285, %get3A_4292 : vector<16xf32>
      %get3A_4294 = arith.constant 1 : i32
      %get3A_4295 = arith.constant 56 : i32
      %get3A_4296 = arith.index_cast %get3A_4294 : i32 to index
      %get3A_4297 = arith.index_cast %get3A_4295 : i32 to index
      %get3A_4298 = arith.constant 0 : index
      %get3A_4299 = tpu.vector_load %arg6[%get3A_4296, %get3A_4297, %get3A_4298] {strides = array<i32>} : memref<2x80x64xf32, #tpu.memory_space<vmem>>, vector<1x1x16xf32>,
      %get3A_4300 = vector.shape_cast %get3A_4299 : vector<1x1x16xf32> to vector<16xf32>
      %add3A_4301 = arith.addf %add3A_4293, %get3A_4300 : vector<16xf32>
      %get3A_4302 = arith.constant 1 : i32
      %get3A_4303 = arith.constant 57 : i32
      %get3A_4304 = arith.index_cast %get3A_4302 : i32 to index
      %get3A_4305 = arith.index_cast %get3A_4303 : i32 to index
      %get3A_4306 = arith.constant 0 : index
      %get3A_4307 = tpu.vector_load %arg6[%get3A_4304, %get3A_4305, %get3A_4306] {strides = array<i32>} : memref<2x80x64xf32, #tpu.memory_space<vmem>>, vector<1x1x16xf32>,
      %get3A_4308 = vector.shape_cast %get3A_4307 : vector<1x1x16xf32> to vector<16xf32>
      %add3A_4309 = arith.addf %add3A_4301, %get3A_4308 : vector<16xf32>
      %get3A_4310 = arith.constant 1 : i32
      %get3A_4311 = arith.constant 58 : i32
      %get3A_4312 = arith.index_cast %get3A_4310 : i32 to index
      %get3A_4313 = arith.index_cast %get3A_4311 : i32 to index
      %get3A_4314 = arith.constant 0 : index
      %get3A_4315 = tpu.vector_load %arg6[%get3A_4312, %get3A_4313, %get3A_4314] {strides = array<i32>} : memref<2x80x64xf32, #tpu.memory_space<vmem>>, vector<1x1x16xf32>,
      %get3A_4316 = vector.shape_cast %get3A_4315 : vector<1x1x16xf32> to vector<16xf32>
      %add3A_4317 = arith.addf %add3A_4309, %get3A_4316 : vector<16xf32>
      %get3A_4318 = arith.constant 1 : i32
      %get3A_4319 = arith.constant 59 : i32
      %get3A_4320 = arith.index_cast %get3A_4318 : i32 to index
      %get3A_4321 = arith.index_cast %get3A_4319 : i32 to index
      %get3A_4322 = arith.constant 0 : index
      %get3A_4323 = tpu.vector_load %arg6[%get3A_4320, %get3A_4321, %get3A_4322] {strides = array<i32>} : memref<2x80x64xf32, #tpu.memory_space<vmem>>, vector<1x1x16xf32>,
      %get3A_4324 = vector.shape_cast %get3A_4323 : vector<1x1x16xf32> to vector<16xf32>
      %add3A_4325 = arith.addf %add3A_4317, %get3A_4324 : vector<16xf32>
      %mul3A_4326 = arith.constant 5.000000e-02 : f32
      %mul3A_4327 = vector.broadcast %mul3A_4326 : f32 to vector<16xf32>
      %mul3A_4328 = arith.mulf %add3A_4325, %mul3A_4327 : vector<16xf32>
      %mul3A_4329 = arith.constant 4 : i32
      %mul3A_4330 = arith.muli %add3A_2787, %mul3A_4329 : i32
      %add3A_4331 = arith.constant 2 : i32
      %add3A_4332 = arith.addi %mul3A_4330, %add3A_4331 : i32
      %swap3A_4333 = arith.index_cast %add3A_4332 : i32 to index
      %swap3A_4334 = arith.constant 0 : index
      %swap3A_4335 = tpu.vector_load %arg7[%swap3A_4333, %swap3A_4334] {strides = array<i32>} : memref<128x64xf32, #tpu.memory_space<vmem>>, vector<1x16xf32>,
      %swap3A_4336 = vector.shape_cast %swap3A_4335 : vector<1x16xf32> to vector<16xf32>
      %swap3A_4337 = vector.shape_cast %mul3A_4328 : vector<16xf32> to vector<1x16xf32>
      tpu.vector_store %arg7[%swap3A_4333, %swap3A_4334], %swap3A_4337 {strides = array<i32>} : memref<128x64xf32, #tpu.memory_space<vmem>>, vector<1x16xf32>,
      %get3A_4338 = arith.constant 1 : i32
      %get3A_4339 = arith.constant 40 : i32
      %get3A_4340 = arith.index_cast %get3A_4338 : i32 to index
      %get3A_4341 = arith.index_cast %get3A_4339 : i32 to index
      %get3A_4342 = arith.constant 16 : index
      %get3A_4343 = tpu.vector_load %arg6[%get3A_4340, %get3A_4341, %get3A_4342] {strides = array<i32>} : memref<2x80x64xf32, #tpu.memory_space<vmem>>, vector<1x1x16xf32>,
      %get3A_4344 = vector.shape_cast %get3A_4343 : vector<1x1x16xf32> to vector<16xf32>
      %get3A_4345 = arith.constant 1 : i32
      %get3A_4346 = arith.constant 41 : i32
      %get3A_4347 = arith.index_cast %get3A_4345 : i32 to index
      %get3A_4348 = arith.index_cast %get3A_4346 : i32 to index
      %get3A_4349 = arith.constant 16 : index
      %get3A_4350 = tpu.vector_load %arg6[%get3A_4347, %get3A_4348, %get3A_4349] {strides = array<i32>} : memref<2x80x64xf32, #tpu.memory_space<vmem>>, vector<1x1x16xf32>,
      %get3A_4351 = vector.shape_cast %get3A_4350 : vector<1x1x16xf32> to vector<16xf32>
      %add3A_4352 = arith.addf %get3A_4344, %get3A_4351 : vector<16xf32>
      %get3A_4353 = arith.constant 1 : i32
      %get3A_4354 = arith.constant 42 : i32
      %get3A_4355 = arith.index_cast %get3A_4353 : i32 to index
      %get3A_4356 = arith.index_cast %get3A_4354 : i32 to index
      %get3A_4357 = arith.constant 16 : index
      %get3A_4358 = tpu.vector_load %arg6[%get3A_4355, %get3A_4356, %get3A_4357] {strides = array<i32>} : memref<2x80x64xf32, #tpu.memory_space<vmem>>, vector<1x1x16xf32>,
      %get3A_4359 = vector.shape_cast %get3A_4358 : vector<1x1x16xf32> to vector<16xf32>
      %add3A_4360 = arith.addf %add3A_4352, %get3A_4359 : vector<16xf32>
      %get3A_4361 = arith.constant 1 : i32
      %get3A_4362 = arith.constant 43 : i32
      %get3A_4363 = arith.index_cast %get3A_4361 : i32 to index
      %get3A_4364 = arith.index_cast %get3A_4362 : i32 to index
      %get3A_4365 = arith.constant 16 : index
      %get3A_4366 = tpu.vector_load %arg6[%get3A_4363, %get3A_4364, %get3A_4365] {strides = array<i32>} : memref<2x80x64xf32, #tpu.memory_space<vmem>>, vector<1x1x16xf32>,
      %get3A_4367 = vector.shape_cast %get3A_4366 : vector<1x1x16xf32> to vector<16xf32>
      %add3A_4368 = arith.addf %add3A_4360, %get3A_4367 : vector<16xf32>
      %get3A_4369 = arith.constant 1 : i32
      %get3A_4370 = arith.constant 44 : i32
      %get3A_4371 = arith.index_cast %get3A_4369 : i32 to index
      %get3A_4372 = arith.index_cast %get3A_4370 : i32 to index
      %get3A_4373 = arith.constant 16 : index
      %get3A_4374 = tpu.vector_load %arg6[%get3A_4371, %get3A_4372, %get3A_4373] {strides = array<i32>} : memref<2x80x64xf32, #tpu.memory_space<vmem>>, vector<1x1x16xf32>,
      %get3A_4375 = vector.shape_cast %get3A_4374 : vector<1x1x16xf32> to vector<16xf32>
      %add3A_4376 = arith.addf %add3A_4368, %get3A_4375 : vector<16xf32>
      %get3A_4377 = arith.constant 1 : i32
      %get3A_4378 = arith.constant 45 : i32
      %get3A_4379 = arith.index_cast %get3A_4377 : i32 to index
      %get3A_4380 = arith.index_cast %get3A_4378 : i32 to index
      %get3A_4381 = arith.constant 16 : index
      %get3A_4382 = tpu.vector_load %arg6[%get3A_4379, %get3A_4380, %get3A_4381] {strides = array<i32>} : memref<2x80x64xf32, #tpu.memory_space<vmem>>, vector<1x1x16xf32>,
      %get3A_4383 = vector.shape_cast %get3A_4382 : vector<1x1x16xf32> to vector<16xf32>
      %add3A_4384 = arith.addf %add3A_4376, %get3A_4383 : vector<16xf32>
      %get3A_4385 = arith.constant 1 : i32
      %get3A_4386 = arith.constant 46 : i32
      %get3A_4387 = arith.index_cast %get3A_4385 : i32 to index
      %get3A_4388 = arith.index_cast %get3A_4386 : i32 to index
      %get3A_4389 = arith.constant 16 : index
      %get3A_4390 = tpu.vector_load %arg6[%get3A_4387, %get3A_4388, %get3A_4389] {strides = array<i32>} : memref<2x80x64xf32, #tpu.memory_space<vmem>>, vector<1x1x16xf32>,
      %get3A_4391 = vector.shape_cast %get3A_4390 : vector<1x1x16xf32> to vector<16xf32>
      %add3A_4392 = arith.addf %add3A_4384, %get3A_4391 : vector<16xf32>
      %get3A_4393 = arith.constant 1 : i32
      %get3A_4394 = arith.constant 47 : i32
      %get3A_4395 = arith.index_cast %get3A_4393 : i32 to index
      %get3A_4396 = arith.index_cast %get3A_4394 : i32 to index
      %get3A_4397 = arith.constant 16 : index
      %get3A_4398 = tpu.vector_load %arg6[%get3A_4395, %get3A_4396, %get3A_4397] {strides = array<i32>} : memref<2x80x64xf32, #tpu.memory_space<vmem>>, vector<1x1x16xf32>,
      %get3A_4399 = vector.shape_cast %get3A_4398 : vector<1x1x16xf32> to vector<16xf32>
      %add3A_4400 = arith.addf %add3A_4392, %get3A_4399 : vector<16xf32>
      %get3A_4401 = arith.constant 1 : i32
      %get3A_4402 = arith.constant 48 : i32
      %get3A_4403 = arith.index_cast %get3A_4401 : i32 to index
      %get3A_4404 = arith.index_cast %get3A_4402 : i32 to index
      %get3A_4405 = arith.constant 16 : index
      %get3A_4406 = tpu.vector_load %arg6[%get3A_4403, %get3A_4404, %get3A_4405] {strides = array<i32>} : memref<2x80x64xf32, #tpu.memory_space<vmem>>, vector<1x1x16xf32>,
      %get3A_4407 = vector.shape_cast %get3A_4406 : vector<1x1x16xf32> to vector<16xf32>
      %add3A_4408 = arith.addf %add3A_4400, %get3A_4407 : vector<16xf32>
      %get3A_4409 = arith.constant 1 : i32
      %get3A_4410 = arith.constant 49 : i32
      %get3A_4411 = arith.index_cast %get3A_4409 : i32 to index
      %get3A_4412 = arith.index_cast %get3A_4410 : i32 to index
      %get3A_4413 = arith.constant 16 : index
      %get3A_4414 = tpu.vector_load %arg6[%get3A_4411, %get3A_4412, %get3A_4413] {strides = array<i32>} : memref<2x80x64xf32, #tpu.memory_space<vmem>>, vector<1x1x16xf32>,
      %get3A_4415 = vector.shape_cast %get3A_4414 : vector<1x1x16xf32> to vector<16xf32>
      %add3A_4416 = arith.addf %add3A_4408, %get3A_4415 : vector<16xf32>
      %get3A_4417 = arith.constant 1 : i32
      %get3A_4418 = arith.constant 50 : i32
      %get3A_4419 = arith.index_cast %get3A_4417 : i32 to index
      %get3A_4420 = arith.index_cast %get3A_4418 : i32 to index
      %get3A_4421 = arith.constant 16 : index
      %get3A_4422 = tpu.vector_load %arg6[%get3A_4419, %get3A_4420, %get3A_4421] {strides = array<i32>} : memref<2x80x64xf32, #tpu.memory_space<vmem>>, vector<1x1x16xf32>,
      %get3A_4423 = vector.shape_cast %get3A_4422 : vector<1x1x16xf32> to vector<16xf32>
      %add3A_4424 = arith.addf %add3A_4416, %get3A_4423 : vector<16xf32>
      %get3A_4425 = arith.constant 1 : i32
      %get3A_4426 = arith.constant 51 : i32
      %get3A_4427 = arith.index_cast %get3A_4425 : i32 to index
      %get3A_4428 = arith.index_cast %get3A_4426 : i32 to index
      %get3A_4429 = arith.constant 16 : index
      %get3A_4430 = tpu.vector_load %arg6[%get3A_4427, %get3A_4428, %get3A_4429] {strides = array<i32>} : memref<2x80x64xf32, #tpu.memory_space<vmem>>, vector<1x1x16xf32>,
      %get3A_4431 = vector.shape_cast %get3A_4430 : vector<1x1x16xf32> to vector<16xf32>
      %add3A_4432 = arith.addf %add3A_4424, %get3A_4431 : vector<16xf32>
      %get3A_4433 = arith.constant 1 : i32
      %get3A_4434 = arith.constant 52 : i32
      %get3A_4435 = arith.index_cast %get3A_4433 : i32 to index
      %get3A_4436 = arith.index_cast %get3A_4434 : i32 to index
      %get3A_4437 = arith.constant 16 : index
      %get3A_4438 = tpu.vector_load %arg6[%get3A_4435, %get3A_4436, %get3A_4437] {strides = array<i32>} : memref<2x80x64xf32, #tpu.memory_space<vmem>>, vector<1x1x16xf32>,
      %get3A_4439 = vector.shape_cast %get3A_4438 : vector<1x1x16xf32> to vector<16xf32>
      %add3A_4440 = arith.addf %add3A_4432, %get3A_4439 : vector<16xf32>
      %get3A_4441 = arith.constant 1 : i32
      %get3A_4442 = arith.constant 53 : i32
      %get3A_4443 = arith.index_cast %get3A_4441 : i32 to index
      %get3A_4444 = arith.index_cast %get3A_4442 : i32 to index
      %get3A_4445 = arith.constant 16 : index
      %get3A_4446 = tpu.vector_load %arg6[%get3A_4443, %get3A_4444, %get3A_4445] {strides = array<i32>} : memref<2x80x64xf32, #tpu.memory_space<vmem>>, vector<1x1x16xf32>,
      %get3A_4447 = vector.shape_cast %get3A_4446 : vector<1x1x16xf32> to vector<16xf32>
      %add3A_4448 = arith.addf %add3A_4440, %get3A_4447 : vector<16xf32>
      %get3A_4449 = arith.constant 1 : i32
      %get3A_4450 = arith.constant 54 : i32
      %get3A_4451 = arith.index_cast %get3A_4449 : i32 to index
      %get3A_4452 = arith.index_cast %get3A_4450 : i32 to index
      %get3A_4453 = arith.constant 16 : index
      %get3A_4454 = tpu.vector_load %arg6[%get3A_4451, %get3A_4452, %get3A_4453] {strides = array<i32>} : memref<2x80x64xf32, #tpu.memory_space<vmem>>, vector<1x1x16xf32>,
      %get3A_4455 = vector.shape_cast %get3A_4454 : vector<1x1x16xf32> to vector<16xf32>
      %add3A_4456 = arith.addf %add3A_4448, %get3A_4455 : vector<16xf32>
      %get3A_4457 = arith.constant 1 : i32
      %get3A_4458 = arith.constant 55 : i32
      %get3A_4459 = arith.index_cast %get3A_4457 : i32 to index
      %get3A_4460 = arith.index_cast %get3A_4458 : i32 to index
      %get3A_4461 = arith.constant 16 : index
      %get3A_4462 = tpu.vector_load %arg6[%get3A_4459, %get3A_4460, %get3A_4461] {strides = array<i32>} : memref<2x80x64xf32, #tpu.memory_space<vmem>>, vector<1x1x16xf32>,
      %get3A_4463 = vector.shape_cast %get3A_4462 : vector<1x1x16xf32> to vector<16xf32>
      %add3A_4464 = arith.addf %add3A_4456, %get3A_4463 : vector<16xf32>
      %get3A_4465 = arith.constant 1 : i32
      %get3A_4466 = arith.constant 56 : i32
      %get3A_4467 = arith.index_cast %get3A_4465 : i32 to index
      %get3A_4468 = arith.index_cast %get3A_4466 : i32 to index
      %get3A_4469 = arith.constant 16 : index
      %get3A_4470 = tpu.vector_load %arg6[%get3A_4467, %get3A_4468, %get3A_4469] {strides = array<i32>} : memref<2x80x64xf32, #tpu.memory_space<vmem>>, vector<1x1x16xf32>,
      %get3A_4471 = vector.shape_cast %get3A_4470 : vector<1x1x16xf32> to vector<16xf32>
      %add3A_4472 = arith.addf %add3A_4464, %get3A_4471 : vector<16xf32>
      %get3A_4473 = arith.constant 1 : i32
      %get3A_4474 = arith.constant 57 : i32
      %get3A_4475 = arith.index_cast %get3A_4473 : i32 to index
      %get3A_4476 = arith.index_cast %get3A_4474 : i32 to index
      %get3A_4477 = arith.constant 16 : index
      %get3A_4478 = tpu.vector_load %arg6[%get3A_4475, %get3A_4476, %get3A_4477] {strides = array<i32>} : memref<2x80x64xf32, #tpu.memory_space<vmem>>, vector<1x1x16xf32>,
      %get3A_4479 = vector.shape_cast %get3A_4478 : vector<1x1x16xf32> to vector<16xf32>
      %add3A_4480 = arith.addf %add3A_4472, %get3A_4479 : vector<16xf32>
      %get3A_4481 = arith.constant 1 : i32
      %get3A_4482 = arith.constant 58 : i32
      %get3A_4483 = arith.index_cast %get3A_4481 : i32 to index
      %get3A_4484 = arith.index_cast %get3A_4482 : i32 to index
      %get3A_4485 = arith.constant 16 : index
      %get3A_4486 = tpu.vector_load %arg6[%get3A_4483, %get3A_4484, %get3A_4485] {strides = array<i32>} : memref<2x80x64xf32, #tpu.memory_space<vmem>>, vector<1x1x16xf32>,
      %get3A_4487 = vector.shape_cast %get3A_4486 : vector<1x1x16xf32> to vector<16xf32>
      %add3A_4488 = arith.addf %add3A_4480, %get3A_4487 : vector<16xf32>
      %get3A_4489 = arith.constant 1 : i32
      %get3A_4490 = arith.constant 59 : i32
      %get3A_4491 = arith.index_cast %get3A_4489 : i32 to index
      %get3A_4492 = arith.index_cast %get3A_4490 : i32 to index
      %get3A_4493 = arith.constant 16 : index
      %get3A_4494 = tpu.vector_load %arg6[%get3A_4491, %get3A_4492, %get3A_4493] {strides = array<i32>} : memref<2x80x64xf32, #tpu.memory_space<vmem>>, vector<1x1x16xf32>,
      %get3A_4495 = vector.shape_cast %get3A_4494 : vector<1x1x16xf32> to vector<16xf32>
      %add3A_4496 = arith.addf %add3A_4488, %get3A_4495 : vector<16xf32>
      %mul3A_4497 = arith.constant 5.000000e-02 : f32
      %mul3A_4498 = vector.broadcast %mul3A_4497 : f32 to vector<16xf32>
      %mul3A_4499 = arith.mulf %add3A_4496, %mul3A_4498 : vector<16xf32>
      %mul3A_4500 = arith.constant 4 : i32
      %mul3A_4501 = arith.muli %add3A_2787, %mul3A_4500 : i32
      %add3A_4502 = arith.constant 2 : i32
      %add3A_4503 = arith.addi %mul3A_4501, %add3A_4502 : i32
      %swap3A_4504 = arith.index_cast %add3A_4503 : i32 to index
      %swap3A_4505 = arith.constant 16 : index
      %swap3A_4506 = tpu.vector_load %arg7[%swap3A_4504, %swap3A_4505] {strides = array<i32>} : memref<128x64xf32, #tpu.memory_space<vmem>>, vector<1x16xf32>,
      %swap3A_4507 = vector.shape_cast %swap3A_4506 : vector<1x16xf32> to vector<16xf32>
      %swap3A_4508 = vector.shape_cast %mul3A_4499 : vector<16xf32> to vector<1x16xf32>
      tpu.vector_store %arg7[%swap3A_4504, %swap3A_4505], %swap3A_4508 {strides = array<i32>} : memref<128x64xf32, #tpu.memory_space<vmem>>, vector<1x16xf32>,
      %get3A_4509 = arith.constant 1 : i32
      %get3A_4510 = arith.constant 40 : i32
      %get3A_4511 = arith.index_cast %get3A_4509 : i32 to index
      %get3A_4512 = arith.index_cast %get3A_4510 : i32 to index
      %get3A_4513 = arith.constant 32 : index
      %get3A_4514 = tpu.vector_load %arg6[%get3A_4511, %get3A_4512, %get3A_4513] {strides = array<i32>} : memref<2x80x64xf32, #tpu.memory_space<vmem>>, vector<1x1x16xf32>,
      %get3A_4515 = vector.shape_cast %get3A_4514 : vector<1x1x16xf32> to vector<16xf32>
      %get3A_4516 = arith.constant 1 : i32
      %get3A_4517 = arith.constant 41 : i32
      %get3A_4518 = arith.index_cast %get3A_4516 : i32 to index
      %get3A_4519 = arith.index_cast %get3A_4517 : i32 to index
      %get3A_4520 = arith.constant 32 : index
      %get3A_4521 = tpu.vector_load %arg6[%get3A_4518, %get3A_4519, %get3A_4520] {strides = array<i32>} : memref<2x80x64xf32, #tpu.memory_space<vmem>>, vector<1x1x16xf32>,
      %get3A_4522 = vector.shape_cast %get3A_4521 : vector<1x1x16xf32> to vector<16xf32>
      %add3A_4523 = arith.addf %get3A_4515, %get3A_4522 : vector<16xf32>
      %get3A_4524 = arith.constant 1 : i32
      %get3A_4525 = arith.constant 42 : i32
      %get3A_4526 = arith.index_cast %get3A_4524 : i32 to index
      %get3A_4527 = arith.index_cast %get3A_4525 : i32 to index
      %get3A_4528 = arith.constant 32 : index
      %get3A_4529 = tpu.vector_load %arg6[%get3A_4526, %get3A_4527, %get3A_4528] {strides = array<i32>} : memref<2x80x64xf32, #tpu.memory_space<vmem>>, vector<1x1x16xf32>,
      %get3A_4530 = vector.shape_cast %get3A_4529 : vector<1x1x16xf32> to vector<16xf32>
      %add3A_4531 = arith.addf %add3A_4523, %get3A_4530 : vector<16xf32>
      %get3A_4532 = arith.constant 1 : i32
      %get3A_4533 = arith.constant 43 : i32
      %get3A_4534 = arith.index_cast %get3A_4532 : i32 to index
      %get3A_4535 = arith.index_cast %get3A_4533 : i32 to index
      %get3A_4536 = arith.constant 32 : index
      %get3A_4537 = tpu.vector_load %arg6[%get3A_4534, %get3A_4535, %get3A_4536] {strides = array<i32>} : memref<2x80x64xf32, #tpu.memory_space<vmem>>, vector<1x1x16xf32>,
      %get3A_4538 = vector.shape_cast %get3A_4537 : vector<1x1x16xf32> to vector<16xf32>
      %add3A_4539 = arith.addf %add3A_4531, %get3A_4538 : vector<16xf32>
      %get3A_4540 = arith.constant 1 : i32
      %get3A_4541 = arith.constant 44 : i32
      %get3A_4542 = arith.index_cast %get3A_4540 : i32 to index
      %get3A_4543 = arith.index_cast %get3A_4541 : i32 to index
      %get3A_4544 = arith.constant 32 : index
      %get3A_4545 = tpu.vector_load %arg6[%get3A_4542, %get3A_4543, %get3A_4544] {strides = array<i32>} : memref<2x80x64xf32, #tpu.memory_space<vmem>>, vector<1x1x16xf32>,
      %get3A_4546 = vector.shape_cast %get3A_4545 : vector<1x1x16xf32> to vector<16xf32>
      %add3A_4547 = arith.addf %add3A_4539, %get3A_4546 : vector<16xf32>
      %get3A_4548 = arith.constant 1 : i32
      %get3A_4549 = arith.constant 45 : i32
      %get3A_4550 = arith.index_cast %get3A_4548 : i32 to index
      %get3A_4551 = arith.index_cast %get3A_4549 : i32 to index
      %get3A_4552 = arith.constant 32 : index
      %get3A_4553 = tpu.vector_load %arg6[%get3A_4550, %get3A_4551, %get3A_4552] {strides = array<i32>} : memref<2x80x64xf32, #tpu.memory_space<vmem>>, vector<1x1x16xf32>,
      %get3A_4554 = vector.shape_cast %get3A_4553 : vector<1x1x16xf32> to vector<16xf32>
      %add3A_4555 = arith.addf %add3A_4547, %get3A_4554 : vector<16xf32>
      %get3A_4556 = arith.constant 1 : i32
      %get3A_4557 = arith.constant 46 : i32
      %get3A_4558 = arith.index_cast %get3A_4556 : i32 to index
      %get3A_4559 = arith.index_cast %get3A_4557 : i32 to index
      %get3A_4560 = arith.constant 32 : index
      %get3A_4561 = tpu.vector_load %arg6[%get3A_4558, %get3A_4559, %get3A_4560] {strides = array<i32>} : memref<2x80x64xf32, #tpu.memory_space<vmem>>, vector<1x1x16xf32>,
      %get3A_4562 = vector.shape_cast %get3A_4561 : vector<1x1x16xf32> to vector<16xf32>
      %add3A_4563 = arith.addf %add3A_4555, %get3A_4562 : vector<16xf32>
      %get3A_4564 = arith.constant 1 : i32
      %get3A_4565 = arith.constant 47 : i32
      %get3A_4566 = arith.index_cast %get3A_4564 : i32 to index
      %get3A_4567 = arith.index_cast %get3A_4565 : i32 to index
      %get3A_4568 = arith.constant 32 : index
      %get3A_4569 = tpu.vector_load %arg6[%get3A_4566, %get3A_4567, %get3A_4568] {strides = array<i32>} : memref<2x80x64xf32, #tpu.memory_space<vmem>>, vector<1x1x16xf32>,
      %get3A_4570 = vector.shape_cast %get3A_4569 : vector<1x1x16xf32> to vector<16xf32>
      %add3A_4571 = arith.addf %add3A_4563, %get3A_4570 : vector<16xf32>
      %get3A_4572 = arith.constant 1 : i32
      %get3A_4573 = arith.constant 48 : i32
      %get3A_4574 = arith.index_cast %get3A_4572 : i32 to index
      %get3A_4575 = arith.index_cast %get3A_4573 : i32 to index
      %get3A_4576 = arith.constant 32 : index
      %get3A_4577 = tpu.vector_load %arg6[%get3A_4574, %get3A_4575, %get3A_4576] {strides = array<i32>} : memref<2x80x64xf32, #tpu.memory_space<vmem>>, vector<1x1x16xf32>,
      %get3A_4578 = vector.shape_cast %get3A_4577 : vector<1x1x16xf32> to vector<16xf32>
      %add3A_4579 = arith.addf %add3A_4571, %get3A_4578 : vector<16xf32>
      %get3A_4580 = arith.constant 1 : i32
      %get3A_4581 = arith.constant 49 : i32
      %get3A_4582 = arith.index_cast %get3A_4580 : i32 to index
      %get3A_4583 = arith.index_cast %get3A_4581 : i32 to index
      %get3A_4584 = arith.constant 32 : index
      %get3A_4585 = tpu.vector_load %arg6[%get3A_4582, %get3A_4583, %get3A_4584] {strides = array<i32>} : memref<2x80x64xf32, #tpu.memory_space<vmem>>, vector<1x1x16xf32>,
      %get3A_4586 = vector.shape_cast %get3A_4585 : vector<1x1x16xf32> to vector<16xf32>
      %add3A_4587 = arith.addf %add3A_4579, %get3A_4586 : vector<16xf32>
      %get3A_4588 = arith.constant 1 : i32
      %get3A_4589 = arith.constant 50 : i32
      %get3A_4590 = arith.index_cast %get3A_4588 : i32 to index
      %get3A_4591 = arith.index_cast %get3A_4589 : i32 to index
      %get3A_4592 = arith.constant 32 : index
      %get3A_4593 = tpu.vector_load %arg6[%get3A_4590, %get3A_4591, %get3A_4592] {strides = array<i32>} : memref<2x80x64xf32, #tpu.memory_space<vmem>>, vector<1x1x16xf32>,
      %get3A_4594 = vector.shape_cast %get3A_4593 : vector<1x1x16xf32> to vector<16xf32>
      %add3A_4595 = arith.addf %add3A_4587, %get3A_4594 : vector<16xf32>
      %get3A_4596 = arith.constant 1 : i32
      %get3A_4597 = arith.constant 51 : i32
      %get3A_4598 = arith.index_cast %get3A_4596 : i32 to index
      %get3A_4599 = arith.index_cast %get3A_4597 : i32 to index
      %get3A_4600 = arith.constant 32 : index
      %get3A_4601 = tpu.vector_load %arg6[%get3A_4598, %get3A_4599, %get3A_4600] {strides = array<i32>} : memref<2x80x64xf32, #tpu.memory_space<vmem>>, vector<1x1x16xf32>,
      %get3A_4602 = vector.shape_cast %get3A_4601 : vector<1x1x16xf32> to vector<16xf32>
      %add3A_4603 = arith.addf %add3A_4595, %get3A_4602 : vector<16xf32>
      %get3A_4604 = arith.constant 1 : i32
      %get3A_4605 = arith.constant 52 : i32
      %get3A_4606 = arith.index_cast %get3A_4604 : i32 to index
      %get3A_4607 = arith.index_cast %get3A_4605 : i32 to index
      %get3A_4608 = arith.constant 32 : index
      %get3A_4609 = tpu.vector_load %arg6[%get3A_4606, %get3A_4607, %get3A_4608] {strides = array<i32>} : memref<2x80x64xf32, #tpu.memory_space<vmem>>, vector<1x1x16xf32>,
      %get3A_4610 = vector.shape_cast %get3A_4609 : vector<1x1x16xf32> to vector<16xf32>
      %add3A_4611 = arith.addf %add3A_4603, %get3A_4610 : vector<16xf32>
      %get3A_4612 = arith.constant 1 : i32
      %get3A_4613 = arith.constant 53 : i32
      %get3A_4614 = arith.index_cast %get3A_4612 : i32 to index
      %get3A_4615 = arith.index_cast %get3A_4613 : i32 to index
      %get3A_4616 = arith.constant 32 : index
      %get3A_4617 = tpu.vector_load %arg6[%get3A_4614, %get3A_4615, %get3A_4616] {strides = array<i32>} : memref<2x80x64xf32, #tpu.memory_space<vmem>>, vector<1x1x16xf32>,
      %get3A_4618 = vector.shape_cast %get3A_4617 : vector<1x1x16xf32> to vector<16xf32>
      %add3A_4619 = arith.addf %add3A_4611, %get3A_4618 : vector<16xf32>
      %get3A_4620 = arith.constant 1 : i32
      %get3A_4621 = arith.constant 54 : i32
      %get3A_4622 = arith.index_cast %get3A_4620 : i32 to index
      %get3A_4623 = arith.index_cast %get3A_4621 : i32 to index
      %get3A_4624 = arith.constant 32 : index
      %get3A_4625 = tpu.vector_load %arg6[%get3A_4622, %get3A_4623, %get3A_4624] {strides = array<i32>} : memref<2x80x64xf32, #tpu.memory_space<vmem>>, vector<1x1x16xf32>,
      %get3A_4626 = vector.shape_cast %get3A_4625 : vector<1x1x16xf32> to vector<16xf32>
      %add3A_4627 = arith.addf %add3A_4619, %get3A_4626 : vector<16xf32>
      %get3A_4628 = arith.constant 1 : i32
      %get3A_4629 = arith.constant 55 : i32
      %get3A_4630 = arith.index_cast %get3A_4628 : i32 to index
      %get3A_4631 = arith.index_cast %get3A_4629 : i32 to index
      %get3A_4632 = arith.constant 32 : index
      %get3A_4633 = tpu.vector_load %arg6[%get3A_4630, %get3A_4631, %get3A_4632] {strides = array<i32>} : memref<2x80x64xf32, #tpu.memory_space<vmem>>, vector<1x1x16xf32>,
      %get3A_4634 = vector.shape_cast %get3A_4633 : vector<1x1x16xf32> to vector<16xf32>
      %add3A_4635 = arith.addf %add3A_4627, %get3A_4634 : vector<16xf32>
      %get3A_4636 = arith.constant 1 : i32
      %get3A_4637 = arith.constant 56 : i32
      %get3A_4638 = arith.index_cast %get3A_4636 : i32 to index
      %get3A_4639 = arith.index_cast %get3A_4637 : i32 to index
      %get3A_4640 = arith.constant 32 : index
      %get3A_4641 = tpu.vector_load %arg6[%get3A_4638, %get3A_4639, %get3A_4640] {strides = array<i32>} : memref<2x80x64xf32, #tpu.memory_space<vmem>>, vector<1x1x16xf32>,
      %get3A_4642 = vector.shape_cast %get3A_4641 : vector<1x1x16xf32> to vector<16xf32>
      %add3A_4643 = arith.addf %add3A_4635, %get3A_4642 : vector<16xf32>
      %get3A_4644 = arith.constant 1 : i32
      %get3A_4645 = arith.constant 57 : i32
      %get3A_4646 = arith.index_cast %get3A_4644 : i32 to index
      %get3A_4647 = arith.index_cast %get3A_4645 : i32 to index
      %get3A_4648 = arith.constant 32 : index
      %get3A_4649 = tpu.vector_load %arg6[%get3A_4646, %get3A_4647, %get3A_4648] {strides = array<i32>} : memref<2x80x64xf32, #tpu.memory_space<vmem>>, vector<1x1x16xf32>,
      %get3A_4650 = vector.shape_cast %get3A_4649 : vector<1x1x16xf32> to vector<16xf32>
      %add3A_4651 = arith.addf %add3A_4643, %get3A_4650 : vector<16xf32>
      %get3A_4652 = arith.constant 1 : i32
      %get3A_4653 = arith.constant 58 : i32
      %get3A_4654 = arith.index_cast %get3A_4652 : i32 to index
      %get3A_4655 = arith.index_cast %get3A_4653 : i32 to index
      %get3A_4656 = arith.constant 32 : index
      %get3A_4657 = tpu.vector_load %arg6[%get3A_4654, %get3A_4655, %get3A_4656] {strides = array<i32>} : memref<2x80x64xf32, #tpu.memory_space<vmem>>, vector<1x1x16xf32>,
      %get3A_4658 = vector.shape_cast %get3A_4657 : vector<1x1x16xf32> to vector<16xf32>
      %add3A_4659 = arith.addf %add3A_4651, %get3A_4658 : vector<16xf32>
      %get3A_4660 = arith.constant 1 : i32
      %get3A_4661 = arith.constant 59 : i32
      %get3A_4662 = arith.index_cast %get3A_4660 : i32 to index
      %get3A_4663 = arith.index_cast %get3A_4661 : i32 to index
      %get3A_4664 = arith.constant 32 : index
      %get3A_4665 = tpu.vector_load %arg6[%get3A_4662, %get3A_4663, %get3A_4664] {strides = array<i32>} : memref<2x80x64xf32, #tpu.memory_space<vmem>>, vector<1x1x16xf32>,
      %get3A_4666 = vector.shape_cast %get3A_4665 : vector<1x1x16xf32> to vector<16xf32>
      %add3A_4667 = arith.addf %add3A_4659, %get3A_4666 : vector<16xf32>
      %mul3A_4668 = arith.constant 5.000000e-02 : f32
      %mul3A_4669 = vector.broadcast %mul3A_4668 : f32 to vector<16xf32>
      %mul3A_4670 = arith.mulf %add3A_4667, %mul3A_4669 : vector<16xf32>
      %mul3A_4671 = arith.constant 4 : i32
      %mul3A_4672 = arith.muli %add3A_2787, %mul3A_4671 : i32
      %add3A_4673 = arith.constant 2 : i32
      %add3A_4674 = arith.addi %mul3A_4672, %add3A_4673 : i32
      %swap3A_4675 = arith.index_cast %add3A_4674 : i32 to index
      %swap3A_4676 = arith.constant 32 : index
      %swap3A_4677 = tpu.vector_load %arg7[%swap3A_4675, %swap3A_4676] {strides = array<i32>} : memref<128x64xf32, #tpu.memory_space<vmem>>, vector<1x16xf32>,
      %swap3A_4678 = vector.shape_cast %swap3A_4677 : vector<1x16xf32> to vector<16xf32>
      %swap3A_4679 = vector.shape_cast %mul3A_4670 : vector<16xf32> to vector<1x16xf32>
      tpu.vector_store %arg7[%swap3A_4675, %swap3A_4676], %swap3A_4679 {strides = array<i32>} : memref<128x64xf32, #tpu.memory_space<vmem>>, vector<1x16xf32>,
      %get3A_4680 = arith.constant 1 : i32
      %get3A_4681 = arith.constant 40 : i32
      %get3A_4682 = arith.index_cast %get3A_4680 : i32 to index
      %get3A_4683 = arith.index_cast %get3A_4681 : i32 to index
      %get3A_4684 = arith.constant 48 : index
      %get3A_4685 = tpu.vector_load %arg6[%get3A_4682, %get3A_4683, %get3A_4684] {strides = array<i32>} : memref<2x80x64xf32, #tpu.memory_space<vmem>>, vector<1x1x16xf32>,
      %get3A_4686 = vector.shape_cast %get3A_4685 : vector<1x1x16xf32> to vector<16xf32>
      %get3A_4687 = arith.constant 1 : i32
      %get3A_4688 = arith.constant 41 : i32
      %get3A_4689 = arith.index_cast %get3A_4687 : i32 to index
      %get3A_4690 = arith.index_cast %get3A_4688 : i32 to index
      %get3A_4691 = arith.constant 48 : index
      %get3A_4692 = tpu.vector_load %arg6[%get3A_4689, %get3A_4690, %get3A_4691] {strides = array<i32>} : memref<2x80x64xf32, #tpu.memory_space<vmem>>, vector<1x1x16xf32>,
      %get3A_4693 = vector.shape_cast %get3A_4692 : vector<1x1x16xf32> to vector<16xf32>
      %add3A_4694 = arith.addf %get3A_4686, %get3A_4693 : vector<16xf32>
      %get3A_4695 = arith.constant 1 : i32
      %get3A_4696 = arith.constant 42 : i32
      %get3A_4697 = arith.index_cast %get3A_4695 : i32 to index
      %get3A_4698 = arith.index_cast %get3A_4696 : i32 to index
      %get3A_4699 = arith.constant 48 : index
      %get3A_4700 = tpu.vector_load %arg6[%get3A_4697, %get3A_4698, %get3A_4699] {strides = array<i32>} : memref<2x80x64xf32, #tpu.memory_space<vmem>>, vector<1x1x16xf32>,
      %get3A_4701 = vector.shape_cast %get3A_4700 : vector<1x1x16xf32> to vector<16xf32>
      %add3A_4702 = arith.addf %add3A_4694, %get3A_4701 : vector<16xf32>
      %get3A_4703 = arith.constant 1 : i32
      %get3A_4704 = arith.constant 43 : i32
      %get3A_4705 = arith.index_cast %get3A_4703 : i32 to index
      %get3A_4706 = arith.index_cast %get3A_4704 : i32 to index
      %get3A_4707 = arith.constant 48 : index
      %get3A_4708 = tpu.vector_load %arg6[%get3A_4705, %get3A_4706, %get3A_4707] {strides = array<i32>} : memref<2x80x64xf32, #tpu.memory_space<vmem>>, vector<1x1x16xf32>,
      %get3A_4709 = vector.shape_cast %get3A_4708 : vector<1x1x16xf32> to vector<16xf32>
      %add3A_4710 = arith.addf %add3A_4702, %get3A_4709 : vector<16xf32>
      %get3A_4711 = arith.constant 1 : i32
      %get3A_4712 = arith.constant 44 : i32
      %get3A_4713 = arith.index_cast %get3A_4711 : i32 to index
      %get3A_4714 = arith.index_cast %get3A_4712 : i32 to index
      %get3A_4715 = arith.constant 48 : index
      %get3A_4716 = tpu.vector_load %arg6[%get3A_4713, %get3A_4714, %get3A_4715] {strides = array<i32>} : memref<2x80x64xf32, #tpu.memory_space<vmem>>, vector<1x1x16xf32>,
      %get3A_4717 = vector.shape_cast %get3A_4716 : vector<1x1x16xf32> to vector<16xf32>
      %add3A_4718 = arith.addf %add3A_4710, %get3A_4717 : vector<16xf32>
      %get3A_4719 = arith.constant 1 : i32
      %get3A_4720 = arith.constant 45 : i32
      %get3A_4721 = arith.index_cast %get3A_4719 : i32 to index
      %get3A_4722 = arith.index_cast %get3A_4720 : i32 to index
      %get3A_4723 = arith.constant 48 : index
      %get3A_4724 = tpu.vector_load %arg6[%get3A_4721, %get3A_4722, %get3A_4723] {strides = array<i32>} : memref<2x80x64xf32, #tpu.memory_space<vmem>>, vector<1x1x16xf32>,
      %get3A_4725 = vector.shape_cast %get3A_4724 : vector<1x1x16xf32> to vector<16xf32>
      %add3A_4726 = arith.addf %add3A_4718, %get3A_4725 : vector<16xf32>
      %get3A_4727 = arith.constant 1 : i32
      %get3A_4728 = arith.constant 46 : i32
      %get3A_4729 = arith.index_cast %get3A_4727 : i32 to index
      %get3A_4730 = arith.index_cast %get3A_4728 : i32 to index
      %get3A_4731 = arith.constant 48 : index
      %get3A_4732 = tpu.vector_load %arg6[%get3A_4729, %get3A_4730, %get3A_4731] {strides = array<i32>} : memref<2x80x64xf32, #tpu.memory_space<vmem>>, vector<1x1x16xf32>,
      %get3A_4733 = vector.shape_cast %get3A_4732 : vector<1x1x16xf32> to vector<16xf32>
      %add3A_4734 = arith.addf %add3A_4726, %get3A_4733 : vector<16xf32>
      %get3A_4735 = arith.constant 1 : i32
      %get3A_4736 = arith.constant 47 : i32
      %get3A_4737 = arith.index_cast %get3A_4735 : i32 to index
      %get3A_4738 = arith.index_cast %get3A_4736 : i32 to index
      %get3A_4739 = arith.constant 48 : index
      %get3A_4740 = tpu.vector_load %arg6[%get3A_4737, %get3A_4738, %get3A_4739] {strides = array<i32>} : memref<2x80x64xf32, #tpu.memory_space<vmem>>, vector<1x1x16xf32>,
      %get3A_4741 = vector.shape_cast %get3A_4740 : vector<1x1x16xf32> to vector<16xf32>
      %add3A_4742 = arith.addf %add3A_4734, %get3A_4741 : vector<16xf32>
      %get3A_4743 = arith.constant 1 : i32
      %get3A_4744 = arith.constant 48 : i32
      %get3A_4745 = arith.index_cast %get3A_4743 : i32 to index
      %get3A_4746 = arith.index_cast %get3A_4744 : i32 to index
      %get3A_4747 = arith.constant 48 : index
      %get3A_4748 = tpu.vector_load %arg6[%get3A_4745, %get3A_4746, %get3A_4747] {strides = array<i32>} : memref<2x80x64xf32, #tpu.memory_space<vmem>>, vector<1x1x16xf32>,
      %get3A_4749 = vector.shape_cast %get3A_4748 : vector<1x1x16xf32> to vector<16xf32>
      %add3A_4750 = arith.addf %add3A_4742, %get3A_4749 : vector<16xf32>
      %get3A_4751 = arith.constant 1 : i32
      %get3A_4752 = arith.constant 49 : i32
      %get3A_4753 = arith.index_cast %get3A_4751 : i32 to index
      %get3A_4754 = arith.index_cast %get3A_4752 : i32 to index
      %get3A_4755 = arith.constant 48 : index
      %get3A_4756 = tpu.vector_load %arg6[%get3A_4753, %get3A_4754, %get3A_4755] {strides = array<i32>} : memref<2x80x64xf32, #tpu.memory_space<vmem>>, vector<1x1x16xf32>,
      %get3A_4757 = vector.shape_cast %get3A_4756 : vector<1x1x16xf32> to vector<16xf32>
      %add3A_4758 = arith.addf %add3A_4750, %get3A_4757 : vector<16xf32>
      %get3A_4759 = arith.constant 1 : i32
      %get3A_4760 = arith.constant 50 : i32
      %get3A_4761 = arith.index_cast %get3A_4759 : i32 to index
      %get3A_4762 = arith.index_cast %get3A_4760 : i32 to index
      %get3A_4763 = arith.constant 48 : index
      %get3A_4764 = tpu.vector_load %arg6[%get3A_4761, %get3A_4762, %get3A_4763] {strides = array<i32>} : memref<2x80x64xf32, #tpu.memory_space<vmem>>, vector<1x1x16xf32>,
      %get3A_4765 = vector.shape_cast %get3A_4764 : vector<1x1x16xf32> to vector<16xf32>
      %add3A_4766 = arith.addf %add3A_4758, %get3A_4765 : vector<16xf32>
      %get3A_4767 = arith.constant 1 : i32
      %get3A_4768 = arith.constant 51 : i32
      %get3A_4769 = arith.index_cast %get3A_4767 : i32 to index
      %get3A_4770 = arith.index_cast %get3A_4768 : i32 to index
      %get3A_4771 = arith.constant 48 : index
      %get3A_4772 = tpu.vector_load %arg6[%get3A_4769, %get3A_4770, %get3A_4771] {strides = array<i32>} : memref<2x80x64xf32, #tpu.memory_space<vmem>>, vector<1x1x16xf32>,
      %get3A_4773 = vector.shape_cast %get3A_4772 : vector<1x1x16xf32> to vector<16xf32>
      %add3A_4774 = arith.addf %add3A_4766, %get3A_4773 : vector<16xf32>
      %get3A_4775 = arith.constant 1 : i32
      %get3A_4776 = arith.constant 52 : i32
      %get3A_4777 = arith.index_cast %get3A_4775 : i32 to index
      %get3A_4778 = arith.index_cast %get3A_4776 : i32 to index
      %get3A_4779 = arith.constant 48 : index
      %get3A_4780 = tpu.vector_load %arg6[%get3A_4777, %get3A_4778, %get3A_4779] {strides = array<i32>} : memref<2x80x64xf32, #tpu.memory_space<vmem>>, vector<1x1x16xf32>,
      %get3A_4781 = vector.shape_cast %get3A_4780 : vector<1x1x16xf32> to vector<16xf32>
      %add3A_4782 = arith.addf %add3A_4774, %get3A_4781 : vector<16xf32>
      %get3A_4783 = arith.constant 1 : i32
      %get3A_4784 = arith.constant 53 : i32
      %get3A_4785 = arith.index_cast %get3A_4783 : i32 to index
      %get3A_4786 = arith.index_cast %get3A_4784 : i32 to index
      %get3A_4787 = arith.constant 48 : index
      %get3A_4788 = tpu.vector_load %arg6[%get3A_4785, %get3A_4786, %get3A_4787] {strides = array<i32>} : memref<2x80x64xf32, #tpu.memory_space<vmem>>, vector<1x1x16xf32>,
      %get3A_4789 = vector.shape_cast %get3A_4788 : vector<1x1x16xf32> to vector<16xf32>
      %add3A_4790 = arith.addf %add3A_4782, %get3A_4789 : vector<16xf32>
      %get3A_4791 = arith.constant 1 : i32
      %get3A_4792 = arith.constant 54 : i32
      %get3A_4793 = arith.index_cast %get3A_4791 : i32 to index
      %get3A_4794 = arith.index_cast %get3A_4792 : i32 to index
      %get3A_4795 = arith.constant 48 : index
      %get3A_4796 = tpu.vector_load %arg6[%get3A_4793, %get3A_4794, %get3A_4795] {strides = array<i32>} : memref<2x80x64xf32, #tpu.memory_space<vmem>>, vector<1x1x16xf32>,
      %get3A_4797 = vector.shape_cast %get3A_4796 : vector<1x1x16xf32> to vector<16xf32>
      %add3A_4798 = arith.addf %add3A_4790, %get3A_4797 : vector<16xf32>
      %get3A_4799 = arith.constant 1 : i32
      %get3A_4800 = arith.constant 55 : i32
      %get3A_4801 = arith.index_cast %get3A_4799 : i32 to index
      %get3A_4802 = arith.index_cast %get3A_4800 : i32 to index
      %get3A_4803 = arith.constant 48 : index
      %get3A_4804 = tpu.vector_load %arg6[%get3A_4801, %get3A_4802, %get3A_4803] {strides = array<i32>} : memref<2x80x64xf32, #tpu.memory_space<vmem>>, vector<1x1x16xf32>,
      %get3A_4805 = vector.shape_cast %get3A_4804 : vector<1x1x16xf32> to vector<16xf32>
      %add3A_4806 = arith.addf %add3A_4798, %get3A_4805 : vector<16xf32>
      %get3A_4807 = arith.constant 1 : i32
      %get3A_4808 = arith.constant 56 : i32
      %get3A_4809 = arith.index_cast %get3A_4807 : i32 to index
      %get3A_4810 = arith.index_cast %get3A_4808 : i32 to index
      %get3A_4811 = arith.constant 48 : index
      %get3A_4812 = tpu.vector_load %arg6[%get3A_4809, %get3A_4810, %get3A_4811] {strides = array<i32>} : memref<2x80x64xf32, #tpu.memory_space<vmem>>, vector<1x1x16xf32>,
      %get3A_4813 = vector.shape_cast %get3A_4812 : vector<1x1x16xf32> to vector<16xf32>
      %add3A_4814 = arith.addf %add3A_4806, %get3A_4813 : vector<16xf32>
      %get3A_4815 = arith.constant 1 : i32
      %get3A_4816 = arith.constant 57 : i32
      %get3A_4817 = arith.index_cast %get3A_4815 : i32 to index
      %get3A_4818 = arith.index_cast %get3A_4816 : i32 to index
      %get3A_4819 = arith.constant 48 : index
      %get3A_4820 = tpu.vector_load %arg6[%get3A_4817, %get3A_4818, %get3A_4819] {strides = array<i32>} : memref<2x80x64xf32, #tpu.memory_space<vmem>>, vector<1x1x16xf32>,
      %get3A_4821 = vector.shape_cast %get3A_4820 : vector<1x1x16xf32> to vector<16xf32>
      %add3A_4822 = arith.addf %add3A_4814, %get3A_4821 : vector<16xf32>
      %get3A_4823 = arith.constant 1 : i32
      %get3A_4824 = arith.constant 58 : i32
      %get3A_4825 = arith.index_cast %get3A_4823 : i32 to index
      %get3A_4826 = arith.index_cast %get3A_4824 : i32 to index
      %get3A_4827 = arith.constant 48 : index
      %get3A_4828 = tpu.vector_load %arg6[%get3A_4825, %get3A_4826, %get3A_4827] {strides = array<i32>} : memref<2x80x64xf32, #tpu.memory_space<vmem>>, vector<1x1x16xf32>,
      %get3A_4829 = vector.shape_cast %get3A_4828 : vector<1x1x16xf32> to vector<16xf32>
      %add3A_4830 = arith.addf %add3A_4822, %get3A_4829 : vector<16xf32>
      %get3A_4831 = arith.constant 1 : i32
      %get3A_4832 = arith.constant 59 : i32
      %get3A_4833 = arith.index_cast %get3A_4831 : i32 to index
      %get3A_4834 = arith.index_cast %get3A_4832 : i32 to index
      %get3A_4835 = arith.constant 48 : index
      %get3A_4836 = tpu.vector_load %arg6[%get3A_4833, %get3A_4834, %get3A_4835] {strides = array<i32>} : memref<2x80x64xf32, #tpu.memory_space<vmem>>, vector<1x1x16xf32>,
      %get3A_4837 = vector.shape_cast %get3A_4836 : vector<1x1x16xf32> to vector<16xf32>
      %add3A_4838 = arith.addf %add3A_4830, %get3A_4837 : vector<16xf32>
      %mul3A_4839 = arith.constant 5.000000e-02 : f32
      %mul3A_4840 = vector.broadcast %mul3A_4839 : f32 to vector<16xf32>
      %mul3A_4841 = arith.mulf %add3A_4838, %mul3A_4840 : vector<16xf32>
      %mul3A_4842 = arith.constant 4 : i32
      %mul3A_4843 = arith.muli %add3A_2787, %mul3A_4842 : i32
      %add3A_4844 = arith.constant 2 : i32
      %add3A_4845 = arith.addi %mul3A_4843, %add3A_4844 : i32
      %swap3A_4846 = arith.index_cast %add3A_4845 : i32 to index
      %swap3A_4847 = arith.constant 48 : index
      %swap3A_4848 = tpu.vector_load %arg7[%swap3A_4846, %swap3A_4847] {strides = array<i32>} : memref<128x64xf32, #tpu.memory_space<vmem>>, vector<1x16xf32>,
      %swap3A_4849 = vector.shape_cast %swap3A_4848 : vector<1x16xf32> to vector<16xf32>
      %swap3A_4850 = vector.shape_cast %mul3A_4841 : vector<16xf32> to vector<1x16xf32>
      tpu.vector_store %arg7[%swap3A_4846, %swap3A_4847], %swap3A_4850 {strides = array<i32>} : memref<128x64xf32, #tpu.memory_space<vmem>>, vector<1x16xf32>,
      %get3A_4851 = arith.constant 1 : i32
      %get3A_4852 = arith.constant 60 : i32
      %get3A_4853 = arith.index_cast %get3A_4851 : i32 to index
      %get3A_4854 = arith.index_cast %get3A_4852 : i32 to index
      %get3A_4855 = arith.constant 0 : index
      %get3A_4856 = tpu.vector_load %arg6[%get3A_4853, %get3A_4854, %get3A_4855] {strides = array<i32>} : memref<2x80x64xf32, #tpu.memory_space<vmem>>, vector<1x1x16xf32>,
      %get3A_4857 = vector.shape_cast %get3A_4856 : vector<1x1x16xf32> to vector<16xf32>
      %get3A_4858 = arith.constant 1 : i32
      %get3A_4859 = arith.constant 61 : i32
      %get3A_4860 = arith.index_cast %get3A_4858 : i32 to index
      %get3A_4861 = arith.index_cast %get3A_4859 : i32 to index
      %get3A_4862 = arith.constant 0 : index
      %get3A_4863 = tpu.vector_load %arg6[%get3A_4860, %get3A_4861, %get3A_4862] {strides = array<i32>} : memref<2x80x64xf32, #tpu.memory_space<vmem>>, vector<1x1x16xf32>,
      %get3A_4864 = vector.shape_cast %get3A_4863 : vector<1x1x16xf32> to vector<16xf32>
      %add3A_4865 = arith.addf %get3A_4857, %get3A_4864 : vector<16xf32>
      %get3A_4866 = arith.constant 1 : i32
      %get3A_4867 = arith.constant 62 : i32
      %get3A_4868 = arith.index_cast %get3A_4866 : i32 to index
      %get3A_4869 = arith.index_cast %get3A_4867 : i32 to index
      %get3A_4870 = arith.constant 0 : index
      %get3A_4871 = tpu.vector_load %arg6[%get3A_4868, %get3A_4869, %get3A_4870] {strides = array<i32>} : memref<2x80x64xf32, #tpu.memory_space<vmem>>, vector<1x1x16xf32>,
      %get3A_4872 = vector.shape_cast %get3A_4871 : vector<1x1x16xf32> to vector<16xf32>
      %add3A_4873 = arith.addf %add3A_4865, %get3A_4872 : vector<16xf32>
      %get3A_4874 = arith.constant 1 : i32
      %get3A_4875 = arith.constant 63 : i32
      %get3A_4876 = arith.index_cast %get3A_4874 : i32 to index
      %get3A_4877 = arith.index_cast %get3A_4875 : i32 to index
      %get3A_4878 = arith.constant 0 : index
      %get3A_4879 = tpu.vector_load %arg6[%get3A_4876, %get3A_4877, %get3A_4878] {strides = array<i32>} : memref<2x80x64xf32, #tpu.memory_space<vmem>>, vector<1x1x16xf32>,
      %get3A_4880 = vector.shape_cast %get3A_4879 : vector<1x1x16xf32> to vector<16xf32>
      %add3A_4881 = arith.addf %add3A_4873, %get3A_4880 : vector<16xf32>
      %get3A_4882 = arith.constant 1 : i32
      %get3A_4883 = arith.constant 64 : i32
      %get3A_4884 = arith.index_cast %get3A_4882 : i32 to index
      %get3A_4885 = arith.index_cast %get3A_4883 : i32 to index
      %get3A_4886 = arith.constant 0 : index
      %get3A_4887 = tpu.vector_load %arg6[%get3A_4884, %get3A_4885, %get3A_4886] {strides = array<i32>} : memref<2x80x64xf32, #tpu.memory_space<vmem>>, vector<1x1x16xf32>,
      %get3A_4888 = vector.shape_cast %get3A_4887 : vector<1x1x16xf32> to vector<16xf32>
      %add3A_4889 = arith.addf %add3A_4881, %get3A_4888 : vector<16xf32>
      %get3A_4890 = arith.constant 1 : i32
      %get3A_4891 = arith.constant 65 : i32
      %get3A_4892 = arith.index_cast %get3A_4890 : i32 to index
      %get3A_4893 = arith.index_cast %get3A_4891 : i32 to index
      %get3A_4894 = arith.constant 0 : index
      %get3A_4895 = tpu.vector_load %arg6[%get3A_4892, %get3A_4893, %get3A_4894] {strides = array<i32>} : memref<2x80x64xf32, #tpu.memory_space<vmem>>, vector<1x1x16xf32>,
      %get3A_4896 = vector.shape_cast %get3A_4895 : vector<1x1x16xf32> to vector<16xf32>
      %add3A_4897 = arith.addf %add3A_4889, %get3A_4896 : vector<16xf32>
      %get3A_4898 = arith.constant 1 : i32
      %get3A_4899 = arith.constant 66 : i32
      %get3A_4900 = arith.index_cast %get3A_4898 : i32 to index
      %get3A_4901 = arith.index_cast %get3A_4899 : i32 to index
      %get3A_4902 = arith.constant 0 : index
      %get3A_4903 = tpu.vector_load %arg6[%get3A_4900, %get3A_4901, %get3A_4902] {strides = array<i32>} : memref<2x80x64xf32, #tpu.memory_space<vmem>>, vector<1x1x16xf32>,
      %get3A_4904 = vector.shape_cast %get3A_4903 : vector<1x1x16xf32> to vector<16xf32>
      %add3A_4905 = arith.addf %add3A_4897, %get3A_4904 : vector<16xf32>
      %get3A_4906 = arith.constant 1 : i32
      %get3A_4907 = arith.constant 67 : i32
      %get3A_4908 = arith.index_cast %get3A_4906 : i32 to index
      %get3A_4909 = arith.index_cast %get3A_4907 : i32 to index
      %get3A_4910 = arith.constant 0 : index
      %get3A_4911 = tpu.vector_load %arg6[%get3A_4908, %get3A_4909, %get3A_4910] {strides = array<i32>} : memref<2x80x64xf32, #tpu.memory_space<vmem>>, vector<1x1x16xf32>,
      %get3A_4912 = vector.shape_cast %get3A_4911 : vector<1x1x16xf32> to vector<16xf32>
      %add3A_4913 = arith.addf %add3A_4905, %get3A_4912 : vector<16xf32>
      %get3A_4914 = arith.constant 1 : i32
      %get3A_4915 = arith.constant 68 : i32
      %get3A_4916 = arith.index_cast %get3A_4914 : i32 to index
      %get3A_4917 = arith.index_cast %get3A_4915 : i32 to index
      %get3A_4918 = arith.constant 0 : index
      %get3A_4919 = tpu.vector_load %arg6[%get3A_4916, %get3A_4917, %get3A_4918] {strides = array<i32>} : memref<2x80x64xf32, #tpu.memory_space<vmem>>, vector<1x1x16xf32>,
      %get3A_4920 = vector.shape_cast %get3A_4919 : vector<1x1x16xf32> to vector<16xf32>
      %add3A_4921 = arith.addf %add3A_4913, %get3A_4920 : vector<16xf32>
      %get3A_4922 = arith.constant 1 : i32
      %get3A_4923 = arith.constant 69 : i32
      %get3A_4924 = arith.index_cast %get3A_4922 : i32 to index
      %get3A_4925 = arith.index_cast %get3A_4923 : i32 to index
      %get3A_4926 = arith.constant 0 : index
      %get3A_4927 = tpu.vector_load %arg6[%get3A_4924, %get3A_4925, %get3A_4926] {strides = array<i32>} : memref<2x80x64xf32, #tpu.memory_space<vmem>>, vector<1x1x16xf32>,
      %get3A_4928 = vector.shape_cast %get3A_4927 : vector<1x1x16xf32> to vector<16xf32>
      %add3A_4929 = arith.addf %add3A_4921, %get3A_4928 : vector<16xf32>
      %get3A_4930 = arith.constant 1 : i32
      %get3A_4931 = arith.constant 70 : i32
      %get3A_4932 = arith.index_cast %get3A_4930 : i32 to index
      %get3A_4933 = arith.index_cast %get3A_4931 : i32 to index
      %get3A_4934 = arith.constant 0 : index
      %get3A_4935 = tpu.vector_load %arg6[%get3A_4932, %get3A_4933, %get3A_4934] {strides = array<i32>} : memref<2x80x64xf32, #tpu.memory_space<vmem>>, vector<1x1x16xf32>,
      %get3A_4936 = vector.shape_cast %get3A_4935 : vector<1x1x16xf32> to vector<16xf32>
      %add3A_4937 = arith.addf %add3A_4929, %get3A_4936 : vector<16xf32>
      %get3A_4938 = arith.constant 1 : i32
      %get3A_4939 = arith.constant 71 : i32
      %get3A_4940 = arith.index_cast %get3A_4938 : i32 to index
      %get3A_4941 = arith.index_cast %get3A_4939 : i32 to index
      %get3A_4942 = arith.constant 0 : index
      %get3A_4943 = tpu.vector_load %arg6[%get3A_4940, %get3A_4941, %get3A_4942] {strides = array<i32>} : memref<2x80x64xf32, #tpu.memory_space<vmem>>, vector<1x1x16xf32>,
      %get3A_4944 = vector.shape_cast %get3A_4943 : vector<1x1x16xf32> to vector<16xf32>
      %add3A_4945 = arith.addf %add3A_4937, %get3A_4944 : vector<16xf32>
      %get3A_4946 = arith.constant 1 : i32
      %get3A_4947 = arith.constant 72 : i32
      %get3A_4948 = arith.index_cast %get3A_4946 : i32 to index
      %get3A_4949 = arith.index_cast %get3A_4947 : i32 to index
      %get3A_4950 = arith.constant 0 : index
      %get3A_4951 = tpu.vector_load %arg6[%get3A_4948, %get3A_4949, %get3A_4950] {strides = array<i32>} : memref<2x80x64xf32, #tpu.memory_space<vmem>>, vector<1x1x16xf32>,
      %get3A_4952 = vector.shape_cast %get3A_4951 : vector<1x1x16xf32> to vector<16xf32>
      %add3A_4953 = arith.addf %add3A_4945, %get3A_4952 : vector<16xf32>
      %get3A_4954 = arith.constant 1 : i32
      %get3A_4955 = arith.constant 73 : i32
      %get3A_4956 = arith.index_cast %get3A_4954 : i32 to index
      %get3A_4957 = arith.index_cast %get3A_4955 : i32 to index
      %get3A_4958 = arith.constant 0 : index
      %get3A_4959 = tpu.vector_load %arg6[%get3A_4956, %get3A_4957, %get3A_4958] {strides = array<i32>} : memref<2x80x64xf32, #tpu.memory_space<vmem>>, vector<1x1x16xf32>,
      %get3A_4960 = vector.shape_cast %get3A_4959 : vector<1x1x16xf32> to vector<16xf32>
      %add3A_4961 = arith.addf %add3A_4953, %get3A_4960 : vector<16xf32>
      %get3A_4962 = arith.constant 1 : i32
      %get3A_4963 = arith.constant 74 : i32
      %get3A_4964 = arith.index_cast %get3A_4962 : i32 to index
      %get3A_4965 = arith.index_cast %get3A_4963 : i32 to index
      %get3A_4966 = arith.constant 0 : index
      %get3A_4967 = tpu.vector_load %arg6[%get3A_4964, %get3A_4965, %get3A_4966] {strides = array<i32>} : memref<2x80x64xf32, #tpu.memory_space<vmem>>, vector<1x1x16xf32>,
      %get3A_4968 = vector.shape_cast %get3A_4967 : vector<1x1x16xf32> to vector<16xf32>
      %add3A_4969 = arith.addf %add3A_4961, %get3A_4968 : vector<16xf32>
      %get3A_4970 = arith.constant 1 : i32
      %get3A_4971 = arith.constant 75 : i32
      %get3A_4972 = arith.index_cast %get3A_4970 : i32 to index
      %get3A_4973 = arith.index_cast %get3A_4971 : i32 to index
      %get3A_4974 = arith.constant 0 : index
      %get3A_4975 = tpu.vector_load %arg6[%get3A_4972, %get3A_4973, %get3A_4974] {strides = array<i32>} : memref<2x80x64xf32, #tpu.memory_space<vmem>>, vector<1x1x16xf32>,
      %get3A_4976 = vector.shape_cast %get3A_4975 : vector<1x1x16xf32> to vector<16xf32>
      %add3A_4977 = arith.addf %add3A_4969, %get3A_4976 : vector<16xf32>
      %get3A_4978 = arith.constant 1 : i32
      %get3A_4979 = arith.constant 76 : i32
      %get3A_4980 = arith.index_cast %get3A_4978 : i32 to index
      %get3A_4981 = arith.index_cast %get3A_4979 : i32 to index
      %get3A_4982 = arith.constant 0 : index
      %get3A_4983 = tpu.vector_load %arg6[%get3A_4980, %get3A_4981, %get3A_4982] {strides = array<i32>} : memref<2x80x64xf32, #tpu.memory_space<vmem>>, vector<1x1x16xf32>,
      %get3A_4984 = vector.shape_cast %get3A_4983 : vector<1x1x16xf32> to vector<16xf32>
      %add3A_4985 = arith.addf %add3A_4977, %get3A_4984 : vector<16xf32>
      %get3A_4986 = arith.constant 1 : i32
      %get3A_4987 = arith.constant 77 : i32
      %get3A_4988 = arith.index_cast %get3A_4986 : i32 to index
      %get3A_4989 = arith.index_cast %get3A_4987 : i32 to index
      %get3A_4990 = arith.constant 0 : index
      %get3A_4991 = tpu.vector_load %arg6[%get3A_4988, %get3A_4989, %get3A_4990] {strides = array<i32>} : memref<2x80x64xf32, #tpu.memory_space<vmem>>, vector<1x1x16xf32>,
      %get3A_4992 = vector.shape_cast %get3A_4991 : vector<1x1x16xf32> to vector<16xf32>
      %add3A_4993 = arith.addf %add3A_4985, %get3A_4992 : vector<16xf32>
      %get3A_4994 = arith.constant 1 : i32
      %get3A_4995 = arith.constant 78 : i32
      %get3A_4996 = arith.index_cast %get3A_4994 : i32 to index
      %get3A_4997 = arith.index_cast %get3A_4995 : i32 to index
      %get3A_4998 = arith.constant 0 : index
      %get3A_4999 = tpu.vector_load %arg6[%get3A_4996, %get3A_4997, %get3A_4998] {strides = array<i32>} : memref<2x80x64xf32, #tpu.memory_space<vmem>>, vector<1x1x16xf32>,
      %get3A_5000 = vector.shape_cast %get3A_4999 : vector<1x1x16xf32> to vector<16xf32>
      %add3A_5001 = arith.addf %add3A_4993, %get3A_5000 : vector<16xf32>
      %get3A_5002 = arith.constant 1 : i32
      %get3A_5003 = arith.constant 79 : i32
      %get3A_5004 = arith.index_cast %get3A_5002 : i32 to index
      %get3A_5005 = arith.index_cast %get3A_5003 : i32 to index
      %get3A_5006 = arith.constant 0 : index
      %get3A_5007 = tpu.vector_load %arg6[%get3A_5004, %get3A_5005, %get3A_5006] {strides = array<i32>} : memref<2x80x64xf32, #tpu.memory_space<vmem>>, vector<1x1x16xf32>,
      %get3A_5008 = vector.shape_cast %get3A_5007 : vector<1x1x16xf32> to vector<16xf32>
      %add3A_5009 = arith.addf %add3A_5001, %get3A_5008 : vector<16xf32>
      %mul3A_5010 = arith.constant 5.000000e-02 : f32
      %mul3A_5011 = vector.broadcast %mul3A_5010 : f32 to vector<16xf32>
      %mul3A_5012 = arith.mulf %add3A_5009, %mul3A_5011 : vector<16xf32>
      %mul3A_5013 = arith.constant 4 : i32
      %mul3A_5014 = arith.muli %add3A_2787, %mul3A_5013 : i32
      %add3A_5015 = arith.constant 3 : i32
      %add3A_5016 = arith.addi %mul3A_5014, %add3A_5015 : i32
      %swap3A_5017 = arith.index_cast %add3A_5016 : i32 to index
      %swap3A_5018 = arith.constant 0 : index
      %swap3A_5019 = tpu.vector_load %arg7[%swap3A_5017, %swap3A_5018] {strides = array<i32>} : memref<128x64xf32, #tpu.memory_space<vmem>>, vector<1x16xf32>,
      %swap3A_5020 = vector.shape_cast %swap3A_5019 : vector<1x16xf32> to vector<16xf32>
      %swap3A_5021 = vector.shape_cast %mul3A_5012 : vector<16xf32> to vector<1x16xf32>
      tpu.vector_store %arg7[%swap3A_5017, %swap3A_5018], %swap3A_5021 {strides = array<i32>} : memref<128x64xf32, #tpu.memory_space<vmem>>, vector<1x16xf32>,
      %get3A_5022 = arith.constant 1 : i32
      %get3A_5023 = arith.constant 60 : i32
      %get3A_5024 = arith.index_cast %get3A_5022 : i32 to index
      %get3A_5025 = arith.index_cast %get3A_5023 : i32 to index
      %get3A_5026 = arith.constant 16 : index
      %get3A_5027 = tpu.vector_load %arg6[%get3A_5024, %get3A_5025, %get3A_5026] {strides = array<i32>} : memref<2x80x64xf32, #tpu.memory_space<vmem>>, vector<1x1x16xf32>,
      %get3A_5028 = vector.shape_cast %get3A_5027 : vector<1x1x16xf32> to vector<16xf32>
      %get3A_5029 = arith.constant 1 : i32
      %get3A_5030 = arith.constant 61 : i32
      %get3A_5031 = arith.index_cast %get3A_5029 : i32 to index
      %get3A_5032 = arith.index_cast %get3A_5030 : i32 to index
      %get3A_5033 = arith.constant 16 : index
      %get3A_5034 = tpu.vector_load %arg6[%get3A_5031, %get3A_5032, %get3A_5033] {strides = array<i32>} : memref<2x80x64xf32, #tpu.memory_space<vmem>>, vector<1x1x16xf32>,
      %get3A_5035 = vector.shape_cast %get3A_5034 : vector<1x1x16xf32> to vector<16xf32>
      %add3A_5036 = arith.addf %get3A_5028, %get3A_5035 : vector<16xf32>
      %get3A_5037 = arith.constant 1 : i32
      %get3A_5038 = arith.constant 62 : i32
      %get3A_5039 = arith.index_cast %get3A_5037 : i32 to index
      %get3A_5040 = arith.index_cast %get3A_5038 : i32 to index
      %get3A_5041 = arith.constant 16 : index
      %get3A_5042 = tpu.vector_load %arg6[%get3A_5039, %get3A_5040, %get3A_5041] {strides = array<i32>} : memref<2x80x64xf32, #tpu.memory_space<vmem>>, vector<1x1x16xf32>,
      %get3A_5043 = vector.shape_cast %get3A_5042 : vector<1x1x16xf32> to vector<16xf32>
      %add3A_5044 = arith.addf %add3A_5036, %get3A_5043 : vector<16xf32>
      %get3A_5045 = arith.constant 1 : i32
      %get3A_5046 = arith.constant 63 : i32
      %get3A_5047 = arith.index_cast %get3A_5045 : i32 to index
      %get3A_5048 = arith.index_cast %get3A_5046 : i32 to index
      %get3A_5049 = arith.constant 16 : index
      %get3A_5050 = tpu.vector_load %arg6[%get3A_5047, %get3A_5048, %get3A_5049] {strides = array<i32>} : memref<2x80x64xf32, #tpu.memory_space<vmem>>, vector<1x1x16xf32>,
      %get3A_5051 = vector.shape_cast %get3A_5050 : vector<1x1x16xf32> to vector<16xf32>
      %add3A_5052 = arith.addf %add3A_5044, %get3A_5051 : vector<16xf32>
      %get3A_5053 = arith.constant 1 : i32
      %get3A_5054 = arith.constant 64 : i32
      %get3A_5055 = arith.index_cast %get3A_5053 : i32 to index
      %get3A_5056 = arith.index_cast %get3A_5054 : i32 to index
      %get3A_5057 = arith.constant 16 : index
      %get3A_5058 = tpu.vector_load %arg6[%get3A_5055, %get3A_5056, %get3A_5057] {strides = array<i32>} : memref<2x80x64xf32, #tpu.memory_space<vmem>>, vector<1x1x16xf32>,
      %get3A_5059 = vector.shape_cast %get3A_5058 : vector<1x1x16xf32> to vector<16xf32>
      %add3A_5060 = arith.addf %add3A_5052, %get3A_5059 : vector<16xf32>
      %get3A_5061 = arith.constant 1 : i32
      %get3A_5062 = arith.constant 65 : i32
      %get3A_5063 = arith.index_cast %get3A_5061 : i32 to index
      %get3A_5064 = arith.index_cast %get3A_5062 : i32 to index
      %get3A_5065 = arith.constant 16 : index
      %get3A_5066 = tpu.vector_load %arg6[%get3A_5063, %get3A_5064, %get3A_5065] {strides = array<i32>} : memref<2x80x64xf32, #tpu.memory_space<vmem>>, vector<1x1x16xf32>,
      %get3A_5067 = vector.shape_cast %get3A_5066 : vector<1x1x16xf32> to vector<16xf32>
      %add3A_5068 = arith.addf %add3A_5060, %get3A_5067 : vector<16xf32>
      %get3A_5069 = arith.constant 1 : i32
      %get3A_5070 = arith.constant 66 : i32
      %get3A_5071 = arith.index_cast %get3A_5069 : i32 to index
      %get3A_5072 = arith.index_cast %get3A_5070 : i32 to index
      %get3A_5073 = arith.constant 16 : index
      %get3A_5074 = tpu.vector_load %arg6[%get3A_5071, %get3A_5072, %get3A_5073] {strides = array<i32>} : memref<2x80x64xf32, #tpu.memory_space<vmem>>, vector<1x1x16xf32>,
      %get3A_5075 = vector.shape_cast %get3A_5074 : vector<1x1x16xf32> to vector<16xf32>
      %add3A_5076 = arith.addf %add3A_5068, %get3A_5075 : vector<16xf32>
      %get3A_5077 = arith.constant 1 : i32
      %get3A_5078 = arith.constant 67 : i32
      %get3A_5079 = arith.index_cast %get3A_5077 : i32 to index
      %get3A_5080 = arith.index_cast %get3A_5078 : i32 to index
      %get3A_5081 = arith.constant 16 : index
      %get3A_5082 = tpu.vector_load %arg6[%get3A_5079, %get3A_5080, %get3A_5081] {strides = array<i32>} : memref<2x80x64xf32, #tpu.memory_space<vmem>>, vector<1x1x16xf32>,
      %get3A_5083 = vector.shape_cast %get3A_5082 : vector<1x1x16xf32> to vector<16xf32>
      %add3A_5084 = arith.addf %add3A_5076, %get3A_5083 : vector<16xf32>
      %get3A_5085 = arith.constant 1 : i32
      %get3A_5086 = arith.constant 68 : i32
      %get3A_5087 = arith.index_cast %get3A_5085 : i32 to index
      %get3A_5088 = arith.index_cast %get3A_5086 : i32 to index
      %get3A_5089 = arith.constant 16 : index
      %get3A_5090 = tpu.vector_load %arg6[%get3A_5087, %get3A_5088, %get3A_5089] {strides = array<i32>} : memref<2x80x64xf32, #tpu.memory_space<vmem>>, vector<1x1x16xf32>,
      %get3A_5091 = vector.shape_cast %get3A_5090 : vector<1x1x16xf32> to vector<16xf32>
      %add3A_5092 = arith.addf %add3A_5084, %get3A_5091 : vector<16xf32>
      %get3A_5093 = arith.constant 1 : i32
      %get3A_5094 = arith.constant 69 : i32
      %get3A_5095 = arith.index_cast %get3A_5093 : i32 to index
      %get3A_5096 = arith.index_cast %get3A_5094 : i32 to index
      %get3A_5097 = arith.constant 16 : index
      %get3A_5098 = tpu.vector_load %arg6[%get3A_5095, %get3A_5096, %get3A_5097] {strides = array<i32>} : memref<2x80x64xf32, #tpu.memory_space<vmem>>, vector<1x1x16xf32>,
      %get3A_5099 = vector.shape_cast %get3A_5098 : vector<1x1x16xf32> to vector<16xf32>
      %add3A_5100 = arith.addf %add3A_5092, %get3A_5099 : vector<16xf32>
      %get3A_5101 = arith.constant 1 : i32
      %get3A_5102 = arith.constant 70 : i32
      %get3A_5103 = arith.index_cast %get3A_5101 : i32 to index
      %get3A_5104 = arith.index_cast %get3A_5102 : i32 to index
      %get3A_5105 = arith.constant 16 : index
      %get3A_5106 = tpu.vector_load %arg6[%get3A_5103, %get3A_5104, %get3A_5105] {strides = array<i32>} : memref<2x80x64xf32, #tpu.memory_space<vmem>>, vector<1x1x16xf32>,
      %get3A_5107 = vector.shape_cast %get3A_5106 : vector<1x1x16xf32> to vector<16xf32>
      %add3A_5108 = arith.addf %add3A_5100, %get3A_5107 : vector<16xf32>
      %get3A_5109 = arith.constant 1 : i32
      %get3A_5110 = arith.constant 71 : i32
      %get3A_5111 = arith.index_cast %get3A_5109 : i32 to index
      %get3A_5112 = arith.index_cast %get3A_5110 : i32 to index
      %get3A_5113 = arith.constant 16 : index
      %get3A_5114 = tpu.vector_load %arg6[%get3A_5111, %get3A_5112, %get3A_5113] {strides = array<i32>} : memref<2x80x64xf32, #tpu.memory_space<vmem>>, vector<1x1x16xf32>,
      %get3A_5115 = vector.shape_cast %get3A_5114 : vector<1x1x16xf32> to vector<16xf32>
      %add3A_5116 = arith.addf %add3A_5108, %get3A_5115 : vector<16xf32>
      %get3A_5117 = arith.constant 1 : i32
      %get3A_5118 = arith.constant 72 : i32
      %get3A_5119 = arith.index_cast %get3A_5117 : i32 to index
      %get3A_5120 = arith.index_cast %get3A_5118 : i32 to index
      %get3A_5121 = arith.constant 16 : index
      %get3A_5122 = tpu.vector_load %arg6[%get3A_5119, %get3A_5120, %get3A_5121] {strides = array<i32>} : memref<2x80x64xf32, #tpu.memory_space<vmem>>, vector<1x1x16xf32>,
      %get3A_5123 = vector.shape_cast %get3A_5122 : vector<1x1x16xf32> to vector<16xf32>
      %add3A_5124 = arith.addf %add3A_5116, %get3A_5123 : vector<16xf32>
      %get3A_5125 = arith.constant 1 : i32
      %get3A_5126 = arith.constant 73 : i32
      %get3A_5127 = arith.index_cast %get3A_5125 : i32 to index
      %get3A_5128 = arith.index_cast %get3A_5126 : i32 to index
      %get3A_5129 = arith.constant 16 : index
      %get3A_5130 = tpu.vector_load %arg6[%get3A_5127, %get3A_5128, %get3A_5129] {strides = array<i32>} : memref<2x80x64xf32, #tpu.memory_space<vmem>>, vector<1x1x16xf32>,
      %get3A_5131 = vector.shape_cast %get3A_5130 : vector<1x1x16xf32> to vector<16xf32>
      %add3A_5132 = arith.addf %add3A_5124, %get3A_5131 : vector<16xf32>
      %get3A_5133 = arith.constant 1 : i32
      %get3A_5134 = arith.constant 74 : i32
      %get3A_5135 = arith.index_cast %get3A_5133 : i32 to index
      %get3A_5136 = arith.index_cast %get3A_5134 : i32 to index
      %get3A_5137 = arith.constant 16 : index
      %get3A_5138 = tpu.vector_load %arg6[%get3A_5135, %get3A_5136, %get3A_5137] {strides = array<i32>} : memref<2x80x64xf32, #tpu.memory_space<vmem>>, vector<1x1x16xf32>,
      %get3A_5139 = vector.shape_cast %get3A_5138 : vector<1x1x16xf32> to vector<16xf32>
      %add3A_5140 = arith.addf %add3A_5132, %get3A_5139 : vector<16xf32>
      %get3A_5141 = arith.constant 1 : i32
      %get3A_5142 = arith.constant 75 : i32
      %get3A_5143 = arith.index_cast %get3A_5141 : i32 to index
      %get3A_5144 = arith.index_cast %get3A_5142 : i32 to index
      %get3A_5145 = arith.constant 16 : index
      %get3A_5146 = tpu.vector_load %arg6[%get3A_5143, %get3A_5144, %get3A_5145] {strides = array<i32>} : memref<2x80x64xf32, #tpu.memory_space<vmem>>, vector<1x1x16xf32>,
      %get3A_5147 = vector.shape_cast %get3A_5146 : vector<1x1x16xf32> to vector<16xf32>
      %add3A_5148 = arith.addf %add3A_5140, %get3A_5147 : vector<16xf32>
      %get3A_5149 = arith.constant 1 : i32
      %get3A_5150 = arith.constant 76 : i32
      %get3A_5151 = arith.index_cast %get3A_5149 : i32 to index
      %get3A_5152 = arith.index_cast %get3A_5150 : i32 to index
      %get3A_5153 = arith.constant 16 : index
      %get3A_5154 = tpu.vector_load %arg6[%get3A_5151, %get3A_5152, %get3A_5153] {strides = array<i32>} : memref<2x80x64xf32, #tpu.memory_space<vmem>>, vector<1x1x16xf32>,
      %get3A_5155 = vector.shape_cast %get3A_5154 : vector<1x1x16xf32> to vector<16xf32>
      %add3A_5156 = arith.addf %add3A_5148, %get3A_5155 : vector<16xf32>
      %get3A_5157 = arith.constant 1 : i32
      %get3A_5158 = arith.constant 77 : i32
      %get3A_5159 = arith.index_cast %get3A_5157 : i32 to index
      %get3A_5160 = arith.index_cast %get3A_5158 : i32 to index
      %get3A_5161 = arith.constant 16 : index
      %get3A_5162 = tpu.vector_load %arg6[%get3A_5159, %get3A_5160, %get3A_5161] {strides = array<i32>} : memref<2x80x64xf32, #tpu.memory_space<vmem>>, vector<1x1x16xf32>,
      %get3A_5163 = vector.shape_cast %get3A_5162 : vector<1x1x16xf32> to vector<16xf32>
      %add3A_5164 = arith.addf %add3A_5156, %get3A_5163 : vector<16xf32>
      %get3A_5165 = arith.constant 1 : i32
      %get3A_5166 = arith.constant 78 : i32
      %get3A_5167 = arith.index_cast %get3A_5165 : i32 to index
      %get3A_5168 = arith.index_cast %get3A_5166 : i32 to index
      %get3A_5169 = arith.constant 16 : index
      %get3A_5170 = tpu.vector_load %arg6[%get3A_5167, %get3A_5168, %get3A_5169] {strides = array<i32>} : memref<2x80x64xf32, #tpu.memory_space<vmem>>, vector<1x1x16xf32>,
      %get3A_5171 = vector.shape_cast %get3A_5170 : vector<1x1x16xf32> to vector<16xf32>
      %add3A_5172 = arith.addf %add3A_5164, %get3A_5171 : vector<16xf32>
      %get3A_5173 = arith.constant 1 : i32
      %get3A_5174 = arith.constant 79 : i32
      %get3A_5175 = arith.index_cast %get3A_5173 : i32 to index
      %get3A_5176 = arith.index_cast %get3A_5174 : i32 to index
      %get3A_5177 = arith.constant 16 : index
      %get3A_5178 = tpu.vector_load %arg6[%get3A_5175, %get3A_5176, %get3A_5177] {strides = array<i32>} : memref<2x80x64xf32, #tpu.memory_space<vmem>>, vector<1x1x16xf32>,
      %get3A_5179 = vector.shape_cast %get3A_5178 : vector<1x1x16xf32> to vector<16xf32>
      %add3A_5180 = arith.addf %add3A_5172, %get3A_5179 : vector<16xf32>
      %mul3A_5181 = arith.constant 5.000000e-02 : f32
      %mul3A_5182 = vector.broadcast %mul3A_5181 : f32 to vector<16xf32>
      %mul3A_5183 = arith.mulf %add3A_5180, %mul3A_5182 : vector<16xf32>
      %mul3A_5184 = arith.constant 4 : i32
      %mul3A_5185 = arith.muli %add3A_2787, %mul3A_5184 : i32
      %add3A_5186 = arith.constant 3 : i32
      %add3A_5187 = arith.addi %mul3A_5185, %add3A_5186 : i32
      %swap3A_5188 = arith.index_cast %add3A_5187 : i32 to index
      %swap3A_5189 = arith.constant 16 : index
      %swap3A_5190 = tpu.vector_load %arg7[%swap3A_5188, %swap3A_5189] {strides = array<i32>} : memref<128x64xf32, #tpu.memory_space<vmem>>, vector<1x16xf32>,
      %swap3A_5191 = vector.shape_cast %swap3A_5190 : vector<1x16xf32> to vector<16xf32>
      %swap3A_5192 = vector.shape_cast %mul3A_5183 : vector<16xf32> to vector<1x16xf32>
      tpu.vector_store %arg7[%swap3A_5188, %swap3A_5189], %swap3A_5192 {strides = array<i32>} : memref<128x64xf32, #tpu.memory_space<vmem>>, vector<1x16xf32>,
      %get3A_5193 = arith.constant 1 : i32
      %get3A_5194 = arith.constant 60 : i32
      %get3A_5195 = arith.index_cast %get3A_5193 : i32 to index
      %get3A_5196 = arith.index_cast %get3A_5194 : i32 to index
      %get3A_5197 = arith.constant 32 : index
      %get3A_5198 = tpu.vector_load %arg6[%get3A_5195, %get3A_5196, %get3A_5197] {strides = array<i32>} : memref<2x80x64xf32, #tpu.memory_space<vmem>>, vector<1x1x16xf32>,
      %get3A_5199 = vector.shape_cast %get3A_5198 : vector<1x1x16xf32> to vector<16xf32>
      %get3A_5200 = arith.constant 1 : i32
      %get3A_5201 = arith.constant 61 : i32
      %get3A_5202 = arith.index_cast %get3A_5200 : i32 to index
      %get3A_5203 = arith.index_cast %get3A_5201 : i32 to index
      %get3A_5204 = arith.constant 32 : index
      %get3A_5205 = tpu.vector_load %arg6[%get3A_5202, %get3A_5203, %get3A_5204] {strides = array<i32>} : memref<2x80x64xf32, #tpu.memory_space<vmem>>, vector<1x1x16xf32>,
      %get3A_5206 = vector.shape_cast %get3A_5205 : vector<1x1x16xf32> to vector<16xf32>
      %add3A_5207 = arith.addf %get3A_5199, %get3A_5206 : vector<16xf32>
      %get3A_5208 = arith.constant 1 : i32
      %get3A_5209 = arith.constant 62 : i32
      %get3A_5210 = arith.index_cast %get3A_5208 : i32 to index
      %get3A_5211 = arith.index_cast %get3A_5209 : i32 to index
      %get3A_5212 = arith.constant 32 : index
      %get3A_5213 = tpu.vector_load %arg6[%get3A_5210, %get3A_5211, %get3A_5212] {strides = array<i32>} : memref<2x80x64xf32, #tpu.memory_space<vmem>>, vector<1x1x16xf32>,
      %get3A_5214 = vector.shape_cast %get3A_5213 : vector<1x1x16xf32> to vector<16xf32>
      %add3A_5215 = arith.addf %add3A_5207, %get3A_5214 : vector<16xf32>
      %get3A_5216 = arith.constant 1 : i32
      %get3A_5217 = arith.constant 63 : i32
      %get3A_5218 = arith.index_cast %get3A_5216 : i32 to index
      %get3A_5219 = arith.index_cast %get3A_5217 : i32 to index
      %get3A_5220 = arith.constant 32 : index
      %get3A_5221 = tpu.vector_load %arg6[%get3A_5218, %get3A_5219, %get3A_5220] {strides = array<i32>} : memref<2x80x64xf32, #tpu.memory_space<vmem>>, vector<1x1x16xf32>,
      %get3A_5222 = vector.shape_cast %get3A_5221 : vector<1x1x16xf32> to vector<16xf32>
      %add3A_5223 = arith.addf %add3A_5215, %get3A_5222 : vector<16xf32>
      %get3A_5224 = arith.constant 1 : i32
      %get3A_5225 = arith.constant 64 : i32
      %get3A_5226 = arith.index_cast %get3A_5224 : i32 to index
      %get3A_5227 = arith.index_cast %get3A_5225 : i32 to index
      %get3A_5228 = arith.constant 32 : index
      %get3A_5229 = tpu.vector_load %arg6[%get3A_5226, %get3A_5227, %get3A_5228] {strides = array<i32>} : memref<2x80x64xf32, #tpu.memory_space<vmem>>, vector<1x1x16xf32>,
      %get3A_5230 = vector.shape_cast %get3A_5229 : vector<1x1x16xf32> to vector<16xf32>
      %add3A_5231 = arith.addf %add3A_5223, %get3A_5230 : vector<16xf32>
      %get3A_5232 = arith.constant 1 : i32
      %get3A_5233 = arith.constant 65 : i32
      %get3A_5234 = arith.index_cast %get3A_5232 : i32 to index
      %get3A_5235 = arith.index_cast %get3A_5233 : i32 to index
      %get3A_5236 = arith.constant 32 : index
      %get3A_5237 = tpu.vector_load %arg6[%get3A_5234, %get3A_5235, %get3A_5236] {strides = array<i32>} : memref<2x80x64xf32, #tpu.memory_space<vmem>>, vector<1x1x16xf32>,
      %get3A_5238 = vector.shape_cast %get3A_5237 : vector<1x1x16xf32> to vector<16xf32>
      %add3A_5239 = arith.addf %add3A_5231, %get3A_5238 : vector<16xf32>
      %get3A_5240 = arith.constant 1 : i32
      %get3A_5241 = arith.constant 66 : i32
      %get3A_5242 = arith.index_cast %get3A_5240 : i32 to index
      %get3A_5243 = arith.index_cast %get3A_5241 : i32 to index
      %get3A_5244 = arith.constant 32 : index
      %get3A_5245 = tpu.vector_load %arg6[%get3A_5242, %get3A_5243, %get3A_5244] {strides = array<i32>} : memref<2x80x64xf32, #tpu.memory_space<vmem>>, vector<1x1x16xf32>,
      %get3A_5246 = vector.shape_cast %get3A_5245 : vector<1x1x16xf32> to vector<16xf32>
      %add3A_5247 = arith.addf %add3A_5239, %get3A_5246 : vector<16xf32>
      %get3A_5248 = arith.constant 1 : i32
      %get3A_5249 = arith.constant 67 : i32
      %get3A_5250 = arith.index_cast %get3A_5248 : i32 to index
      %get3A_5251 = arith.index_cast %get3A_5249 : i32 to index
      %get3A_5252 = arith.constant 32 : index
      %get3A_5253 = tpu.vector_load %arg6[%get3A_5250, %get3A_5251, %get3A_5252] {strides = array<i32>} : memref<2x80x64xf32, #tpu.memory_space<vmem>>, vector<1x1x16xf32>,
      %get3A_5254 = vector.shape_cast %get3A_5253 : vector<1x1x16xf32> to vector<16xf32>
      %add3A_5255 = arith.addf %add3A_5247, %get3A_5254 : vector<16xf32>
      %get3A_5256 = arith.constant 1 : i32
      %get3A_5257 = arith.constant 68 : i32
      %get3A_5258 = arith.index_cast %get3A_5256 : i32 to index
      %get3A_5259 = arith.index_cast %get3A_5257 : i32 to index
      %get3A_5260 = arith.constant 32 : index
      %get3A_5261 = tpu.vector_load %arg6[%get3A_5258, %get3A_5259, %get3A_5260] {strides = array<i32>} : memref<2x80x64xf32, #tpu.memory_space<vmem>>, vector<1x1x16xf32>,
      %get3A_5262 = vector.shape_cast %get3A_5261 : vector<1x1x16xf32> to vector<16xf32>
      %add3A_5263 = arith.addf %add3A_5255, %get3A_5262 : vector<16xf32>
      %get3A_5264 = arith.constant 1 : i32
      %get3A_5265 = arith.constant 69 : i32
      %get3A_5266 = arith.index_cast %get3A_5264 : i32 to index
      %get3A_5267 = arith.index_cast %get3A_5265 : i32 to index
      %get3A_5268 = arith.constant 32 : index
      %get3A_5269 = tpu.vector_load %arg6[%get3A_5266, %get3A_5267, %get3A_5268] {strides = array<i32>} : memref<2x80x64xf32, #tpu.memory_space<vmem>>, vector<1x1x16xf32>,
      %get3A_5270 = vector.shape_cast %get3A_5269 : vector<1x1x16xf32> to vector<16xf32>
      %add3A_5271 = arith.addf %add3A_5263, %get3A_5270 : vector<16xf32>
      %get3A_5272 = arith.constant 1 : i32
      %get3A_5273 = arith.constant 70 : i32
      %get3A_5274 = arith.index_cast %get3A_5272 : i32 to index
      %get3A_5275 = arith.index_cast %get3A_5273 : i32 to index
      %get3A_5276 = arith.constant 32 : index
      %get3A_5277 = tpu.vector_load %arg6[%get3A_5274, %get3A_5275, %get3A_5276] {strides = array<i32>} : memref<2x80x64xf32, #tpu.memory_space<vmem>>, vector<1x1x16xf32>,
      %get3A_5278 = vector.shape_cast %get3A_5277 : vector<1x1x16xf32> to vector<16xf32>
      %add3A_5279 = arith.addf %add3A_5271, %get3A_5278 : vector<16xf32>
      %get3A_5280 = arith.constant 1 : i32
      %get3A_5281 = arith.constant 71 : i32
      %get3A_5282 = arith.index_cast %get3A_5280 : i32 to index
      %get3A_5283 = arith.index_cast %get3A_5281 : i32 to index
      %get3A_5284 = arith.constant 32 : index
      %get3A_5285 = tpu.vector_load %arg6[%get3A_5282, %get3A_5283, %get3A_5284] {strides = array<i32>} : memref<2x80x64xf32, #tpu.memory_space<vmem>>, vector<1x1x16xf32>,
      %get3A_5286 = vector.shape_cast %get3A_5285 : vector<1x1x16xf32> to vector<16xf32>
      %add3A_5287 = arith.addf %add3A_5279, %get3A_5286 : vector<16xf32>
      %get3A_5288 = arith.constant 1 : i32
      %get3A_5289 = arith.constant 72 : i32
      %get3A_5290 = arith.index_cast %get3A_5288 : i32 to index
      %get3A_5291 = arith.index_cast %get3A_5289 : i32 to index
      %get3A_5292 = arith.constant 32 : index
      %get3A_5293 = tpu.vector_load %arg6[%get3A_5290, %get3A_5291, %get3A_5292] {strides = array<i32>} : memref<2x80x64xf32, #tpu.memory_space<vmem>>, vector<1x1x16xf32>,
      %get3A_5294 = vector.shape_cast %get3A_5293 : vector<1x1x16xf32> to vector<16xf32>
      %add3A_5295 = arith.addf %add3A_5287, %get3A_5294 : vector<16xf32>
      %get3A_5296 = arith.constant 1 : i32
      %get3A_5297 = arith.constant 73 : i32
      %get3A_5298 = arith.index_cast %get3A_5296 : i32 to index
      %get3A_5299 = arith.index_cast %get3A_5297 : i32 to index
      %get3A_5300 = arith.constant 32 : index
      %get3A_5301 = tpu.vector_load %arg6[%get3A_5298, %get3A_5299, %get3A_5300] {strides = array<i32>} : memref<2x80x64xf32, #tpu.memory_space<vmem>>, vector<1x1x16xf32>,
      %get3A_5302 = vector.shape_cast %get3A_5301 : vector<1x1x16xf32> to vector<16xf32>
      %add3A_5303 = arith.addf %add3A_5295, %get3A_5302 : vector<16xf32>
      %get3A_5304 = arith.constant 1 : i32
      %get3A_5305 = arith.constant 74 : i32
      %get3A_5306 = arith.index_cast %get3A_5304 : i32 to index
      %get3A_5307 = arith.index_cast %get3A_5305 : i32 to index
      %get3A_5308 = arith.constant 32 : index
      %get3A_5309 = tpu.vector_load %arg6[%get3A_5306, %get3A_5307, %get3A_5308] {strides = array<i32>} : memref<2x80x64xf32, #tpu.memory_space<vmem>>, vector<1x1x16xf32>,
      %get3A_5310 = vector.shape_cast %get3A_5309 : vector<1x1x16xf32> to vector<16xf32>
      %add3A_5311 = arith.addf %add3A_5303, %get3A_5310 : vector<16xf32>
      %get3A_5312 = arith.constant 1 : i32
      %get3A_5313 = arith.constant 75 : i32
      %get3A_5314 = arith.index_cast %get3A_5312 : i32 to index
      %get3A_5315 = arith.index_cast %get3A_5313 : i32 to index
      %get3A_5316 = arith.constant 32 : index
      %get3A_5317 = tpu.vector_load %arg6[%get3A_5314, %get3A_5315, %get3A_5316] {strides = array<i32>} : memref<2x80x64xf32, #tpu.memory_space<vmem>>, vector<1x1x16xf32>,
      %get3A_5318 = vector.shape_cast %get3A_5317 : vector<1x1x16xf32> to vector<16xf32>
      %add3A_5319 = arith.addf %add3A_5311, %get3A_5318 : vector<16xf32>
      %get3A_5320 = arith.constant 1 : i32
      %get3A_5321 = arith.constant 76 : i32
      %get3A_5322 = arith.index_cast %get3A_5320 : i32 to index
      %get3A_5323 = arith.index_cast %get3A_5321 : i32 to index
      %get3A_5324 = arith.constant 32 : index
      %get3A_5325 = tpu.vector_load %arg6[%get3A_5322, %get3A_5323, %get3A_5324] {strides = array<i32>} : memref<2x80x64xf32, #tpu.memory_space<vmem>>, vector<1x1x16xf32>,
      %get3A_5326 = vector.shape_cast %get3A_5325 : vector<1x1x16xf32> to vector<16xf32>
      %add3A_5327 = arith.addf %add3A_5319, %get3A_5326 : vector<16xf32>
      %get3A_5328 = arith.constant 1 : i32
      %get3A_5329 = arith.constant 77 : i32
      %get3A_5330 = arith.index_cast %get3A_5328 : i32 to index
      %get3A_5331 = arith.index_cast %get3A_5329 : i32 to index
      %get3A_5332 = arith.constant 32 : index
      %get3A_5333 = tpu.vector_load %arg6[%get3A_5330, %get3A_5331, %get3A_5332] {strides = array<i32>} : memref<2x80x64xf32, #tpu.memory_space<vmem>>, vector<1x1x16xf32>,
      %get3A_5334 = vector.shape_cast %get3A_5333 : vector<1x1x16xf32> to vector<16xf32>
      %add3A_5335 = arith.addf %add3A_5327, %get3A_5334 : vector<16xf32>
      %get3A_5336 = arith.constant 1 : i32
      %get3A_5337 = arith.constant 78 : i32
      %get3A_5338 = arith.index_cast %get3A_5336 : i32 to index
      %get3A_5339 = arith.index_cast %get3A_5337 : i32 to index
      %get3A_5340 = arith.constant 32 : index
      %get3A_5341 = tpu.vector_load %arg6[%get3A_5338, %get3A_5339, %get3A_5340] {strides = array<i32>} : memref<2x80x64xf32, #tpu.memory_space<vmem>>, vector<1x1x16xf32>,
      %get3A_5342 = vector.shape_cast %get3A_5341 : vector<1x1x16xf32> to vector<16xf32>
      %add3A_5343 = arith.addf %add3A_5335, %get3A_5342 : vector<16xf32>
      %get3A_5344 = arith.constant 1 : i32
      %get3A_5345 = arith.constant 79 : i32
      %get3A_5346 = arith.index_cast %get3A_5344 : i32 to index
      %get3A_5347 = arith.index_cast %get3A_5345 : i32 to index
      %get3A_5348 = arith.constant 32 : index
      %get3A_5349 = tpu.vector_load %arg6[%get3A_5346, %get3A_5347, %get3A_5348] {strides = array<i32>} : memref<2x80x64xf32, #tpu.memory_space<vmem>>, vector<1x1x16xf32>,
      %get3A_5350 = vector.shape_cast %get3A_5349 : vector<1x1x16xf32> to vector<16xf32>
      %add3A_5351 = arith.addf %add3A_5343, %get3A_5350 : vector<16xf32>
      %mul3A_5352 = arith.constant 5.000000e-02 : f32
      %mul3A_5353 = vector.broadcast %mul3A_5352 : f32 to vector<16xf32>
      %mul3A_5354 = arith.mulf %add3A_5351, %mul3A_5353 : vector<16xf32>
      %mul3A_5355 = arith.constant 4 : i32
      %mul3A_5356 = arith.muli %add3A_2787, %mul3A_5355 : i32
      %add3A_5357 = arith.constant 3 : i32
      %add3A_5358 = arith.addi %mul3A_5356, %add3A_5357 : i32
      %swap3A_5359 = arith.index_cast %add3A_5358 : i32 to index
      %swap3A_5360 = arith.constant 32 : index
      %swap3A_5361 = tpu.vector_load %arg7[%swap3A_5359, %swap3A_5360] {strides = array<i32>} : memref<128x64xf32, #tpu.memory_space<vmem>>, vector<1x16xf32>,
      %swap3A_5362 = vector.shape_cast %swap3A_5361 : vector<1x16xf32> to vector<16xf32>
      %swap3A_5363 = vector.shape_cast %mul3A_5354 : vector<16xf32> to vector<1x16xf32>
      tpu.vector_store %arg7[%swap3A_5359, %swap3A_5360], %swap3A_5363 {strides = array<i32>} : memref<128x64xf32, #tpu.memory_space<vmem>>, vector<1x16xf32>,
      %get3A_5364 = arith.constant 1 : i32
      %get3A_5365 = arith.constant 60 : i32
      %get3A_5366 = arith.index_cast %get3A_5364 : i32 to index
      %get3A_5367 = arith.index_cast %get3A_5365 : i32 to index
      %get3A_5368 = arith.constant 48 : index
      %get3A_5369 = tpu.vector_load %arg6[%get3A_5366, %get3A_5367, %get3A_5368] {strides = array<i32>} : memref<2x80x64xf32, #tpu.memory_space<vmem>>, vector<1x1x16xf32>,
      %get3A_5370 = vector.shape_cast %get3A_5369 : vector<1x1x16xf32> to vector<16xf32>
      %get3A_5371 = arith.constant 1 : i32
      %get3A_5372 = arith.constant 61 : i32
      %get3A_5373 = arith.index_cast %get3A_5371 : i32 to index
      %get3A_5374 = arith.index_cast %get3A_5372 : i32 to index
      %get3A_5375 = arith.constant 48 : index
      %get3A_5376 = tpu.vector_load %arg6[%get3A_5373, %get3A_5374, %get3A_5375] {strides = array<i32>} : memref<2x80x64xf32, #tpu.memory_space<vmem>>, vector<1x1x16xf32>,
      %get3A_5377 = vector.shape_cast %get3A_5376 : vector<1x1x16xf32> to vector<16xf32>
      %add3A_5378 = arith.addf %get3A_5370, %get3A_5377 : vector<16xf32>
      %get3A_5379 = arith.constant 1 : i32
      %get3A_5380 = arith.constant 62 : i32
      %get3A_5381 = arith.index_cast %get3A_5379 : i32 to index
      %get3A_5382 = arith.index_cast %get3A_5380 : i32 to index
      %get3A_5383 = arith.constant 48 : index
      %get3A_5384 = tpu.vector_load %arg6[%get3A_5381, %get3A_5382, %get3A_5383] {strides = array<i32>} : memref<2x80x64xf32, #tpu.memory_space<vmem>>, vector<1x1x16xf32>,
      %get3A_5385 = vector.shape_cast %get3A_5384 : vector<1x1x16xf32> to vector<16xf32>
      %add3A_5386 = arith.addf %add3A_5378, %get3A_5385 : vector<16xf32>
      %get3A_5387 = arith.constant 1 : i32
      %get3A_5388 = arith.constant 63 : i32
      %get3A_5389 = arith.index_cast %get3A_5387 : i32 to index
      %get3A_5390 = arith.index_cast %get3A_5388 : i32 to index
      %get3A_5391 = arith.constant 48 : index
      %get3A_5392 = tpu.vector_load %arg6[%get3A_5389, %get3A_5390, %get3A_5391] {strides = array<i32>} : memref<2x80x64xf32, #tpu.memory_space<vmem>>, vector<1x1x16xf32>,
      %get3A_5393 = vector.shape_cast %get3A_5392 : vector<1x1x16xf32> to vector<16xf32>
      %add3A_5394 = arith.addf %add3A_5386, %get3A_5393 : vector<16xf32>
      %get3A_5395 = arith.constant 1 : i32
      %get3A_5396 = arith.constant 64 : i32
      %get3A_5397 = arith.index_cast %get3A_5395 : i32 to index
      %get3A_5398 = arith.index_cast %get3A_5396 : i32 to index
      %get3A_5399 = arith.constant 48 : index
      %get3A_5400 = tpu.vector_load %arg6[%get3A_5397, %get3A_5398, %get3A_5399] {strides = array<i32>} : memref<2x80x64xf32, #tpu.memory_space<vmem>>, vector<1x1x16xf32>,
      %get3A_5401 = vector.shape_cast %get3A_5400 : vector<1x1x16xf32> to vector<16xf32>
      %add3A_5402 = arith.addf %add3A_5394, %get3A_5401 : vector<16xf32>
      %get3A_5403 = arith.constant 1 : i32
      %get3A_5404 = arith.constant 65 : i32
      %get3A_5405 = arith.index_cast %get3A_5403 : i32 to index
      %get3A_5406 = arith.index_cast %get3A_5404 : i32 to index
      %get3A_5407 = arith.constant 48 : index
      %get3A_5408 = tpu.vector_load %arg6[%get3A_5405, %get3A_5406, %get3A_5407] {strides = array<i32>} : memref<2x80x64xf32, #tpu.memory_space<vmem>>, vector<1x1x16xf32>,
      %get3A_5409 = vector.shape_cast %get3A_5408 : vector<1x1x16xf32> to vector<16xf32>
      %add3A_5410 = arith.addf %add3A_5402, %get3A_5409 : vector<16xf32>
      %get3A_5411 = arith.constant 1 : i32
      %get3A_5412 = arith.constant 66 : i32
      %get3A_5413 = arith.index_cast %get3A_5411 : i32 to index
      %get3A_5414 = arith.index_cast %get3A_5412 : i32 to index
      %get3A_5415 = arith.constant 48 : index
      %get3A_5416 = tpu.vector_load %arg6[%get3A_5413, %get3A_5414, %get3A_5415] {strides = array<i32>} : memref<2x80x64xf32, #tpu.memory_space<vmem>>, vector<1x1x16xf32>,
      %get3A_5417 = vector.shape_cast %get3A_5416 : vector<1x1x16xf32> to vector<16xf32>
      %add3A_5418 = arith.addf %add3A_5410, %get3A_5417 : vector<16xf32>
      %get3A_5419 = arith.constant 1 : i32
      %get3A_5420 = arith.constant 67 : i32
      %get3A_5421 = arith.index_cast %get3A_5419 : i32 to index
      %get3A_5422 = arith.index_cast %get3A_5420 : i32 to index
      %get3A_5423 = arith.constant 48 : index
      %get3A_5424 = tpu.vector_load %arg6[%get3A_5421, %get3A_5422, %get3A_5423] {strides = array<i32>} : memref<2x80x64xf32, #tpu.memory_space<vmem>>, vector<1x1x16xf32>,
      %get3A_5425 = vector.shape_cast %get3A_5424 : vector<1x1x16xf32> to vector<16xf32>
      %add3A_5426 = arith.addf %add3A_5418, %get3A_5425 : vector<16xf32>
      %get3A_5427 = arith.constant 1 : i32
      %get3A_5428 = arith.constant 68 : i32
      %get3A_5429 = arith.index_cast %get3A_5427 : i32 to index
      %get3A_5430 = arith.index_cast %get3A_5428 : i32 to index
      %get3A_5431 = arith.constant 48 : index
      %get3A_5432 = tpu.vector_load %arg6[%get3A_5429, %get3A_5430, %get3A_5431] {strides = array<i32>} : memref<2x80x64xf32, #tpu.memory_space<vmem>>, vector<1x1x16xf32>,
      %get3A_5433 = vector.shape_cast %get3A_5432 : vector<1x1x16xf32> to vector<16xf32>
      %add3A_5434 = arith.addf %add3A_5426, %get3A_5433 : vector<16xf32>
      %get3A_5435 = arith.constant 1 : i32
      %get3A_5436 = arith.constant 69 : i32
      %get3A_5437 = arith.index_cast %get3A_5435 : i32 to index
      %get3A_5438 = arith.index_cast %get3A_5436 : i32 to index
      %get3A_5439 = arith.constant 48 : index
      %get3A_5440 = tpu.vector_load %arg6[%get3A_5437, %get3A_5438, %get3A_5439] {strides = array<i32>} : memref<2x80x64xf32, #tpu.memory_space<vmem>>, vector<1x1x16xf32>,
      %get3A_5441 = vector.shape_cast %get3A_5440 : vector<1x1x16xf32> to vector<16xf32>
      %add3A_5442 = arith.addf %add3A_5434, %get3A_5441 : vector<16xf32>
      %get3A_5443 = arith.constant 1 : i32
      %get3A_5444 = arith.constant 70 : i32
      %get3A_5445 = arith.index_cast %get3A_5443 : i32 to index
      %get3A_5446 = arith.index_cast %get3A_5444 : i32 to index
      %get3A_5447 = arith.constant 48 : index
      %get3A_5448 = tpu.vector_load %arg6[%get3A_5445, %get3A_5446, %get3A_5447] {strides = array<i32>} : memref<2x80x64xf32, #tpu.memory_space<vmem>>, vector<1x1x16xf32>,
      %get3A_5449 = vector.shape_cast %get3A_5448 : vector<1x1x16xf32> to vector<16xf32>
      %add3A_5450 = arith.addf %add3A_5442, %get3A_5449 : vector<16xf32>
      %get3A_5451 = arith.constant 1 : i32
      %get3A_5452 = arith.constant 71 : i32
      %get3A_5453 = arith.index_cast %get3A_5451 : i32 to index
      %get3A_5454 = arith.index_cast %get3A_5452 : i32 to index
      %get3A_5455 = arith.constant 48 : index
      %get3A_5456 = tpu.vector_load %arg6[%get3A_5453, %get3A_5454, %get3A_5455] {strides = array<i32>} : memref<2x80x64xf32, #tpu.memory_space<vmem>>, vector<1x1x16xf32>,
      %get3A_5457 = vector.shape_cast %get3A_5456 : vector<1x1x16xf32> to vector<16xf32>
      %add3A_5458 = arith.addf %add3A_5450, %get3A_5457 : vector<16xf32>
      %get3A_5459 = arith.constant 1 : i32
      %get3A_5460 = arith.constant 72 : i32
      %get3A_5461 = arith.index_cast %get3A_5459 : i32 to index
      %get3A_5462 = arith.index_cast %get3A_5460 : i32 to index
      %get3A_5463 = arith.constant 48 : index
      %get3A_5464 = tpu.vector_load %arg6[%get3A_5461, %get3A_5462, %get3A_5463] {strides = array<i32>} : memref<2x80x64xf32, #tpu.memory_space<vmem>>, vector<1x1x16xf32>,
      %get3A_5465 = vector.shape_cast %get3A_5464 : vector<1x1x16xf32> to vector<16xf32>
      %add3A_5466 = arith.addf %add3A_5458, %get3A_5465 : vector<16xf32>
      %get3A_5467 = arith.constant 1 : i32
      %get3A_5468 = arith.constant 73 : i32
      %get3A_5469 = arith.index_cast %get3A_5467 : i32 to index
      %get3A_5470 = arith.index_cast %get3A_5468 : i32 to index
      %get3A_5471 = arith.constant 48 : index
      %get3A_5472 = tpu.vector_load %arg6[%get3A_5469, %get3A_5470, %get3A_5471] {strides = array<i32>} : memref<2x80x64xf32, #tpu.memory_space<vmem>>, vector<1x1x16xf32>,
      %get3A_5473 = vector.shape_cast %get3A_5472 : vector<1x1x16xf32> to vector<16xf32>
      %add3A_5474 = arith.addf %add3A_5466, %get3A_5473 : vector<16xf32>
      %get3A_5475 = arith.constant 1 : i32
      %get3A_5476 = arith.constant 74 : i32
      %get3A_5477 = arith.index_cast %get3A_5475 : i32 to index
      %get3A_5478 = arith.index_cast %get3A_5476 : i32 to index
      %get3A_5479 = arith.constant 48 : index
      %get3A_5480 = tpu.vector_load %arg6[%get3A_5477, %get3A_5478, %get3A_5479] {strides = array<i32>} : memref<2x80x64xf32, #tpu.memory_space<vmem>>, vector<1x1x16xf32>,
      %get3A_5481 = vector.shape_cast %get3A_5480 : vector<1x1x16xf32> to vector<16xf32>
      %add3A_5482 = arith.addf %add3A_5474, %get3A_5481 : vector<16xf32>
      %get3A_5483 = arith.constant 1 : i32
      %get3A_5484 = arith.constant 75 : i32
      %get3A_5485 = arith.index_cast %get3A_5483 : i32 to index
      %get3A_5486 = arith.index_cast %get3A_5484 : i32 to index
      %get3A_5487 = arith.constant 48 : index
      %get3A_5488 = tpu.vector_load %arg6[%get3A_5485, %get3A_5486, %get3A_5487] {strides = array<i32>} : memref<2x80x64xf32, #tpu.memory_space<vmem>>, vector<1x1x16xf32>,
      %get3A_5489 = vector.shape_cast %get3A_5488 : vector<1x1x16xf32> to vector<16xf32>
      %add3A_5490 = arith.addf %add3A_5482, %get3A_5489 : vector<16xf32>
      %get3A_5491 = arith.constant 1 : i32
      %get3A_5492 = arith.constant 76 : i32
      %get3A_5493 = arith.index_cast %get3A_5491 : i32 to index
      %get3A_5494 = arith.index_cast %get3A_5492 : i32 to index
      %get3A_5495 = arith.constant 48 : index
      %get3A_5496 = tpu.vector_load %arg6[%get3A_5493, %get3A_5494, %get3A_5495] {strides = array<i32>} : memref<2x80x64xf32, #tpu.memory_space<vmem>>, vector<1x1x16xf32>,
      %get3A_5497 = vector.shape_cast %get3A_5496 : vector<1x1x16xf32> to vector<16xf32>
      %add3A_5498 = arith.addf %add3A_5490, %get3A_5497 : vector<16xf32>
      %get3A_5499 = arith.constant 1 : i32
      %get3A_5500 = arith.constant 77 : i32
      %get3A_5501 = arith.index_cast %get3A_5499 : i32 to index
      %get3A_5502 = arith.index_cast %get3A_5500 : i32 to index
      %get3A_5503 = arith.constant 48 : index
      %get3A_5504 = tpu.vector_load %arg6[%get3A_5501, %get3A_5502, %get3A_5503] {strides = array<i32>} : memref<2x80x64xf32, #tpu.memory_space<vmem>>, vector<1x1x16xf32>,
      %get3A_5505 = vector.shape_cast %get3A_5504 : vector<1x1x16xf32> to vector<16xf32>
      %add3A_5506 = arith.addf %add3A_5498, %get3A_5505 : vector<16xf32>
      %get3A_5507 = arith.constant 1 : i32
      %get3A_5508 = arith.constant 78 : i32
      %get3A_5509 = arith.index_cast %get3A_5507 : i32 to index
      %get3A_5510 = arith.index_cast %get3A_5508 : i32 to index
      %get3A_5511 = arith.constant 48 : index
      %get3A_5512 = tpu.vector_load %arg6[%get3A_5509, %get3A_5510, %get3A_5511] {strides = array<i32>} : memref<2x80x64xf32, #tpu.memory_space<vmem>>, vector<1x1x16xf32>,
      %get3A_5513 = vector.shape_cast %get3A_5512 : vector<1x1x16xf32> to vector<16xf32>
      %add3A_5514 = arith.addf %add3A_5506, %get3A_5513 : vector<16xf32>
      %get3A_5515 = arith.constant 1 : i32
      %get3A_5516 = arith.constant 79 : i32
      %get3A_5517 = arith.index_cast %get3A_5515 : i32 to index
      %get3A_5518 = arith.index_cast %get3A_5516 : i32 to index
      %get3A_5519 = arith.constant 48 : index
      %get3A_5520 = tpu.vector_load %arg6[%get3A_5517, %get3A_5518, %get3A_5519] {strides = array<i32>} : memref<2x80x64xf32, #tpu.memory_space<vmem>>, vector<1x1x16xf32>,
      %get3A_5521 = vector.shape_cast %get3A_5520 : vector<1x1x16xf32> to vector<16xf32>
      %add3A_5522 = arith.addf %add3A_5514, %get3A_5521 : vector<16xf32>
      %mul3A_5523 = arith.constant 5.000000e-02 : f32
      %mul3A_5524 = vector.broadcast %mul3A_5523 : f32 to vector<16xf32>
      %mul3A_5525 = arith.mulf %add3A_5522, %mul3A_5524 : vector<16xf32>
      %mul3A_5526 = arith.constant 4 : i32
      %mul3A_5527 = arith.muli %add3A_2787, %mul3A_5526 : i32
      %add3A_5528 = arith.constant 3 : i32
      %add3A_5529 = arith.addi %mul3A_5527, %add3A_5528 : i32
      %swap3A_5530 = arith.index_cast %add3A_5529 : i32 to index
      %swap3A_5531 = arith.constant 48 : index
      %swap3A_5532 = tpu.vector_load %arg7[%swap3A_5530, %swap3A_5531] {strides = array<i32>} : memref<128x64xf32, #tpu.memory_space<vmem>>, vector<1x16xf32>,
      %swap3A_5533 = vector.shape_cast %swap3A_5532 : vector<1x16xf32> to vector<16xf32>
      %swap3A_5534 = vector.shape_cast %mul3A_5525 : vector<16xf32> to vector<1x16xf32>
      tpu.vector_store %arg7[%swap3A_5530, %swap3A_5531], %swap3A_5534 {strides = array<i32>} : memref<128x64xf32, #tpu.memory_space<vmem>>, vector<1x16xf32>,
      %add3A_5535 = arith.constant 2 : i32
      %add3A_5536 = arith.addi %add3A_2787, %add3A_5535 : i32
      %lt3A_5537 = arith.constant 32 : i32
      %lt3A_5538 = arith.cmpi slt, %add3A_5536, %lt3A_5537 : i32
      %convert_element_type3A_5539 = arith.extui %lt3A_5538 : i1 to i32
      %cond3A_5540 = arith.constant 0 : i32
      %cond3A_5541 = arith.cmpi ne, %convert_element_type3A_5539, %cond3A_5540 : i32
      scf.if %cond3A_5541 {
        %add3A_5542 = arith.constant 2 : i32
        %add3A_5543 = arith.addi %add3A_2787, %add3A_5542 : i32
        %dma_start3A_5544 = arith.constant 1 : i32
        %dma_start3A_5545 = arith.constant 0 : i32
        %dma_start3A_5546 = arith.constant 0 : i32
        %dma_start3A_5547 = tpu.memref_slice %arg6[%dma_start3A_5544, %dma_start3A_5545, %dma_start3A_5546] : memref<2x80x64xf32, #tpu.memory_space<vmem>> -> memref<1x80x64xf32, #tpu.memory_space<vmem>>
        %dma_start3A_5548 = tpu.memref_squeeze %dma_start3A_5547 : memref<1x80x64xf32, #tpu.memory_space<vmem>> -> memref<80x64xf32, #tpu.memory_space<vmem>>
        %dma_start3A_5549 = arith.constant 0 : i32
        %dma_start3A_5550 = tpu.memref_slice %arg5[%add3A_5543, %dma_start3A_5549] : memref<32x80xi32, #tpu.memory_space<vmem>> -> memref<1x80xi32, #tpu.memory_space<vmem>>
        %dma_start3A_5551 = tpu.memref_squeeze %dma_start3A_5550 : memref<1x80xi32, #tpu.memory_space<vmem>> -> memref<80xi32, #tpu.memory_space<vmem>>
        %dma_start3A_5552 = arith.constant 0 : i32
        %dma_start3A_5553 = arith.constant 0 : i32
        %dma_start3A_5554 = tpu.memref_slice %arg3[%dma_start3A_5552, %dma_start3A_5553] : memref<100000x64xf32, #tpu.memory_space<hbm>> -> memref<100000x64xf32, #tpu.memory_space<hbm>>
        tpu.enqueue_indirect_dma source(%dma_start3A_5554 : memref<100000x64xf32, #tpu.memory_space<hbm>>) target(%dma_start3A_5548 : memref<80x64xf32, #tpu.memory_space<vmem>>) offsets(%dma_start3A_5551 : memref<80xi32, #tpu.memory_space<vmem>>) semaphore(%arg9 : memref<!tpu.dma_semaphore, #tpu.memory_space<semaphore_mem>>)
      } else {
      }
    }
    %scan3A_28 = arith.constant 16 : i32
    %mul3A_29 = arith.constant 128 : i32
    %mul3A_30 = arith.muli %add3A, %mul3A_29 : i32
    "tpu.region"() ({
      %run_scoped3A = tpu.sem_alloc : memref<!tpu.dma_semaphore, #tpu.memory_space<semaphore_mem>>
      %dma_start3A_31 = arith.constant 0 : i32
      %dma_start3A_32 = tpu.memref_slice %arg4[%mul3A_30, %dma_start3A_31] : memref<4096x64xf32, #tpu.memory_space<hbm>> -> memref<128x64xf32, #tpu.memory_space<hbm>>
      %dma_start3A_33 = arith.constant 0 : i32
      %dma_start3A_34 = tpu.memref_slice %arg4[%mul3A_30, %dma_start3A_33] : memref<4096x64xf32, #tpu.memory_space<hbm>> -> memref<128x64xf32, #tpu.memory_space<hbm>>
      tpu.enqueue_dma source(%arg7 : memref<128x64xf32, #tpu.memory_space<vmem>>) target(%dma_start3A_34 : memref<128x64xf32, #tpu.memory_space<hbm>>) target_semaphore(%run_scoped3A : memref<!tpu.dma_semaphore, #tpu.memory_space<semaphore_mem>>)
      %dma_wait3A = arith.constant 0 : i32
      %dma_wait3A_35 = tpu.memref_slice %arg4[%mul3A_30, %dma_wait3A] : memref<4096x64xf32, #tpu.memory_space<hbm>> -> memref<128x64xf32, #tpu.memory_space<hbm>>
      %dma_wait3A_36 = arith.constant 0 : i32
      %dma_wait3A_37 = tpu.memref_slice %arg4[%mul3A_30, %dma_wait3A_36] : memref<4096x64xf32, #tpu.memory_space<hbm>> -> memref<128x64xf32, #tpu.memory_space<hbm>>
      tpu.wait_dma2 semaphore(%run_scoped3A : memref<!tpu.dma_semaphore, #tpu.memory_space<semaphore_mem>>) src(%arg7 : memref<128x64xf32, #tpu.memory_space<vmem>>) dst(%dma_wait3A_37 : memref<128x64xf32, #tpu.memory_space<hbm>>)
      tpu.yield
    }) : () -> ()
    return
  }
}

</mosaic_0001>

<sc_bundles>
// kernel: _sc_pool.3.cloned.1.call-start
scs
__scs_entry_jumppad:
0x0: {  	(pc) =	sbr.rel $0x88, $3  }
0x1: {  	(tag) =	ssettag $0x0;
	lr =	simm.s32 $0x1  }
0x2: {  	[smem:$0x3F9F] =	sst lr;
	_ =	strace $0xD0000000  }
0x3: {  	_ = 	snop  }
0x4: {  	_ = 	snop  }
0x5: {  	_ = 	snop  }
0x6: {  	_ = 	snop  }
0x7: {  	_ = 	snop  }
__scs_overlays_trampoline_lowered:
0x8: {  	[smem:$0x3FAE] =	sst s0  }
0x9: {  	[smem:$0x3FAF] =	sst s1  }
0xa: {  	[smem:$0x3FB0] =	sst s2  }
0xb: {  	[smem:$0x3FB1] =	sst s3  }
0xc: {  	[smem:$0x3FB2] =	sst s4  }
0xd: {  	[smem:$0x3FB3] =	sst s5  }
0xe: {  	[smem:$0x3FB4] =	sst s6  }
0xf: {  	[smem:$0x3FB5] =	sst s7  }
0x10: {  	[smem:$0x3FB6] =	sst s8  }
0x11: {  	[smem:$0x3FB7] =	sst s9;
	s0 =	simm.s32 @!p0 $0x0  }
0x12: {  	s1 =	sld [smem:$0x3F9D];
	s0 =	simm.s32 @p0 $0x1  }
0x13: {  	[smem:$0x3FB8] =	sst s0;
	s0 =	simm.s32 @!p1 $0x0  }
0x14: {  	s2 =	sld [smem:$0x3F9C];
	s0 =	simm.s32 @p1 $0x1  }
0x15: {  	[smem:$0x3FB9] =	sst s0;
	s0 =	simm.s32 @!p2 $0x0  }
0x16: {  	s3 =	sld [smem:$0x3FDB];
	s0 =	simm.s32 @p2 $0x1  }
0x17: {  	s4 =	simm.s32 $0x1BF5;
	[smem:$0x3FBB] =	sst s0  }
0x18: {  	s0 =	sld [smem:$0x3F9E];
	_ =	swait.ge [sflag:s4], $0x0  }
0x19: {  	s7 =	sld [smem:$0x3F9F]  }
0x1a: {  	s8 =	sadd.s32 $0xFFFFE003, lr  }
0x1b: {  	s9 =	sadd.s32 $0xFFFFFEF7, lr;
	s5 =	simm.s32 $0xFFFFFFFF;
	p2 =	slt.u32 s8, $0xFFFFF086  }
0x1c: {  	p1 =	slt.u32 s9, $0xF7A;
	s5 =	simm.s32 @!p2 $0x0  }
0x1d: {  	s5 =	simm.s32 @p1 $0x1;
	p0 =	seq.s32 s7, s2  }
0x1e: {  	s7 =	smul.u32 @!p0 $0xF7A, s2;
	p2 =	seq.s32 @!p0 s5, $0x0  }
0x1f: {  	s9 =	smul.u32 $0xF7A, s1;
	s8 =	simm.s32 @!p0 $0x1BF5;
	p2 =	por !p2, p0  }
0x20: {  	[sflag:s8] =	ssyncset.s32 @!p0 $0xFFFFF086;
	s6 =	sadd.s32 @!p0 s3, s7;
	s7 =	simm.s32 @!p0 $0x108  }
0x21: {  	s3 =	sadd.s32 s3, s9;
	s6 =	sadd.s32 @!p0 $0x88, s6;
	s7 =	simm.s32 @p2 $0x1082  }
0x22: {  	[simem:s7], [sflag:s8] =	dma.local @!p0 [hbm:s6], $0xF7A  }
0x23: {  	s9 =	sor.u32 $0xD0000000, s2;
	s6 =	simm.s32 $0x108;
	_ =	swait.ge @!p0 [sflag:s8], $0x0  }
0x24: {  	s3 =	sadd.s32 $0x88, s3;
	s6 =	simm.s32 @!p1 $0x1082;
	[sflag:s4] =	ssyncset.s32 $0xFFFFF086  }
0x25: {  	[simem:s6], [sflag:s4] =	dma.local [hbm:s3], $0xF7A  }
0x26: {  	[smem:$0x3F9F] =	sst s1;
	(tag) =	ssettag s2;
	_ =	strace s9  }
0x27: {  	s1 =	sld [smem:$0x3FAF]  }
0x28: {  	s2 =	sld [smem:$0x3FB0]  }
0x29: {  	s4 =	sld [smem:$0x3FB2]  }
0x2a: {  	p0 =	seq.s32 s5, $0x0;
	s5 =	sld [smem:$0x3FB3]  }
0x2b: {  	s6 =	sld [smem:$0x3FB4]  }
0x2c: {  	s7 =	sld [smem:$0x3FB5]  }
0x2d: {  	s3 =	simm.s32 $0x108;
	s8 =	sld [smem:$0x3FB6]  }
0x2e: {  	s3 =	simm.s32 @!p0 $0x1082;
	s9 =	sld [smem:$0x3FB7]  }
0x2f: {  	lr =	sadd.s32 s0, s3;
	s0 =	sld [smem:$0x3FAE]  }
0x30: {  	s3 =	sld [smem:$0x3FB1]  }
0x31: {  	[smem:$0x3FBA] =	sst s10  }
0x32: {  	s10 =	sld [smem:$0x3FB8];
	_ =	sdelay $0x3  }
0x33: {  	p0 =	seq.s32 s10, $0x1;
	s10 =	sld [smem:$0x3FBA];
	_ =	sdelay $0x3  }
0x34: {  	[smem:$0x3FBA] =	sst s10  }
0x35: {  	s10 =	sld [smem:$0x3FB9];
	_ =	sdelay $0x3  }
0x36: {  	p1 =	seq.s32 s10, $0x1;
	s10 =	sld [smem:$0x3FBA];
	_ =	sdelay $0x3  }
0x37: {  	[smem:$0x3FBA] =	sst s10  }
0x38: {  	s10 =	sld [smem:$0x3FBB]  }
0x39: {  	_ = 	snop;
	(pc) =	sbr.ind lr, $3  }
0x3a: {  	_ = 	snop  }
0x3b: {  	_ = 	snop  }
0x3c: {  	p2 =	seq.s32 s10, $0x1;
	s10 =	sld [smem:$0x3FBA]  }
0x3d: {  	_ =	shalt  }
0x3e: {  	_ =	shalt  }
0x3f: {  	_ =	shalt  }
0x40: {  	_ =	shalt  }
0x41: {  	_ =	shalt  }
0x42: {  	_ =	shalt  }
0x43: {  	_ =	shalt  }
0x44: {  	_ =	shalt  }
0x45: {  	_ =	shalt  }
0x46: {  	_ =	shalt  }
0x47: {  	_ =	shalt  }
0x48: {  	_ =	shalt  }
0x49: {  	_ =	shalt  }
0x4a: {  	_ =	shalt  }
0x4b: {  	_ =	shalt  }
0x4c: {  	_ =	shalt  }
0x4d: {  	_ =	shalt  }
0x4e: {  	_ =	shalt  }
0x4f: {  	_ =	shalt  }
0x50: {  	_ =	shalt  }
0x51: {  	_ =	shalt  }
0x52: {  	_ =	shalt  }
0x53: {  	_ =	shalt  }
0x54: {  	_ =	shalt  }
0x55: {  	_ =	shalt  }
0x56: {  	_ =	shalt  }
0x57: {  	_ =	shalt  }
0x58: {  	_ =	shalt  }
0x59: {  	_ =	shalt  }
0x5a: {  	_ =	shalt  }
0x5b: {  	_ =	shalt  }
0x5c: {  	_ =	shalt  }
0x5d: {  	_ =	shalt  }
0x5e: {  	_ =	shalt  }
0x5f: {  	_ =	shalt  }
0x60: {  	_ =	shalt  }
0x61: {  	_ =	shalt  }
0x62: {  	_ =	shalt  }
0x63: {  	_ =	shalt  }
0x64: {  	_ =	shalt  }
0x65: {  	_ =	shalt  }
0x66: {  	_ =	shalt  }
0x67: {  	_ =	shalt  }
0x68: {  	_ =	shalt  }
0x69: {  	_ =	shalt  }
0x6a: {  	_ =	shalt  }
0x6b: {  	_ =	shalt  }
0x6c: {  	_ =	shalt  }
0x6d: {  	_ =	shalt  }
0x6e: {  	_ =	shalt  }
0x6f: {  	_ =	shalt  }
0x70: {  	_ =	shalt  }
0x71: {  	_ =	shalt  }
0x72: {  	_ =	shalt  }
0x73: {  	_ =	shalt  }
0x74: {  	_ =	shalt  }
0x75: {  	_ =	shalt  }
0x76: {  	_ =	shalt  }
0x77: {  	_ =	shalt  }
0x78: {  	_ =	shalt  }
0x79: {  	_ =	shalt  }
0x7a: {  	_ =	shalt  }
0x7b: {  	_ =	shalt  }
0x7c: {  	_ =	shalt  }
0x7d: {  	_ =	shalt  }
0x7e: {  	_ =	shalt  }
0x7f: {  	_ =	shalt  }
0x80: {  	_ =	shalt  }
0x81: {  	_ =	shalt  }
0x82: {  	_ =	shalt  }
0x83: {  	_ =	shalt  }
0x84: {  	_ =	shalt  }
0x85: {  	_ =	shalt  }
0x86: {  	_ =	shalt  }
0x87: {  	_ =	shalt  }
.Lfunc_end0:
.L_simem_size_0:
called_computation_lowered:
.L_overlay_start_0:
0x88: {  	s2 =	sld [smem:$0x3FD9]  }
0x89: {  	s3 =	sld [smem:$0x3FFE];
	_ =	sdelay $0x1  }
0x8a: {  	s1 =	srdreg.scid  }
0x8b: {  	s0 =	sand.u32 $0x1, s1  }
0x8c: {  	s17 =	sshll.u32 s0, $0xA;
	s2 =	sadd.s32 s3, s2  }
0x8d: {  	s2 =	sadd.s32 s2, s17  }
0x8e: {  	[smem:$0x3FC6] =	sst s2  }
0x8f: {  	_ = 	snop  }
0x90: {  	s2 =	sld [smem:$0x3FD0];
	(tm) =	ssettm $0x1  }
0x91: {  	s18 =	sld [smem:$0x3FFB];
	_ =	sdelay $0x3  }
0x92: {  	_ =	strace s18  }
0x93: {  	s3 =	sld [smem:$0x3FFC];
	_ =	sdelay $0x3  }
0x94: {  	_ =	strace s3  }
0x95: {  	s3 =	sld [smem:$0x3FFD];
	_ =	sdelay $0x3  }
0x96: {  	_ =	strace s3  }
0x97: {  	_ =	strace $0x8FFFFFFF  }
0x98: {  	s19 =	sld [smem:$0x3FDB];
	_ =	sdelay $0x1  }
0x99: {  	s4 =	simm.s32 $_scs_section_size  }
0x9a: {  	s5 =	simm.s32 $_size__tile_overlayer_lowered;
	s6 =	simm.s32 $_tile_overlayer_lowered  }
0x9b: {  	s22 =	simm.s32 $0x1BFF;
	s21 =	sshll.u32 s6, $0x1;
	s3 =	sadd.s32 s4, s19  }
0x9c: {  	s7 =	simm.s32 $0x0;
	s20 =	sshll.u32 s5, $0x1;
	s5 =	sadd.s32 s21, s3  }
0x9d: {  	[timem:s7], [sflag:s22] =	dma.local [hbm:s5], s20  }
0x9e: {  	_ =	swait.ge [sflag:s22], s20  }
0x9f: {  	s4 =	ssub.s32 $0x0, s20;
	[sflag:s22] =	ssyncset.done $0x0  }
0xa0: {  	[sflag:s22] =	ssyncadd.s32 s4;
	_ =	sdelay $0x1  }
0xa1: {  	s23 =	simm.s32 $0x1B8B  }
0xa2: {  	_ =	swait.ge [sflag:s23], $0x1  }
0xa3: {  	[sflag:s23] =	ssyncset.done $0x0  }
0xa4: {  	s25 =	simm.s32 $0x1B8E;
	s24 =	sld [smem:$0x3FFE];
	[sflag:s23] =	ssyncadd.s32 $0xFFFFFFFF  }
0xa5: {  	s26 =	simm.s32 $execute0_lowered;
	[smem:$0x3FD2] =	sst s25  }
0xa6: {  	s5 =	sshll.u32 s26, $0x1;
	_ =	strace $0x80000046;
	[dreg:$0x1] =	wrdreg $0xFFFFFFFF  }
0xa7: {  	s28 =	simm.s32 $_size_execute0_lowered;
	s3 =	sadd.s32 s3, s5;
	[dreg:$0x0] =	wrdreg $0x0  }
0xa8: {  	s5 =	sshll.u32 s28, $0x1;
	[dreg:$0x2] =	wrdreg s3  }
0xa9: {  	[dreg:$0x3] =	wrdreg s5  }
0xaa: {  	[dreg:$0x4] =	wrdreg $0xC0  }
0xab: {  	_ =	task [dreg:s7], $0x5FFFF  }
0xac: {  	[dreg:$0x1] =	wrdreg $0xFFFFFFFF  }
0xad: {  	[dreg:$0x0] =	wrdreg $0x60  }
0xae: {  	[dreg:$0x2] =	wrdreg s24  }
0xaf: {  	[dreg:$0x3] =	wrdreg s2  }
0xb0: {  	[dreg:$0x4] =	wrdreg $0x9  }
0xb1: {  	_ =	task.clear_ibuf [dreg:s7], $0x5FFFF;
	_ =	strace $0x90000046  }
0xb2: {  	s29 =	simm.s32 $0x9;
	_ =	strace $0x80000048  }
0xb3: {  	_ =	swait.ge [sflag:s29], $0x1  }
0xb4: {  	[sflag:s29] =	ssyncadd.s32 $0xFFFFFFFF  }
0xb5: {  	_ =	strace $0x90000048  }
0xb6: {  	_ =	sfence  }
0xb7: {  	s30 =	sld [smem:$0x0];
	_ =	sdelay $0x2  }
0xb8: {  	s31 =	sshll.u32 s1, $0xD;
	s1 =	sshrl.u32 s1, $0x2  }
0xb9: {  	s3 =	sand.u32 $0x4000, s31;
	s1 =	sadd.s32 s1, s30  }
0xba: {  	s0 =	sor.u32 s3, s0;
	s1 =	sshll.u32 s1, $0x11  }
0xbb: {  	s0 =	sor.u32 s1, s0  }
0xbc: {  	s0 =	sadd.s32 $0x8F2B, s0  }
0xbd: {  	[sflag:s0] =	ssyncadd.remote.s32 $0x1  }
0xbe: {  	_ =	sfence.sel $0xFFFF  }
0xbf: {  	[dreg:$0x0] =	wrdreg $0xFFFFFFFF;
	(pc) =	sbr.abs _section_cstart, $3  }
0xc0: {  	[dreg:$0x1] =	wrdreg $0xFFFFFFFF  }
0xc1: {  	_ =	task.clear_ibuf [dreg:s7], $0x2FFFF;
	_ =	strace $0x9FFFFFFF  }
0xc2: {  	(tm) =	ssettm $0x7FFFFFFF  }
0xc3: {  	_ =	shalt  }
tec
execute0_lowered:
.L_overlay_start_1:
0x0: {  	(tag) =	ssettag $0x1  }
0x1: {  	s1 =	srdreg.scid  }
0x2: {  	s0 =	stileid.u32;
	s3 =	rddreg [dreg:$0x0]  }
0x3: {  	s5 =	rddreg [dreg:$0x1];
	s2 =	simm.s32 $0x0;
	s9 =	simm.s32 $0xA00  }
0x4: {  	s10 =	simm.s32 $0x1E00;
	s11 =	simm.s32 $0x1;
	s12 =	simm.s32 $0x2  }
0x5: {  	s13 =	simm.s32 $0x3200;
	s4 =	sand.u32 $0x1, s1;
	s1 =	rddreg [dreg:$0x2]  }
0x6: {  	s14 =	simm.s32 $0x0;
	s31 =	sshll.u32 s0, $0x1;
	[smem:$0x7FF] =	sst s2  }
.Ltmp0:
0x7: {  	s6 =	sor.u32 s4, s31;
	s4 =	ssub.s32 $0x2, s4;
	(pc) =	sbr.rel .LBB2_1-.Ltmp0, $4  }
0x8: {  	s7 =	smul.u32 $0x140, s6;
	s8 =	sshrl.u32 s4, $0x1;
	s6 =	sshll.u32 s6, $0xA  }
0x9: {  	_ =	strace $0x80000047;
	s8 =	ssub.s32 s4, s8;
	s5 =	sadd.s32 s5, s6  }
0xa: {  	s7 =	sadd.s32 s7, s3;
	s3 =	sadd.s32 $0x187000, s3;
	s6 =	smax.u32 s8, $0x1  }
0xb: {  	s8 =	simm.s32 $0x50;
	s4 =	sadd.s32 $0x600, s7;
	s7 =	simm.s32 $0x3  }
.LBB2_4:
0xc: {  	s14 =	sadd.s32 $0x1, s14  }
0xd: {  	p0 =	sne.s32 s14, s6  }
.Ltmp1:
0xe: {  	_ = 	snop;
	(pc) =	sbr.rel @!p0 .LBB2_5-.Ltmp1, $4  }
0xf: {  	[hbm4b:s5+s2] =	stream.linear.scatter [tilespmem:s13], [sflag:$0x3], $0x2000, $0x38;
	[tilespmem:$0x5200] =	vst v63  }
0x10: {  	_ =	swait.ge [sflag:s7], $0x2000  }
0x11: {  	[sflag:s7] =	ssyncset.done $0x0  }
0x12: {  	[sflag:s7] =	ssyncadd.s32 $0xFFFFE000  }
.LBB2_1:
0x13: {  	[tilespmem:s2], [sflag:$0x3] =	stream.linear.gather [hbm4b:s4+s2], $0xA00, $0x38;
	[tilespmem:$0x5200] =	vst v63  }
0x14: {  	_ =	swait.ge [sflag:s7], $0xA00  }
0x15: {  	[sflag:s7] =	ssyncset.done $0x0  }
0x16: {  	[sflag:s7] =	ssyncadd.s32 $0xFFFFF600  }
0x17: {  	[tilespmem:s9], [sflag:$0x1] =	stream.indirect.gather [hbm4b:s3+s8], $0x40, s2, s8, $0xb8;
	[tilespmem:$0x5200] =	vst v63  }
0x18: {  	s15 =	simm.s32 $0xFFFFDA80;
	s16 =	simm.s32 $0x3300  }
0x19: {  	[tilespmem:s10], [sflag:$0x2] =	stream.indirect.gather [hbm4b:s3+s8], $0x40, s8, s8, $0xb8;
	[tilespmem:$0x5200] =	vst v63  }
.LBB2_2:
0x1a: {  	_ =	swait.ge [sflag:s11], $0x1400  }
0x1b: {  	[sflag:s11] =	ssyncset.done $0x0  }
0x1c: {  	[sflag:s11] =	ssyncadd.s32 $0xFFFFEC00  }
0x1d: {  	v0 =	vld [tilespmem:$0xA00]  }
0x1e: {  	v1 =	vld [tilespmem:$0xA40];
	_ =	sdelay $0x1  }
0x1f: {  	v2 =	vld [tilespmem:$0xA80];
	_ =	sdelay $0x1  }
0x20: {  	v3 =	vld [tilespmem:$0xAC0]  }
0x21: {  	v0 =	vadd.f32 v1, v0  }
0x22: {  	v38 =	vld [tilespmem:$0xB00]  }
0x23: {  	v0 =	vadd.f32 v2, v0  }
0x24: {  	v39 =	vld [tilespmem:$0xB40]  }
0x25: {  	v0 =	vadd.f32 v3, v0  }
0x26: {  	v40 =	vld [tilespmem:$0xB80]  }
0x27: {  	v0 =	vadd.f32 v38, v0  }
0x28: {  	v41 =	vld [tilespmem:$0xBC0]  }
0x29: {  	v0 =	vadd.f32 v39, v0  }
0x2a: {  	v42 =	vld [tilespmem:$0xC00]  }
0x2b: {  	v0 =	vadd.f32 v40, v0  }
0x2c: {  	v43 =	vld [tilespmem:$0xC40]  }
0x2d: {  	v0 =	vadd.f32 v41, v0  }
0x2e: {  	v44 =	vld [tilespmem:$0xC80]  }
0x2f: {  	v0 =	vadd.f32 v42, v0  }
0x30: {  	v45 =	vld [tilespmem:$0xCC0]  }
0x31: {  	v0 =	vadd.f32 v43, v0  }
0x32: {  	v46 =	vld [tilespmem:$0xD00]  }
0x33: {  	v0 =	vadd.f32 v44, v0  }
0x34: {  	v47 =	vld [tilespmem:$0xD40]  }
0x35: {  	v0 =	vadd.f32 v45, v0  }
0x36: {  	v48 =	vld [tilespmem:$0xD80]  }
0x37: {  	v0 =	vadd.f32 v46, v0  }
0x38: {  	v49 =	vld [tilespmem:$0xDC0]  }
0x39: {  	v0 =	vadd.f32 v47, v0  }
0x3a: {  	v50 =	vld [tilespmem:$0xE00]  }
0x3b: {  	v0 =	vadd.f32 v48, v0  }
0x3c: {  	v51 =	vld [tilespmem:$0xE40]  }
0x3d: {  	v0 =	vadd.f32 v49, v0  }
0x3e: {  	v52 =	vld [tilespmem:$0xE80]  }
0x3f: {  	v0 =	vadd.f32 v50, v0  }
0x40: {  	v53 =	vld [tilespmem:$0xEC0]  }
0x41: {  	v0 =	vadd.f32 v51, v0;
	_ =	sdelay $0x1  }
0x42: {  	v0 =	vadd.f32 v52, v0;
	_ =	sdelay $0x1  }
0x43: {  	v0 =	vadd.f32 v53, v0;
	_ =	sdelay $0x1  }
0x44: {  	v0 =	vmul.f32 $5.000000070e-02, v0;
	_ =	sdelay $0x1  }
0x45: {  	[tilespmem:s16+$0xFFFFFF00] =	vst v0  }
0x46: {  	v0 =	vld [tilespmem:$0xA10]  }
0x47: {  	v54 =	vld [tilespmem:$0xA50];
	_ =	sdelay $0x1  }
0x48: {  	v55 =	vld [tilespmem:$0xA90];
	_ =	sdelay $0x1  }
0x49: {  	v56 =	vld [tilespmem:$0xAD0]  }
0x4a: {  	v0 =	vadd.f32 v54, v0  }
0x4b: {  	v57 =	vld [tilespmem:$0xB10]  }
0x4c: {  	v0 =	vadd.f32 v55, v0  }
0x4d: {  	v58 =	vld [tilespmem:$0xB50]  }
0x4e: {  	v0 =	vadd.f32 v56, v0  }
0x4f: {  	v59 =	vld [tilespmem:$0xB90]  }
0x50: {  	v0 =	vadd.f32 v57, v0  }
0x51: {  	v60 =	vld [tilespmem:$0xBD0]  }
0x52: {  	v0 =	vadd.f32 v58, v0  }
0x53: {  	v61 =	vld [tilespmem:$0xC10]  }
0x54: {  	v0 =	vadd.f32 v59, v0  }
0x55: {  	v62 =	vld [tilespmem:$0xC50]  }
0x56: {  	v0 =	vadd.f32 v60, v0  }
0x57: {  	v63 =	vld [tilespmem:$0xC90]  }
0x58: {  	v0 =	vadd.f32 v61, v0  }
0x59: {  	v6 =	vld [tilespmem:$0xCD0]  }
0x5a: {  	v0 =	vadd.f32 v62, v0  }
0x5b: {  	v7 =	vld [tilespmem:$0xD10]  }
0x5c: {  	v0 =	vadd.f32 v63, v0  }
0x5d: {  	v8 =	vld [tilespmem:$0xD50]  }
0x5e: {  	v0 =	vadd.f32 v6, v0  }
0x5f: {  	v9 =	vld [tilespmem:$0xD90]  }
0x60: {  	v0 =	vadd.f32 v7, v0  }
0x61: {  	v10 =	vld [tilespmem:$0xDD0]  }
0x62: {  	v0 =	vadd.f32 v8, v0  }
0x63: {  	v11 =	vld [tilespmem:$0xE10]  }
0x64: {  	v0 =	vadd.f32 v9, v0  }
0x65: {  	v12 =	vld [tilespmem:$0xE50]  }
0x66: {  	v0 =	vadd.f32 v10, v0  }
0x67: {  	v13 =	vld [tilespmem:$0xE90]  }
0x68: {  	v0 =	vadd.f32 v11, v0  }
0x69: {  	v14 =	vld [tilespmem:$0xED0]  }
0x6a: {  	v0 =	vadd.f32 v12, v0;
	_ =	sdelay $0x1  }
0x6b: {  	v0 =	vadd.f32 v13, v0;
	_ =	sdelay $0x1  }
0x6c: {  	v0 =	vadd.f32 v14, v0;
	_ =	sdelay $0x1  }
0x6d: {  	v0 =	vmul.f32 $5.000000070e-02, v0;
	_ =	sdelay $0x1  }
0x6e: {  	[tilespmem:s16+$0xFFFFFF10] =	vst v0  }
0x6f: {  	v0 =	vld [tilespmem:$0xA20]  }
0x70: {  	v15 =	vld [tilespmem:$0xA60];
	_ =	sdelay $0x1  }
0x71: {  	v16 =	vld [tilespmem:$0xAA0];
	_ =	sdelay $0x1  }
0x72: {  	v17 =	vld [tilespmem:$0xAE0]  }
0x73: {  	v0 =	vadd.f32 v15, v0  }
0x74: {  	v18 =	vld [tilespmem:$0xB20]  }
0x75: {  	v0 =	vadd.f32 v16, v0  }
0x76: {  	v19 =	vld [tilespmem:$0xB60]  }
0x77: {  	v0 =	vadd.f32 v17, v0  }
0x78: {  	v20 =	vld [tilespmem:$0xBA0]  }
0x79: {  	v0 =	vadd.f32 v18, v0  }
0x7a: {  	v21 =	vld [tilespmem:$0xBE0]  }
0x7b: {  	v0 =	vadd.f32 v19, v0  }
0x7c: {  	v22 =	vld [tilespmem:$0xC20]  }
0x7d: {  	v0 =	vadd.f32 v20, v0  }
0x7e: {  	v23 =	vld [tilespmem:$0xC60]  }
0x7f: {  	v0 =	vadd.f32 v21, v0  }
0x80: {  	v24 =	vld [tilespmem:$0xCA0]  }
0x81: {  	v0 =	vadd.f32 v22, v0  }
0x82: {  	v25 =	vld [tilespmem:$0xCE0]  }
0x83: {  	v0 =	vadd.f32 v23, v0  }
0x84: {  	v26 =	vld [tilespmem:$0xD20]  }
0x85: {  	v0 =	vadd.f32 v24, v0  }
0x86: {  	v27 =	vld [tilespmem:$0xD60]  }
0x87: {  	v0 =	vadd.f32 v25, v0  }
0x88: {  	v28 =	vld [tilespmem:$0xDA0]  }
0x89: {  	v0 =	vadd.f32 v26, v0  }
0x8a: {  	v29 =	vld [tilespmem:$0xDE0]  }
0x8b: {  	v0 =	vadd.f32 v27, v0  }
0x8c: {  	v30 =	vld [tilespmem:$0xE20]  }
0x8d: {  	v0 =	vadd.f32 v28, v0  }
0x8e: {  	v31 =	vld [tilespmem:$0xE60]  }
0x8f: {  	v0 =	vadd.f32 v29, v0  }
0x90: {  	v32 =	vld [tilespmem:$0xEA0]  }
0x91: {  	v0 =	vadd.f32 v30, v0  }
0x92: {  	v33 =	vld [tilespmem:$0xEE0]  }
0x93: {  	v0 =	vadd.f32 v31, v0;
	_ =	sdelay $0x1  }
0x94: {  	v0 =	vadd.f32 v32, v0;
	_ =	sdelay $0x1  }
0x95: {  	v0 =	vadd.f32 v33, v0;
	_ =	sdelay $0x1  }
0x96: {  	v0 =	vmul.f32 $5.000000070e-02, v0;
	_ =	sdelay $0x1  }
0x97: {  	[tilespmem:s16+$0xFFFFFF20] =	vst v0  }
0x98: {  	v0 =	vld [tilespmem:$0xA30]  }
0x99: {  	v34 =	vld [tilespmem:$0xA70];
	_ =	sdelay $0x1  }
0x9a: {  	v35 =	vld [tilespmem:$0xAB0];
	_ =	sdelay $0x1  }
0x9b: {  	v36 =	vld [tilespmem:$0xAF0]  }
0x9c: {  	v0 =	vadd.f32 v34, v0  }
0x9d: {  	v37 =	vld [tilespmem:$0xB30]  }
0x9e: {  	v0 =	vadd.f32 v35, v0  }
0x9f: {  	v38 =	vld [tilespmem:$0xB70]  }
0xa0: {  	v0 =	vadd.f32 v36, v0  }
0xa1: {  	v39 =	vld [tilespmem:$0xBB0]  }
0xa2: {  	v0 =	vadd.f32 v37, v0  }
0xa3: {  	v40 =	vld [tilespmem:$0xBF0]  }
0xa4: {  	v0 =	vadd.f32 v38, v0  }
0xa5: {  	v41 =	vld [tilespmem:$0xC30]  }
0xa6: {  	v0 =	vadd.f32 v39, v0  }
0xa7: {  	v42 =	vld [tilespmem:$0xC70]  }
0xa8: {  	v0 =	vadd.f32 v40, v0  }
0xa9: {  	v43 =	vld [tilespmem:$0xCB0]  }
0xaa: {  	v0 =	vadd.f32 v41, v0  }
0xab: {  	v44 =	vld [tilespmem:$0xCF0]  }
0xac: {  	v0 =	vadd.f32 v42, v0  }
0xad: {  	v45 =	vld [tilespmem:$0xD30]  }
0xae: {  	v0 =	vadd.f32 v43, v0  }
0xaf: {  	v46 =	vld [tilespmem:$0xD70]  }
0xb0: {  	v0 =	vadd.f32 v44, v0  }
0xb1: {  	v47 =	vld [tilespmem:$0xDB0]  }
0xb2: {  	v0 =	vadd.f32 v45, v0  }
0xb3: {  	v48 =	vld [tilespmem:$0xDF0]  }
0xb4: {  	v0 =	vadd.f32 v46, v0  }
0xb5: {  	v49 =	vld [tilespmem:$0xE30]  }
0xb6: {  	v0 =	vadd.f32 v47, v0  }
0xb7: {  	v50 =	vld [tilespmem:$0xE70]  }
0xb8: {  	v0 =	vadd.f32 v48, v0  }
0xb9: {  	v51 =	vld [tilespmem:$0xEB0]  }
0xba: {  	v0 =	vadd.f32 v49, v0  }
0xbb: {  	v52 =	vld [tilespmem:$0xEF0]  }
0xbc: {  	v0 =	vadd.f32 v50, v0;
	_ =	sdelay $0x1  }
0xbd: {  	v0 =	vadd.f32 v51, v0;
	_ =	sdelay $0x1  }
0xbe: {  	v0 =	vadd.f32 v52, v0;
	_ =	sdelay $0x1  }
0xbf: {  	v0 =	vmul.f32 $5.000000070e-02, v0;
	_ =	sdelay $0x1  }
0xc0: {  	[tilespmem:s16+$0xFFFFFF30] =	vst v0  }
0xc1: {  	v0 =	vld [tilespmem:$0xF00]  }
0xc2: {  	v53 =	vld [tilespmem:$0xF40];
	_ =	sdelay $0x1  }
0xc3: {  	v54 =	vld [tilespmem:$0xF80];
	_ =	sdelay $0x1  }
0xc4: {  	v55 =	vld [tilespmem:$0xFC0]  }
0xc5: {  	v0 =	vadd.f32 v53, v0  }
0xc6: {  	v56 =	vld [tilespmem:$0x1000]  }
0xc7: {  	v0 =	vadd.f32 v54, v0  }
0xc8: {  	v57 =	vld [tilespmem:$0x1040]  }
0xc9: {  	v0 =	vadd.f32 v55, v0  }
0xca: {  	v58 =	vld [tilespmem:$0x1080]  }
0xcb: {  	v0 =	vadd.f32 v56, v0  }
0xcc: {  	v59 =	vld [tilespmem:$0x10C0]  }
0xcd: {  	v0 =	vadd.f32 v57, v0  }
0xce: {  	v60 =	vld [tilespmem:$0x1100]  }
0xcf: {  	v0 =	vadd.f32 v58, v0  }
0xd0: {  	v61 =	vld [tilespmem:$0x1140]  }
0xd1: {  	v0 =	vadd.f32 v59, v0  }
0xd2: {  	v62 =	vld [tilespmem:$0x1180]  }
0xd3: {  	v0 =	vadd.f32 v60, v0  }
0xd4: {  	v63 =	vld [tilespmem:$0x11C0]  }
0xd5: {  	v0 =	vadd.f32 v61, v0  }
0xd6: {  	v6 =	vld [tilespmem:$0x1200]  }
0xd7: {  	v0 =	vadd.f32 v62, v0  }
0xd8: {  	v7 =	vld [tilespmem:$0x1240]  }
0xd9: {  	v0 =	vadd.f32 v63, v0  }
0xda: {  	v8 =	vld [tilespmem:$0x1280]  }
0xdb: {  	v0 =	vadd.f32 v6, v0  }
0xdc: {  	v9 =	vld [tilespmem:$0x12C0]  }
0xdd: {  	v0 =	vadd.f32 v7, v0  }
0xde: {  	v10 =	vld [tilespmem:$0x1300]  }
0xdf: {  	v0 =	vadd.f32 v8, v0  }
0xe0: {  	v11 =	vld [tilespmem:$0x1340]  }
0xe1: {  	v0 =	vadd.f32 v9, v0  }
0xe2: {  	v12 =	vld [tilespmem:$0x1380]  }
0xe3: {  	v0 =	vadd.f32 v10, v0  }
0xe4: {  	v13 =	vld [tilespmem:$0x13C0]  }
0xe5: {  	v0 =	vadd.f32 v11, v0;
	_ =	sdelay $0x1  }
0xe6: {  	v0 =	vadd.f32 v12, v0;
	_ =	sdelay $0x1  }
0xe7: {  	v0 =	vadd.f32 v13, v0;
	_ =	sdelay $0x1  }
0xe8: {  	v0 =	vmul.f32 $5.000000070e-02, v0;
	_ =	sdelay $0x1  }
0xe9: {  	[tilespmem:s16+$0xFFFFFF40] =	vst v0  }
0xea: {  	v0 =	vld [tilespmem:$0xF10]  }
0xeb: {  	v14 =	vld [tilespmem:$0xF50];
	_ =	sdelay $0x1  }
0xec: {  	v15 =	vld [tilespmem:$0xF90];
	_ =	sdelay $0x1  }
0xed: {  	v16 =	vld [tilespmem:$0xFD0]  }
0xee: {  	v0 =	vadd.f32 v14, v0  }
0xef: {  	v17 =	vld [tilespmem:$0x1010]  }
0xf0: {  	v0 =	vadd.f32 v15, v0  }
0xf1: {  	v18 =	vld [tilespmem:$0x1050]  }
0xf2: {  	v0 =	vadd.f32 v16, v0  }
0xf3: {  	v19 =	vld [tilespmem:$0x1090]  }
0xf4: {  	v0 =	vadd.f32 v17, v0  }
0xf5: {  	v20 =	vld [tilespmem:$0x10D0]  }
0xf6: {  	v0 =	vadd.f32 v18, v0  }
0xf7: {  	v21 =	vld [tilespmem:$0x1110]  }
0xf8: {  	v0 =	vadd.f32 v19, v0  }
0xf9: {  	v22 =	vld [tilespmem:$0x1150]  }
0xfa: {  	v0 =	vadd.f32 v20, v0  }
0xfb: {  	v23 =	vld [tilespmem:$0x1190]  }
0xfc: {  	v0 =	vadd.f32 v21, v0  }
0xfd: {  	v24 =	vld [tilespmem:$0x11D0]  }
0xfe: {  	v0 =	vadd.f32 v22, v0  }
0xff: {  	v25 =	vld [tilespmem:$0x1210]  }
0x100: {  	v0 =	vadd.f32 v23, v0  }
0x101: {  	v26 =	vld [tilespmem:$0x1250]  }
0x102: {  	v0 =	vadd.f32 v24, v0  }
0x103: {  	v27 =	vld [tilespmem:$0x1290]  }
0x104: {  	v0 =	vadd.f32 v25, v0  }
0x105: {  	v28 =	vld [tilespmem:$0x12D0]  }
0x106: {  	v0 =	vadd.f32 v26, v0  }
0x107: {  	v29 =	vld [tilespmem:$0x1310]  }
0x108: {  	v0 =	vadd.f32 v27, v0  }
0x109: {  	v30 =	vld [tilespmem:$0x1350]  }
0x10a: {  	v0 =	vadd.f32 v28, v0  }
0x10b: {  	v31 =	vld [tilespmem:$0x1390]  }
0x10c: {  	v0 =	vadd.f32 v29, v0  }
0x10d: {  	v32 =	vld [tilespmem:$0x13D0]  }
0x10e: {  	v0 =	vadd.f32 v30, v0;
	_ =	sdelay $0x1  }
0x10f: {  	v0 =	vadd.f32 v31, v0;
	_ =	sdelay $0x1  }
0x110: {  	v0 =	vadd.f32 v32, v0;
	_ =	sdelay $0x1  }
0x111: {  	v0 =	vmul.f32 $5.000000070e-02, v0;
	_ =	sdelay $0x1  }
0x112: {  	[tilespmem:s16+$0xFFFFFF50] =	vst v0  }
0x113: {  	v0 =	vld [tilespmem:$0xF20]  }
0x114: {  	v33 =	vld [tilespmem:$0xF60];
	_ =	sdelay $0x1  }
0x115: {  	v34 =	vld [tilespmem:$0xFA0];
	_ =	sdelay $0x1  }
0x116: {  	v35 =	vld [tilespmem:$0xFE0]  }
0x117: {  	v0 =	vadd.f32 v33, v0  }
0x118: {  	v36 =	vld [tilespmem:$0x1020]  }
0x119: {  	v0 =	vadd.f32 v34, v0  }
0x11a: {  	v37 =	vld [tilespmem:$0x1060]  }
0x11b: {  	v0 =	vadd.f32 v35, v0  }
0x11c: {  	v38 =	vld [tilespmem:$0x10A0]  }
0x11d: {  	v0 =	vadd.f32 v36, v0  }
0x11e: {  	v39 =	vld [tilespmem:$0x10E0]  }
0x11f: {  	v0 =	vadd.f32 v37, v0  }
0x120: {  	v40 =	vld [tilespmem:$0x1120]  }
0x121: {  	v0 =	vadd.f32 v38, v0  }
0x122: {  	v41 =	vld [tilespmem:$0x1160]  }
0x123: {  	v0 =	vadd.f32 v39, v0  }
0x124: {  	v42 =	vld [tilespmem:$0x11A0]  }
0x125: {  	v0 =	vadd.f32 v40, v0  }
0x126: {  	v43 =	vld [tilespmem:$0x11E0]  }
0x127: {  	v0 =	vadd.f32 v41, v0  }
0x128: {  	v44 =	vld [tilespmem:$0x1220]  }
0x129: {  	v0 =	vadd.f32 v42, v0  }
0x12a: {  	v45 =	vld [tilespmem:$0x1260]  }
0x12b: {  	v0 =	vadd.f32 v43, v0  }
0x12c: {  	v46 =	vld [tilespmem:$0x12A0]  }
0x12d: {  	v0 =	vadd.f32 v44, v0  }
0x12e: {  	v47 =	vld [tilespmem:$0x12E0]  }
0x12f: {  	v0 =	vadd.f32 v45, v0  }
0x130: {  	v48 =	vld [tilespmem:$0x1320]  }
0x131: {  	v0 =	vadd.f32 v46, v0  }
0x132: {  	v49 =	vld [tilespmem:$0x1360]  }
0x133: {  	v0 =	vadd.f32 v47, v0  }
0x134: {  	v50 =	vld [tilespmem:$0x13A0]  }
0x135: {  	v0 =	vadd.f32 v48, v0  }
0x136: {  	v51 =	vld [tilespmem:$0x13E0]  }
0x137: {  	v0 =	vadd.f32 v49, v0;
	_ =	sdelay $0x1  }
0x138: {  	v0 =	vadd.f32 v50, v0;
	_ =	sdelay $0x1  }
0x139: {  	v0 =	vadd.f32 v51, v0;
	_ =	sdelay $0x1  }
0x13a: {  	v0 =	vmul.f32 $5.000000070e-02, v0;
	_ =	sdelay $0x1  }
0x13b: {  	[tilespmem:s16+$0xFFFFFF60] =	vst v0  }
0x13c: {  	v0 =	vld [tilespmem:$0xF30]  }
0x13d: {  	v52 =	vld [tilespmem:$0xF70];
	_ =	sdelay $0x1  }
0x13e: {  	v53 =	vld [tilespmem:$0xFB0];
	_ =	sdelay $0x1  }
0x13f: {  	v54 =	vld [tilespmem:$0xFF0]  }
0x140: {  	v0 =	vadd.f32 v52, v0  }
0x141: {  	v55 =	vld [tilespmem:$0x1030]  }
0x142: {  	v0 =	vadd.f32 v53, v0  }
0x143: {  	v56 =	vld [tilespmem:$0x1070]  }
0x144: {  	v0 =	vadd.f32 v54, v0  }
0x145: {  	v57 =	vld [tilespmem:$0x10B0]  }
0x146: {  	v0 =	vadd.f32 v55, v0  }
0x147: {  	v58 =	vld [tilespmem:$0x10F0]  }
0x148: {  	v0 =	vadd.f32 v56, v0  }
0x149: {  	v59 =	vld [tilespmem:$0x1130]  }
0x14a: {  	v0 =	vadd.f32 v57, v0  }
0x14b: {  	v60 =	vld [tilespmem:$0x1170]  }
0x14c: {  	v0 =	vadd.f32 v58, v0  }
0x14d: {  	v61 =	vld [tilespmem:$0x11B0]  }
0x14e: {  	v0 =	vadd.f32 v59, v0  }
0x14f: {  	v62 =	vld [tilespmem:$0x11F0]  }
0x150: {  	v0 =	vadd.f32 v60, v0  }
0x151: {  	v63 =	vld [tilespmem:$0x1230]  }
0x152: {  	v0 =	vadd.f32 v61, v0  }
0x153: {  	v6 =	vld [tilespmem:$0x1270]  }
0x154: {  	v0 =	vadd.f32 v62, v0  }
0x155: {  	v7 =	vld [tilespmem:$0x12B0]  }
0x156: {  	v0 =	vadd.f32 v63, v0  }
0x157: {  	v8 =	vld [tilespmem:$0x12F0]  }
0x158: {  	v0 =	vadd.f32 v6, v0  }
0x159: {  	v9 =	vld [tilespmem:$0x1330]  }
0x15a: {  	v0 =	vadd.f32 v7, v0  }
0x15b: {  	v10 =	vld [tilespmem:$0x1370]  }
0x15c: {  	v0 =	vadd.f32 v8, v0  }
0x15d: {  	v11 =	vld [tilespmem:$0x13B0]  }
0x15e: {  	v0 =	vadd.f32 v9, v0  }
0x15f: {  	v12 =	vld [tilespmem:$0x13F0]  }
0x160: {  	v0 =	vadd.f32 v10, v0;
	_ =	sdelay $0x1  }
0x161: {  	v0 =	vadd.f32 v11, v0;
	_ =	sdelay $0x1  }
0x162: {  	v0 =	vadd.f32 v12, v0;
	_ =	sdelay $0x1  }
0x163: {  	v0 =	vmul.f32 $5.000000070e-02, v0;
	_ =	sdelay $0x1  }
0x164: {  	[tilespmem:s16+$0xFFFFFF70] =	vst v0  }
0x165: {  	v0 =	vld [tilespmem:$0x1400]  }
0x166: {  	v13 =	vld [tilespmem:$0x1440];
	_ =	sdelay $0x1  }
0x167: {  	v14 =	vld [tilespmem:$0x1480];
	_ =	sdelay $0x1  }
0x168: {  	v15 =	vld [tilespmem:$0x14C0]  }
0x169: {  	v0 =	vadd.f32 v13, v0  }
0x16a: {  	v16 =	vld [tilespmem:$0x1500]  }
0x16b: {  	v0 =	vadd.f32 v14, v0  }
0x16c: {  	v17 =	vld [tilespmem:$0x1540]  }
0x16d: {  	v0 =	vadd.f32 v15, v0  }
0x16e: {  	v18 =	vld [tilespmem:$0x1580]  }
0x16f: {  	v0 =	vadd.f32 v16, v0  }
0x170: {  	v19 =	vld [tilespmem:$0x15C0]  }
0x171: {  	v0 =	vadd.f32 v17, v0  }
0x172: {  	v20 =	vld [tilespmem:$0x1600]  }
0x173: {  	v0 =	vadd.f32 v18, v0  }
0x174: {  	v21 =	vld [tilespmem:$0x1640]  }
0x175: {  	v0 =	vadd.f32 v19, v0  }
0x176: {  	v22 =	vld [tilespmem:$0x1680]  }
0x177: {  	v0 =	vadd.f32 v20, v0  }
0x178: {  	v23 =	vld [tilespmem:$0x16C0]  }
0x179: {  	v0 =	vadd.f32 v21, v0  }
0x17a: {  	v24 =	vld [tilespmem:$0x1700]  }
0x17b: {  	v0 =	vadd.f32 v22, v0  }
0x17c: {  	v25 =	vld [tilespmem:$0x1740]  }
0x17d: {  	v0 =	vadd.f32 v23, v0  }
0x17e: {  	v26 =	vld [tilespmem:$0x1780]  }
0x17f: {  	v0 =	vadd.f32 v24, v0  }
0x180: {  	v27 =	vld [tilespmem:$0x17C0]  }
0x181: {  	v0 =	vadd.f32 v25, v0  }
0x182: {  	v28 =	vld [tilespmem:$0x1800]  }
0x183: {  	v0 =	vadd.f32 v26, v0  }
0x184: {  	v29 =	vld [tilespmem:$0x1840]  }
0x185: {  	v0 =	vadd.f32 v27, v0  }
0x186: {  	v30 =	vld [tilespmem:$0x1880]  }
0x187: {  	v0 =	vadd.f32 v28, v0  }
0x188: {  	v31 =	vld [tilespmem:$0x18C0]  }
0x189: {  	v0 =	vadd.f32 v29, v0;
	_ =	sdelay $0x1  }
0x18a: {  	v0 =	vadd.f32 v30, v0;
	_ =	sdelay $0x1  }
0x18b: {  	v0 =	vadd.f32 v31, v0;
	_ =	sdelay $0x1  }
0x18c: {  	v0 =	vmul.f32 $5.000000070e-02, v0;
	_ =	sdelay $0x1  }
0x18d: {  	[tilespmem:s16+$0xFFFFFF80] =	vst v0  }
0x18e: {  	v0 =	vld [tilespmem:$0x1410]  }
0x18f: {  	v32 =	vld [tilespmem:$0x1450];
	_ =	sdelay $0x1  }
0x190: {  	v33 =	vld [tilespmem:$0x1490];
	_ =	sdelay $0x1  }
0x191: {  	v34 =	vld [tilespmem:$0x14D0]  }
0x192: {  	v0 =	vadd.f32 v32, v0  }
0x193: {  	v35 =	vld [tilespmem:$0x1510]  }
0x194: {  	v0 =	vadd.f32 v33, v0  }
0x195: {  	v36 =	vld [tilespmem:$0x1550]  }
0x196: {  	v0 =	vadd.f32 v34, v0  }
0x197: {  	v37 =	vld [tilespmem:$0x1590]  }
0x198: {  	v0 =	vadd.f32 v35, v0  }
0x199: {  	v38 =	vld [tilespmem:$0x15D0]  }
0x19a: {  	v0 =	vadd.f32 v36, v0  }
0x19b: {  	v39 =	vld [tilespmem:$0x1610]  }
0x19c: {  	v0 =	vadd.f32 v37, v0  }
0x19d: {  	v40 =	vld [tilespmem:$0x1650]  }
0x19e: {  	v0 =	vadd.f32 v38, v0  }
0x19f: {  	v41 =	vld [tilespmem:$0x1690]  }
0x1a0: {  	v0 =	vadd.f32 v39, v0  }
0x1a1: {  	v42 =	vld [tilespmem:$0x16D0]  }
0x1a2: {  	v0 =	vadd.f32 v40, v0  }
0x1a3: {  	v43 =	vld [tilespmem:$0x1710]  }
0x1a4: {  	v0 =	vadd.f32 v41, v0  }
0x1a5: {  	v44 =	vld [tilespmem:$0x1750]  }
0x1a6: {  	v0 =	vadd.f32 v42, v0  }
0x1a7: {  	v45 =	vld [tilespmem:$0x1790]  }
0x1a8: {  	v0 =	vadd.f32 v43, v0  }
0x1a9: {  	v46 =	vld [tilespmem:$0x17D0]  }
0x1aa: {  	v0 =	vadd.f32 v44, v0  }
0x1ab: {  	v47 =	vld [tilespmem:$0x1810]  }
0x1ac: {  	v0 =	vadd.f32 v45, v0  }
0x1ad: {  	v48 =	vld [tilespmem:$0x1850]  }
0x1ae: {  	v0 =	vadd.f32 v46, v0  }
0x1af: {  	v49 =	vld [tilespmem:$0x1890]  }
0x1b0: {  	v0 =	vadd.f32 v47, v0  }
0x1b1: {  	v50 =	vld [tilespmem:$0x18D0]  }
0x1b2: {  	v0 =	vadd.f32 v48, v0;
	_ =	sdelay $0x1  }
0x1b3: {  	v0 =	vadd.f32 v49, v0;
	_ =	sdelay $0x1  }
0x1b4: {  	v0 =	vadd.f32 v50, v0;
	_ =	sdelay $0x1  }
0x1b5: {  	v0 =	vmul.f32 $5.000000070e-02, v0;
	_ =	sdelay $0x1  }
0x1b6: {  	[tilespmem:s16+$0xFFFFFF90] =	vst v0  }
0x1b7: {  	v0 =	vld [tilespmem:$0x1420]  }
0x1b8: {  	v51 =	vld [tilespmem:$0x1460];
	_ =	sdelay $0x1  }
0x1b9: {  	v52 =	vld [tilespmem:$0x14A0];
	_ =	sdelay $0x1  }
0x1ba: {  	v53 =	vld [tilespmem:$0x14E0]  }
0x1bb: {  	v0 =	vadd.f32 v51, v0  }
0x1bc: {  	v54 =	vld [tilespmem:$0x1520]  }
0x1bd: {  	v0 =	vadd.f32 v52, v0  }
0x1be: {  	v55 =	vld [tilespmem:$0x1560]  }
0x1bf: {  	v0 =	vadd.f32 v53, v0  }
0x1c0: {  	v56 =	vld [tilespmem:$0x15A0]  }
0x1c1: {  	v0 =	vadd.f32 v54, v0  }
0x1c2: {  	v57 =	vld [tilespmem:$0x15E0]  }
0x1c3: {  	v0 =	vadd.f32 v55, v0  }
0x1c4: {  	v58 =	vld [tilespmem:$0x1620]  }
0x1c5: {  	v0 =	vadd.f32 v56, v0  }
0x1c6: {  	v59 =	vld [tilespmem:$0x1660]  }
0x1c7: {  	v0 =	vadd.f32 v57, v0  }
0x1c8: {  	v60 =	vld [tilespmem:$0x16A0]  }
0x1c9: {  	v0 =	vadd.f32 v58, v0  }
0x1ca: {  	v61 =	vld [tilespmem:$0x16E0]  }
0x1cb: {  	v0 =	vadd.f32 v59, v0  }
0x1cc: {  	v62 =	vld [tilespmem:$0x1720]  }
0x1cd: {  	v0 =	vadd.f32 v60, v0  }
0x1ce: {  	v63 =	vld [tilespmem:$0x1760]  }
0x1cf: {  	v0 =	vadd.f32 v61, v0  }
0x1d0: {  	v6 =	vld [tilespmem:$0x17A0]  }
0x1d1: {  	v0 =	vadd.f32 v62, v0  }
0x1d2: {  	v7 =	vld [tilespmem:$0x17E0]  }
0x1d3: {  	v0 =	vadd.f32 v63, v0  }
0x1d4: {  	v8 =	vld [tilespmem:$0x1820]  }
0x1d5: {  	v0 =	vadd.f32 v6, v0  }
0x1d6: {  	v9 =	vld [tilespmem:$0x1860]  }
0x1d7: {  	v0 =	vadd.f32 v7, v0  }
0x1d8: {  	v10 =	vld [tilespmem:$0x18A0]  }
0x1d9: {  	v0 =	vadd.f32 v8, v0  }
0x1da: {  	v11 =	vld [tilespmem:$0x18E0]  }
0x1db: {  	v0 =	vadd.f32 v9, v0;
	_ =	sdelay $0x1  }
0x1dc: {  	v0 =	vadd.f32 v10, v0;
	_ =	sdelay $0x1  }
0x1dd: {  	v0 =	vadd.f32 v11, v0;
	_ =	sdelay $0x1  }
0x1de: {  	v0 =	vmul.f32 $5.000000070e-02, v0;
	_ =	sdelay $0x1  }
0x1df: {  	[tilespmem:s16+$0xFFFFFFA0] =	vst v0  }
0x1e0: {  	v0 =	vld [tilespmem:$0x1430]  }
0x1e1: {  	v12 =	vld [tilespmem:$0x1470];
	_ =	sdelay $0x1  }
0x1e2: {  	v13 =	vld [tilespmem:$0x14B0];
	_ =	sdelay $0x1  }
0x1e3: {  	v14 =	vld [tilespmem:$0x14F0]  }
0x1e4: {  	v0 =	vadd.f32 v12, v0  }
0x1e5: {  	v15 =	vld [tilespmem:$0x1530]  }
0x1e6: {  	v0 =	vadd.f32 v13, v0  }
0x1e7: {  	v16 =	vld [tilespmem:$0x1570]  }
0x1e8: {  	v0 =	vadd.f32 v14, v0  }
0x1e9: {  	v17 =	vld [tilespmem:$0x15B0]  }
0x1ea: {  	v0 =	vadd.f32 v15, v0  }
0x1eb: {  	v18 =	vld [tilespmem:$0x15F0]  }
0x1ec: {  	v0 =	vadd.f32 v16, v0  }
0x1ed: {  	v19 =	vld [tilespmem:$0x1630]  }
0x1ee: {  	v0 =	vadd.f32 v17, v0  }
0x1ef: {  	v20 =	vld [tilespmem:$0x1670]  }
0x1f0: {  	v0 =	vadd.f32 v18, v0  }
0x1f1: {  	v21 =	vld [tilespmem:$0x16B0]  }
0x1f2: {  	v0 =	vadd.f32 v19, v0  }
0x1f3: {  	v22 =	vld [tilespmem:$0x16F0]  }
0x1f4: {  	v0 =	vadd.f32 v20, v0  }
0x1f5: {  	v23 =	vld [tilespmem:$0x1730]  }
0x1f6: {  	v0 =	vadd.f32 v21, v0  }
0x1f7: {  	v24 =	vld [tilespmem:$0x1770]  }
0x1f8: {  	v0 =	vadd.f32 v22, v0  }
0x1f9: {  	v25 =	vld [tilespmem:$0x17B0]  }
0x1fa: {  	v0 =	vadd.f32 v23, v0  }
0x1fb: {  	v26 =	vld [tilespmem:$0x17F0]  }
0x1fc: {  	v0 =	vadd.f32 v24, v0  }
0x1fd: {  	v27 =	vld [tilespmem:$0x1830]  }
0x1fe: {  	v0 =	vadd.f32 v25, v0  }
0x1ff: {  	v28 =	vld [tilespmem:$0x1870]  }
0x200: {  	v0 =	vadd.f32 v26, v0  }
0x201: {  	v29 =	vld [tilespmem:$0x18B0]  }
0x202: {  	v0 =	vadd.f32 v27, v0  }
0x203: {  	v30 =	vld [tilespmem:$0x18F0]  }
0x204: {  	v0 =	vadd.f32 v28, v0;
	_ =	sdelay $0x1  }
0x205: {  	v0 =	vadd.f32 v29, v0;
	_ =	sdelay $0x1  }
0x206: {  	v0 =	vadd.f32 v30, v0;
	_ =	sdelay $0x1  }
0x207: {  	v0 =	vmul.f32 $5.000000070e-02, v0;
	_ =	sdelay $0x1  }
0x208: {  	[tilespmem:s16+$0xFFFFFFB0] =	vst v0  }
0x209: {  	v0 =	vld [tilespmem:$0x1900]  }
0x20a: {  	v31 =	vld [tilespmem:$0x1940];
	_ =	sdelay $0x1  }
0x20b: {  	v32 =	vld [tilespmem:$0x1980];
	_ =	sdelay $0x1  }
0x20c: {  	v33 =	vld [tilespmem:$0x19C0]  }
0x20d: {  	v0 =	vadd.f32 v31, v0  }
0x20e: {  	v34 =	vld [tilespmem:$0x1A00]  }
0x20f: {  	v0 =	vadd.f32 v32, v0  }
0x210: {  	v35 =	vld [tilespmem:$0x1A40]  }
0x211: {  	v0 =	vadd.f32 v33, v0  }
0x212: {  	v36 =	vld [tilespmem:$0x1A80]  }
0x213: {  	v0 =	vadd.f32 v34, v0  }
0x214: {  	v37 =	vld [tilespmem:$0x1AC0]  }
0x215: {  	v0 =	vadd.f32 v35, v0  }
0x216: {  	v38 =	vld [tilespmem:$0x1B00]  }
0x217: {  	v0 =	vadd.f32 v36, v0  }
0x218: {  	v39 =	vld [tilespmem:$0x1B40]  }
0x219: {  	v0 =	vadd.f32 v37, v0  }
0x21a: {  	v40 =	vld [tilespmem:$0x1B80]  }
0x21b: {  	v0 =	vadd.f32 v38, v0  }
0x21c: {  	v41 =	vld [tilespmem:$0x1BC0]  }
0x21d: {  	v0 =	vadd.f32 v39, v0  }
0x21e: {  	v42 =	vld [tilespmem:$0x1C00]  }
0x21f: {  	v0 =	vadd.f32 v40, v0  }
0x220: {  	v43 =	vld [tilespmem:$0x1C40]  }
0x221: {  	v0 =	vadd.f32 v41, v0  }
0x222: {  	v44 =	vld [tilespmem:$0x1C80]  }
0x223: {  	v0 =	vadd.f32 v42, v0  }
0x224: {  	v45 =	vld [tilespmem:$0x1CC0]  }
0x225: {  	v0 =	vadd.f32 v43, v0  }
0x226: {  	v46 =	vld [tilespmem:$0x1D00]  }
0x227: {  	v0 =	vadd.f32 v44, v0  }
0x228: {  	v47 =	vld [tilespmem:$0x1D40]  }
0x229: {  	v0 =	vadd.f32 v45, v0  }
0x22a: {  	v48 =	vld [tilespmem:$0x1D80]  }
0x22b: {  	v0 =	vadd.f32 v46, v0  }
0x22c: {  	v49 =	vld [tilespmem:$0x1DC0]  }
0x22d: {  	v0 =	vadd.f32 v47, v0;
	_ =	sdelay $0x1  }
0x22e: {  	v0 =	vadd.f32 v48, v0;
	_ =	sdelay $0x1  }
0x22f: {  	v0 =	vadd.f32 v49, v0;
	_ =	sdelay $0x1  }
0x230: {  	v0 =	vmul.f32 $5.000000070e-02, v0;
	_ =	sdelay $0x1  }
0x231: {  	[tilespmem:s16+$0xFFFFFFC0] =	vst v0  }
0x232: {  	v0 =	vld [tilespmem:$0x1910]  }
0x233: {  	v50 =	vld [tilespmem:$0x1950];
	_ =	sdelay $0x1  }
0x234: {  	v51 =	vld [tilespmem:$0x1990];
	_ =	sdelay $0x1  }
0x235: {  	v52 =	vld [tilespmem:$0x19D0]  }
0x236: {  	v0 =	vadd.f32 v50, v0  }
0x237: {  	v53 =	vld [tilespmem:$0x1A10]  }
0x238: {  	v0 =	vadd.f32 v51, v0  }
0x239: {  	v54 =	vld [tilespmem:$0x1A50]  }
0x23a: {  	v0 =	vadd.f32 v52, v0  }
0x23b: {  	v55 =	vld [tilespmem:$0x1A90]  }
0x23c: {  	v0 =	vadd.f32 v53, v0  }
0x23d: {  	v56 =	vld [tilespmem:$0x1AD0]  }
0x23e: {  	v0 =	vadd.f32 v54, v0  }
0x23f: {  	v57 =	vld [tilespmem:$0x1B10]  }
0x240: {  	v0 =	vadd.f32 v55, v0  }
0x241: {  	v58 =	vld [tilespmem:$0x1B50]  }
0x242: {  	v0 =	vadd.f32 v56, v0  }
0x243: {  	v59 =	vld [tilespmem:$0x1B90]  }
0x244: {  	v0 =	vadd.f32 v57, v0  }
0x245: {  	v60 =	vld [tilespmem:$0x1BD0]  }
0x246: {  	v0 =	vadd.f32 v58, v0  }
0x247: {  	v61 =	vld [tilespmem:$0x1C10]  }
0x248: {  	v0 =	vadd.f32 v59, v0  }
0x249: {  	v62 =	vld [tilespmem:$0x1C50]  }
0x24a: {  	v0 =	vadd.f32 v60, v0  }
0x24b: {  	v63 =	vld [tilespmem:$0x1C90]  }
0x24c: {  	v0 =	vadd.f32 v61, v0  }
0x24d: {  	v6 =	vld [tilespmem:$0x1CD0]  }
0x24e: {  	v0 =	vadd.f32 v62, v0  }
0x24f: {  	v7 =	vld [tilespmem:$0x1D10]  }
0x250: {  	v0 =	vadd.f32 v63, v0  }
0x251: {  	v8 =	vld [tilespmem:$0x1D50]  }
0x252: {  	v0 =	vadd.f32 v6, v0  }
0x253: {  	v9 =	vld [tilespmem:$0x1D90]  }
0x254: {  	v0 =	vadd.f32 v7, v0  }
0x255: {  	v10 =	vld [tilespmem:$0x1DD0]  }
0x256: {  	v0 =	vadd.f32 v8, v0;
	_ =	sdelay $0x1  }
0x257: {  	v0 =	vadd.f32 v9, v0;
	_ =	sdelay $0x1  }
0x258: {  	v0 =	vadd.f32 v10, v0;
	_ =	sdelay $0x1  }
0x259: {  	v0 =	vmul.f32 $5.000000070e-02, v0;
	_ =	sdelay $0x1  }
0x25a: {  	[tilespmem:s16+$0xFFFFFFD0] =	vst v0  }
0x25b: {  	v0 =	vld [tilespmem:$0x1920]  }
0x25c: {  	v11 =	vld [tilespmem:$0x1960];
	_ =	sdelay $0x1  }
0x25d: {  	v12 =	vld [tilespmem:$0x19A0];
	_ =	sdelay $0x1  }
0x25e: {  	v13 =	vld [tilespmem:$0x19E0]  }
0x25f: {  	v0 =	vadd.f32 v11, v0  }
0x260: {  	v14 =	vld [tilespmem:$0x1A20]  }
0x261: {  	v0 =	vadd.f32 v12, v0  }
0x262: {  	v15 =	vld [tilespmem:$0x1A60]  }
0x263: {  	v0 =	vadd.f32 v13, v0  }
0x264: {  	v16 =	vld [tilespmem:$0x1AA0]  }
0x265: {  	v0 =	vadd.f32 v14, v0  }
0x266: {  	v17 =	vld [tilespmem:$0x1AE0]  }
0x267: {  	v0 =	vadd.f32 v15, v0  }
0x268: {  	v18 =	vld [tilespmem:$0x1B20]  }
0x269: {  	v0 =	vadd.f32 v16, v0  }
0x26a: {  	v19 =	vld [tilespmem:$0x1B60]  }
0x26b: {  	v0 =	vadd.f32 v17, v0  }
0x26c: {  	v20 =	vld [tilespmem:$0x1BA0]  }
0x26d: {  	v0 =	vadd.f32 v18, v0  }
0x26e: {  	v21 =	vld [tilespmem:$0x1BE0]  }
0x26f: {  	v0 =	vadd.f32 v19, v0  }
0x270: {  	v22 =	vld [tilespmem:$0x1C20]  }
0x271: {  	v0 =	vadd.f32 v20, v0  }
0x272: {  	v23 =	vld [tilespmem:$0x1C60]  }
0x273: {  	v0 =	vadd.f32 v21, v0  }
0x274: {  	v24 =	vld [tilespmem:$0x1CA0]  }
0x275: {  	v0 =	vadd.f32 v22, v0  }
0x276: {  	v25 =	vld [tilespmem:$0x1CE0]  }
0x277: {  	v0 =	vadd.f32 v23, v0  }
0x278: {  	v26 =	vld [tilespmem:$0x1D20]  }
0x279: {  	v0 =	vadd.f32 v24, v0  }
0x27a: {  	v27 =	vld [tilespmem:$0x1D60]  }
0x27b: {  	v0 =	vadd.f32 v25, v0  }
0x27c: {  	v28 =	vld [tilespmem:$0x1DA0]  }
0x27d: {  	v0 =	vadd.f32 v26, v0  }
0x27e: {  	v29 =	vld [tilespmem:$0x1DE0]  }
0x27f: {  	v0 =	vadd.f32 v27, v0;
	_ =	sdelay $0x1  }
0x280: {  	v0 =	vadd.f32 v28, v0;
	_ =	sdelay $0x1  }
0x281: {  	v0 =	vadd.f32 v29, v0;
	_ =	sdelay $0x1  }
0x282: {  	v0 =	vmul.f32 $5.000000070e-02, v0;
	_ =	sdelay $0x1  }
0x283: {  	[tilespmem:s16+$0xFFFFFFE0] =	vst v0  }
0x284: {  	v0 =	vld [tilespmem:$0x1930]  }
0x285: {  	v30 =	vld [tilespmem:$0x1970];
	_ =	sdelay $0x1  }
0x286: {  	v31 =	vld [tilespmem:$0x19B0];
	_ =	sdelay $0x1  }
0x287: {  	v32 =	vld [tilespmem:$0x19F0]  }
0x288: {  	v0 =	vadd.f32 v30, v0  }
0x289: {  	v33 =	vld [tilespmem:$0x1A30]  }
0x28a: {  	v0 =	vadd.f32 v31, v0  }
0x28b: {  	v34 =	vld [tilespmem:$0x1A70]  }
0x28c: {  	v0 =	vadd.f32 v32, v0  }
0x28d: {  	v35 =	vld [tilespmem:$0x1AB0]  }
0x28e: {  	v0 =	vadd.f32 v33, v0  }
0x28f: {  	v36 =	vld [tilespmem:$0x1AF0]  }
0x290: {  	v0 =	vadd.f32 v34, v0  }
0x291: {  	v37 =	vld [tilespmem:$0x1B30]  }
0x292: {  	v0 =	vadd.f32 v35, v0  }
0x293: {  	v38 =	vld [tilespmem:$0x1B70]  }
0x294: {  	v0 =	vadd.f32 v36, v0  }
0x295: {  	v39 =	vld [tilespmem:$0x1BB0]  }
0x296: {  	v0 =	vadd.f32 v37, v0  }
0x297: {  	v40 =	vld [tilespmem:$0x1BF0]  }
0x298: {  	v0 =	vadd.f32 v38, v0  }
0x299: {  	v41 =	vld [tilespmem:$0x1C30]  }
0x29a: {  	v0 =	vadd.f32 v39, v0  }
0x29b: {  	v42 =	vld [tilespmem:$0x1C70]  }
0x29c: {  	v0 =	vadd.f32 v40, v0  }
0x29d: {  	v43 =	vld [tilespmem:$0x1CB0]  }
0x29e: {  	v0 =	vadd.f32 v41, v0  }
0x29f: {  	v44 =	vld [tilespmem:$0x1CF0]  }
0x2a0: {  	v0 =	vadd.f32 v42, v0  }
0x2a1: {  	v45 =	vld [tilespmem:$0x1D30]  }
0x2a2: {  	v0 =	vadd.f32 v43, v0  }
0x2a3: {  	v46 =	vld [tilespmem:$0x1D70]  }
0x2a4: {  	v0 =	vadd.f32 v44, v0  }
0x2a5: {  	v47 =	vld [tilespmem:$0x1DB0]  }
0x2a6: {  	v0 =	vadd.f32 v45, v0  }
0x2a7: {  	v48 =	vld [tilespmem:$0x1DF0]  }
0x2a8: {  	v0 =	vadd.f32 v46, v0;
	_ =	sdelay $0x1  }
0x2a9: {  	v0 =	vadd.f32 v47, v0;
	_ =	sdelay $0x1  }
0x2aa: {  	v0 =	vadd.f32 v48, v0;
	_ =	sdelay $0x1  }
0x2ab: {  	p0 =	seq.s32 s15, $0x0;
	v0 =	vmul.f32 $5.000000070e-02, v0  }
0x2ac: {  	s17 =	sshra.s32 @!p0 s15, $0x2  }
0x2ad: {  	s18 =	simm.s32 @!p0 $0x50;
	s19 =	simm.s32 @!p0 $0xA00;
	s17 =	sadd.s32 @!p0 $0xA00, s17;
	[tilespmem:s16+$0xFFFFFFF0] =	vst v0  }
0x2ae: {  	[tilespmem:s19], [sflag:$0x1] =	stream.indirect.gather @!p0 [hbm4b:s3+s18], $0x40, s17, s18, $0xb8;
	[tilespmem:$0x5200] =	vst v63  }
0x2af: {  	_ =	swait.ge [sflag:s12], $0x1400  }
0x2b0: {  	[sflag:s12] =	ssyncset.done $0x0  }
0x2b1: {  	[sflag:s12] =	ssyncadd.s32 $0xFFFFEC00  }
0x2b2: {  	v49 =	vld [tilespmem:$0x1E00]  }
0x2b3: {  	v50 =	vld [tilespmem:$0x1E40];
	_ =	sdelay $0x1  }
0x2b4: {  	v51 =	vld [tilespmem:$0x1E80];
	_ =	sdelay $0x1  }
0x2b5: {  	v52 =	vld [tilespmem:$0x1EC0]  }
0x2b6: {  	v0 =	vadd.f32 v50, v49  }
0x2b7: {  	v53 =	vld [tilespmem:$0x1F00]  }
0x2b8: {  	v0 =	vadd.f32 v51, v0  }
0x2b9: {  	v54 =	vld [tilespmem:$0x1F40]  }
0x2ba: {  	v0 =	vadd.f32 v52, v0  }
0x2bb: {  	v55 =	vld [tilespmem:$0x1F80]  }
0x2bc: {  	v0 =	vadd.f32 v53, v0  }
0x2bd: {  	v56 =	vld [tilespmem:$0x1FC0]  }
0x2be: {  	v0 =	vadd.f32 v54, v0  }
0x2bf: {  	v57 =	vld [tilespmem:$0x2000]  }
0x2c0: {  	v0 =	vadd.f32 v55, v0  }
0x2c1: {  	v58 =	vld [tilespmem:$0x2040]  }
0x2c2: {  	v0 =	vadd.f32 v56, v0  }
0x2c3: {  	v59 =	vld [tilespmem:$0x2080]  }
0x2c4: {  	v0 =	vadd.f32 v57, v0  }
0x2c5: {  	v60 =	vld [tilespmem:$0x20C0]  }
0x2c6: {  	v0 =	vadd.f32 v58, v0  }
0x2c7: {  	v61 =	vld [tilespmem:$0x2100]  }
0x2c8: {  	v0 =	vadd.f32 v59, v0  }
0x2c9: {  	v62 =	vld [tilespmem:$0x2140]  }
0x2ca: {  	v0 =	vadd.f32 v60, v0  }
0x2cb: {  	v63 =	vld [tilespmem:$0x2180]  }
0x2cc: {  	v0 =	vadd.f32 v61, v0  }
0x2cd: {  	v6 =	vld [tilespmem:$0x21C0]  }
0x2ce: {  	v0 =	vadd.f32 v62, v0  }
0x2cf: {  	v7 =	vld [tilespmem:$0x2200]  }
0x2d0: {  	v0 =	vadd.f32 v63, v0  }
0x2d1: {  	v8 =	vld [tilespmem:$0x2240]  }
0x2d2: {  	v0 =	vadd.f32 v6, v0  }
0x2d3: {  	v9 =	vld [tilespmem:$0x2280]  }
0x2d4: {  	v0 =	vadd.f32 v7, v0  }
0x2d5: {  	v10 =	vld [tilespmem:$0x22C0]  }
0x2d6: {  	v0 =	vadd.f32 v8, v0;
	_ =	sdelay $0x1  }
0x2d7: {  	v0 =	vadd.f32 v9, v0;
	_ =	sdelay $0x1  }
0x2d8: {  	v0 =	vadd.f32 v10, v0;
	_ =	sdelay $0x1  }
0x2d9: {  	v0 =	vmul.f32 $5.000000070e-02, v0;
	_ =	sdelay $0x1  }
0x2da: {  	[tilespmem:s16+$0x0] =	vst v0  }
0x2db: {  	v0 =	vld [tilespmem:$0x1E10]  }
0x2dc: {  	v11 =	vld [tilespmem:$0x1E50];
	_ =	sdelay $0x1  }
0x2dd: {  	v12 =	vld [tilespmem:$0x1E90];
	_ =	sdelay $0x1  }
0x2de: {  	v13 =	vld [tilespmem:$0x1ED0]  }
0x2df: {  	v0 =	vadd.f32 v11, v0  }
0x2e0: {  	v14 =	vld [tilespmem:$0x1F10]  }
0x2e1: {  	v0 =	vadd.f32 v12, v0  }
0x2e2: {  	v15 =	vld [tilespmem:$0x1F50]  }
0x2e3: {  	v0 =	vadd.f32 v13, v0  }
0x2e4: {  	v16 =	vld [tilespmem:$0x1F90]  }
0x2e5: {  	v0 =	vadd.f32 v14, v0  }
0x2e6: {  	v17 =	vld [tilespmem:$0x1FD0]  }
0x2e7: {  	v0 =	vadd.f32 v15, v0  }
0x2e8: {  	v18 =	vld [tilespmem:$0x2010]  }
0x2e9: {  	v0 =	vadd.f32 v16, v0  }
0x2ea: {  	v19 =	vld [tilespmem:$0x2050]  }
0x2eb: {  	v0 =	vadd.f32 v17, v0  }
0x2ec: {  	v20 =	vld [tilespmem:$0x2090]  }
0x2ed: {  	v0 =	vadd.f32 v18, v0  }
0x2ee: {  	v21 =	vld [tilespmem:$0x20D0]  }
0x2ef: {  	v0 =	vadd.f32 v19, v0  }
0x2f0: {  	v22 =	vld [tilespmem:$0x2110]  }
0x2f1: {  	v0 =	vadd.f32 v20, v0  }
0x2f2: {  	v23 =	vld [tilespmem:$0x2150]  }
0x2f3: {  	v0 =	vadd.f32 v21, v0  }
0x2f4: {  	v24 =	vld [tilespmem:$0x2190]  }
0x2f5: {  	v0 =	vadd.f32 v22, v0  }
0x2f6: {  	v25 =	vld [tilespmem:$0x21D0]  }
0x2f7: {  	v0 =	vadd.f32 v23, v0  }
0x2f8: {  	v26 =	vld [tilespmem:$0x2210]  }
0x2f9: {  	v0 =	vadd.f32 v24, v0  }
0x2fa: {  	v27 =	vld [tilespmem:$0x2250]  }
0x2fb: {  	v0 =	vadd.f32 v25, v0  }
0x2fc: {  	v28 =	vld [tilespmem:$0x2290]  }
0x2fd: {  	v0 =	vadd.f32 v26, v0  }
0x2fe: {  	v29 =	vld [tilespmem:$0x22D0]  }
0x2ff: {  	v0 =	vadd.f32 v27, v0;
	_ =	sdelay $0x1  }
0x300: {  	v0 =	vadd.f32 v28, v0;
	_ =	sdelay $0x1  }
0x301: {  	v0 =	vadd.f32 v29, v0;
	_ =	sdelay $0x1  }
0x302: {  	v0 =	vmul.f32 $5.000000070e-02, v0;
	_ =	sdelay $0x1  }
0x303: {  	[tilespmem:s16+$0x10] =	vst v0  }
0x304: {  	v0 =	vld [tilespmem:$0x1E20]  }
0x305: {  	v30 =	vld [tilespmem:$0x1E60];
	_ =	sdelay $0x1  }
0x306: {  	v31 =	vld [tilespmem:$0x1EA0];
	_ =	sdelay $0x1  }
0x307: {  	v32 =	vld [tilespmem:$0x1EE0]  }
0x308: {  	v0 =	vadd.f32 v30, v0  }
0x309: {  	v33 =	vld [tilespmem:$0x1F20]  }
0x30a: {  	v0 =	vadd.f32 v31, v0  }
0x30b: {  	v34 =	vld [tilespmem:$0x1F60]  }
0x30c: {  	v0 =	vadd.f32 v32, v0  }
0x30d: {  	v35 =	vld [tilespmem:$0x1FA0]  }
0x30e: {  	v0 =	vadd.f32 v33, v0  }
0x30f: {  	v36 =	vld [tilespmem:$0x1FE0]  }
0x310: {  	v0 =	vadd.f32 v34, v0  }
0x311: {  	v37 =	vld [tilespmem:$0x2020]  }
0x312: {  	v0 =	vadd.f32 v35, v0  }
0x313: {  	v38 =	vld [tilespmem:$0x2060]  }
0x314: {  	v0 =	vadd.f32 v36, v0  }
0x315: {  	v39 =	vld [tilespmem:$0x20A0]  }
0x316: {  	v0 =	vadd.f32 v37, v0  }
0x317: {  	v40 =	vld [tilespmem:$0x20E0]  }
0x318: {  	v0 =	vadd.f32 v38, v0  }
0x319: {  	v41 =	vld [tilespmem:$0x2120]  }
0x31a: {  	v0 =	vadd.f32 v39, v0  }
0x31b: {  	v42 =	vld [tilespmem:$0x2160]  }
0x31c: {  	v0 =	vadd.f32 v40, v0  }
0x31d: {  	v43 =	vld [tilespmem:$0x21A0]  }
0x31e: {  	v0 =	vadd.f32 v41, v0  }
0x31f: {  	v44 =	vld [tilespmem:$0x21E0]  }
0x320: {  	v0 =	vadd.f32 v42, v0  }
0x321: {  	v45 =	vld [tilespmem:$0x2220]  }
0x322: {  	v0 =	vadd.f32 v43, v0  }
0x323: {  	v46 =	vld [tilespmem:$0x2260]  }
0x324: {  	v0 =	vadd.f32 v44, v0  }
0x325: {  	v47 =	vld [tilespmem:$0x22A0]  }
0x326: {  	v0 =	vadd.f32 v45, v0  }
0x327: {  	v48 =	vld [tilespmem:$0x22E0]  }
0x328: {  	v0 =	vadd.f32 v46, v0;
	_ =	sdelay $0x1  }
0x329: {  	v0 =	vadd.f32 v47, v0;
	_ =	sdelay $0x1  }
0x32a: {  	v0 =	vadd.f32 v48, v0;
	_ =	sdelay $0x1  }
0x32b: {  	v0 =	vmul.f32 $5.000000070e-02, v0;
	_ =	sdelay $0x1  }
0x32c: {  	[tilespmem:s16+$0x20] =	vst v0  }
0x32d: {  	v0 =	vld [tilespmem:$0x1E30]  }
0x32e: {  	v49 =	vld [tilespmem:$0x1E70];
	_ =	sdelay $0x1  }
0x32f: {  	v50 =	vld [tilespmem:$0x1EB0];
	_ =	sdelay $0x1  }
0x330: {  	v51 =	vld [tilespmem:$0x1EF0]  }
0x331: {  	v0 =	vadd.f32 v49, v0  }
0x332: {  	v52 =	vld [tilespmem:$0x1F30]  }
0x333: {  	v0 =	vadd.f32 v50, v0  }
0x334: {  	v53 =	vld [tilespmem:$0x1F70]  }
0x335: {  	v0 =	vadd.f32 v51, v0  }
0x336: {  	v54 =	vld [tilespmem:$0x1FB0]  }
0x337: {  	v0 =	vadd.f32 v52, v0  }
0x338: {  	v55 =	vld [tilespmem:$0x1FF0]  }
0x339: {  	v0 =	vadd.f32 v53, v0  }
0x33a: {  	v56 =	vld [tilespmem:$0x2030]  }
0x33b: {  	v0 =	vadd.f32 v54, v0  }
0x33c: {  	v57 =	vld [tilespmem:$0x2070]  }
0x33d: {  	v0 =	vadd.f32 v55, v0  }
0x33e: {  	v58 =	vld [tilespmem:$0x20B0]  }
0x33f: {  	v0 =	vadd.f32 v56, v0  }
0x340: {  	v59 =	vld [tilespmem:$0x20F0]  }
0x341: {  	v0 =	vadd.f32 v57, v0  }
0x342: {  	v60 =	vld [tilespmem:$0x2130]  }
0x343: {  	v0 =	vadd.f32 v58, v0  }
0x344: {  	v61 =	vld [tilespmem:$0x2170]  }
0x345: {  	v0 =	vadd.f32 v59, v0  }
0x346: {  	v62 =	vld [tilespmem:$0x21B0]  }
0x347: {  	v0 =	vadd.f32 v60, v0  }
0x348: {  	v63 =	vld [tilespmem:$0x21F0]  }
0x349: {  	v0 =	vadd.f32 v61, v0  }
0x34a: {  	v6 =	vld [tilespmem:$0x2230]  }
0x34b: {  	v0 =	vadd.f32 v62, v0  }
0x34c: {  	v7 =	vld [tilespmem:$0x2270]  }
0x34d: {  	v0 =	vadd.f32 v63, v0  }
0x34e: {  	v8 =	vld [tilespmem:$0x22B0]  }
0x34f: {  	v0 =	vadd.f32 v6, v0  }
0x350: {  	v9 =	vld [tilespmem:$0x22F0]  }
0x351: {  	v0 =	vadd.f32 v7, v0;
	_ =	sdelay $0x1  }
0x352: {  	v0 =	vadd.f32 v8, v0;
	_ =	sdelay $0x1  }
0x353: {  	v0 =	vadd.f32 v9, v0;
	_ =	sdelay $0x1  }
0x354: {  	v0 =	vmul.f32 $5.000000070e-02, v0;
	_ =	sdelay $0x1  }
0x355: {  	[tilespmem:s16+$0x30] =	vst v0  }
0x356: {  	v0 =	vld [tilespmem:$0x2300]  }
0x357: {  	v10 =	vld [tilespmem:$0x2340];
	_ =	sdelay $0x1  }
0x358: {  	v11 =	vld [tilespmem:$0x2380];
	_ =	sdelay $0x1  }
0x359: {  	v12 =	vld [tilespmem:$0x23C0]  }
0x35a: {  	v0 =	vadd.f32 v10, v0  }
0x35b: {  	v13 =	vld [tilespmem:$0x2400]  }
0x35c: {  	v0 =	vadd.f32 v11, v0  }
0x35d: {  	v14 =	vld [tilespmem:$0x2440]  }
0x35e: {  	v0 =	vadd.f32 v12, v0  }
0x35f: {  	v15 =	vld [tilespmem:$0x2480]  }
0x360: {  	v0 =	vadd.f32 v13, v0  }
0x361: {  	v16 =	vld [tilespmem:$0x24C0]  }
0x362: {  	v0 =	vadd.f32 v14, v0  }
0x363: {  	v17 =	vld [tilespmem:$0x2500]  }
0x364: {  	v0 =	vadd.f32 v15, v0  }
0x365: {  	v18 =	vld [tilespmem:$0x2540]  }
0x366: {  	v0 =	vadd.f32 v16, v0  }
0x367: {  	v19 =	vld [tilespmem:$0x2580]  }
0x368: {  	v0 =	vadd.f32 v17, v0  }
0x369: {  	v20 =	vld [tilespmem:$0x25C0]  }
0x36a: {  	v0 =	vadd.f32 v18, v0  }
0x36b: {  	v21 =	vld [tilespmem:$0x2600]  }
0x36c: {  	v0 =	vadd.f32 v19, v0  }
0x36d: {  	v22 =	vld [tilespmem:$0x2640]  }
0x36e: {  	v0 =	vadd.f32 v20, v0  }
0x36f: {  	v23 =	vld [tilespmem:$0x2680]  }
0x370: {  	v0 =	vadd.f32 v21, v0  }
0x371: {  	v24 =	vld [tilespmem:$0x26C0]  }
0x372: {  	v0 =	vadd.f32 v22, v0  }
0x373: {  	v25 =	vld [tilespmem:$0x2700]  }
0x374: {  	v0 =	vadd.f32 v23, v0  }
0x375: {  	v26 =	vld [tilespmem:$0x2740]  }
0x376: {  	v0 =	vadd.f32 v24, v0  }
0x377: {  	v27 =	vld [tilespmem:$0x2780]  }
0x378: {  	v0 =	vadd.f32 v25, v0  }
0x379: {  	v28 =	vld [tilespmem:$0x27C0]  }
0x37a: {  	v0 =	vadd.f32 v26, v0;
	_ =	sdelay $0x1  }
0x37b: {  	v0 =	vadd.f32 v27, v0;
	_ =	sdelay $0x1  }
0x37c: {  	v0 =	vadd.f32 v28, v0;
	_ =	sdelay $0x1  }
0x37d: {  	v0 =	vmul.f32 $5.000000070e-02, v0;
	_ =	sdelay $0x1  }
0x37e: {  	[tilespmem:s16+$0x40] =	vst v0  }
0x37f: {  	v0 =	vld [tilespmem:$0x2310]  }
0x380: {  	v29 =	vld [tilespmem:$0x2350];
	_ =	sdelay $0x1  }
0x381: {  	v30 =	vld [tilespmem:$0x2390];
	_ =	sdelay $0x1  }
0x382: {  	v31 =	vld [tilespmem:$0x23D0]  }
0x383: {  	v0 =	vadd.f32 v29, v0  }
0x384: {  	v32 =	vld [tilespmem:$0x2410]  }
0x385: {  	v0 =	vadd.f32 v30, v0  }
0x386: {  	v33 =	vld [tilespmem:$0x2450]  }
0x387: {  	v0 =	vadd.f32 v31, v0  }
0x388: {  	v34 =	vld [tilespmem:$0x2490]  }
0x389: {  	v0 =	vadd.f32 v32, v0  }
0x38a: {  	v35 =	vld [tilespmem:$0x24D0]  }
0x38b: {  	v0 =	vadd.f32 v33, v0  }
0x38c: {  	v36 =	vld [tilespmem:$0x2510]  }
0x38d: {  	v0 =	vadd.f32 v34, v0  }
0x38e: {  	v37 =	vld [tilespmem:$0x2550]  }
0x38f: {  	v0 =	vadd.f32 v35, v0  }
0x390: {  	v38 =	vld [tilespmem:$0x2590]  }
0x391: {  	v0 =	vadd.f32 v36, v0  }
0x392: {  	v39 =	vld [tilespmem:$0x25D0]  }
0x393: {  	v0 =	vadd.f32 v37, v0  }
0x394: {  	v40 =	vld [tilespmem:$0x2610]  }
0x395: {  	v0 =	vadd.f32 v38, v0  }
0x396: {  	v41 =	vld [tilespmem:$0x2650]  }
0x397: {  	v0 =	vadd.f32 v39, v0  }
0x398: {  	v42 =	vld [tilespmem:$0x2690]  }
0x399: {  	v0 =	vadd.f32 v40, v0  }
0x39a: {  	v43 =	vld [tilespmem:$0x26D0]  }
0x39b: {  	v0 =	vadd.f32 v41, v0  }
0x39c: {  	v44 =	vld [tilespmem:$0x2710]  }
0x39d: {  	v0 =	vadd.f32 v42, v0  }
0x39e: {  	v45 =	vld [tilespmem:$0x2750]  }
0x39f: {  	v0 =	vadd.f32 v43, v0  }
0x3a0: {  	v46 =	vld [tilespmem:$0x2790]  }
0x3a1: {  	v0 =	vadd.f32 v44, v0  }
0x3a2: {  	v47 =	vld [tilespmem:$0x27D0]  }
0x3a3: {  	v0 =	vadd.f32 v45, v0;
	_ =	sdelay $0x1  }
0x3a4: {  	v0 =	vadd.f32 v46, v0;
	_ =	sdelay $0x1  }
0x3a5: {  	v0 =	vadd.f32 v47, v0;
	_ =	sdelay $0x1  }
0x3a6: {  	v0 =	vmul.f32 $5.000000070e-02, v0;
	_ =	sdelay $0x1  }
0x3a7: {  	[tilespmem:s16+$0x50] =	vst v0  }
0x3a8: {  	v0 =	vld [tilespmem:$0x2320]  }
0x3a9: {  	v48 =	vld [tilespmem:$0x2360];
	_ =	sdelay $0x1  }
0x3aa: {  	v49 =	vld [tilespmem:$0x23A0];
	_ =	sdelay $0x1  }
0x3ab: {  	v50 =	vld [tilespmem:$0x23E0]  }
0x3ac: {  	v0 =	vadd.f32 v48, v0  }
0x3ad: {  	v51 =	vld [tilespmem:$0x2420]  }
0x3ae: {  	v0 =	vadd.f32 v49, v0  }
0x3af: {  	v52 =	vld [tilespmem:$0x2460]  }
0x3b0: {  	v0 =	vadd.f32 v50, v0  }
0x3b1: {  	v53 =	vld [tilespmem:$0x24A0]  }
0x3b2: {  	v0 =	vadd.f32 v51, v0  }
0x3b3: {  	v54 =	vld [tilespmem:$0x24E0]  }
0x3b4: {  	v0 =	vadd.f32 v52, v0  }
0x3b5: {  	v55 =	vld [tilespmem:$0x2520]  }
0x3b6: {  	v0 =	vadd.f32 v53, v0  }
0x3b7: {  	v56 =	vld [tilespmem:$0x2560]  }
0x3b8: {  	v0 =	vadd.f32 v54, v0  }
0x3b9: {  	v57 =	vld [tilespmem:$0x25A0]  }
0x3ba: {  	v0 =	vadd.f32 v55, v0  }
0x3bb: {  	v58 =	vld [tilespmem:$0x25E0]  }
0x3bc: {  	v0 =	vadd.f32 v56, v0  }
0x3bd: {  	v59 =	vld [tilespmem:$0x2620]  }
0x3be: {  	v0 =	vadd.f32 v57, v0  }
0x3bf: {  	v60 =	vld [tilespmem:$0x2660]  }
0x3c0: {  	v0 =	vadd.f32 v58, v0  }
0x3c1: {  	v61 =	vld [tilespmem:$0x26A0]  }
0x3c2: {  	v0 =	vadd.f32 v59, v0  }
0x3c3: {  	v62 =	vld [tilespmem:$0x26E0]  }
0x3c4: {  	v0 =	vadd.f32 v60, v0  }
0x3c5: {  	v63 =	vld [tilespmem:$0x2720]  }
0x3c6: {  	v0 =	vadd.f32 v61, v0  }
0x3c7: {  	v6 =	vld [tilespmem:$0x2760]  }
0x3c8: {  	v0 =	vadd.f32 v62, v0  }
0x3c9: {  	v7 =	vld [tilespmem:$0x27A0]  }
0x3ca: {  	v0 =	vadd.f32 v63, v0  }
0x3cb: {  	v8 =	vld [tilespmem:$0x27E0]  }
0x3cc: {  	v0 =	vadd.f32 v6, v0;
	_ =	sdelay $0x1  }
0x3cd: {  	v0 =	vadd.f32 v7, v0;
	_ =	sdelay $0x1  }
0x3ce: {  	v0 =	vadd.f32 v8, v0;
	_ =	sdelay $0x1  }
0x3cf: {  	v0 =	vmul.f32 $5.000000070e-02, v0;
	_ =	sdelay $0x1  }
0x3d0: {  	[tilespmem:s16+$0x60] =	vst v0  }
0x3d1: {  	v0 =	vld [tilespmem:$0x2330]  }
0x3d2: {  	v9 =	vld [tilespmem:$0x2370];
	_ =	sdelay $0x1  }
0x3d3: {  	v10 =	vld [tilespmem:$0x23B0];
	_ =	sdelay $0x1  }
0x3d4: {  	v11 =	vld [tilespmem:$0x23F0]  }
0x3d5: {  	v0 =	vadd.f32 v9, v0  }
0x3d6: {  	v12 =	vld [tilespmem:$0x2430]  }
0x3d7: {  	v0 =	vadd.f32 v10, v0  }
0x3d8: {  	v13 =	vld [tilespmem:$0x2470]  }
0x3d9: {  	v0 =	vadd.f32 v11, v0  }
0x3da: {  	v14 =	vld [tilespmem:$0x24B0]  }
0x3db: {  	v0 =	vadd.f32 v12, v0  }
0x3dc: {  	v15 =	vld [tilespmem:$0x24F0]  }
0x3dd: {  	v0 =	vadd.f32 v13, v0  }
0x3de: {  	v16 =	vld [tilespmem:$0x2530]  }
0x3df: {  	v0 =	vadd.f32 v14, v0  }
0x3e0: {  	v17 =	vld [tilespmem:$0x2570]  }
0x3e1: {  	v0 =	vadd.f32 v15, v0  }
0x3e2: {  	v18 =	vld [tilespmem:$0x25B0]  }
0x3e3: {  	v0 =	vadd.f32 v16, v0  }
0x3e4: {  	v19 =	vld [tilespmem:$0x25F0]  }
0x3e5: {  	v0 =	vadd.f32 v17, v0  }
0x3e6: {  	v20 =	vld [tilespmem:$0x2630]  }
0x3e7: {  	v0 =	vadd.f32 v18, v0  }
0x3e8: {  	v21 =	vld [tilespmem:$0x2670]  }
0x3e9: {  	v0 =	vadd.f32 v19, v0  }
0x3ea: {  	v22 =	vld [tilespmem:$0x26B0]  }
0x3eb: {  	v0 =	vadd.f32 v20, v0  }
0x3ec: {  	v23 =	vld [tilespmem:$0x26F0]  }
0x3ed: {  	v0 =	vadd.f32 v21, v0  }
0x3ee: {  	v24 =	vld [tilespmem:$0x2730]  }
0x3ef: {  	v0 =	vadd.f32 v22, v0  }
0x3f0: {  	v25 =	vld [tilespmem:$0x2770]  }
0x3f1: {  	v0 =	vadd.f32 v23, v0  }
0x3f2: {  	v26 =	vld [tilespmem:$0x27B0]  }
0x3f3: {  	v0 =	vadd.f32 v24, v0  }
0x3f4: {  	v27 =	vld [tilespmem:$0x27F0]  }
0x3f5: {  	v0 =	vadd.f32 v25, v0;
	_ =	sdelay $0x1  }
0x3f6: {  	v0 =	vadd.f32 v26, v0;
	_ =	sdelay $0x1  }
0x3f7: {  	v0 =	vadd.f32 v27, v0;
	_ =	sdelay $0x1  }
0x3f8: {  	v0 =	vmul.f32 $5.000000070e-02, v0;
	_ =	sdelay $0x1  }
0x3f9: {  	[tilespmem:s16+$0x70] =	vst v0  }
0x3fa: {  	v0 =	vld [tilespmem:$0x2800]  }
0x3fb: {  	v28 =	vld [tilespmem:$0x2840];
	_ =	sdelay $0x1  }
0x3fc: {  	v29 =	vld [tilespmem:$0x2880];
	_ =	sdelay $0x1  }
0x3fd: {  	v30 =	vld [tilespmem:$0x28C0]  }
0x3fe: {  	v0 =	vadd.f32 v28, v0  }
0x3ff: {  	v31 =	vld [tilespmem:$0x2900]  }
0x400: {  	v0 =	vadd.f32 v29, v0  }
0x401: {  	v32 =	vld [tilespmem:$0x2940]  }
0x402: {  	v0 =	vadd.f32 v30, v0  }
0x403: {  	v33 =	vld [tilespmem:$0x2980]  }
0x404: {  	v0 =	vadd.f32 v31, v0  }
0x405: {  	v34 =	vld [tilespmem:$0x29C0]  }
0x406: {  	v0 =	vadd.f32 v32, v0  }
0x407: {  	v35 =	vld [tilespmem:$0x2A00]  }
0x408: {  	v0 =	vadd.f32 v33, v0  }
0x409: {  	v36 =	vld [tilespmem:$0x2A40]  }
0x40a: {  	v0 =	vadd.f32 v34, v0  }
0x40b: {  	v37 =	vld [tilespmem:$0x2A80]  }
0x40c: {  	v0 =	vadd.f32 v35, v0  }
0x40d: {  	v38 =	vld [tilespmem:$0x2AC0]  }
0x40e: {  	v0 =	vadd.f32 v36, v0  }
0x40f: {  	v39 =	vld [tilespmem:$0x2B00]  }
0x410: {  	v0 =	vadd.f32 v37, v0  }
0x411: {  	v40 =	vld [tilespmem:$0x2B40]  }
0x412: {  	v0 =	vadd.f32 v38, v0  }
0x413: {  	v41 =	vld [tilespmem:$0x2B80]  }
0x414: {  	v0 =	vadd.f32 v39, v0  }
0x415: {  	v42 =	vld [tilespmem:$0x2BC0]  }
0x416: {  	v0 =	vadd.f32 v40, v0  }
0x417: {  	v43 =	vld [tilespmem:$0x2C00]  }
0x418: {  	v0 =	vadd.f32 v41, v0  }
0x419: {  	v44 =	vld [tilespmem:$0x2C40]  }
0x41a: {  	v0 =	vadd.f32 v42, v0  }
0x41b: {  	v45 =	vld [tilespmem:$0x2C80]  }
0x41c: {  	v0 =	vadd.f32 v43, v0  }
0x41d: {  	v46 =	vld [tilespmem:$0x2CC0]  }
0x41e: {  	v0 =	vadd.f32 v44, v0;
	_ =	sdelay $0x1  }
0x41f: {  	v0 =	vadd.f32 v45, v0;
	_ =	sdelay $0x1  }
0x420: {  	v0 =	vadd.f32 v46, v0;
	_ =	sdelay $0x1  }
0x421: {  	v0 =	vmul.f32 $5.000000070e-02, v0;
	_ =	sdelay $0x1  }
0x422: {  	[tilespmem:s16+$0x80] =	vst v0  }
0x423: {  	v0 =	vld [tilespmem:$0x2810]  }
0x424: {  	v47 =	vld [tilespmem:$0x2850];
	_ =	sdelay $0x1  }
0x425: {  	v48 =	vld [tilespmem:$0x2890];
	_ =	sdelay $0x1  }
0x426: {  	v49 =	vld [tilespmem:$0x28D0]  }
0x427: {  	v0 =	vadd.f32 v47, v0  }
0x428: {  	v50 =	vld [tilespmem:$0x2910]  }
0x429: {  	v0 =	vadd.f32 v48, v0  }
0x42a: {  	v51 =	vld [tilespmem:$0x2950]  }
0x42b: {  	v0 =	vadd.f32 v49, v0  }
0x42c: {  	v52 =	vld [tilespmem:$0x2990]  }
0x42d: {  	v0 =	vadd.f32 v50, v0  }
0x42e: {  	v53 =	vld [tilespmem:$0x29D0]  }
0x42f: {  	v0 =	vadd.f32 v51, v0  }
0x430: {  	v54 =	vld [tilespmem:$0x2A10]  }
0x431: {  	v0 =	vadd.f32 v52, v0  }
0x432: {  	v55 =	vld [tilespmem:$0x2A50]  }
0x433: {  	v0 =	vadd.f32 v53, v0  }
0x434: {  	v56 =	vld [tilespmem:$0x2A90]  }
0x435: {  	v0 =	vadd.f32 v54, v0  }
0x436: {  	v57 =	vld [tilespmem:$0x2AD0]  }
0x437: {  	v0 =	vadd.f32 v55, v0  }
0x438: {  	v58 =	vld [tilespmem:$0x2B10]  }
0x439: {  	v0 =	vadd.f32 v56, v0  }
0x43a: {  	v59 =	vld [tilespmem:$0x2B50]  }
0x43b: {  	v0 =	vadd.f32 v57, v0  }
0x43c: {  	v60 =	vld [tilespmem:$0x2B90]  }
0x43d: {  	v0 =	vadd.f32 v58, v0  }
0x43e: {  	v61 =	vld [tilespmem:$0x2BD0]  }
0x43f: {  	v0 =	vadd.f32 v59, v0  }
0x440: {  	v62 =	vld [tilespmem:$0x2C10]  }
0x441: {  	v0 =	vadd.f32 v60, v0  }
0x442: {  	v63 =	vld [tilespmem:$0x2C50]  }
0x443: {  	v0 =	vadd.f32 v61, v0  }
0x444: {  	v6 =	vld [tilespmem:$0x2C90]  }
0x445: {  	v0 =	vadd.f32 v62, v0  }
0x446: {  	v7 =	vld [tilespmem:$0x2CD0]  }
0x447: {  	v0 =	vadd.f32 v63, v0;
	_ =	sdelay $0x1  }
0x448: {  	v0 =	vadd.f32 v6, v0;
	_ =	sdelay $0x1  }
0x449: {  	v0 =	vadd.f32 v7, v0;
	_ =	sdelay $0x1  }
0x44a: {  	v0 =	vmul.f32 $5.000000070e-02, v0;
	_ =	sdelay $0x1  }
0x44b: {  	[tilespmem:s16+$0x90] =	vst v0  }
0x44c: {  	v0 =	vld [tilespmem:$0x2820]  }
0x44d: {  	v8 =	vld [tilespmem:$0x2860];
	_ =	sdelay $0x1  }
0x44e: {  	v9 =	vld [tilespmem:$0x28A0];
	_ =	sdelay $0x1  }
0x44f: {  	v10 =	vld [tilespmem:$0x28E0]  }
0x450: {  	v0 =	vadd.f32 v8, v0  }
0x451: {  	v11 =	vld [tilespmem:$0x2920]  }
0x452: {  	v0 =	vadd.f32 v9, v0  }
0x453: {  	v12 =	vld [tilespmem:$0x2960]  }
0x454: {  	v0 =	vadd.f32 v10, v0  }
0x455: {  	v13 =	vld [tilespmem:$0x29A0]  }
0x456: {  	v0 =	vadd.f32 v11, v0  }
0x457: {  	v14 =	vld [tilespmem:$0x29E0]  }
0x458: {  	v0 =	vadd.f32 v12, v0  }
0x459: {  	v15 =	vld [tilespmem:$0x2A20]  }
0x45a: {  	v0 =	vadd.f32 v13, v0  }
0x45b: {  	v16 =	vld [tilespmem:$0x2A60]  }
0x45c: {  	v0 =	vadd.f32 v14, v0  }
0x45d: {  	v17 =	vld [tilespmem:$0x2AA0]  }
0x45e: {  	v0 =	vadd.f32 v15, v0  }
0x45f: {  	v18 =	vld [tilespmem:$0x2AE0]  }
0x460: {  	v0 =	vadd.f32 v16, v0  }
0x461: {  	v19 =	vld [tilespmem:$0x2B20]  }
0x462: {  	v0 =	vadd.f32 v17, v0  }
0x463: {  	v20 =	vld [tilespmem:$0x2B60]  }
0x464: {  	v0 =	vadd.f32 v18, v0  }
0x465: {  	v21 =	vld [tilespmem:$0x2BA0]  }
0x466: {  	v0 =	vadd.f32 v19, v0  }
0x467: {  	v22 =	vld [tilespmem:$0x2BE0]  }
0x468: {  	v0 =	vadd.f32 v20, v0  }
0x469: {  	v23 =	vld [tilespmem:$0x2C20]  }
0x46a: {  	v0 =	vadd.f32 v21, v0  }
0x46b: {  	v24 =	vld [tilespmem:$0x2C60]  }
0x46c: {  	v0 =	vadd.f32 v22, v0  }
0x46d: {  	v25 =	vld [tilespmem:$0x2CA0]  }
0x46e: {  	v0 =	vadd.f32 v23, v0  }
0x46f: {  	v26 =	vld [tilespmem:$0x2CE0]  }
0x470: {  	v0 =	vadd.f32 v24, v0;
	_ =	sdelay $0x1  }
0x471: {  	v0 =	vadd.f32 v25, v0;
	_ =	sdelay $0x1  }
0x472: {  	v0 =	vadd.f32 v26, v0;
	_ =	sdelay $0x1  }
0x473: {  	v0 =	vmul.f32 $5.000000070e-02, v0;
	_ =	sdelay $0x1  }
0x474: {  	[tilespmem:s16+$0xA0] =	vst v0  }
0x475: {  	v0 =	vld [tilespmem:$0x2830]  }
0x476: {  	v27 =	vld [tilespmem:$0x2870];
	_ =	sdelay $0x1  }
0x477: {  	v28 =	vld [tilespmem:$0x28B0];
	_ =	sdelay $0x1  }
0x478: {  	v29 =	vld [tilespmem:$0x28F0]  }
0x479: {  	v0 =	vadd.f32 v27, v0  }
0x47a: {  	v30 =	vld [tilespmem:$0x2930]  }
0x47b: {  	v0 =	vadd.f32 v28, v0  }
0x47c: {  	v31 =	vld [tilespmem:$0x2970]  }
0x47d: {  	v0 =	vadd.f32 v29, v0  }
0x47e: {  	v32 =	vld [tilespmem:$0x29B0]  }
0x47f: {  	v0 =	vadd.f32 v30, v0  }
0x480: {  	v33 =	vld [tilespmem:$0x29F0]  }
0x481: {  	v0 =	vadd.f32 v31, v0  }
0x482: {  	v34 =	vld [tilespmem:$0x2A30]  }
0x483: {  	v0 =	vadd.f32 v32, v0  }
0x484: {  	v35 =	vld [tilespmem:$0x2A70]  }
0x485: {  	v0 =	vadd.f32 v33, v0  }
0x486: {  	v36 =	vld [tilespmem:$0x2AB0]  }
0x487: {  	v0 =	vadd.f32 v34, v0  }
0x488: {  	v37 =	vld [tilespmem:$0x2AF0]  }
0x489: {  	v0 =	vadd.f32 v35, v0  }
0x48a: {  	v38 =	vld [tilespmem:$0x2B30]  }
0x48b: {  	v0 =	vadd.f32 v36, v0  }
0x48c: {  	v39 =	vld [tilespmem:$0x2B70]  }
0x48d: {  	v0 =	vadd.f32 v37, v0  }
0x48e: {  	v40 =	vld [tilespmem:$0x2BB0]  }
0x48f: {  	v0 =	vadd.f32 v38, v0  }
0x490: {  	v41 =	vld [tilespmem:$0x2BF0]  }
0x491: {  	v0 =	vadd.f32 v39, v0  }
0x492: {  	v42 =	vld [tilespmem:$0x2C30]  }
0x493: {  	v0 =	vadd.f32 v40, v0  }
0x494: {  	v43 =	vld [tilespmem:$0x2C70]  }
0x495: {  	v0 =	vadd.f32 v41, v0  }
0x496: {  	v44 =	vld [tilespmem:$0x2CB0]  }
0x497: {  	v0 =	vadd.f32 v42, v0  }
0x498: {  	v45 =	vld [tilespmem:$0x2CF0]  }
0x499: {  	v0 =	vadd.f32 v43, v0;
	_ =	sdelay $0x1  }
0x49a: {  	v0 =	vadd.f32 v44, v0;
	_ =	sdelay $0x1  }
0x49b: {  	v0 =	vadd.f32 v45, v0;
	_ =	sdelay $0x1  }
0x49c: {  	v0 =	vmul.f32 $5.000000070e-02, v0;
	_ =	sdelay $0x1  }
0x49d: {  	[tilespmem:s16+$0xB0] =	vst v0  }
0x49e: {  	v0 =	vld [tilespmem:$0x2D00]  }
0x49f: {  	v46 =	vld [tilespmem:$0x2D40];
	_ =	sdelay $0x1  }
0x4a0: {  	v47 =	vld [tilespmem:$0x2D80];
	_ =	sdelay $0x1  }
0x4a1: {  	v48 =	vld [tilespmem:$0x2DC0]  }
0x4a2: {  	v0 =	vadd.f32 v46, v0  }
0x4a3: {  	v49 =	vld [tilespmem:$0x2E00]  }
0x4a4: {  	v0 =	vadd.f32 v47, v0  }
0x4a5: {  	v50 =	vld [tilespmem:$0x2E40]  }
0x4a6: {  	v0 =	vadd.f32 v48, v0  }
0x4a7: {  	v51 =	vld [tilespmem:$0x2E80]  }
0x4a8: {  	v0 =	vadd.f32 v49, v0  }
0x4a9: {  	v52 =	vld [tilespmem:$0x2EC0]  }
0x4aa: {  	v0 =	vadd.f32 v50, v0  }
0x4ab: {  	v53 =	vld [tilespmem:$0x2F00]  }
0x4ac: {  	v0 =	vadd.f32 v51, v0  }
0x4ad: {  	v54 =	vld [tilespmem:$0x2F40]  }
0x4ae: {  	v0 =	vadd.f32 v52, v0  }
0x4af: {  	v55 =	vld [tilespmem:$0x2F80]  }
0x4b0: {  	v0 =	vadd.f32 v53, v0  }
0x4b1: {  	v56 =	vld [tilespmem:$0x2FC0]  }
0x4b2: {  	v0 =	vadd.f32 v54, v0  }
0x4b3: {  	v57 =	vld [tilespmem:$0x3000]  }
0x4b4: {  	v0 =	vadd.f32 v55, v0  }
0x4b5: {  	v58 =	vld [tilespmem:$0x3040]  }
0x4b6: {  	v0 =	vadd.f32 v56, v0  }
0x4b7: {  	v59 =	vld [tilespmem:$0x3080]  }
0x4b8: {  	v0 =	vadd.f32 v57, v0  }
0x4b9: {  	v60 =	vld [tilespmem:$0x30C0]  }
0x4ba: {  	v0 =	vadd.f32 v58, v0  }
0x4bb: {  	v61 =	vld [tilespmem:$0x3100]  }
0x4bc: {  	v0 =	vadd.f32 v59, v0  }
0x4bd: {  	v62 =	vld [tilespmem:$0x3140]  }
0x4be: {  	v0 =	vadd.f32 v60, v0  }
0x4bf: {  	v63 =	vld [tilespmem:$0x3180]  }
0x4c0: {  	v0 =	vadd.f32 v61, v0  }
0x4c1: {  	v6 =	vld [tilespmem:$0x31C0]  }
0x4c2: {  	v0 =	vadd.f32 v62, v0;
	_ =	sdelay $0x1  }
0x4c3: {  	v0 =	vadd.f32 v63, v0;
	_ =	sdelay $0x1  }
0x4c4: {  	v0 =	vadd.f32 v6, v0;
	_ =	sdelay $0x1  }
0x4c5: {  	v0 =	vmul.f32 $5.000000070e-02, v0;
	_ =	sdelay $0x1  }
0x4c6: {  	[tilespmem:s16+$0xC0] =	vst v0  }
0x4c7: {  	v0 =	vld [tilespmem:$0x2D10]  }
0x4c8: {  	v7 =	vld [tilespmem:$0x2D50];
	_ =	sdelay $0x1  }
0x4c9: {  	v8 =	vld [tilespmem:$0x2D90];
	_ =	sdelay $0x1  }
0x4ca: {  	v9 =	vld [tilespmem:$0x2DD0]  }
0x4cb: {  	v0 =	vadd.f32 v7, v0  }
0x4cc: {  	v10 =	vld [tilespmem:$0x2E10]  }
0x4cd: {  	v0 =	vadd.f32 v8, v0  }
0x4ce: {  	v11 =	vld [tilespmem:$0x2E50]  }
0x4cf: {  	v0 =	vadd.f32 v9, v0  }
0x4d0: {  	v12 =	vld [tilespmem:$0x2E90]  }
0x4d1: {  	v0 =	vadd.f32 v10, v0  }
0x4d2: {  	v13 =	vld [tilespmem:$0x2ED0]  }
0x4d3: {  	v0 =	vadd.f32 v11, v0  }
0x4d4: {  	v14 =	vld [tilespmem:$0x2F10]  }
0x4d5: {  	v0 =	vadd.f32 v12, v0  }
0x4d6: {  	v15 =	vld [tilespmem:$0x2F50]  }
0x4d7: {  	v0 =	vadd.f32 v13, v0  }
0x4d8: {  	v16 =	vld [tilespmem:$0x2F90]  }
0x4d9: {  	v0 =	vadd.f32 v14, v0  }
0x4da: {  	v17 =	vld [tilespmem:$0x2FD0]  }
0x4db: {  	v0 =	vadd.f32 v15, v0  }
0x4dc: {  	v18 =	vld [tilespmem:$0x3010]  }
0x4dd: {  	v0 =	vadd.f32 v16, v0  }
0x4de: {  	v19 =	vld [tilespmem:$0x3050]  }
0x4df: {  	v0 =	vadd.f32 v17, v0  }
0x4e0: {  	v20 =	vld [tilespmem:$0x3090]  }
0x4e1: {  	v0 =	vadd.f32 v18, v0  }
0x4e2: {  	v21 =	vld [tilespmem:$0x30D0]  }
0x4e3: {  	v0 =	vadd.f32 v19, v0  }
0x4e4: {  	v22 =	vld [tilespmem:$0x3110]  }
0x4e5: {  	v0 =	vadd.f32 v20, v0  }
0x4e6: {  	v23 =	vld [tilespmem:$0x3150]  }
0x4e7: {  	v0 =	vadd.f32 v21, v0  }
0x4e8: {  	v24 =	vld [tilespmem:$0x3190]  }
0x4e9: {  	v0 =	vadd.f32 v22, v0  }
0x4ea: {  	v25 =	vld [tilespmem:$0x31D0]  }
0x4eb: {  	v0 =	vadd.f32 v23, v0;
	_ =	sdelay $0x1  }
0x4ec: {  	v0 =	vadd.f32 v24, v0;
	_ =	sdelay $0x1  }
0x4ed: {  	v0 =	vadd.f32 v25, v0;
	_ =	sdelay $0x1  }
0x4ee: {  	v0 =	vmul.f32 $5.000000070e-02, v0;
	_ =	sdelay $0x1  }
0x4ef: {  	[tilespmem:s16+$0xD0] =	vst v0  }
0x4f0: {  	v0 =	vld [tilespmem:$0x2D20]  }
0x4f1: {  	v26 =	vld [tilespmem:$0x2D60];
	_ =	sdelay $0x1  }
0x4f2: {  	v27 =	vld [tilespmem:$0x2DA0];
	_ =	sdelay $0x1  }
0x4f3: {  	v28 =	vld [tilespmem:$0x2DE0]  }
0x4f4: {  	v0 =	vadd.f32 v26, v0  }
0x4f5: {  	v29 =	vld [tilespmem:$0x2E20]  }
0x4f6: {  	v0 =	vadd.f32 v27, v0  }
0x4f7: {  	v30 =	vld [tilespmem:$0x2E60]  }
0x4f8: {  	v0 =	vadd.f32 v28, v0  }
0x4f9: {  	v31 =	vld [tilespmem:$0x2EA0]  }
0x4fa: {  	v0 =	vadd.f32 v29, v0  }
0x4fb: {  	v32 =	vld [tilespmem:$0x2EE0]  }
0x4fc: {  	v0 =	vadd.f32 v30, v0  }
0x4fd: {  	v33 =	vld [tilespmem:$0x2F20]  }
0x4fe: {  	v0 =	vadd.f32 v31, v0  }
0x4ff: {  	v34 =	vld [tilespmem:$0x2F60]  }
0x500: {  	v0 =	vadd.f32 v32, v0  }
0x501: {  	v35 =	vld [tilespmem:$0x2FA0]  }
0x502: {  	v0 =	vadd.f32 v33, v0  }
0x503: {  	v36 =	vld [tilespmem:$0x2FE0]  }
0x504: {  	v0 =	vadd.f32 v34, v0  }
0x505: {  	v37 =	vld [tilespmem:$0x3020]  }
0x506: {  	v0 =	vadd.f32 v35, v0  }
0x507: {  	v38 =	vld [tilespmem:$0x3060]  }
0x508: {  	v0 =	vadd.f32 v36, v0  }
0x509: {  	v39 =	vld [tilespmem:$0x30A0]  }
0x50a: {  	v0 =	vadd.f32 v37, v0  }
0x50b: {  	v40 =	vld [tilespmem:$0x30E0]  }
0x50c: {  	v0 =	vadd.f32 v38, v0  }
0x50d: {  	v41 =	vld [tilespmem:$0x3120]  }
0x50e: {  	v0 =	vadd.f32 v39, v0  }
0x50f: {  	v42 =	vld [tilespmem:$0x3160]  }
0x510: {  	v0 =	vadd.f32 v40, v0  }
0x511: {  	v43 =	vld [tilespmem:$0x31A0]  }
0x512: {  	v0 =	vadd.f32 v41, v0  }
0x513: {  	v44 =	vld [tilespmem:$0x31E0]  }
0x514: {  	v0 =	vadd.f32 v42, v0;
	_ =	sdelay $0x1  }
0x515: {  	v0 =	vadd.f32 v43, v0;
	_ =	sdelay $0x1  }
0x516: {  	v0 =	vadd.f32 v44, v0;
	_ =	sdelay $0x1  }
0x517: {  	v0 =	vmul.f32 $5.000000070e-02, v0;
	_ =	sdelay $0x1  }
0x518: {  	[tilespmem:s16+$0xE0] =	vst v0  }
0x519: {  	v0 =	vld [tilespmem:$0x2D30]  }
0x51a: {  	v45 =	vld [tilespmem:$0x2D70];
	_ =	sdelay $0x1  }
0x51b: {  	v46 =	vld [tilespmem:$0x2DB0];
	_ =	sdelay $0x1  }
0x51c: {  	v47 =	vld [tilespmem:$0x2DF0]  }
0x51d: {  	v0 =	vadd.f32 v45, v0  }
0x51e: {  	v48 =	vld [tilespmem:$0x2E30]  }
0x51f: {  	v0 =	vadd.f32 v46, v0  }
0x520: {  	v49 =	vld [tilespmem:$0x2E70]  }
0x521: {  	v0 =	vadd.f32 v47, v0  }
0x522: {  	v50 =	vld [tilespmem:$0x2EB0]  }
0x523: {  	v0 =	vadd.f32 v48, v0  }
0x524: {  	v51 =	vld [tilespmem:$0x2EF0]  }
0x525: {  	v0 =	vadd.f32 v49, v0  }
0x526: {  	v52 =	vld [tilespmem:$0x2F30]  }
0x527: {  	v0 =	vadd.f32 v50, v0  }
0x528: {  	v53 =	vld [tilespmem:$0x2F70]  }
0x529: {  	v0 =	vadd.f32 v51, v0  }
0x52a: {  	v54 =	vld [tilespmem:$0x2FB0]  }
0x52b: {  	v0 =	vadd.f32 v52, v0  }
0x52c: {  	v55 =	vld [tilespmem:$0x2FF0]  }
0x52d: {  	v0 =	vadd.f32 v53, v0  }
0x52e: {  	v56 =	vld [tilespmem:$0x3030]  }
0x52f: {  	v0 =	vadd.f32 v54, v0  }
0x530: {  	v57 =	vld [tilespmem:$0x3070]  }
0x531: {  	v0 =	vadd.f32 v55, v0  }
0x532: {  	v58 =	vld [tilespmem:$0x30B0]  }
0x533: {  	v0 =	vadd.f32 v56, v0  }
0x534: {  	v59 =	vld [tilespmem:$0x30F0]  }
0x535: {  	v0 =	vadd.f32 v57, v0  }
0x536: {  	v60 =	vld [tilespmem:$0x3130]  }
0x537: {  	v0 =	vadd.f32 v58, v0  }
0x538: {  	v61 =	vld [tilespmem:$0x3170]  }
0x539: {  	v0 =	vadd.f32 v59, v0  }
0x53a: {  	v62 =	vld [tilespmem:$0x31B0]  }
0x53b: {  	v0 =	vadd.f32 v60, v0  }
0x53c: {  	v63 =	vld [tilespmem:$0x31F0]  }
0x53d: {  	v0 =	vadd.f32 v61, v0;
	_ =	sdelay $0x1  }
0x53e: {  	v0 =	vadd.f32 v62, v0;
	_ =	sdelay $0x1  }
.Ltmp2:
0x53f: {  	v0 =	vadd.f32 v63, v0;
	(pc) =	sbr.rel @p0 .LBB2_4-.Ltmp2, $3  }
0x540: {  	_ = 	snop  }
0x541: {  	v0 =	vmul.f32 $5.000000070e-02, v0;
	_ =	sdelay $0x1  }
0x542: {  	[tilespmem:s16+$0xF0] =	vst v0  }
.Ltmp3:
0x543: {  	(pc) =	sbr.rel .LBB2_2-.Ltmp3, $4  }
0x544: {  	_ = 	snop  }
0x545: {  	s17 =	sshra.s32 s15, $0x2  }
0x546: {  	s15 =	sadd.s32 $0x280, s15;
	s16 =	sadd.s32 $0x200, s16;
	s17 =	sadd.s32 $0xA50, s17  }
0x547: {  	[tilespmem:s10], [sflag:$0x2] =	stream.indirect.gather [hbm4b:s3+s8], $0x40, s17, s8, $0xb8;
	[tilespmem:$0x5200] =	vst v63  }
.LBB2_5:
0x548: {  	_ =	sfence.sel $0x180000  }
0x549: {  	[bflag:$0x0] =	sbarrier.arrive $0xFFFF  }
0x54a: {  	p0 =	sne.s32 s0, $0x0;
	_ =	strace $0x90000047  }
0x54b: {  	s0 =	sadd.s32 @!p0 $0x100000, s1;
	[bflag:$0x2] =	sbarrier.arrive $0xFFFF  }
0x54c: {  	[sflag:s0] =	ssyncadd.tile.s32 @!p0 $0x1;
	_ =	shalt  }
.Lfunc_end2:
_tile_overlayer_lowered:
.L_overlay_start_2:
0x54d: {  	(tag) =	ssettag $0x2  }
0x54e: {  	s0 =	rddreg [dreg:$0x0];
	s2 =	stileid.u32  }
0x54f: {  	s1 =	rddreg [dreg:$0x1];
	p0 =	sne.s32 s2, $0x0  }
0x550: {  	s3 =	rddreg [dreg:$0x2];
	[bflag:$0x3] =	sbarrier.arrive $0xFFFF;
	s2 =	simm.s32 @!p0 $0x1C03  }
0x551: {  	[timem:s3], [sflag:s2] =	dma.local @!p0 [hbm:s0], s1  }
0x552: {  	s0 =	simm.s32 @!p0 $0x3  }
0x553: {  	_ =	swait.ge @!p0 [sflag:s0], s1  }
0x554: {  	s1 =	ssub.s32 @!p0 $0x0, s1;
	[sflag:s0] =	ssyncset.done @!p0 $0x0  }
0x555: {  	[sflag:s0] =	ssyncadd.s32 @!p0 s1  }
0x556: {  	[bflag:$0x3] =	sbarrier.arrive $0xFFFF  }
0x557: {  	_ =	shalt  }

</sc_bundles>
